<compile_context>
chip_gen: v7x
topology: tpu7x:2x2x1
jax: 0.10.2.dev20260603
libtpu: 0.0.44.dev20260713+nightly
codegen_flags: <defaults>
</compile_context>

<pallas_src>
import functools

import jax
import jax.numpy as jnp
from jax import lax
from jax.experimental import pallas as pl
from jax.experimental.pallas import tpu as pltpu
from jax.experimental.pallas import tpu_sc as plsc

B = 4096
L = 200
E = 32
NRATE = 5
NW = 32
BPW = B // NW
H = E // 2
INV_L = 1.0 / L
NKV = 13

I_CH = ((0, 104), (104, 96))
A_CH = ((0, 104), (104, 104), (208, 104), (312, 88))


def _body(hii, hai, hri, tii, tai, item_t, attr_t, rate_t, out,
          idx_i, idx_a, rate_buf, rows_i, rows_a, rtab,
          ti_idx, ta_idx, rows_ti, rows_ta, out_v, sem,
          sem_i0, sem_i1, sem_r0, sem_r1, sem_g0, sem_g1):
    wid = lax.axis_index("s") * 2 + lax.axis_index("c")
    base = wid * BPW
    zf = jnp.zeros((16,), jnp.float32)

    sem_i = (sem_i0, sem_i1)
    sem_r = (sem_r0, sem_r1)
    sem_g = (sem_g0, sem_g1)

    def issue_idx(row, p):
        pltpu.async_copy(hii.at[pl.ds(row, 1), :], idx_i.at[p], sem_i[p])
        pltpu.async_copy(hai.at[pl.ds(row, 1), :], idx_a.at[p], sem_i[p])

    def wait_idx(row, p):
        pltpu.make_async_copy(hii.at[pl.ds(row, 1), :], idx_i.at[p],
                              sem_i[p]).wait()
        pltpu.make_async_copy(hai.at[pl.ds(row, 1), :], idx_a.at[p],
                              sem_i[p]).wait()

    def issue_rate(row, p):
        pltpu.async_copy(hri.at[pl.ds(row, 1), :],
                         rate_buf.at[p, :, pl.ds(0, L)], sem_r[p])

    def wait_rate(row, p):
        pltpu.make_async_copy(hri.at[pl.ds(row, 1), :],
                              rate_buf.at[p, :, pl.ds(0, L)],
                              sem_r[p]).wait()

    def issue_gathers(p):
        for c, (o, n) in enumerate(I_CH):
            pltpu.async_copy(item_t.at[idx_i.at[p, 0, pl.ds(o, n)]],
                             rows_i.at[p, c, pl.ds(0, n)], sem_g[p])
        for c, (o, n) in enumerate(A_CH):
            pltpu.async_copy(attr_t.at[idx_a.at[p, 0, pl.ds(o, n)]],
                             rows_a.at[p, c, pl.ds(0, n)], sem_g[p])

    def wait_gathers(p):
        for c, (o, n) in enumerate(I_CH):
            pltpu.make_async_copy(item_t.at[idx_i.at[p, 0, pl.ds(o, n)]],
                                  rows_i.at[p, c, pl.ds(0, n)],
                                  sem_g[p]).wait()
        for c, (o, n) in enumerate(A_CH):
            pltpu.make_async_copy(attr_t.at[idx_a.at[p, 0, pl.ds(o, n)]],
                                  rows_a.at[p, c, pl.ds(0, n)],
                                  sem_g[p]).wait()

    issue_idx(base + 0, 0)
    issue_idx(base + 1, 1)
    issue_rate(base + 0, 0)
    issue_rate(base + 1, 1)

    pad = jnp.full((16,), NRATE, jnp.int32)
    for p in range(2):
        rate_buf[p, 0, pl.ds(192, 16)] = pad

    pltpu.sync_copy(rate_t, rtab)
    rt = [(rtab[rr, pl.ds(0, H)], rtab[rr, pl.ds(H, H)])
          for rr in range(NRATE)]

    pltpu.sync_copy(tii.at[pl.ds(base, BPW)], ti_idx)
    pltpu.sync_copy(tai.at[pl.ds(2 * base, 2 * BPW)], ta_idx)
    cps = [pltpu.async_copy(item_t.at[ti_idx], rows_ti, sem),
           pltpu.async_copy(attr_t.at[ta_idx.at[pl.ds(0, BPW)]],
                            rows_ta.at[0], sem),
           pltpu.async_copy(attr_t.at[ta_idx.at[pl.ds(BPW, BPW)]],
                            rows_ta.at[1], sem)]
    for c in cps:
        c.wait()

    def tgt_item_body(r, _):
        out_v[r, 0, pl.ds(0, H)] = rows_ti[r, pl.ds(0, H)]
        out_v[r, 0, pl.ds(H, H)] = rows_ti[r, pl.ds(H, H)]
        return 0
    lax.fori_loop(0, BPW, tgt_item_body, 0)

    for h in range(2):
        def tgt_attr_body(q, _, h=h):
            r = 64 * h + q
            for s in range(2):
                j = 2 * q + s
                out_v[r, 1 + s, pl.ds(0, H)] = rows_ta[h, j, pl.ds(0, H)]
                out_v[r, 1 + s, pl.ds(H, H)] = rows_ta[h, j, pl.ds(H, H)]
            return 0
        lax.fori_loop(0, 64, tgt_attr_body, 0)

    wait_idx(base + 0, 0)
    issue_gathers(0)
    wait_idx(base + 1, 1)
    issue_gathers(1)

    lane = jnp.arange(16, dtype=jnp.int32)
    rots = [((lane + sh) & 15) for sh in (8, 4, 2, 1)]
    dnums = lax.GatherDimensionNumbers(
        offset_dims=(), collapsed_slice_dims=(0,), start_index_map=(0,))

    def rot16(c, rot):
        return lax.gather(c, rot[:, None], dnums, (1,),
                          mode=lax.GatherScatterMode.PROMISE_IN_BOUNDS)

    def accum(r, p):
        acc = (zf, zf)
        for c, (o, n) in enumerate(I_CH):
            def ibody(j, a, c=c):
                return (a[0] + rows_i[p, c, j, pl.ds(0, H)],
                        a[1] + rows_i[p, c, j, pl.ds(H, H)])
            acc = lax.fori_loop(0, n, ibody, acc, unroll=4)
        out_v[r, 3, pl.ds(0, H)] = acc[0] * INV_L
        out_v[r, 3, pl.ds(H, H)] = acc[1] * INV_L

        a45 = ((zf, zf), (zf, zf))
        for c, (o, n) in enumerate(A_CH):
            def abody(j, a, c=c):
                (l4, h4), (l5, h5) = a
                return ((l4 + rows_a[p, c, 2 * j, pl.ds(0, H)],
                         h4 + rows_a[p, c, 2 * j, pl.ds(H, H)]),
                        (l5 + rows_a[p, c, 2 * j + 1, pl.ds(0, H)],
                         h5 + rows_a[p, c, 2 * j + 1, pl.ds(H, H)]))
            a45 = lax.fori_loop(0, n // 2, abody, a45, unroll=4)
        out_v[r, 4, pl.ds(0, H)] = a45[0][0] * INV_L
        out_v[r, 4, pl.ds(H, H)] = a45[0][1] * INV_L
        out_v[r, 5, pl.ds(0, H)] = a45[1][0] * INV_L
        out_v[r, 5, pl.ds(H, H)] = a45[1][1] * INV_L

        onef = jnp.ones((16,), jnp.float32)
        cnts = [zf] * NRATE
        for k in range(NKV):
            v = rate_buf[p, 0, pl.ds(16 * k, 16)]
            for rr in range(NRATE):
                cnts[rr] = cnts[rr] + jnp.where(v == rr, onef, zf)
        lo, hi = zf, zf
        for rr in range(NRATE):
            c = cnts[rr]
            for rot in rots:
                c = c + rot16(c, rot)
            lo = lo + c * rt[rr][0]
            hi = hi + c * rt[rr][1]
        out_v[r, 6, pl.ds(0, H)] = lo * INV_L
        out_v[r, 6, pl.ds(H, H)] = hi * INV_L

    def gbody(g, _):
        for p in range(2):
            r = 2 * g + p
            wait_gathers(p)

            @pl.when(r + 2 < BPW)
            def _():
                issue_idx(base + r + 2, p)

            wait_rate(base + r, p)
            accum(r, p)

            @pl.when(r + 2 < BPW)
            def _():
                issue_rate(base + r + 2, p)
                wait_idx(base + r + 2, p)
                issue_gathers(p)
        return 0

    lax.fori_loop(0, BPW // 2, gbody, 0)
    pltpu.sync_copy(out_v, out.at[pl.ds(base, BPW)])


_sc_call = functools.partial(
    pl.kernel,
    out_type=jax.ShapeDtypeStruct((B, 7, E), jnp.float32),
    mesh=plsc.VectorSubcoreMesh(core_axis_name="c", subcore_axis_name="s"),
    compiler_params=pltpu.CompilerParams(use_tc_tiling_on_sc=False),
    scratch_types=[
        pltpu.VMEM((2, 1, L), jnp.int32),
        pltpu.VMEM((2, 1, 2 * L), jnp.int32),
        pltpu.VMEM((2, 1, NKV * 16), jnp.int32),
        pltpu.VMEM((2, 2, 104, E), jnp.float32),
        pltpu.VMEM((2, 4, 104, E), jnp.float32),
        pltpu.VMEM((NRATE + 1, E), jnp.float32),
        pltpu.VMEM((BPW,), jnp.int32),
        pltpu.VMEM((2 * BPW,), jnp.int32),
        pltpu.VMEM((BPW, E), jnp.float32),
        pltpu.VMEM((2, BPW, E), jnp.float32),
        pltpu.VMEM((BPW, 7, E), jnp.float32),
        pltpu.SemaphoreType.DMA,
        pltpu.SemaphoreType.DMA,
        pltpu.SemaphoreType.DMA,
        pltpu.SemaphoreType.DMA,
        pltpu.SemaphoreType.DMA,
        pltpu.SemaphoreType.DMA,
        pltpu.SemaphoreType.DMA,
    ],
)(_body)


def kernel(hist_iid_seq, hist_aid_seq, hist_rate_seq, hist_seq_len, iid, aid,
           lb, item_table, attr_table, rating_table):
    return _sc_call(hist_iid_seq.astype(jnp.int32),
                    hist_aid_seq.astype(jnp.int32).reshape(B, 2 * L),
                    hist_rate_seq.astype(jnp.int32),
                    iid.astype(jnp.int32),
                    aid.astype(jnp.int32).reshape(2 * B),
                    item_table, attr_table, rating_table)

# --- scband reference (transcript-rebuilt; emitter-appended) ---
"""Pipeline reference for scband-base-model-19232863552089 (READ-ONLY COPY).

The authoritative reference and input builder live on the scoring server;
editing this copy changes nothing except your own understanding.
"""

import jax, jax.numpy as jnp
import numpy as np

B = 4096
L = 200
E = 32
ATTR_FNUM = 2
ITEM_NUM = 1000000
ATTR_NUM = 100000
RATING_NUM = 5
HIST_FNUM = 2 + ATTR_FNUM  # 4
ITEM_FNUM = 1 + ATTR_FNUM  # 3
FIELD_NUM = ITEM_FNUM + HIST_FNUM  # 7 (augment_num = 0)


def setup_inputs(seed: int = 0) -> dict:
    key = jax.random.key(seed)
    ks = jax.random.split(key, 10)
    hist_iid_seq = jax.random.randint(ks[0], (B, L), 0, ITEM_NUM)
    hist_aid_seq = jax.random.randint(ks[1], (B, L, ATTR_FNUM), 0, ATTR_NUM)
    hist_rate_seq = jax.random.randint(ks[2], (B, L), 0, RATING_NUM)
    hist_seq_len = jax.random.randint(ks[3], (B,), 0, L)
    iid = jax.random.randint(ks[4], (B,), 0, ITEM_NUM)
    aid = jax.random.randint(ks[5], (B, ATTR_FNUM), 0, ATTR_NUM)
    lb = jax.random.randint(ks[6], (B,), 0, 2)
    item_table = jax.random.normal(ks[7], (ITEM_NUM + 1, E), dtype=jnp.float32) * 0.02
    attr_table = jax.random.normal(ks[8], (ATTR_NUM + 1, E), dtype=jnp.float32) * 0.02
    rating_table = jax.random.normal(ks[9], (RATING_NUM + 1, E), dtype=jnp.float32) * 0.02
    return {
        'hist_iid_seq': hist_iid_seq,
        'hist_aid_seq': hist_aid_seq,
        'hist_rate_seq': hist_rate_seq,
        'hist_seq_len': hist_seq_len,
        'iid': iid,
        'aid': aid,
        'lb': lb,
        'item_table': item_table,
        'attr_table': attr_table,
        'rating_table': rating_table,
    }


def reference(hist_iid_seq, hist_aid_seq, hist_rate_seq, hist_seq_len, iid, aid, lb,
              item_table, attr_table, rating_table):
    # process_input (task == 'ctr', augment_num == 0)
    hist_item_emb = jnp.take(item_table, hist_iid_seq, axis=0).reshape(-1, L, E)
    hist_attr_emb = jnp.take(attr_table, hist_aid_seq, axis=0).reshape(-1, L, E * ATTR_FNUM)
    hist_rating_emb = jnp.take(rating_table, hist_rate_seq, axis=0).reshape(-1, L, E)
    hist_emb = jnp.concatenate([hist_item_emb, hist_attr_emb, hist_rating_emb], axis=-1)
    iid_emb = jnp.take(item_table, iid, axis=0)
    attr_emb = jnp.take(attr_table, aid, axis=0).reshape(-1, E * ATTR_FNUM)
    item_emb = jnp.concatenate([iid_emb, attr_emb], axis=-1)
    # get_filed_input: mean-pool history, concat with target item fields
    user_behavior = jnp.mean(hist_emb, axis=1).reshape(-1, HIST_FNUM * E)
    inp = jnp.concatenate([item_emb, user_behavior], axis=1)
    out = inp.reshape(-1, FIELD_NUM, E)
    return out

if __name__ == "__main__":
    import jax
    _d = setup_inputs()
    print(jax.jit(kernel)(*tuple(_d.values())))

</pallas_src>

<mosaic_0001>
#map = affine_map<(d0, d1) -> (0, 0)>
#map1 = affine_map<(d0, d1) -> (0)>
#map2 = affine_map<(d0, d1) -> (0, 0, 0)>
module attributes {stable_mosaic.version = 14 : i64} {
  func.func @_body(%arg0: i32, %arg1: i32, %arg2: memref<4096x200xi32, #tpu.memory_space<hbm>>, %arg3: memref<4096x400xi32, #tpu.memory_space<hbm>>, %arg4: memref<4096x200xi32, #tpu.memory_space<hbm>>, %arg5: memref<4096xi32, #tpu.memory_space<hbm>>, %arg6: memref<8192xi32, #tpu.memory_space<hbm>>, %arg7: memref<1000001x32xf32, #tpu.memory_space<hbm>>, %arg8: memref<100001x32xf32, #tpu.memory_space<hbm>>, %arg9: memref<6x32xf32, #tpu.memory_space<hbm>>, %arg10: memref<4096x7x32xf32, #tpu.memory_space<hbm>>, %arg11: memref<2x1x200xi32, #tpu.memory_space<vmem>>, %arg12: memref<2x1x400xi32, #tpu.memory_space<vmem>>, %arg13: memref<2x1x208xi32, #tpu.memory_space<vmem>>, %arg14: memref<2x2x104x32xf32, #tpu.memory_space<vmem>>, %arg15: memref<2x4x104x32xf32, #tpu.memory_space<vmem>>, %arg16: memref<6x32xf32, #tpu.memory_space<vmem>>, %arg17: memref<128xi32, #tpu.memory_space<vmem>>, %arg18: memref<256xi32, #tpu.memory_space<vmem>>, %arg19: memref<128x32xf32, #tpu.memory_space<vmem>>, %arg20: memref<2x128x32xf32, #tpu.memory_space<vmem>>, %arg21: memref<128x7x32xf32, #tpu.memory_space<vmem>>, %arg22: memref<!tpu.dma_semaphore, #tpu.memory_space<semaphore_mem>>, %arg23: memref<!tpu.dma_semaphore, #tpu.memory_space<semaphore_mem>>, %arg24: memref<!tpu.dma_semaphore, #tpu.memory_space<semaphore_mem>>, %arg25: memref<!tpu.dma_semaphore, #tpu.memory_space<semaphore_mem>>, %arg26: memref<!tpu.dma_semaphore, #tpu.memory_space<semaphore_mem>>, %arg27: memref<!tpu.dma_semaphore, #tpu.memory_space<semaphore_mem>>, %arg28: memref<!tpu.dma_semaphore, #tpu.memory_space<semaphore_mem>>) attributes {dimension_semantics = [#tpu.dimension_semantics<core_parallel>, #tpu.dimension_semantics<subcore_parallel>], iteration_bounds = array<i64: 2, 16>, scalar_prefetch = 0 : i64, scratch_operands = 18 : i64, tpu.core_type = #tpu.core_type<sc_vector_subcore>, window_params = [{transform_indices = #map}, {transform_indices = #map}, {transform_indices = #map}, {transform_indices = #map1}, {transform_indices = #map1}, {transform_indices = #map}, {transform_indices = #map}, {transform_indices = #map}, {transform_indices = #map2}]} {
    %mul3A = arith.constant 2 : i32
    %mul3A_0 = arith.muli %arg1, %mul3A : i32
    %add3A = arith.addi %mul3A_0, %arg0 : i32
    %mul3A_1 = arith.constant 128 : i32
    %mul3A_2 = arith.muli %add3A, %mul3A_1 : i32
    %broadcast_in_dim3A = arith.constant 0.000000e+00 : f32
    %broadcast_in_dim3A_3 = vector.broadcast %broadcast_in_dim3A : f32 to vector<16xf32>
    %add3A_4 = arith.constant 0 : i32
    %add3A_5 = arith.addi %mul3A_2, %add3A_4 : i32
    %dma_start3A = arith.constant 0 : i32
    %dma_start3A_6 = arith.constant 0 : i32
    %dma_start3A_7 = arith.constant 0 : i32
    %dma_start3A_8 = tpu.memref_slice %arg11[%dma_start3A, %dma_start3A_6, %dma_start3A_7] : memref<2x1x200xi32, #tpu.memory_space<vmem>> -> memref<1x1x200xi32, #tpu.memory_space<vmem>>
    %dma_start3A_9 = tpu.memref_squeeze %dma_start3A_8 : memref<1x1x200xi32, #tpu.memory_space<vmem>> -> memref<1x200xi32, #tpu.memory_space<vmem>>
    %dma_start3A_10 = arith.constant 0 : i32
    %dma_start3A_11 = tpu.memref_slice %arg2[%add3A_5, %dma_start3A_10] : memref<4096x200xi32, #tpu.memory_space<hbm>> -> memref<1x200xi32, #tpu.memory_space<hbm>>
    %dma_start3A_12 = arith.constant 0 : i32
    %dma_start3A_13 = arith.constant 0 : i32
    %dma_start3A_14 = tpu.memref_slice %arg11[%dma_start3A, %dma_start3A_12, %dma_start3A_13] : memref<2x1x200xi32, #tpu.memory_space<vmem>> -> memref<1x1x200xi32, #tpu.memory_space<vmem>>
    %dma_start3A_15 = tpu.memref_squeeze %dma_start3A_14 : memref<1x1x200xi32, #tpu.memory_space<vmem>> -> memref<1x200xi32, #tpu.memory_space<vmem>>
    %dma_start3A_16 = arith.constant 0 : i32
    %dma_start3A_17 = tpu.memref_slice %arg2[%add3A_5, %dma_start3A_16] : memref<4096x200xi32, #tpu.memory_space<hbm>> -> memref<1x200xi32, #tpu.memory_space<hbm>>
    tpu.enqueue_dma source(%dma_start3A_17 : memref<1x200xi32, #tpu.memory_space<hbm>>) target(%dma_start3A_15 : memref<1x200xi32, #tpu.memory_space<vmem>>) target_semaphore(%arg23 : memref<!tpu.dma_semaphore, #tpu.memory_space<semaphore_mem>>)
    %dma_start3A_18 = arith.constant 0 : i32
    %dma_start3A_19 = arith.constant 0 : i32
    %dma_start3A_20 = arith.constant 0 : i32
    %dma_start3A_21 = tpu.memref_slice %arg12[%dma_start3A_18, %dma_start3A_19, %dma_start3A_20] : memref<2x1x400xi32, #tpu.memory_space<vmem>> -> memref<1x1x400xi32, #tpu.memory_space<vmem>>
    %dma_start3A_22 = tpu.memref_squeeze %dma_start3A_21 : memref<1x1x400xi32, #tpu.memory_space<vmem>> -> memref<1x400xi32, #tpu.memory_space<vmem>>
    %dma_start3A_23 = arith.constant 0 : i32
    %dma_start3A_24 = tpu.memref_slice %arg3[%add3A_5, %dma_start3A_23] : memref<4096x400xi32, #tpu.memory_space<hbm>> -> memref<1x400xi32, #tpu.memory_space<hbm>>
    %dma_start3A_25 = arith.constant 0 : i32
    %dma_start3A_26 = arith.constant 0 : i32
    %dma_start3A_27 = tpu.memref_slice %arg12[%dma_start3A_18, %dma_start3A_25, %dma_start3A_26] : memref<2x1x400xi32, #tpu.memory_space<vmem>> -> memref<1x1x400xi32, #tpu.memory_space<vmem>>
    %dma_start3A_28 = tpu.memref_squeeze %dma_start3A_27 : memref<1x1x400xi32, #tpu.memory_space<vmem>> -> memref<1x400xi32, #tpu.memory_space<vmem>>
    %dma_start3A_29 = arith.constant 0 : i32
    %dma_start3A_30 = tpu.memref_slice %arg3[%add3A_5, %dma_start3A_29] : memref<4096x400xi32, #tpu.memory_space<hbm>> -> memref<1x400xi32, #tpu.memory_space<hbm>>
    tpu.enqueue_dma source(%dma_start3A_30 : memref<1x400xi32, #tpu.memory_space<hbm>>) target(%dma_start3A_28 : memref<1x400xi32, #tpu.memory_space<vmem>>) target_semaphore(%arg23 : memref<!tpu.dma_semaphore, #tpu.memory_space<semaphore_mem>>)
    %add3A_31 = arith.constant 1 : i32
    %add3A_32 = arith.addi %mul3A_2, %add3A_31 : i32
    %dma_start3A_33 = arith.constant 1 : i32
    %dma_start3A_34 = arith.constant 0 : i32
    %dma_start3A_35 = arith.constant 0 : i32
    %dma_start3A_36 = tpu.memref_slice %arg11[%dma_start3A_33, %dma_start3A_34, %dma_start3A_35] : memref<2x1x200xi32, #tpu.memory_space<vmem>> -> memref<1x1x200xi32, #tpu.memory_space<vmem>>
    %dma_start3A_37 = tpu.memref_squeeze %dma_start3A_36 : memref<1x1x200xi32, #tpu.memory_space<vmem>> -> memref<1x200xi32, #tpu.memory_space<vmem>>
    %dma_start3A_38 = arith.constant 0 : i32
    %dma_start3A_39 = tpu.memref_slice %arg2[%add3A_32, %dma_start3A_38] : memref<4096x200xi32, #tpu.memory_space<hbm>> -> memref<1x200xi32, #tpu.memory_space<hbm>>
    %dma_start3A_40 = arith.constant 0 : i32
    %dma_start3A_41 = arith.constant 0 : i32
    %dma_start3A_42 = tpu.memref_slice %arg11[%dma_start3A_33, %dma_start3A_40, %dma_start3A_41] : memref<2x1x200xi32, #tpu.memory_space<vmem>> -> memref<1x1x200xi32, #tpu.memory_space<vmem>>
    %dma_start3A_43 = tpu.memref_squeeze %dma_start3A_42 : memref<1x1x200xi32, #tpu.memory_space<vmem>> -> memref<1x200xi32, #tpu.memory_space<vmem>>
    %dma_start3A_44 = arith.constant 0 : i32
    %dma_start3A_45 = tpu.memref_slice %arg2[%add3A_32, %dma_start3A_44] : memref<4096x200xi32, #tpu.memory_space<hbm>> -> memref<1x200xi32, #tpu.memory_space<hbm>>
    tpu.enqueue_dma source(%dma_start3A_45 : memref<1x200xi32, #tpu.memory_space<hbm>>) target(%dma_start3A_43 : memref<1x200xi32, #tpu.memory_space<vmem>>) target_semaphore(%arg24 : memref<!tpu.dma_semaphore, #tpu.memory_space<semaphore_mem>>)
    %dma_start3A_46 = arith.constant 1 : i32
    %dma_start3A_47 = arith.constant 0 : i32
    %dma_start3A_48 = arith.constant 0 : i32
    %dma_start3A_49 = tpu.memref_slice %arg12[%dma_start3A_46, %dma_start3A_47, %dma_start3A_48] : memref<2x1x400xi32, #tpu.memory_space<vmem>> -> memref<1x1x400xi32, #tpu.memory_space<vmem>>
    %dma_start3A_50 = tpu.memref_squeeze %dma_start3A_49 : memref<1x1x400xi32, #tpu.memory_space<vmem>> -> memref<1x400xi32, #tpu.memory_space<vmem>>
    %dma_start3A_51 = arith.constant 0 : i32
    %dma_start3A_52 = tpu.memref_slice %arg3[%add3A_32, %dma_start3A_51] : memref<4096x400xi32, #tpu.memory_space<hbm>> -> memref<1x400xi32, #tpu.memory_space<hbm>>
    %dma_start3A_53 = arith.constant 0 : i32
    %dma_start3A_54 = arith.constant 0 : i32
    %dma_start3A_55 = tpu.memref_slice %arg12[%dma_start3A_46, %dma_start3A_53, %dma_start3A_54] : memref<2x1x400xi32, #tpu.memory_space<vmem>> -> memref<1x1x400xi32, #tpu.memory_space<vmem>>
    %dma_start3A_56 = tpu.memref_squeeze %dma_start3A_55 : memref<1x1x400xi32, #tpu.memory_space<vmem>> -> memref<1x400xi32, #tpu.memory_space<vmem>>
    %dma_start3A_57 = arith.constant 0 : i32
    %dma_start3A_58 = tpu.memref_slice %arg3[%add3A_32, %dma_start3A_57] : memref<4096x400xi32, #tpu.memory_space<hbm>> -> memref<1x400xi32, #tpu.memory_space<hbm>>
    tpu.enqueue_dma source(%dma_start3A_58 : memref<1x400xi32, #tpu.memory_space<hbm>>) target(%dma_start3A_56 : memref<1x400xi32, #tpu.memory_space<vmem>>) target_semaphore(%arg24 : memref<!tpu.dma_semaphore, #tpu.memory_space<semaphore_mem>>)
    %add3A_59 = arith.constant 0 : i32
    %add3A_60 = arith.addi %mul3A_2, %add3A_59 : i32
    %dma_start3A_61 = arith.constant 0 : i32
    %dma_start3A_62 = arith.constant 0 : i32
    %dma_start3A_63 = arith.constant 0 : i32
    %dma_start3A_64 = tpu.memref_slice %arg13[%dma_start3A_61, %dma_start3A_62, %dma_start3A_63] : memref<2x1x208xi32, #tpu.memory_space<vmem>> -> memref<1x1x200xi32, #tpu.memory_space<vmem>>
    %dma_start3A_65 = tpu.memref_squeeze %dma_start3A_64 : memref<1x1x200xi32, #tpu.memory_space<vmem>> -> memref<1x200xi32, #tpu.memory_space<vmem>>
    %dma_start3A_66 = arith.constant 0 : i32
    %dma_start3A_67 = tpu.memref_slice %arg4[%add3A_60, %dma_start3A_66] : memref<4096x200xi32, #tpu.memory_space<hbm>> -> memref<1x200xi32, #tpu.memory_space<hbm>>
    %dma_start3A_68 = arith.constant 0 : i32
    %dma_start3A_69 = arith.constant 0 : i32
    %dma_start3A_70 = tpu.memref_slice %arg13[%dma_start3A_61, %dma_start3A_68, %dma_start3A_69] : memref<2x1x208xi32, #tpu.memory_space<vmem>> -> memref<1x1x200xi32, #tpu.memory_space<vmem>>
    %dma_start3A_71 = tpu.memref_squeeze %dma_start3A_70 : memref<1x1x200xi32, #tpu.memory_space<vmem>> -> memref<1x200xi32, #tpu.memory_space<vmem>>
    %dma_start3A_72 = arith.constant 0 : i32
    %dma_start3A_73 = tpu.memref_slice %arg4[%add3A_60, %dma_start3A_72] : memref<4096x200xi32, #tpu.memory_space<hbm>> -> memref<1x200xi32, #tpu.memory_space<hbm>>
    tpu.enqueue_dma source(%dma_start3A_73 : memref<1x200xi32, #tpu.memory_space<hbm>>) target(%dma_start3A_71 : memref<1x200xi32, #tpu.memory_space<vmem>>) target_semaphore(%arg25 : memref<!tpu.dma_semaphore, #tpu.memory_space<semaphore_mem>>)
    %add3A_74 = arith.constant 1 : i32
    %add3A_75 = arith.addi %mul3A_2, %add3A_74 : i32
    %dma_start3A_76 = arith.constant 1 : i32
    %dma_start3A_77 = arith.constant 0 : i32
    %dma_start3A_78 = arith.constant 0 : i32
    %dma_start3A_79 = tpu.memref_slice %arg13[%dma_start3A_76, %dma_start3A_77, %dma_start3A_78] : memref<2x1x208xi32, #tpu.memory_space<vmem>> -> memref<1x1x200xi32, #tpu.memory_space<vmem>>
    %dma_start3A_80 = tpu.memref_squeeze %dma_start3A_79 : memref<1x1x200xi32, #tpu.memory_space<vmem>> -> memref<1x200xi32, #tpu.memory_space<vmem>>
    %dma_start3A_81 = arith.constant 0 : i32
    %dma_start3A_82 = tpu.memref_slice %arg4[%add3A_75, %dma_start3A_81] : memref<4096x200xi32, #tpu.memory_space<hbm>> -> memref<1x200xi32, #tpu.memory_space<hbm>>
    %dma_start3A_83 = arith.constant 0 : i32
    %dma_start3A_84 = arith.constant 0 : i32
    %dma_start3A_85 = tpu.memref_slice %arg13[%dma_start3A_76, %dma_start3A_83, %dma_start3A_84] : memref<2x1x208xi32, #tpu.memory_space<vmem>> -> memref<1x1x200xi32, #tpu.memory_space<vmem>>
    %dma_start3A_86 = tpu.memref_squeeze %dma_start3A_85 : memref<1x1x200xi32, #tpu.memory_space<vmem>> -> memref<1x200xi32, #tpu.memory_space<vmem>>
    %dma_start3A_87 = arith.constant 0 : i32
    %dma_start3A_88 = tpu.memref_slice %arg4[%add3A_75, %dma_start3A_87] : memref<4096x200xi32, #tpu.memory_space<hbm>> -> memref<1x200xi32, #tpu.memory_space<hbm>>
    tpu.enqueue_dma source(%dma_start3A_88 : memref<1x200xi32, #tpu.memory_space<hbm>>) target(%dma_start3A_86 : memref<1x200xi32, #tpu.memory_space<vmem>>) target_semaphore(%arg26 : memref<!tpu.dma_semaphore, #tpu.memory_space<semaphore_mem>>)
    %broadcast_in_dim3A_89 = arith.constant 5 : i32
    %broadcast_in_dim3A_90 = vector.broadcast %broadcast_in_dim3A_89 : i32 to vector<16xi32>
    %swap3A = arith.constant 0 : i32
    %swap3A_91 = arith.constant 0 : i32
    %swap3A_92 = arith.index_cast %swap3A : i32 to index
    %swap3A_93 = arith.index_cast %swap3A_91 : i32 to index
    %swap3A_94 = arith.constant 192 : index
    %swap3A_95 = tpu.vector_load %arg13[%swap3A_92, %swap3A_93, %swap3A_94] {strides = array<i32>} : memref<2x1x208xi32, #tpu.memory_space<vmem>>, vector<1x1x16xi32>,
    %swap3A_96 = vector.shape_cast %swap3A_95 : vector<1x1x16xi32> to vector<16xi32>
    %swap3A_97 = vector.shape_cast %broadcast_in_dim3A_90 : vector<16xi32> to vector<1x1x16xi32>
    tpu.vector_store %arg13[%swap3A_92, %swap3A_93, %swap3A_94], %swap3A_97 {strides = array<i32>} : memref<2x1x208xi32, #tpu.memory_space<vmem>>, vector<1x1x16xi32>,
    %swap3A_98 = arith.constant 1 : i32
    %swap3A_99 = arith.constant 0 : i32
    %swap3A_100 = arith.index_cast %swap3A_98 : i32 to index
    %swap3A_101 = arith.index_cast %swap3A_99 : i32 to index
    %swap3A_102 = arith.constant 192 : index
    %swap3A_103 = tpu.vector_load %arg13[%swap3A_100, %swap3A_101, %swap3A_102] {strides = array<i32>} : memref<2x1x208xi32, #tpu.memory_space<vmem>>, vector<1x1x16xi32>,
    %swap3A_104 = vector.shape_cast %swap3A_103 : vector<1x1x16xi32> to vector<16xi32>
    %swap3A_105 = vector.shape_cast %broadcast_in_dim3A_90 : vector<16xi32> to vector<1x1x16xi32>
    tpu.vector_store %arg13[%swap3A_100, %swap3A_101, %swap3A_102], %swap3A_105 {strides = array<i32>} : memref<2x1x208xi32, #tpu.memory_space<vmem>>, vector<1x1x16xi32>,
    "tpu.region"() ({
      %run_scoped3A = tpu.sem_alloc : memref<!tpu.dma_semaphore, #tpu.memory_space<semaphore_mem>>
      tpu.enqueue_dma source(%arg9 : memref<6x32xf32, #tpu.memory_space<hbm>>) target(%arg16 : memref<6x32xf32, #tpu.memory_space<vmem>>) target_semaphore(%run_scoped3A : memref<!tpu.dma_semaphore, #tpu.memory_space<semaphore_mem>>)
      tpu.wait_dma2 semaphore(%run_scoped3A : memref<!tpu.dma_semaphore, #tpu.memory_space<semaphore_mem>>) src(%arg9 : memref<6x32xf32, #tpu.memory_space<hbm>>) dst(%arg16 : memref<6x32xf32, #tpu.memory_space<vmem>>)
      tpu.yield
    }) : () -> ()
    %get3A = arith.constant 0 : i32
    %get3A_106 = arith.index_cast %get3A : i32 to index
    %get3A_107 = arith.constant 0 : index
    %get3A_108 = tpu.vector_load %arg16[%get3A_106, %get3A_107] {strides = array<i32>} : memref<6x32xf32, #tpu.memory_space<vmem>>, vector<1x16xf32>,
    %get3A_109 = vector.shape_cast %get3A_108 : vector<1x16xf32> to vector<16xf32>
    %get3A_110 = arith.constant 0 : i32
    %get3A_111 = arith.index_cast %get3A_110 : i32 to index
    %get3A_112 = arith.constant 16 : index
    %get3A_113 = tpu.vector_load %arg16[%get3A_111, %get3A_112] {strides = array<i32>} : memref<6x32xf32, #tpu.memory_space<vmem>>, vector<1x16xf32>,
    %get3A_114 = vector.shape_cast %get3A_113 : vector<1x16xf32> to vector<16xf32>
    %get3A_115 = arith.constant 1 : i32
    %get3A_116 = arith.index_cast %get3A_115 : i32 to index
    %get3A_117 = arith.constant 0 : index
    %get3A_118 = tpu.vector_load %arg16[%get3A_116, %get3A_117] {strides = array<i32>} : memref<6x32xf32, #tpu.memory_space<vmem>>, vector<1x16xf32>,
    %get3A_119 = vector.shape_cast %get3A_118 : vector<1x16xf32> to vector<16xf32>
    %get3A_120 = arith.constant 1 : i32
    %get3A_121 = arith.index_cast %get3A_120 : i32 to index
    %get3A_122 = arith.constant 16 : index
    %get3A_123 = tpu.vector_load %arg16[%get3A_121, %get3A_122] {strides = array<i32>} : memref<6x32xf32, #tpu.memory_space<vmem>>, vector<1x16xf32>,
    %get3A_124 = vector.shape_cast %get3A_123 : vector<1x16xf32> to vector<16xf32>
    %get3A_125 = arith.constant 2 : i32
    %get3A_126 = arith.index_cast %get3A_125 : i32 to index
    %get3A_127 = arith.constant 0 : index
    %get3A_128 = tpu.vector_load %arg16[%get3A_126, %get3A_127] {strides = array<i32>} : memref<6x32xf32, #tpu.memory_space<vmem>>, vector<1x16xf32>,
    %get3A_129 = vector.shape_cast %get3A_128 : vector<1x16xf32> to vector<16xf32>
    %get3A_130 = arith.constant 2 : i32
    %get3A_131 = arith.index_cast %get3A_130 : i32 to index
    %get3A_132 = arith.constant 16 : index
    %get3A_133 = tpu.vector_load %arg16[%get3A_131, %get3A_132] {strides = array<i32>} : memref<6x32xf32, #tpu.memory_space<vmem>>, vector<1x16xf32>,
    %get3A_134 = vector.shape_cast %get3A_133 : vector<1x16xf32> to vector<16xf32>
    %get3A_135 = arith.constant 3 : i32
    %get3A_136 = arith.index_cast %get3A_135 : i32 to index
    %get3A_137 = arith.constant 0 : index
    %get3A_138 = tpu.vector_load %arg16[%get3A_136, %get3A_137] {strides = array<i32>} : memref<6x32xf32, #tpu.memory_space<vmem>>, vector<1x16xf32>,
    %get3A_139 = vector.shape_cast %get3A_138 : vector<1x16xf32> to vector<16xf32>
    %get3A_140 = arith.constant 3 : i32
    %get3A_141 = arith.index_cast %get3A_140 : i32 to index
    %get3A_142 = arith.constant 16 : index
    %get3A_143 = tpu.vector_load %arg16[%get3A_141, %get3A_142] {strides = array<i32>} : memref<6x32xf32, #tpu.memory_space<vmem>>, vector<1x16xf32>,
    %get3A_144 = vector.shape_cast %get3A_143 : vector<1x16xf32> to vector<16xf32>
    %get3A_145 = arith.constant 4 : i32
    %get3A_146 = arith.index_cast %get3A_145 : i32 to index
    %get3A_147 = arith.constant 0 : index
    %get3A_148 = tpu.vector_load %arg16[%get3A_146, %get3A_147] {strides = array<i32>} : memref<6x32xf32, #tpu.memory_space<vmem>>, vector<1x16xf32>,
    %get3A_149 = vector.shape_cast %get3A_148 : vector<1x16xf32> to vector<16xf32>
    %get3A_150 = arith.constant 4 : i32
    %get3A_151 = arith.index_cast %get3A_150 : i32 to index
    %get3A_152 = arith.constant 16 : index
    %get3A_153 = tpu.vector_load %arg16[%get3A_151, %get3A_152] {strides = array<i32>} : memref<6x32xf32, #tpu.memory_space<vmem>>, vector<1x16xf32>,
    %get3A_154 = vector.shape_cast %get3A_153 : vector<1x16xf32> to vector<16xf32>
    "tpu.region"() ({
      %run_scoped3A = tpu.sem_alloc : memref<!tpu.dma_semaphore, #tpu.memory_space<semaphore_mem>>
      %dma_start3A_476 = tpu.memref_slice %arg5[%mul3A_2] : memref<4096xi32, #tpu.memory_space<hbm>> -> memref<128xi32, #tpu.memory_space<hbm>>
      %dma_start3A_477 = tpu.memref_slice %arg5[%mul3A_2] : memref<4096xi32, #tpu.memory_space<hbm>> -> memref<128xi32, #tpu.memory_space<hbm>>
      tpu.enqueue_dma source(%dma_start3A_477 : memref<128xi32, #tpu.memory_space<hbm>>) target(%arg17 : memref<128xi32, #tpu.memory_space<vmem>>) target_semaphore(%run_scoped3A : memref<!tpu.dma_semaphore, #tpu.memory_space<semaphore_mem>>)
      %dma_wait3A_478 = tpu.memref_slice %arg5[%mul3A_2] : memref<4096xi32, #tpu.memory_space<hbm>> -> memref<128xi32, #tpu.memory_space<hbm>>
      %dma_wait3A_479 = tpu.memref_slice %arg5[%mul3A_2] : memref<4096xi32, #tpu.memory_space<hbm>> -> memref<128xi32, #tpu.memory_space<hbm>>
      tpu.wait_dma2 semaphore(%run_scoped3A : memref<!tpu.dma_semaphore, #tpu.memory_space<semaphore_mem>>) src(%dma_wait3A_479 : memref<128xi32, #tpu.memory_space<hbm>>) dst(%arg17 : memref<128xi32, #tpu.memory_space<vmem>>)
      tpu.yield
    }) : () -> ()
    %mul3A_155 = arith.constant 2 : i32
    %mul3A_156 = arith.muli %mul3A_155, %mul3A_2 : i32
    "tpu.region"() ({
      %run_scoped3A = tpu.sem_alloc : memref<!tpu.dma_semaphore, #tpu.memory_space<semaphore_mem>>
      %dma_start3A_476 = tpu.memref_slice %arg6[%mul3A_156] : memref<8192xi32, #tpu.memory_space<hbm>> -> memref<256xi32, #tpu.memory_space<hbm>>
      %dma_start3A_477 = tpu.memref_slice %arg6[%mul3A_156] : memref<8192xi32, #tpu.memory_space<hbm>> -> memref<256xi32, #tpu.memory_space<hbm>>
      tpu.enqueue_dma source(%dma_start3A_477 : memref<256xi32, #tpu.memory_space<hbm>>) target(%arg18 : memref<256xi32, #tpu.memory_space<vmem>>) target_semaphore(%run_scoped3A : memref<!tpu.dma_semaphore, #tpu.memory_space<semaphore_mem>>)
      %dma_wait3A_478 = tpu.memref_slice %arg6[%mul3A_156] : memref<8192xi32, #tpu.memory_space<hbm>> -> memref<256xi32, #tpu.memory_space<hbm>>
      %dma_wait3A_479 = tpu.memref_slice %arg6[%mul3A_156] : memref<8192xi32, #tpu.memory_space<hbm>> -> memref<256xi32, #tpu.memory_space<hbm>>
      tpu.wait_dma2 semaphore(%run_scoped3A : memref<!tpu.dma_semaphore, #tpu.memory_space<semaphore_mem>>) src(%dma_wait3A_479 : memref<256xi32, #tpu.memory_space<hbm>>) dst(%arg18 : memref<256xi32, #tpu.memory_space<vmem>>)
      tpu.yield
    }) : () -> ()
    %dma_start3A_157 = arith.constant 0 : i32
    %dma_start3A_158 = arith.constant 0 : i32
    %dma_start3A_159 = tpu.memref_slice %arg7[%dma_start3A_157, %dma_start3A_158] : memref<1000001x32xf32, #tpu.memory_space<hbm>> -> memref<1000001x32xf32, #tpu.memory_space<hbm>>
    tpu.enqueue_indirect_dma source(%dma_start3A_159 : memref<1000001x32xf32, #tpu.memory_space<hbm>>) target(%arg19 : memref<128x32xf32, #tpu.memory_space<vmem>>) offsets(%arg17 : memref<128xi32, #tpu.memory_space<vmem>>) semaphore(%arg22 : memref<!tpu.dma_semaphore, #tpu.memory_space<semaphore_mem>>)
    %dma_start3A_160 = arith.constant 0 : i32
    %dma_start3A_161 = arith.constant 0 : i32
    %dma_start3A_162 = arith.constant 0 : i32
    %dma_start3A_163 = tpu.memref_slice %arg20[%dma_start3A_160, %dma_start3A_161, %dma_start3A_162] : memref<2x128x32xf32, #tpu.memory_space<vmem>> -> memref<1x128x32xf32, #tpu.memory_space<vmem>>
    %dma_start3A_164 = tpu.memref_squeeze %dma_start3A_163 : memref<1x128x32xf32, #tpu.memory_space<vmem>> -> memref<128x32xf32, #tpu.memory_space<vmem>>
    %dma_start3A_165 = arith.constant 0 : i32
    %dma_start3A_166 = tpu.memref_slice %arg18[%dma_start3A_165] : memref<256xi32, #tpu.memory_space<vmem>> -> memref<128xi32, #tpu.memory_space<vmem>>
    %dma_start3A_167 = arith.constant 0 : i32
    %dma_start3A_168 = arith.constant 0 : i32
    %dma_start3A_169 = tpu.memref_slice %arg8[%dma_start3A_167, %dma_start3A_168] : memref<100001x32xf32, #tpu.memory_space<hbm>> -> memref<100001x32xf32, #tpu.memory_space<hbm>>
    tpu.enqueue_indirect_dma source(%dma_start3A_169 : memref<100001x32xf32, #tpu.memory_space<hbm>>) target(%dma_start3A_164 : memref<128x32xf32, #tpu.memory_space<vmem>>) offsets(%dma_start3A_166 : memref<128xi32, #tpu.memory_space<vmem>>) semaphore(%arg22 : memref<!tpu.dma_semaphore, #tpu.memory_space<semaphore_mem>>)
    %dma_start3A_170 = arith.constant 1 : i32
    %dma_start3A_171 = arith.constant 0 : i32
    %dma_start3A_172 = arith.constant 0 : i32
    %dma_start3A_173 = tpu.memref_slice %arg20[%dma_start3A_170, %dma_start3A_171, %dma_start3A_172] : memref<2x128x32xf32, #tpu.memory_space<vmem>> -> memref<1x128x32xf32, #tpu.memory_space<vmem>>
    %dma_start3A_174 = tpu.memref_squeeze %dma_start3A_173 : memref<1x128x32xf32, #tpu.memory_space<vmem>> -> memref<128x32xf32, #tpu.memory_space<vmem>>
    %dma_start3A_175 = arith.constant 128 : i32
    %dma_start3A_176 = tpu.memref_slice %arg18[%dma_start3A_175] : memref<256xi32, #tpu.memory_space<vmem>> -> memref<128xi32, #tpu.memory_space<vmem>>
    %dma_start3A_177 = arith.constant 0 : i32
    %dma_start3A_178 = arith.constant 0 : i32
    %dma_start3A_179 = tpu.memref_slice %arg8[%dma_start3A_177, %dma_start3A_178] : memref<100001x32xf32, #tpu.memory_space<hbm>> -> memref<100001x32xf32, #tpu.memory_space<hbm>>
    tpu.enqueue_indirect_dma source(%dma_start3A_179 : memref<100001x32xf32, #tpu.memory_space<hbm>>) target(%dma_start3A_174 : memref<128x32xf32, #tpu.memory_space<vmem>>) offsets(%dma_start3A_176 : memref<128xi32, #tpu.memory_space<vmem>>) semaphore(%arg22 : memref<!tpu.dma_semaphore, #tpu.memory_space<semaphore_mem>>)
    %dma_wait3A = arith.constant 0 : i32
    %dma_wait3A_180 = arith.constant 0 : i32
    %dma_wait3A_181 = tpu.memref_slice %arg7[%dma_wait3A, %dma_wait3A_180] : memref<1000001x32xf32, #tpu.memory_space<hbm>> -> memref<1000001x32xf32, #tpu.memory_space<hbm>>
    tpu.wait_indirect_dma semaphore(%arg22 : memref<!tpu.dma_semaphore, #tpu.memory_space<semaphore_mem>>) src(%dma_wait3A_181 : memref<1000001x32xf32, #tpu.memory_space<hbm>>) dst(%arg19 : memref<128x32xf32, #tpu.memory_space<vmem>>)
    %dma_wait3A_182 = arith.constant 0 : i32
    %dma_wait3A_183 = arith.constant 0 : i32
    %dma_wait3A_184 = arith.constant 0 : i32
    %dma_wait3A_185 = tpu.memref_slice %arg20[%dma_wait3A_182, %dma_wait3A_183, %dma_wait3A_184] : memref<2x128x32xf32, #tpu.memory_space<vmem>> -> memref<1x128x32xf32, #tpu.memory_space<vmem>>
    %dma_wait3A_186 = tpu.memref_squeeze %dma_wait3A_185 : memref<1x128x32xf32, #tpu.memory_space<vmem>> -> memref<128x32xf32, #tpu.memory_space<vmem>>
    %dma_wait3A_187 = arith.constant 0 : i32
    %dma_wait3A_188 = tpu.memref_slice %arg18[%dma_wait3A_187] : memref<256xi32, #tpu.memory_space<vmem>> -> memref<128xi32, #tpu.memory_space<vmem>>
    %dma_wait3A_189 = arith.constant 0 : i32
    %dma_wait3A_190 = arith.constant 0 : i32
    %dma_wait3A_191 = tpu.memref_slice %arg8[%dma_wait3A_189, %dma_wait3A_190] : memref<100001x32xf32, #tpu.memory_space<hbm>> -> memref<100001x32xf32, #tpu.memory_space<hbm>>
    tpu.wait_indirect_dma semaphore(%arg22 : memref<!tpu.dma_semaphore, #tpu.memory_space<semaphore_mem>>) src(%dma_wait3A_191 : memref<100001x32xf32, #tpu.memory_space<hbm>>) dst(%dma_wait3A_186 : memref<128x32xf32, #tpu.memory_space<vmem>>)
    %dma_wait3A_192 = arith.constant 1 : i32
    %dma_wait3A_193 = arith.constant 0 : i32
    %dma_wait3A_194 = arith.constant 0 : i32
    %dma_wait3A_195 = tpu.memref_slice %arg20[%dma_wait3A_192, %dma_wait3A_193, %dma_wait3A_194] : memref<2x128x32xf32, #tpu.memory_space<vmem>> -> memref<1x128x32xf32, #tpu.memory_space<vmem>>
    %dma_wait3A_196 = tpu.memref_squeeze %dma_wait3A_195 : memref<1x128x32xf32, #tpu.memory_space<vmem>> -> memref<128x32xf32, #tpu.memory_space<vmem>>
    %dma_wait3A_197 = arith.constant 128 : i32
    %dma_wait3A_198 = tpu.memref_slice %arg18[%dma_wait3A_197] : memref<256xi32, #tpu.memory_space<vmem>> -> memref<128xi32, #tpu.memory_space<vmem>>
    %dma_wait3A_199 = arith.constant 0 : i32
    %dma_wait3A_200 = arith.constant 0 : i32
    %dma_wait3A_201 = tpu.memref_slice %arg8[%dma_wait3A_199, %dma_wait3A_200] : memref<100001x32xf32, #tpu.memory_space<hbm>> -> memref<100001x32xf32, #tpu.memory_space<hbm>>
    tpu.wait_indirect_dma semaphore(%arg22 : memref<!tpu.dma_semaphore, #tpu.memory_space<semaphore_mem>>) src(%dma_wait3A_201 : memref<100001x32xf32, #tpu.memory_space<hbm>>) dst(%dma_wait3A_196 : memref<128x32xf32, #tpu.memory_space<vmem>>)
    %scan3A = arith.constant 0 : i32
    %scan3A_202 = arith.constant 0 : i32
    %scan3A_203 = arith.constant 128 : i32
    %scan3A_204 = arith.addi %scan3A_202, %scan3A_203 : i32
    %scan3A_205 = arith.constant 1 : i32
    %scan3A_206 = scf.for %scan3A_476 = %scan3A_202 to %scan3A_204 step %scan3A_205 iter_args(%scan3A_477 = %scan3A) -> (i32)  : i32 {
      %get3A_478 = arith.index_cast %scan3A_476 : i32 to index
      %get3A_479 = arith.constant 0 : index
      %get3A_480 = tpu.vector_load %arg19[%get3A_478, %get3A_479] {strides = array<i32>} : memref<128x32xf32, #tpu.memory_space<vmem>>, vector<1x16xf32>,
      %get3A_481 = vector.shape_cast %get3A_480 : vector<1x16xf32> to vector<16xf32>
      %swap3A_482 = arith.constant 0 : i32
      %swap3A_483 = arith.index_cast %scan3A_476 : i32 to index
      %swap3A_484 = arith.index_cast %swap3A_482 : i32 to index
      %swap3A_485 = arith.constant 0 : index
      %swap3A_486 = tpu.vector_load %arg21[%swap3A_483, %swap3A_484, %swap3A_485] {strides = array<i32>} : memref<128x7x32xf32, #tpu.memory_space<vmem>>, vector<1x1x16xf32>,
      %swap3A_487 = vector.shape_cast %swap3A_486 : vector<1x1x16xf32> to vector<16xf32>
      %swap3A_488 = vector.shape_cast %get3A_481 : vector<16xf32> to vector<1x1x16xf32>
      tpu.vector_store %arg21[%swap3A_483, %swap3A_484, %swap3A_485], %swap3A_488 {strides = array<i32>} : memref<128x7x32xf32, #tpu.memory_space<vmem>>, vector<1x1x16xf32>,
      %get3A_489 = arith.index_cast %scan3A_476 : i32 to index
      %get3A_490 = arith.constant 16 : index
      %get3A_491 = tpu.vector_load %arg19[%get3A_489, %get3A_490] {strides = array<i32>} : memref<128x32xf32, #tpu.memory_space<vmem>>, vector<1x16xf32>,
      %get3A_492 = vector.shape_cast %get3A_491 : vector<1x16xf32> to vector<16xf32>
      %swap3A_493 = arith.constant 0 : i32
      %swap3A_494 = arith.index_cast %scan3A_476 : i32 to index
      %swap3A_495 = arith.index_cast %swap3A_493 : i32 to index
      %swap3A_496 = arith.constant 16 : index
      %swap3A_497 = tpu.vector_load %arg21[%swap3A_494, %swap3A_495, %swap3A_496] {strides = array<i32>} : memref<128x7x32xf32, #tpu.memory_space<vmem>>, vector<1x1x16xf32>,
      %swap3A_498 = vector.shape_cast %swap3A_497 : vector<1x1x16xf32> to vector<16xf32>
      %swap3A_499 = vector.shape_cast %get3A_492 : vector<16xf32> to vector<1x1x16xf32>
      tpu.vector_store %arg21[%swap3A_494, %swap3A_495, %swap3A_496], %swap3A_499 {strides = array<i32>} : memref<128x7x32xf32, #tpu.memory_space<vmem>>, vector<1x1x16xf32>,
      %scan3A_500 = arith.constant 0 : i32
      scf.yield %scan3A_500 : i32
    }
    %scan3A_207 = arith.constant 128 : i32
    %scan3A_208 = arith.constant 0 : i32
    %scan3A_209 = arith.constant 0 : i32
    %scan3A_210 = arith.constant 64 : i32
    %scan3A_211 = arith.addi %scan3A_209, %scan3A_210 : i32
    %scan3A_212 = arith.constant 1 : i32
    %scan3A_213 = scf.for %scan3A_476 = %scan3A_209 to %scan3A_211 step %scan3A_212 iter_args(%scan3A_477 = %scan3A_208) -> (i32)  : i32 {
      %add3A_478 = arith.constant 0 : i32
      %add3A_479 = arith.addi %add3A_478, %scan3A_476 : i32
      %mul3A_480 = arith.constant 2 : i32
      %mul3A_481 = arith.muli %mul3A_480, %scan3A_476 : i32
      %add3A_482 = arith.constant 0 : i32
      %add3A_483 = arith.addi %mul3A_481, %add3A_482 : i32
      %get3A_484 = arith.constant 0 : i32
      %get3A_485 = arith.index_cast %get3A_484 : i32 to index
      %get3A_486 = arith.index_cast %add3A_483 : i32 to index
      %get3A_487 = arith.constant 0 : index
      %get3A_488 = tpu.vector_load %arg20[%get3A_485, %get3A_486, %get3A_487] {strides = array<i32>} : memref<2x128x32xf32, #tpu.memory_space<vmem>>, vector<1x1x16xf32>,
      %get3A_489 = vector.shape_cast %get3A_488 : vector<1x1x16xf32> to vector<16xf32>
      %swap3A_490 = arith.constant 1 : i32
      %swap3A_491 = arith.index_cast %add3A_479 : i32 to index
      %swap3A_492 = arith.index_cast %swap3A_490 : i32 to index
      %swap3A_493 = arith.constant 0 : index
      %swap3A_494 = tpu.vector_load %arg21[%swap3A_491, %swap3A_492, %swap3A_493] {strides = array<i32>} : memref<128x7x32xf32, #tpu.memory_space<vmem>>, vector<1x1x16xf32>,
      %swap3A_495 = vector.shape_cast %swap3A_494 : vector<1x1x16xf32> to vector<16xf32>
      %swap3A_496 = vector.shape_cast %get3A_489 : vector<16xf32> to vector<1x1x16xf32>
      tpu.vector_store %arg21[%swap3A_491, %swap3A_492, %swap3A_493], %swap3A_496 {strides = array<i32>} : memref<128x7x32xf32, #tpu.memory_space<vmem>>, vector<1x1x16xf32>,
      %get3A_497 = arith.constant 0 : i32
      %get3A_498 = arith.index_cast %get3A_497 : i32 to index
      %get3A_499 = arith.index_cast %add3A_483 : i32 to index
      %get3A_500 = arith.constant 16 : index
      %get3A_501 = tpu.vector_load %arg20[%get3A_498, %get3A_499, %get3A_500] {strides = array<i32>} : memref<2x128x32xf32, #tpu.memory_space<vmem>>, vector<1x1x16xf32>,
      %get3A_502 = vector.shape_cast %get3A_501 : vector<1x1x16xf32> to vector<16xf32>
      %swap3A_503 = arith.constant 1 : i32
      %swap3A_504 = arith.index_cast %add3A_479 : i32 to index
      %swap3A_505 = arith.index_cast %swap3A_503 : i32 to index
      %swap3A_506 = arith.constant 16 : index
      %swap3A_507 = tpu.vector_load %arg21[%swap3A_504, %swap3A_505, %swap3A_506] {strides = array<i32>} : memref<128x7x32xf32, #tpu.memory_space<vmem>>, vector<1x1x16xf32>,
      %swap3A_508 = vector.shape_cast %swap3A_507 : vector<1x1x16xf32> to vector<16xf32>
      %swap3A_509 = vector.shape_cast %get3A_502 : vector<16xf32> to vector<1x1x16xf32>
      tpu.vector_store %arg21[%swap3A_504, %swap3A_505, %swap3A_506], %swap3A_509 {strides = array<i32>} : memref<128x7x32xf32, #tpu.memory_space<vmem>>, vector<1x1x16xf32>,
      %mul3A_510 = arith.constant 2 : i32
      %mul3A_511 = arith.muli %mul3A_510, %scan3A_476 : i32
      %add3A_512 = arith.constant 1 : i32
      %add3A_513 = arith.addi %mul3A_511, %add3A_512 : i32
      %get3A_514 = arith.constant 0 : i32
      %get3A_515 = arith.index_cast %get3A_514 : i32 to index
      %get3A_516 = arith.index_cast %add3A_513 : i32 to index
      %get3A_517 = arith.constant 0 : index
      %get3A_518 = tpu.vector_load %arg20[%get3A_515, %get3A_516, %get3A_517] {strides = array<i32>} : memref<2x128x32xf32, #tpu.memory_space<vmem>>, vector<1x1x16xf32>,
      %get3A_519 = vector.shape_cast %get3A_518 : vector<1x1x16xf32> to vector<16xf32>
      %swap3A_520 = arith.constant 2 : i32
      %swap3A_521 = arith.index_cast %add3A_479 : i32 to index
      %swap3A_522 = arith.index_cast %swap3A_520 : i32 to index
      %swap3A_523 = arith.constant 0 : index
      %swap3A_524 = tpu.vector_load %arg21[%swap3A_521, %swap3A_522, %swap3A_523] {strides = array<i32>} : memref<128x7x32xf32, #tpu.memory_space<vmem>>, vector<1x1x16xf32>,
      %swap3A_525 = vector.shape_cast %swap3A_524 : vector<1x1x16xf32> to vector<16xf32>
      %swap3A_526 = vector.shape_cast %get3A_519 : vector<16xf32> to vector<1x1x16xf32>
      tpu.vector_store %arg21[%swap3A_521, %swap3A_522, %swap3A_523], %swap3A_526 {strides = array<i32>} : memref<128x7x32xf32, #tpu.memory_space<vmem>>, vector<1x1x16xf32>,
      %get3A_527 = arith.constant 0 : i32
      %get3A_528 = arith.index_cast %get3A_527 : i32 to index
      %get3A_529 = arith.index_cast %add3A_513 : i32 to index
      %get3A_530 = arith.constant 16 : index
      %get3A_531 = tpu.vector_load %arg20[%get3A_528, %get3A_529, %get3A_530] {strides = array<i32>} : memref<2x128x32xf32, #tpu.memory_space<vmem>>, vector<1x1x16xf32>,
      %get3A_532 = vector.shape_cast %get3A_531 : vector<1x1x16xf32> to vector<16xf32>
      %swap3A_533 = arith.constant 2 : i32
      %swap3A_534 = arith.index_cast %add3A_479 : i32 to index
      %swap3A_535 = arith.index_cast %swap3A_533 : i32 to index
      %swap3A_536 = arith.constant 16 : index
      %swap3A_537 = tpu.vector_load %arg21[%swap3A_534, %swap3A_535, %swap3A_536] {strides = array<i32>} : memref<128x7x32xf32, #tpu.memory_space<vmem>>, vector<1x1x16xf32>,
      %swap3A_538 = vector.shape_cast %swap3A_537 : vector<1x1x16xf32> to vector<16xf32>
      %swap3A_539 = vector.shape_cast %get3A_532 : vector<16xf32> to vector<1x1x16xf32>
      tpu.vector_store %arg21[%swap3A_534, %swap3A_535, %swap3A_536], %swap3A_539 {strides = array<i32>} : memref<128x7x32xf32, #tpu.memory_space<vmem>>, vector<1x1x16xf32>,
      %scan3A_540 = arith.constant 0 : i32
      scf.yield %scan3A_540 : i32
    }
    %scan3A_214 = arith.constant 64 : i32
    %scan3A_215 = arith.constant 0 : i32
    %scan3A_216 = arith.constant 0 : i32
    %scan3A_217 = arith.constant 64 : i32
    %scan3A_218 = arith.addi %scan3A_216, %scan3A_217 : i32
    %scan3A_219 = arith.constant 1 : i32
    %scan3A_220 = scf.for %scan3A_476 = %scan3A_216 to %scan3A_218 step %scan3A_219 iter_args(%scan3A_477 = %scan3A_215) -> (i32)  : i32 {
      %add3A_478 = arith.constant 64 : i32
      %add3A_479 = arith.addi %add3A_478, %scan3A_476 : i32
      %mul3A_480 = arith.constant 2 : i32
      %mul3A_481 = arith.muli %mul3A_480, %scan3A_476 : i32
      %add3A_482 = arith.constant 0 : i32
      %add3A_483 = arith.addi %mul3A_481, %add3A_482 : i32
      %get3A_484 = arith.constant 1 : i32
      %get3A_485 = arith.index_cast %get3A_484 : i32 to index
      %get3A_486 = arith.index_cast %add3A_483 : i32 to index
      %get3A_487 = arith.constant 0 : index
      %get3A_488 = tpu.vector_load %arg20[%get3A_485, %get3A_486, %get3A_487] {strides = array<i32>} : memref<2x128x32xf32, #tpu.memory_space<vmem>>, vector<1x1x16xf32>,
      %get3A_489 = vector.shape_cast %get3A_488 : vector<1x1x16xf32> to vector<16xf32>
      %swap3A_490 = arith.constant 1 : i32
      %swap3A_491 = arith.index_cast %add3A_479 : i32 to index
      %swap3A_492 = arith.index_cast %swap3A_490 : i32 to index
      %swap3A_493 = arith.constant 0 : index
      %swap3A_494 = tpu.vector_load %arg21[%swap3A_491, %swap3A_492, %swap3A_493] {strides = array<i32>} : memref<128x7x32xf32, #tpu.memory_space<vmem>>, vector<1x1x16xf32>,
      %swap3A_495 = vector.shape_cast %swap3A_494 : vector<1x1x16xf32> to vector<16xf32>
      %swap3A_496 = vector.shape_cast %get3A_489 : vector<16xf32> to vector<1x1x16xf32>
      tpu.vector_store %arg21[%swap3A_491, %swap3A_492, %swap3A_493], %swap3A_496 {strides = array<i32>} : memref<128x7x32xf32, #tpu.memory_space<vmem>>, vector<1x1x16xf32>,
      %get3A_497 = arith.constant 1 : i32
      %get3A_498 = arith.index_cast %get3A_497 : i32 to index
      %get3A_499 = arith.index_cast %add3A_483 : i32 to index
      %get3A_500 = arith.constant 16 : index
      %get3A_501 = tpu.vector_load %arg20[%get3A_498, %get3A_499, %get3A_500] {strides = array<i32>} : memref<2x128x32xf32, #tpu.memory_space<vmem>>, vector<1x1x16xf32>,
      %get3A_502 = vector.shape_cast %get3A_501 : vector<1x1x16xf32> to vector<16xf32>
      %swap3A_503 = arith.constant 1 : i32
      %swap3A_504 = arith.index_cast %add3A_479 : i32 to index
      %swap3A_505 = arith.index_cast %swap3A_503 : i32 to index
      %swap3A_506 = arith.constant 16 : index
      %swap3A_507 = tpu.vector_load %arg21[%swap3A_504, %swap3A_505, %swap3A_506] {strides = array<i32>} : memref<128x7x32xf32, #tpu.memory_space<vmem>>, vector<1x1x16xf32>,
      %swap3A_508 = vector.shape_cast %swap3A_507 : vector<1x1x16xf32> to vector<16xf32>
      %swap3A_509 = vector.shape_cast %get3A_502 : vector<16xf32> to vector<1x1x16xf32>
      tpu.vector_store %arg21[%swap3A_504, %swap3A_505, %swap3A_506], %swap3A_509 {strides = array<i32>} : memref<128x7x32xf32, #tpu.memory_space<vmem>>, vector<1x1x16xf32>,
      %mul3A_510 = arith.constant 2 : i32
      %mul3A_511 = arith.muli %mul3A_510, %scan3A_476 : i32
      %add3A_512 = arith.constant 1 : i32
      %add3A_513 = arith.addi %mul3A_511, %add3A_512 : i32
      %get3A_514 = arith.constant 1 : i32
      %get3A_515 = arith.index_cast %get3A_514 : i32 to index
      %get3A_516 = arith.index_cast %add3A_513 : i32 to index
      %get3A_517 = arith.constant 0 : index
      %get3A_518 = tpu.vector_load %arg20[%get3A_515, %get3A_516, %get3A_517] {strides = array<i32>} : memref<2x128x32xf32, #tpu.memory_space<vmem>>, vector<1x1x16xf32>,
      %get3A_519 = vector.shape_cast %get3A_518 : vector<1x1x16xf32> to vector<16xf32>
      %swap3A_520 = arith.constant 2 : i32
      %swap3A_521 = arith.index_cast %add3A_479 : i32 to index
      %swap3A_522 = arith.index_cast %swap3A_520 : i32 to index
      %swap3A_523 = arith.constant 0 : index
      %swap3A_524 = tpu.vector_load %arg21[%swap3A_521, %swap3A_522, %swap3A_523] {strides = array<i32>} : memref<128x7x32xf32, #tpu.memory_space<vmem>>, vector<1x1x16xf32>,
      %swap3A_525 = vector.shape_cast %swap3A_524 : vector<1x1x16xf32> to vector<16xf32>
      %swap3A_526 = vector.shape_cast %get3A_519 : vector<16xf32> to vector<1x1x16xf32>
      tpu.vector_store %arg21[%swap3A_521, %swap3A_522, %swap3A_523], %swap3A_526 {strides = array<i32>} : memref<128x7x32xf32, #tpu.memory_space<vmem>>, vector<1x1x16xf32>,
      %get3A_527 = arith.constant 1 : i32
      %get3A_528 = arith.index_cast %get3A_527 : i32 to index
      %get3A_529 = arith.index_cast %add3A_513 : i32 to index
      %get3A_530 = arith.constant 16 : index
      %get3A_531 = tpu.vector_load %arg20[%get3A_528, %get3A_529, %get3A_530] {strides = array<i32>} : memref<2x128x32xf32, #tpu.memory_space<vmem>>, vector<1x1x16xf32>,
      %get3A_532 = vector.shape_cast %get3A_531 : vector<1x1x16xf32> to vector<16xf32>
      %swap3A_533 = arith.constant 2 : i32
      %swap3A_534 = arith.index_cast %add3A_479 : i32 to index
      %swap3A_535 = arith.index_cast %swap3A_533 : i32 to index
      %swap3A_536 = arith.constant 16 : index
      %swap3A_537 = tpu.vector_load %arg21[%swap3A_534, %swap3A_535, %swap3A_536] {strides = array<i32>} : memref<128x7x32xf32, #tpu.memory_space<vmem>>, vector<1x1x16xf32>,
      %swap3A_538 = vector.shape_cast %swap3A_537 : vector<1x1x16xf32> to vector<16xf32>
      %swap3A_539 = vector.shape_cast %get3A_532 : vector<16xf32> to vector<1x1x16xf32>
      tpu.vector_store %arg21[%swap3A_534, %swap3A_535, %swap3A_536], %swap3A_539 {strides = array<i32>} : memref<128x7x32xf32, #tpu.memory_space<vmem>>, vector<1x1x16xf32>,
      %scan3A_540 = arith.constant 0 : i32
      scf.yield %scan3A_540 : i32
    }
    %scan3A_221 = arith.constant 64 : i32
    %add3A_222 = arith.constant 0 : i32
    %add3A_223 = arith.addi %mul3A_2, %add3A_222 : i32
    %dma_wait3A_224 = arith.constant 0 : i32
    %dma_wait3A_225 = arith.constant 0 : i32
    %dma_wait3A_226 = arith.constant 0 : i32
    %dma_wait3A_227 = tpu.memref_slice %arg11[%dma_wait3A_224, %dma_wait3A_225, %dma_wait3A_226] : memref<2x1x200xi32, #tpu.memory_space<vmem>> -> memref<1x1x200xi32, #tpu.memory_space<vmem>>
    %dma_wait3A_228 = tpu.memref_squeeze %dma_wait3A_227 : memref<1x1x200xi32, #tpu.memory_space<vmem>> -> memref<1x200xi32, #tpu.memory_space<vmem>>
    %dma_wait3A_229 = arith.constant 0 : i32
    %dma_wait3A_230 = tpu.memref_slice %arg2[%add3A_223, %dma_wait3A_229] : memref<4096x200xi32, #tpu.memory_space<hbm>> -> memref<1x200xi32, #tpu.memory_space<hbm>>
    %dma_wait3A_231 = arith.constant 0 : i32
    %dma_wait3A_232 = arith.constant 0 : i32
    %dma_wait3A_233 = tpu.memref_slice %arg11[%dma_wait3A_224, %dma_wait3A_231, %dma_wait3A_232] : memref<2x1x200xi32, #tpu.memory_space<vmem>> -> memref<1x1x200xi32, #tpu.memory_space<vmem>>
    %dma_wait3A_234 = tpu.memref_squeeze %dma_wait3A_233 : memref<1x1x200xi32, #tpu.memory_space<vmem>> -> memref<1x200xi32, #tpu.memory_space<vmem>>
    %dma_wait3A_235 = arith.constant 0 : i32
    %dma_wait3A_236 = tpu.memref_slice %arg2[%add3A_223, %dma_wait3A_235] : memref<4096x200xi32, #tpu.memory_space<hbm>> -> memref<1x200xi32, #tpu.memory_space<hbm>>
    tpu.wait_dma2 semaphore(%arg23 : memref<!tpu.dma_semaphore, #tpu.memory_space<semaphore_mem>>) src(%dma_wait3A_236 : memref<1x200xi32, #tpu.memory_space<hbm>>) dst(%dma_wait3A_234 : memref<1x200xi32, #tpu.memory_space<vmem>>)
    %dma_wait3A_237 = arith.constant 0 : i32
    %dma_wait3A_238 = arith.constant 0 : i32
    %dma_wait3A_239 = arith.constant 0 : i32
    %dma_wait3A_240 = tpu.memref_slice %arg12[%dma_wait3A_237, %dma_wait3A_238, %dma_wait3A_239] : memref<2x1x400xi32, #tpu.memory_space<vmem>> -> memref<1x1x400xi32, #tpu.memory_space<vmem>>
    %dma_wait3A_241 = tpu.memref_squeeze %dma_wait3A_240 : memref<1x1x400xi32, #tpu.memory_space<vmem>> -> memref<1x400xi32, #tpu.memory_space<vmem>>
    %dma_wait3A_242 = arith.constant 0 : i32
    %dma_wait3A_243 = tpu.memref_slice %arg3[%add3A_223, %dma_wait3A_242] : memref<4096x400xi32, #tpu.memory_space<hbm>> -> memref<1x400xi32, #tpu.memory_space<hbm>>
    %dma_wait3A_244 = arith.constant 0 : i32
    %dma_wait3A_245 = arith.constant 0 : i32
    %dma_wait3A_246 = tpu.memref_slice %arg12[%dma_wait3A_237, %dma_wait3A_244, %dma_wait3A_245] : memref<2x1x400xi32, #tpu.memory_space<vmem>> -> memref<1x1x400xi32, #tpu.memory_space<vmem>>
    %dma_wait3A_247 = tpu.memref_squeeze %dma_wait3A_246 : memref<1x1x400xi32, #tpu.memory_space<vmem>> -> memref<1x400xi32, #tpu.memory_space<vmem>>
    %dma_wait3A_248 = arith.constant 0 : i32
    %dma_wait3A_249 = tpu.memref_slice %arg3[%add3A_223, %dma_wait3A_248] : memref<4096x400xi32, #tpu.memory_space<hbm>> -> memref<1x400xi32, #tpu.memory_space<hbm>>
    tpu.wait_dma2 semaphore(%arg23 : memref<!tpu.dma_semaphore, #tpu.memory_space<semaphore_mem>>) src(%dma_wait3A_249 : memref<1x400xi32, #tpu.memory_space<hbm>>) dst(%dma_wait3A_247 : memref<1x400xi32, #tpu.memory_space<vmem>>)
    %dma_start3A_250 = arith.constant 0 : i32
    %dma_start3A_251 = arith.constant 0 : i32
    %dma_start3A_252 = arith.constant 0 : i32
    %dma_start3A_253 = arith.constant 0 : i32
    %dma_start3A_254 = arith.constant 0 : i32
    %dma_start3A_255 = arith.constant 0 : i32
    %dma_start3A_256 = tpu.memref_slice %arg14[%dma_start3A_252, %dma_start3A_253, %dma_start3A_254, %dma_start3A_255] : memref<2x2x104x32xf32, #tpu.memory_space<vmem>> -> memref<1x1x104x32xf32, #tpu.memory_space<vmem>>
    %dma_start3A_257 = tpu.memref_squeeze %dma_start3A_256 : memref<1x1x104x32xf32, #tpu.memory_space<vmem>> -> memref<104x32xf32, #tpu.memory_space<vmem>>
    %dma_start3A_258 = arith.constant 0 : i32
    %dma_start3A_259 = tpu.memref_slice %arg11[%dma_start3A_250, %dma_start3A_251, %dma_start3A_258] : memref<2x1x200xi32, #tpu.memory_space<vmem>> -> memref<1x1x104xi32, #tpu.memory_space<vmem>>
    %dma_start3A_260 = tpu.memref_squeeze %dma_start3A_259 : memref<1x1x104xi32, #tpu.memory_space<vmem>> -> memref<104xi32, #tpu.memory_space<vmem>>
    %dma_start3A_261 = arith.constant 0 : i32
    %dma_start3A_262 = arith.constant 0 : i32
    %dma_start3A_263 = tpu.memref_slice %arg7[%dma_start3A_261, %dma_start3A_262] : memref<1000001x32xf32, #tpu.memory_space<hbm>> -> memref<1000001x32xf32, #tpu.memory_space<hbm>>
    tpu.enqueue_indirect_dma source(%dma_start3A_263 : memref<1000001x32xf32, #tpu.memory_space<hbm>>) target(%dma_start3A_257 : memref<104x32xf32, #tpu.memory_space<vmem>>) offsets(%dma_start3A_260 : memref<104xi32, #tpu.memory_space<vmem>>) semaphore(%arg27 : memref<!tpu.dma_semaphore, #tpu.memory_space<semaphore_mem>>)
    %dma_start3A_264 = arith.constant 0 : i32
    %dma_start3A_265 = arith.constant 0 : i32
    %dma_start3A_266 = arith.constant 0 : i32
    %dma_start3A_267 = arith.constant 1 : i32
    %dma_start3A_268 = arith.constant 0 : i32
    %dma_start3A_269 = arith.constant 0 : i32
    %dma_start3A_270 = tpu.memref_slice %arg14[%dma_start3A_266, %dma_start3A_267, %dma_start3A_268, %dma_start3A_269] : memref<2x2x104x32xf32, #tpu.memory_space<vmem>> -> memref<1x1x96x32xf32, #tpu.memory_space<vmem>>
    %dma_start3A_271 = tpu.memref_squeeze %dma_start3A_270 : memref<1x1x96x32xf32, #tpu.memory_space<vmem>> -> memref<96x32xf32, #tpu.memory_space<vmem>>
    %dma_start3A_272 = arith.constant 104 : i32
    %dma_start3A_273 = tpu.memref_slice %arg11[%dma_start3A_264, %dma_start3A_265, %dma_start3A_272] : memref<2x1x200xi32, #tpu.memory_space<vmem>> -> memref<1x1x96xi32, #tpu.memory_space<vmem>>
    %dma_start3A_274 = tpu.memref_squeeze %dma_start3A_273 : memref<1x1x96xi32, #tpu.memory_space<vmem>> -> memref<96xi32, #tpu.memory_space<vmem>>
    %dma_start3A_275 = arith.constant 0 : i32
    %dma_start3A_276 = arith.constant 0 : i32
    %dma_start3A_277 = tpu.memref_slice %arg7[%dma_start3A_275, %dma_start3A_276] : memref<1000001x32xf32, #tpu.memory_space<hbm>> -> memref<1000001x32xf32, #tpu.memory_space<hbm>>
    tpu.enqueue_indirect_dma source(%dma_start3A_277 : memref<1000001x32xf32, #tpu.memory_space<hbm>>) target(%dma_start3A_271 : memref<96x32xf32, #tpu.memory_space<vmem>>) offsets(%dma_start3A_274 : memref<96xi32, #tpu.memory_space<vmem>>) semaphore(%arg27 : memref<!tpu.dma_semaphore, #tpu.memory_space<semaphore_mem>>)
    %dma_start3A_278 = arith.constant 0 : i32
    %dma_start3A_279 = arith.constant 0 : i32
    %dma_start3A_280 = arith.constant 0 : i32
    %dma_start3A_281 = arith.constant 0 : i32
    %dma_start3A_282 = arith.constant 0 : i32
    %dma_start3A_283 = arith.constant 0 : i32
    %dma_start3A_284 = tpu.memref_slice %arg15[%dma_start3A_280, %dma_start3A_281, %dma_start3A_282, %dma_start3A_283] : memref<2x4x104x32xf32, #tpu.memory_space<vmem>> -> memref<1x1x104x32xf32, #tpu.memory_space<vmem>>
    %dma_start3A_285 = tpu.memref_squeeze %dma_start3A_284 : memref<1x1x104x32xf32, #tpu.memory_space<vmem>> -> memref<104x32xf32, #tpu.memory_space<vmem>>
    %dma_start3A_286 = arith.constant 0 : i32
    %dma_start3A_287 = tpu.memref_slice %arg12[%dma_start3A_278, %dma_start3A_279, %dma_start3A_286] : memref<2x1x400xi32, #tpu.memory_space<vmem>> -> memref<1x1x104xi32, #tpu.memory_space<vmem>>
    %dma_start3A_288 = tpu.memref_squeeze %dma_start3A_287 : memref<1x1x104xi32, #tpu.memory_space<vmem>> -> memref<104xi32, #tpu.memory_space<vmem>>
    %dma_start3A_289 = arith.constant 0 : i32
    %dma_start3A_290 = arith.constant 0 : i32
    %dma_start3A_291 = tpu.memref_slice %arg8[%dma_start3A_289, %dma_start3A_290] : memref<100001x32xf32, #tpu.memory_space<hbm>> -> memref<100001x32xf32, #tpu.memory_space<hbm>>
    tpu.enqueue_indirect_dma source(%dma_start3A_291 : memref<100001x32xf32, #tpu.memory_space<hbm>>) target(%dma_start3A_285 : memref<104x32xf32, #tpu.memory_space<vmem>>) offsets(%dma_start3A_288 : memref<104xi32, #tpu.memory_space<vmem>>) semaphore(%arg27 : memref<!tpu.dma_semaphore, #tpu.memory_space<semaphore_mem>>)
    %dma_start3A_292 = arith.constant 0 : i32
    %dma_start3A_293 = arith.constant 0 : i32
    %dma_start3A_294 = arith.constant 0 : i32
    %dma_start3A_295 = arith.constant 1 : i32
    %dma_start3A_296 = arith.constant 0 : i32
    %dma_start3A_297 = arith.constant 0 : i32
    %dma_start3A_298 = tpu.memref_slice %arg15[%dma_start3A_294, %dma_start3A_295, %dma_start3A_296, %dma_start3A_297] : memref<2x4x104x32xf32, #tpu.memory_space<vmem>> -> memref<1x1x104x32xf32, #tpu.memory_space<vmem>>
    %dma_start3A_299 = tpu.memref_squeeze %dma_start3A_298 : memref<1x1x104x32xf32, #tpu.memory_space<vmem>> -> memref<104x32xf32, #tpu.memory_space<vmem>>
    %dma_start3A_300 = arith.constant 104 : i32
    %dma_start3A_301 = tpu.memref_slice %arg12[%dma_start3A_292, %dma_start3A_293, %dma_start3A_300] : memref<2x1x400xi32, #tpu.memory_space<vmem>> -> memref<1x1x104xi32, #tpu.memory_space<vmem>>
    %dma_start3A_302 = tpu.memref_squeeze %dma_start3A_301 : memref<1x1x104xi32, #tpu.memory_space<vmem>> -> memref<104xi32, #tpu.memory_space<vmem>>
    %dma_start3A_303 = arith.constant 0 : i32
    %dma_start3A_304 = arith.constant 0 : i32
    %dma_start3A_305 = tpu.memref_slice %arg8[%dma_start3A_303, %dma_start3A_304] : memref<100001x32xf32, #tpu.memory_space<hbm>> -> memref<100001x32xf32, #tpu.memory_space<hbm>>
    tpu.enqueue_indirect_dma source(%dma_start3A_305 : memref<100001x32xf32, #tpu.memory_space<hbm>>) target(%dma_start3A_299 : memref<104x32xf32, #tpu.memory_space<vmem>>) offsets(%dma_start3A_302 : memref<104xi32, #tpu.memory_space<vmem>>) semaphore(%arg27 : memref<!tpu.dma_semaphore, #tpu.memory_space<semaphore_mem>>)
    %dma_start3A_306 = arith.constant 0 : i32
    %dma_start3A_307 = arith.constant 0 : i32
    %dma_start3A_308 = arith.constant 0 : i32
    %dma_start3A_309 = arith.constant 2 : i32
    %dma_start3A_310 = arith.constant 0 : i32
    %dma_start3A_311 = arith.constant 0 : i32
    %dma_start3A_312 = tpu.memref_slice %arg15[%dma_start3A_308, %dma_start3A_309, %dma_start3A_310, %dma_start3A_311] : memref<2x4x104x32xf32, #tpu.memory_space<vmem>> -> memref<1x1x104x32xf32, #tpu.memory_space<vmem>>
    %dma_start3A_313 = tpu.memref_squeeze %dma_start3A_312 : memref<1x1x104x32xf32, #tpu.memory_space<vmem>> -> memref<104x32xf32, #tpu.memory_space<vmem>>
    %dma_start3A_314 = arith.constant 208 : i32
    %dma_start3A_315 = tpu.memref_slice %arg12[%dma_start3A_306, %dma_start3A_307, %dma_start3A_314] : memref<2x1x400xi32, #tpu.memory_space<vmem>> -> memref<1x1x104xi32, #tpu.memory_space<vmem>>
    %dma_start3A_316 = tpu.memref_squeeze %dma_start3A_315 : memref<1x1x104xi32, #tpu.memory_space<vmem>> -> memref<104xi32, #tpu.memory_space<vmem>>
    %dma_start3A_317 = arith.constant 0 : i32
    %dma_start3A_318 = arith.constant 0 : i32
    %dma_start3A_319 = tpu.memref_slice %arg8[%dma_start3A_317, %dma_start3A_318] : memref<100001x32xf32, #tpu.memory_space<hbm>> -> memref<100001x32xf32, #tpu.memory_space<hbm>>
    tpu.enqueue_indirect_dma source(%dma_start3A_319 : memref<100001x32xf32, #tpu.memory_space<hbm>>) target(%dma_start3A_313 : memref<104x32xf32, #tpu.memory_space<vmem>>) offsets(%dma_start3A_316 : memref<104xi32, #tpu.memory_space<vmem>>) semaphore(%arg27 : memref<!tpu.dma_semaphore, #tpu.memory_space<semaphore_mem>>)
    %dma_start3A_320 = arith.constant 0 : i32
    %dma_start3A_321 = arith.constant 0 : i32
    %dma_start3A_322 = arith.constant 0 : i32
    %dma_start3A_323 = arith.constant 3 : i32
    %dma_start3A_324 = arith.constant 0 : i32
    %dma_start3A_325 = arith.constant 0 : i32
    %dma_start3A_326 = tpu.memref_slice %arg15[%dma_start3A_322, %dma_start3A_323, %dma_start3A_324, %dma_start3A_325] : memref<2x4x104x32xf32, #tpu.memory_space<vmem>> -> memref<1x1x88x32xf32, #tpu.memory_space<vmem>>
    %dma_start3A_327 = tpu.memref_squeeze %dma_start3A_326 : memref<1x1x88x32xf32, #tpu.memory_space<vmem>> -> memref<88x32xf32, #tpu.memory_space<vmem>>
    %dma_start3A_328 = arith.constant 312 : i32
    %dma_start3A_329 = tpu.memref_slice %arg12[%dma_start3A_320, %dma_start3A_321, %dma_start3A_328] : memref<2x1x400xi32, #tpu.memory_space<vmem>> -> memref<1x1x88xi32, #tpu.memory_space<vmem>>
    %dma_start3A_330 = tpu.memref_squeeze %dma_start3A_329 : memref<1x1x88xi32, #tpu.memory_space<vmem>> -> memref<88xi32, #tpu.memory_space<vmem>>
    %dma_start3A_331 = arith.constant 0 : i32
    %dma_start3A_332 = arith.constant 0 : i32
    %dma_start3A_333 = tpu.memref_slice %arg8[%dma_start3A_331, %dma_start3A_332] : memref<100001x32xf32, #tpu.memory_space<hbm>> -> memref<100001x32xf32, #tpu.memory_space<hbm>>
    tpu.enqueue_indirect_dma source(%dma_start3A_333 : memref<100001x32xf32, #tpu.memory_space<hbm>>) target(%dma_start3A_327 : memref<88x32xf32, #tpu.memory_space<vmem>>) offsets(%dma_start3A_330 : memref<88xi32, #tpu.memory_space<vmem>>) semaphore(%arg27 : memref<!tpu.dma_semaphore, #tpu.memory_space<semaphore_mem>>)
    %add3A_334 = arith.constant 1 : i32
    %add3A_335 = arith.addi %mul3A_2, %add3A_334 : i32
    %dma_wait3A_336 = arith.constant 1 : i32
    %dma_wait3A_337 = arith.constant 0 : i32
    %dma_wait3A_338 = arith.constant 0 : i32
    %dma_wait3A_339 = tpu.memref_slice %arg11[%dma_wait3A_336, %dma_wait3A_337, %dma_wait3A_338] : memref<2x1x200xi32, #tpu.memory_space<vmem>> -> memref<1x1x200xi32, #tpu.memory_space<vmem>>
    %dma_wait3A_340 = tpu.memref_squeeze %dma_wait3A_339 : memref<1x1x200xi32, #tpu.memory_space<vmem>> -> memref<1x200xi32, #tpu.memory_space<vmem>>
    %dma_wait3A_341 = arith.constant 0 : i32
    %dma_wait3A_342 = tpu.memref_slice %arg2[%add3A_335, %dma_wait3A_341] : memref<4096x200xi32, #tpu.memory_space<hbm>> -> memref<1x200xi32, #tpu.memory_space<hbm>>
    %dma_wait3A_343 = arith.constant 0 : i32
    %dma_wait3A_344 = arith.constant 0 : i32
    %dma_wait3A_345 = tpu.memref_slice %arg11[%dma_wait3A_336, %dma_wait3A_343, %dma_wait3A_344] : memref<2x1x200xi32, #tpu.memory_space<vmem>> -> memref<1x1x200xi32, #tpu.memory_space<vmem>>
    %dma_wait3A_346 = tpu.memref_squeeze %dma_wait3A_345 : memref<1x1x200xi32, #tpu.memory_space<vmem>> -> memref<1x200xi32, #tpu.memory_space<vmem>>
    %dma_wait3A_347 = arith.constant 0 : i32
    %dma_wait3A_348 = tpu.memref_slice %arg2[%add3A_335, %dma_wait3A_347] : memref<4096x200xi32, #tpu.memory_space<hbm>> -> memref<1x200xi32, #tpu.memory_space<hbm>>
    tpu.wait_dma2 semaphore(%arg24 : memref<!tpu.dma_semaphore, #tpu.memory_space<semaphore_mem>>) src(%dma_wait3A_348 : memref<1x200xi32, #tpu.memory_space<hbm>>) dst(%dma_wait3A_346 : memref<1x200xi32, #tpu.memory_space<vmem>>)
    %dma_wait3A_349 = arith.constant 1 : i32
    %dma_wait3A_350 = arith.constant 0 : i32
    %dma_wait3A_351 = arith.constant 0 : i32
    %dma_wait3A_352 = tpu.memref_slice %arg12[%dma_wait3A_349, %dma_wait3A_350, %dma_wait3A_351] : memref<2x1x400xi32, #tpu.memory_space<vmem>> -> memref<1x1x400xi32, #tpu.memory_space<vmem>>
    %dma_wait3A_353 = tpu.memref_squeeze %dma_wait3A_352 : memref<1x1x400xi32, #tpu.memory_space<vmem>> -> memref<1x400xi32, #tpu.memory_space<vmem>>
    %dma_wait3A_354 = arith.constant 0 : i32
    %dma_wait3A_355 = tpu.memref_slice %arg3[%add3A_335, %dma_wait3A_354] : memref<4096x400xi32, #tpu.memory_space<hbm>> -> memref<1x400xi32, #tpu.memory_space<hbm>>
    %dma_wait3A_356 = arith.constant 0 : i32
    %dma_wait3A_357 = arith.constant 0 : i32
    %dma_wait3A_358 = tpu.memref_slice %arg12[%dma_wait3A_349, %dma_wait3A_356, %dma_wait3A_357] : memref<2x1x400xi32, #tpu.memory_space<vmem>> -> memref<1x1x400xi32, #tpu.memory_space<vmem>>
    %dma_wait3A_359 = tpu.memref_squeeze %dma_wait3A_358 : memref<1x1x400xi32, #tpu.memory_space<vmem>> -> memref<1x400xi32, #tpu.memory_space<vmem>>
    %dma_wait3A_360 = arith.constant 0 : i32
    %dma_wait3A_361 = tpu.memref_slice %arg3[%add3A_335, %dma_wait3A_360] : memref<4096x400xi32, #tpu.memory_space<hbm>> -> memref<1x400xi32, #tpu.memory_space<hbm>>
    tpu.wait_dma2 semaphore(%arg24 : memref<!tpu.dma_semaphore, #tpu.memory_space<semaphore_mem>>) src(%dma_wait3A_361 : memref<1x400xi32, #tpu.memory_space<hbm>>) dst(%dma_wait3A_359 : memref<1x400xi32, #tpu.memory_space<vmem>>)
    %dma_start3A_362 = arith.constant 1 : i32
    %dma_start3A_363 = arith.constant 0 : i32
    %dma_start3A_364 = arith.constant 1 : i32
    %dma_start3A_365 = arith.constant 0 : i32
    %dma_start3A_366 = arith.constant 0 : i32
    %dma_start3A_367 = arith.constant 0 : i32
    %dma_start3A_368 = tpu.memref_slice %arg14[%dma_start3A_364, %dma_start3A_365, %dma_start3A_366, %dma_start3A_367] : memref<2x2x104x32xf32, #tpu.memory_space<vmem>> -> memref<1x1x104x32xf32, #tpu.memory_space<vmem>>
    %dma_start3A_369 = tpu.memref_squeeze %dma_start3A_368 : memref<1x1x104x32xf32, #tpu.memory_space<vmem>> -> memref<104x32xf32, #tpu.memory_space<vmem>>
    %dma_start3A_370 = arith.constant 0 : i32
    %dma_start3A_371 = tpu.memref_slice %arg11[%dma_start3A_362, %dma_start3A_363, %dma_start3A_370] : memref<2x1x200xi32, #tpu.memory_space<vmem>> -> memref<1x1x104xi32, #tpu.memory_space<vmem>>
    %dma_start3A_372 = tpu.memref_squeeze %dma_start3A_371 : memref<1x1x104xi32, #tpu.memory_space<vmem>> -> memref<104xi32, #tpu.memory_space<vmem>>
    %dma_start3A_373 = arith.constant 0 : i32
    %dma_start3A_374 = arith.constant 0 : i32
    %dma_start3A_375 = tpu.memref_slice %arg7[%dma_start3A_373, %dma_start3A_374] : memref<1000001x32xf32, #tpu.memory_space<hbm>> -> memref<1000001x32xf32, #tpu.memory_space<hbm>>
    tpu.enqueue_indirect_dma source(%dma_start3A_375 : memref<1000001x32xf32, #tpu.memory_space<hbm>>) target(%dma_start3A_369 : memref<104x32xf32, #tpu.memory_space<vmem>>) offsets(%dma_start3A_372 : memref<104xi32, #tpu.memory_space<vmem>>) semaphore(%arg28 : memref<!tpu.dma_semaphore, #tpu.memory_space<semaphore_mem>>)
    %dma_start3A_376 = arith.constant 1 : i32
    %dma_start3A_377 = arith.constant 0 : i32
    %dma_start3A_378 = arith.constant 1 : i32
    %dma_start3A_379 = arith.constant 1 : i32
    %dma_start3A_380 = arith.constant 0 : i32
    %dma_start3A_381 = arith.constant 0 : i32
    %dma_start3A_382 = tpu.memref_slice %arg14[%dma_start3A_378, %dma_start3A_379, %dma_start3A_380, %dma_start3A_381] : memref<2x2x104x32xf32, #tpu.memory_space<vmem>> -> memref<1x1x96x32xf32, #tpu.memory_space<vmem>>
    %dma_start3A_383 = tpu.memref_squeeze %dma_start3A_382 : memref<1x1x96x32xf32, #tpu.memory_space<vmem>> -> memref<96x32xf32, #tpu.memory_space<vmem>>
    %dma_start3A_384 = arith.constant 104 : i32
    %dma_start3A_385 = tpu.memref_slice %arg11[%dma_start3A_376, %dma_start3A_377, %dma_start3A_384] : memref<2x1x200xi32, #tpu.memory_space<vmem>> -> memref<1x1x96xi32, #tpu.memory_space<vmem>>
    %dma_start3A_386 = tpu.memref_squeeze %dma_start3A_385 : memref<1x1x96xi32, #tpu.memory_space<vmem>> -> memref<96xi32, #tpu.memory_space<vmem>>
    %dma_start3A_387 = arith.constant 0 : i32
    %dma_start3A_388 = arith.constant 0 : i32
    %dma_start3A_389 = tpu.memref_slice %arg7[%dma_start3A_387, %dma_start3A_388] : memref<1000001x32xf32, #tpu.memory_space<hbm>> -> memref<1000001x32xf32, #tpu.memory_space<hbm>>
    tpu.enqueue_indirect_dma source(%dma_start3A_389 : memref<1000001x32xf32, #tpu.memory_space<hbm>>) target(%dma_start3A_383 : memref<96x32xf32, #tpu.memory_space<vmem>>) offsets(%dma_start3A_386 : memref<96xi32, #tpu.memory_space<vmem>>) semaphore(%arg28 : memref<!tpu.dma_semaphore, #tpu.memory_space<semaphore_mem>>)
    %dma_start3A_390 = arith.constant 1 : i32
    %dma_start3A_391 = arith.constant 0 : i32
    %dma_start3A_392 = arith.constant 1 : i32
    %dma_start3A_393 = arith.constant 0 : i32
    %dma_start3A_394 = arith.constant 0 : i32
    %dma_start3A_395 = arith.constant 0 : i32
    %dma_start3A_396 = tpu.memref_slice %arg15[%dma_start3A_392, %dma_start3A_393, %dma_start3A_394, %dma_start3A_395] : memref<2x4x104x32xf32, #tpu.memory_space<vmem>> -> memref<1x1x104x32xf32, #tpu.memory_space<vmem>>
    %dma_start3A_397 = tpu.memref_squeeze %dma_start3A_396 : memref<1x1x104x32xf32, #tpu.memory_space<vmem>> -> memref<104x32xf32, #tpu.memory_space<vmem>>
    %dma_start3A_398 = arith.constant 0 : i32
    %dma_start3A_399 = tpu.memref_slice %arg12[%dma_start3A_390, %dma_start3A_391, %dma_start3A_398] : memref<2x1x400xi32, #tpu.memory_space<vmem>> -> memref<1x1x104xi32, #tpu.memory_space<vmem>>
    %dma_start3A_400 = tpu.memref_squeeze %dma_start3A_399 : memref<1x1x104xi32, #tpu.memory_space<vmem>> -> memref<104xi32, #tpu.memory_space<vmem>>
    %dma_start3A_401 = arith.constant 0 : i32
    %dma_start3A_402 = arith.constant 0 : i32
    %dma_start3A_403 = tpu.memref_slice %arg8[%dma_start3A_401, %dma_start3A_402] : memref<100001x32xf32, #tpu.memory_space<hbm>> -> memref<100001x32xf32, #tpu.memory_space<hbm>>
    tpu.enqueue_indirect_dma source(%dma_start3A_403 : memref<100001x32xf32, #tpu.memory_space<hbm>>) target(%dma_start3A_397 : memref<104x32xf32, #tpu.memory_space<vmem>>) offsets(%dma_start3A_400 : memref<104xi32, #tpu.memory_space<vmem>>) semaphore(%arg28 : memref<!tpu.dma_semaphore, #tpu.memory_space<semaphore_mem>>)
    %dma_start3A_404 = arith.constant 1 : i32
    %dma_start3A_405 = arith.constant 0 : i32
    %dma_start3A_406 = arith.constant 1 : i32
    %dma_start3A_407 = arith.constant 1 : i32
    %dma_start3A_408 = arith.constant 0 : i32
    %dma_start3A_409 = arith.constant 0 : i32
    %dma_start3A_410 = tpu.memref_slice %arg15[%dma_start3A_406, %dma_start3A_407, %dma_start3A_408, %dma_start3A_409] : memref<2x4x104x32xf32, #tpu.memory_space<vmem>> -> memref<1x1x104x32xf32, #tpu.memory_space<vmem>>
    %dma_start3A_411 = tpu.memref_squeeze %dma_start3A_410 : memref<1x1x104x32xf32, #tpu.memory_space<vmem>> -> memref<104x32xf32, #tpu.memory_space<vmem>>
    %dma_start3A_412 = arith.constant 104 : i32
    %dma_start3A_413 = tpu.memref_slice %arg12[%dma_start3A_404, %dma_start3A_405, %dma_start3A_412] : memref<2x1x400xi32, #tpu.memory_space<vmem>> -> memref<1x1x104xi32, #tpu.memory_space<vmem>>
    %dma_start3A_414 = tpu.memref_squeeze %dma_start3A_413 : memref<1x1x104xi32, #tpu.memory_space<vmem>> -> memref<104xi32, #tpu.memory_space<vmem>>
    %dma_start3A_415 = arith.constant 0 : i32
    %dma_start3A_416 = arith.constant 0 : i32
    %dma_start3A_417 = tpu.memref_slice %arg8[%dma_start3A_415, %dma_start3A_416] : memref<100001x32xf32, #tpu.memory_space<hbm>> -> memref<100001x32xf32, #tpu.memory_space<hbm>>
    tpu.enqueue_indirect_dma source(%dma_start3A_417 : memref<100001x32xf32, #tpu.memory_space<hbm>>) target(%dma_start3A_411 : memref<104x32xf32, #tpu.memory_space<vmem>>) offsets(%dma_start3A_414 : memref<104xi32, #tpu.memory_space<vmem>>) semaphore(%arg28 : memref<!tpu.dma_semaphore, #tpu.memory_space<semaphore_mem>>)
    %dma_start3A_418 = arith.constant 1 : i32
    %dma_start3A_419 = arith.constant 0 : i32
    %dma_start3A_420 = arith.constant 1 : i32
    %dma_start3A_421 = arith.constant 2 : i32
    %dma_start3A_422 = arith.constant 0 : i32
    %dma_start3A_423 = arith.constant 0 : i32
    %dma_start3A_424 = tpu.memref_slice %arg15[%dma_start3A_420, %dma_start3A_421, %dma_start3A_422, %dma_start3A_423] : memref<2x4x104x32xf32, #tpu.memory_space<vmem>> -> memref<1x1x104x32xf32, #tpu.memory_space<vmem>>
    %dma_start3A_425 = tpu.memref_squeeze %dma_start3A_424 : memref<1x1x104x32xf32, #tpu.memory_space<vmem>> -> memref<104x32xf32, #tpu.memory_space<vmem>>
    %dma_start3A_426 = arith.constant 208 : i32
    %dma_start3A_427 = tpu.memref_slice %arg12[%dma_start3A_418, %dma_start3A_419, %dma_start3A_426] : memref<2x1x400xi32, #tpu.memory_space<vmem>> -> memref<1x1x104xi32, #tpu.memory_space<vmem>>
    %dma_start3A_428 = tpu.memref_squeeze %dma_start3A_427 : memref<1x1x104xi32, #tpu.memory_space<vmem>> -> memref<104xi32, #tpu.memory_space<vmem>>
    %dma_start3A_429 = arith.constant 0 : i32
    %dma_start3A_430 = arith.constant 0 : i32
    %dma_start3A_431 = tpu.memref_slice %arg8[%dma_start3A_429, %dma_start3A_430] : memref<100001x32xf32, #tpu.memory_space<hbm>> -> memref<100001x32xf32, #tpu.memory_space<hbm>>
    tpu.enqueue_indirect_dma source(%dma_start3A_431 : memref<100001x32xf32, #tpu.memory_space<hbm>>) target(%dma_start3A_425 : memref<104x32xf32, #tpu.memory_space<vmem>>) offsets(%dma_start3A_428 : memref<104xi32, #tpu.memory_space<vmem>>) semaphore(%arg28 : memref<!tpu.dma_semaphore, #tpu.memory_space<semaphore_mem>>)
    %dma_start3A_432 = arith.constant 1 : i32
    %dma_start3A_433 = arith.constant 0 : i32
    %dma_start3A_434 = arith.constant 1 : i32
    %dma_start3A_435 = arith.constant 3 : i32
    %dma_start3A_436 = arith.constant 0 : i32
    %dma_start3A_437 = arith.constant 0 : i32
    %dma_start3A_438 = tpu.memref_slice %arg15[%dma_start3A_434, %dma_start3A_435, %dma_start3A_436, %dma_start3A_437] : memref<2x4x104x32xf32, #tpu.memory_space<vmem>> -> memref<1x1x88x32xf32, #tpu.memory_space<vmem>>
    %dma_start3A_439 = tpu.memref_squeeze %dma_start3A_438 : memref<1x1x88x32xf32, #tpu.memory_space<vmem>> -> memref<88x32xf32, #tpu.memory_space<vmem>>
    %dma_start3A_440 = arith.constant 312 : i32
    %dma_start3A_441 = tpu.memref_slice %arg12[%dma_start3A_432, %dma_start3A_433, %dma_start3A_440] : memref<2x1x400xi32, #tpu.memory_space<vmem>> -> memref<1x1x88xi32, #tpu.memory_space<vmem>>
    %dma_start3A_442 = tpu.memref_squeeze %dma_start3A_441 : memref<1x1x88xi32, #tpu.memory_space<vmem>> -> memref<88xi32, #tpu.memory_space<vmem>>
    %dma_start3A_443 = arith.constant 0 : i32
    %dma_start3A_444 = arith.constant 0 : i32
    %dma_start3A_445 = tpu.memref_slice %arg8[%dma_start3A_443, %dma_start3A_444] : memref<100001x32xf32, #tpu.memory_space<hbm>> -> memref<100001x32xf32, #tpu.memory_space<hbm>>
    tpu.enqueue_indirect_dma source(%dma_start3A_445 : memref<100001x32xf32, #tpu.memory_space<hbm>>) target(%dma_start3A_439 : memref<88x32xf32, #tpu.memory_space<vmem>>) offsets(%dma_start3A_442 : memref<88xi32, #tpu.memory_space<vmem>>) semaphore(%arg28 : memref<!tpu.dma_semaphore, #tpu.memory_space<semaphore_mem>>)
    %iota3A = tpu.iota {dimensions = array<i32: 0>} : vector<16xi32>
    %add3A_446 = arith.constant 8 : i32
    %add3A_447 = vector.broadcast %add3A_446 : i32 to vector<16xi32>
    %add3A_448 = arith.addi %iota3A, %add3A_447 : vector<16xi32>
    %and3A = arith.constant 15 : i32
    %and3A_449 = vector.broadcast %and3A : i32 to vector<16xi32>
    %and3A_450 = arith.andi %add3A_448, %and3A_449 : vector<16xi32>
    %add3A_451 = arith.constant 4 : i32
    %add3A_452 = vector.broadcast %add3A_451 : i32 to vector<16xi32>
    %add3A_453 = arith.addi %iota3A, %add3A_452 : vector<16xi32>
    %and3A_454 = arith.constant 15 : i32
    %and3A_455 = vector.broadcast %and3A_454 : i32 to vector<16xi32>
    %and3A_456 = arith.andi %add3A_453, %and3A_455 : vector<16xi32>
    %add3A_457 = arith.constant 2 : i32
    %add3A_458 = vector.broadcast %add3A_457 : i32 to vector<16xi32>
    %add3A_459 = arith.addi %iota3A, %add3A_458 : vector<16xi32>
    %and3A_460 = arith.constant 15 : i32
    %and3A_461 = vector.broadcast %and3A_460 : i32 to vector<16xi32>
    %and3A_462 = arith.andi %add3A_459, %and3A_461 : vector<16xi32>
    %add3A_463 = arith.constant 1 : i32
    %add3A_464 = vector.broadcast %add3A_463 : i32 to vector<16xi32>
    %add3A_465 = arith.addi %iota3A, %add3A_464 : vector<16xi32>
    %and3A_466 = arith.constant 15 : i32
    %and3A_467 = vector.broadcast %and3A_466 : i32 to vector<16xi32>
    %and3A_468 = arith.andi %add3A_465, %and3A_467 : vector<16xi32>
    %scan3A_469 = arith.constant 0 : i32
    %scan3A_470 = arith.constant 0 : i32
    %scan3A_471 = arith.constant 64 : i32
    %scan3A_472 = arith.addi %scan3A_470, %scan3A_471 : i32
    %scan3A_473 = arith.constant 1 : i32
    %scan3A_474 = scf.for %scan3A_476 = %scan3A_470 to %scan3A_472 step %scan3A_473 iter_args(%scan3A_477 = %scan3A_469) -> (i32)  : i32 {
      %mul3A_478 = arith.constant 2 : i32
      %mul3A_479 = arith.muli %mul3A_478, %scan3A_476 : i32
      %add3A_480 = arith.constant 0 : i32
      %add3A_481 = arith.addi %mul3A_479, %add3A_480 : i32
      %dma_wait3A_482 = arith.constant 0 : i32
      %dma_wait3A_483 = arith.constant 0 : i32
      %dma_wait3A_484 = arith.constant 0 : i32
      %dma_wait3A_485 = arith.constant 0 : i32
      %dma_wait3A_486 = arith.constant 0 : i32
      %dma_wait3A_487 = arith.constant 0 : i32
      %dma_wait3A_488 = tpu.memref_slice %arg14[%dma_wait3A_484, %dma_wait3A_485, %dma_wait3A_486, %dma_wait3A_487] : memref<2x2x104x32xf32, #tpu.memory_space<vmem>> -> memref<1x1x104x32xf32, #tpu.memory_space<vmem>>
      %dma_wait3A_489 = tpu.memref_squeeze %dma_wait3A_488 : memref<1x1x104x32xf32, #tpu.memory_space<vmem>> -> memref<104x32xf32, #tpu.memory_space<vmem>>
      %dma_wait3A_490 = arith.constant 0 : i32
      %dma_wait3A_491 = tpu.memref_slice %arg11[%dma_wait3A_482, %dma_wait3A_483, %dma_wait3A_490] : memref<2x1x200xi32, #tpu.memory_space<vmem>> -> memref<1x1x104xi32, #tpu.memory_space<vmem>>
      %dma_wait3A_492 = tpu.memref_squeeze %dma_wait3A_491 : memref<1x1x104xi32, #tpu.memory_space<vmem>> -> memref<104xi32, #tpu.memory_space<vmem>>
      %dma_wait3A_493 = arith.constant 0 : i32
      %dma_wait3A_494 = arith.constant 0 : i32
      %dma_wait3A_495 = tpu.memref_slice %arg7[%dma_wait3A_493, %dma_wait3A_494] : memref<1000001x32xf32, #tpu.memory_space<hbm>> -> memref<1000001x32xf32, #tpu.memory_space<hbm>>
      tpu.wait_indirect_dma semaphore(%arg27 : memref<!tpu.dma_semaphore, #tpu.memory_space<semaphore_mem>>) src(%dma_wait3A_495 : memref<1000001x32xf32, #tpu.memory_space<hbm>>) dst(%dma_wait3A_489 : memref<104x32xf32, #tpu.memory_space<vmem>>)
      %dma_wait3A_496 = arith.constant 0 : i32
      %dma_wait3A_497 = arith.constant 0 : i32
      %dma_wait3A_498 = arith.constant 0 : i32
      %dma_wait3A_499 = arith.constant 1 : i32
      %dma_wait3A_500 = arith.constant 0 : i32
      %dma_wait3A_501 = arith.constant 0 : i32
      %dma_wait3A_502 = tpu.memref_slice %arg14[%dma_wait3A_498, %dma_wait3A_499, %dma_wait3A_500, %dma_wait3A_501] : memref<2x2x104x32xf32, #tpu.memory_space<vmem>> -> memref<1x1x96x32xf32, #tpu.memory_space<vmem>>
      %dma_wait3A_503 = tpu.memref_squeeze %dma_wait3A_502 : memref<1x1x96x32xf32, #tpu.memory_space<vmem>> -> memref<96x32xf32, #tpu.memory_space<vmem>>
      %dma_wait3A_504 = arith.constant 104 : i32
      %dma_wait3A_505 = tpu.memref_slice %arg11[%dma_wait3A_496, %dma_wait3A_497, %dma_wait3A_504] : memref<2x1x200xi32, #tpu.memory_space<vmem>> -> memref<1x1x96xi32, #tpu.memory_space<vmem>>
      %dma_wait3A_506 = tpu.memref_squeeze %dma_wait3A_505 : memref<1x1x96xi32, #tpu.memory_space<vmem>> -> memref<96xi32, #tpu.memory_space<vmem>>
      %dma_wait3A_507 = arith.constant 0 : i32
      %dma_wait3A_508 = arith.constant 0 : i32
      %dma_wait3A_509 = tpu.memref_slice %arg7[%dma_wait3A_507, %dma_wait3A_508] : memref<1000001x32xf32, #tpu.memory_space<hbm>> -> memref<1000001x32xf32, #tpu.memory_space<hbm>>
      tpu.wait_indirect_dma semaphore(%arg27 : memref<!tpu.dma_semaphore, #tpu.memory_space<semaphore_mem>>) src(%dma_wait3A_509 : memref<1000001x32xf32, #tpu.memory_space<hbm>>) dst(%dma_wait3A_503 : memref<96x32xf32, #tpu.memory_space<vmem>>)
      %dma_wait3A_510 = arith.constant 0 : i32
      %dma_wait3A_511 = arith.constant 0 : i32
      %dma_wait3A_512 = arith.constant 0 : i32
      %dma_wait3A_513 = arith.constant 0 : i32
      %dma_wait3A_514 = arith.constant 0 : i32
      %dma_wait3A_515 = arith.constant 0 : i32
      %dma_wait3A_516 = tpu.memref_slice %arg15[%dma_wait3A_512, %dma_wait3A_513, %dma_wait3A_514, %dma_wait3A_515] : memref<2x4x104x32xf32, #tpu.memory_space<vmem>> -> memref<1x1x104x32xf32, #tpu.memory_space<vmem>>
      %dma_wait3A_517 = tpu.memref_squeeze %dma_wait3A_516 : memref<1x1x104x32xf32, #tpu.memory_space<vmem>> -> memref<104x32xf32, #tpu.memory_space<vmem>>
      %dma_wait3A_518 = arith.constant 0 : i32
      %dma_wait3A_519 = tpu.memref_slice %arg12[%dma_wait3A_510, %dma_wait3A_511, %dma_wait3A_518] : memref<2x1x400xi32, #tpu.memory_space<vmem>> -> memref<1x1x104xi32, #tpu.memory_space<vmem>>
      %dma_wait3A_520 = tpu.memref_squeeze %dma_wait3A_519 : memref<1x1x104xi32, #tpu.memory_space<vmem>> -> memref<104xi32, #tpu.memory_space<vmem>>
      %dma_wait3A_521 = arith.constant 0 : i32
      %dma_wait3A_522 = arith.constant 0 : i32
      %dma_wait3A_523 = tpu.memref_slice %arg8[%dma_wait3A_521, %dma_wait3A_522] : memref<100001x32xf32, #tpu.memory_space<hbm>> -> memref<100001x32xf32, #tpu.memory_space<hbm>>
      tpu.wait_indirect_dma semaphore(%arg27 : memref<!tpu.dma_semaphore, #tpu.memory_space<semaphore_mem>>) src(%dma_wait3A_523 : memref<100001x32xf32, #tpu.memory_space<hbm>>) dst(%dma_wait3A_517 : memref<104x32xf32, #tpu.memory_space<vmem>>)
      %dma_wait3A_524 = arith.constant 0 : i32
      %dma_wait3A_525 = arith.constant 0 : i32
      %dma_wait3A_526 = arith.constant 0 : i32
      %dma_wait3A_527 = arith.constant 1 : i32
      %dma_wait3A_528 = arith.constant 0 : i32
      %dma_wait3A_529 = arith.constant 0 : i32
      %dma_wait3A_530 = tpu.memref_slice %arg15[%dma_wait3A_526, %dma_wait3A_527, %dma_wait3A_528, %dma_wait3A_529] : memref<2x4x104x32xf32, #tpu.memory_space<vmem>> -> memref<1x1x104x32xf32, #tpu.memory_space<vmem>>
      %dma_wait3A_531 = tpu.memref_squeeze %dma_wait3A_530 : memref<1x1x104x32xf32, #tpu.memory_space<vmem>> -> memref<104x32xf32, #tpu.memory_space<vmem>>
      %dma_wait3A_532 = arith.constant 104 : i32
      %dma_wait3A_533 = tpu.memref_slice %arg12[%dma_wait3A_524, %dma_wait3A_525, %dma_wait3A_532] : memref<2x1x400xi32, #tpu.memory_space<vmem>> -> memref<1x1x104xi32, #tpu.memory_space<vmem>>
      %dma_wait3A_534 = tpu.memref_squeeze %dma_wait3A_533 : memref<1x1x104xi32, #tpu.memory_space<vmem>> -> memref<104xi32, #tpu.memory_space<vmem>>
      %dma_wait3A_535 = arith.constant 0 : i32
      %dma_wait3A_536 = arith.constant 0 : i32
      %dma_wait3A_537 = tpu.memref_slice %arg8[%dma_wait3A_535, %dma_wait3A_536] : memref<100001x32xf32, #tpu.memory_space<hbm>> -> memref<100001x32xf32, #tpu.memory_space<hbm>>
      tpu.wait_indirect_dma semaphore(%arg27 : memref<!tpu.dma_semaphore, #tpu.memory_space<semaphore_mem>>) src(%dma_wait3A_537 : memref<100001x32xf32, #tpu.memory_space<hbm>>) dst(%dma_wait3A_531 : memref<104x32xf32, #tpu.memory_space<vmem>>)
      %dma_wait3A_538 = arith.constant 0 : i32
      %dma_wait3A_539 = arith.constant 0 : i32
      %dma_wait3A_540 = arith.constant 0 : i32
      %dma_wait3A_541 = arith.constant 2 : i32
      %dma_wait3A_542 = arith.constant 0 : i32
      %dma_wait3A_543 = arith.constant 0 : i32
      %dma_wait3A_544 = tpu.memref_slice %arg15[%dma_wait3A_540, %dma_wait3A_541, %dma_wait3A_542, %dma_wait3A_543] : memref<2x4x104x32xf32, #tpu.memory_space<vmem>> -> memref<1x1x104x32xf32, #tpu.memory_space<vmem>>
      %dma_wait3A_545 = tpu.memref_squeeze %dma_wait3A_544 : memref<1x1x104x32xf32, #tpu.memory_space<vmem>> -> memref<104x32xf32, #tpu.memory_space<vmem>>
      %dma_wait3A_546 = arith.constant 208 : i32
      %dma_wait3A_547 = tpu.memref_slice %arg12[%dma_wait3A_538, %dma_wait3A_539, %dma_wait3A_546] : memref<2x1x400xi32, #tpu.memory_space<vmem>> -> memref<1x1x104xi32, #tpu.memory_space<vmem>>
      %dma_wait3A_548 = tpu.memref_squeeze %dma_wait3A_547 : memref<1x1x104xi32, #tpu.memory_space<vmem>> -> memref<104xi32, #tpu.memory_space<vmem>>
      %dma_wait3A_549 = arith.constant 0 : i32
      %dma_wait3A_550 = arith.constant 0 : i32
      %dma_wait3A_551 = tpu.memref_slice %arg8[%dma_wait3A_549, %dma_wait3A_550] : memref<100001x32xf32, #tpu.memory_space<hbm>> -> memref<100001x32xf32, #tpu.memory_space<hbm>>
      tpu.wait_indirect_dma semaphore(%arg27 : memref<!tpu.dma_semaphore, #tpu.memory_space<semaphore_mem>>) src(%dma_wait3A_551 : memref<100001x32xf32, #tpu.memory_space<hbm>>) dst(%dma_wait3A_545 : memref<104x32xf32, #tpu.memory_space<vmem>>)
      %dma_wait3A_552 = arith.constant 0 : i32
      %dma_wait3A_553 = arith.constant 0 : i32
      %dma_wait3A_554 = arith.constant 0 : i32
      %dma_wait3A_555 = arith.constant 3 : i32
      %dma_wait3A_556 = arith.constant 0 : i32
      %dma_wait3A_557 = arith.constant 0 : i32
      %dma_wait3A_558 = tpu.memref_slice %arg15[%dma_wait3A_554, %dma_wait3A_555, %dma_wait3A_556, %dma_wait3A_557] : memref<2x4x104x32xf32, #tpu.memory_space<vmem>> -> memref<1x1x88x32xf32, #tpu.memory_space<vmem>>
      %dma_wait3A_559 = tpu.memref_squeeze %dma_wait3A_558 : memref<1x1x88x32xf32, #tpu.memory_space<vmem>> -> memref<88x32xf32, #tpu.memory_space<vmem>>
      %dma_wait3A_560 = arith.constant 312 : i32
      %dma_wait3A_561 = tpu.memref_slice %arg12[%dma_wait3A_552, %dma_wait3A_553, %dma_wait3A_560] : memref<2x1x400xi32, #tpu.memory_space<vmem>> -> memref<1x1x88xi32, #tpu.memory_space<vmem>>
      %dma_wait3A_562 = tpu.memref_squeeze %dma_wait3A_561 : memref<1x1x88xi32, #tpu.memory_space<vmem>> -> memref<88xi32, #tpu.memory_space<vmem>>
      %dma_wait3A_563 = arith.constant 0 : i32
      %dma_wait3A_564 = arith.constant 0 : i32
      %dma_wait3A_565 = tpu.memref_slice %arg8[%dma_wait3A_563, %dma_wait3A_564] : memref<100001x32xf32, #tpu.memory_space<hbm>> -> memref<100001x32xf32, #tpu.memory_space<hbm>>
      tpu.wait_indirect_dma semaphore(%arg27 : memref<!tpu.dma_semaphore, #tpu.memory_space<semaphore_mem>>) src(%dma_wait3A_565 : memref<100001x32xf32, #tpu.memory_space<hbm>>) dst(%dma_wait3A_559 : memref<88x32xf32, #tpu.memory_space<vmem>>)
      %add3A_566 = arith.constant 2 : i32
      %add3A_567 = arith.addi %add3A_481, %add3A_566 : i32
      %lt3A = arith.constant 128 : i32
      %lt3A_568 = arith.cmpi slt, %add3A_567, %lt3A : i32
      %convert_element_type3A = arith.extui %lt3A_568 : i1 to i32
      %cond3A = arith.constant 0 : i32
      %cond3A_569 = arith.cmpi ne, %convert_element_type3A, %cond3A : i32
      scf.if %cond3A_569 {
        %add3A_1973 = arith.addi %mul3A_2, %add3A_481 : i32
        %add3A_1974 = arith.constant 2 : i32
        %add3A_1975 = arith.addi %add3A_1973, %add3A_1974 : i32
        %dma_start3A_1976 = arith.constant 0 : i32
        %dma_start3A_1977 = arith.constant 0 : i32
        %dma_start3A_1978 = arith.constant 0 : i32
        %dma_start3A_1979 = tpu.memref_slice %arg11[%dma_start3A_1976, %dma_start3A_1977, %dma_start3A_1978] : memref<2x1x200xi32, #tpu.memory_space<vmem>> -> memref<1x1x200xi32, #tpu.memory_space<vmem>>
        %dma_start3A_1980 = tpu.memref_squeeze %dma_start3A_1979 : memref<1x1x200xi32, #tpu.memory_space<vmem>> -> memref<1x200xi32, #tpu.memory_space<vmem>>
        %dma_start3A_1981 = arith.constant 0 : i32
        %dma_start3A_1982 = tpu.memref_slice %arg2[%add3A_1975, %dma_start3A_1981] : memref<4096x200xi32, #tpu.memory_space<hbm>> -> memref<1x200xi32, #tpu.memory_space<hbm>>
        %dma_start3A_1983 = arith.constant 0 : i32
        %dma_start3A_1984 = arith.constant 0 : i32
        %dma_start3A_1985 = tpu.memref_slice %arg11[%dma_start3A_1976, %dma_start3A_1983, %dma_start3A_1984] : memref<2x1x200xi32, #tpu.memory_space<vmem>> -> memref<1x1x200xi32, #tpu.memory_space<vmem>>
        %dma_start3A_1986 = tpu.memref_squeeze %dma_start3A_1985 : memref<1x1x200xi32, #tpu.memory_space<vmem>> -> memref<1x200xi32, #tpu.memory_space<vmem>>
        %dma_start3A_1987 = arith.constant 0 : i32
        %dma_start3A_1988 = tpu.memref_slice %arg2[%add3A_1975, %dma_start3A_1987] : memref<4096x200xi32, #tpu.memory_space<hbm>> -> memref<1x200xi32, #tpu.memory_space<hbm>>
        tpu.enqueue_dma source(%dma_start3A_1988 : memref<1x200xi32, #tpu.memory_space<hbm>>) target(%dma_start3A_1986 : memref<1x200xi32, #tpu.memory_space<vmem>>) target_semaphore(%arg23 : memref<!tpu.dma_semaphore, #tpu.memory_space<semaphore_mem>>)
        %dma_start3A_1989 = arith.constant 0 : i32
        %dma_start3A_1990 = arith.constant 0 : i32
        %dma_start3A_1991 = arith.constant 0 : i32
        %dma_start3A_1992 = tpu.memref_slice %arg12[%dma_start3A_1989, %dma_start3A_1990, %dma_start3A_1991] : memref<2x1x400xi32, #tpu.memory_space<vmem>> -> memref<1x1x400xi32, #tpu.memory_space<vmem>>
        %dma_start3A_1993 = tpu.memref_squeeze %dma_start3A_1992 : memref<1x1x400xi32, #tpu.memory_space<vmem>> -> memref<1x400xi32, #tpu.memory_space<vmem>>
        %dma_start3A_1994 = arith.constant 0 : i32
        %dma_start3A_1995 = tpu.memref_slice %arg3[%add3A_1975, %dma_start3A_1994] : memref<4096x400xi32, #tpu.memory_space<hbm>> -> memref<1x400xi32, #tpu.memory_space<hbm>>
        %dma_start3A_1996 = arith.constant 0 : i32
        %dma_start3A_1997 = arith.constant 0 : i32
        %dma_start3A_1998 = tpu.memref_slice %arg12[%dma_start3A_1989, %dma_start3A_1996, %dma_start3A_1997] : memref<2x1x400xi32, #tpu.memory_space<vmem>> -> memref<1x1x400xi32, #tpu.memory_space<vmem>>
        %dma_start3A_1999 = tpu.memref_squeeze %dma_start3A_1998 : memref<1x1x400xi32, #tpu.memory_space<vmem>> -> memref<1x400xi32, #tpu.memory_space<vmem>>
        %dma_start3A_2000 = arith.constant 0 : i32
        %dma_start3A_2001 = tpu.memref_slice %arg3[%add3A_1975, %dma_start3A_2000] : memref<4096x400xi32, #tpu.memory_space<hbm>> -> memref<1x400xi32, #tpu.memory_space<hbm>>
        tpu.enqueue_dma source(%dma_start3A_2001 : memref<1x400xi32, #tpu.memory_space<hbm>>) target(%dma_start3A_1999 : memref<1x400xi32, #tpu.memory_space<vmem>>) target_semaphore(%arg23 : memref<!tpu.dma_semaphore, #tpu.memory_space<semaphore_mem>>)
      } else {
      }
      %add3A_570 = arith.addi %mul3A_2, %add3A_481 : i32
      %dma_wait3A_571 = arith.constant 0 : i32
      %dma_wait3A_572 = arith.constant 0 : i32
      %dma_wait3A_573 = arith.constant 0 : i32
      %dma_wait3A_574 = tpu.memref_slice %arg13[%dma_wait3A_571, %dma_wait3A_572, %dma_wait3A_573] : memref<2x1x208xi32, #tpu.memory_space<vmem>> -> memref<1x1x200xi32, #tpu.memory_space<vmem>>
      %dma_wait3A_575 = tpu.memref_squeeze %dma_wait3A_574 : memref<1x1x200xi32, #tpu.memory_space<vmem>> -> memref<1x200xi32, #tpu.memory_space<vmem>>
      %dma_wait3A_576 = arith.constant 0 : i32
      %dma_wait3A_577 = tpu.memref_slice %arg4[%add3A_570, %dma_wait3A_576] : memref<4096x200xi32, #tpu.memory_space<hbm>> -> memref<1x200xi32, #tpu.memory_space<hbm>>
      %dma_wait3A_578 = arith.constant 0 : i32
      %dma_wait3A_579 = arith.constant 0 : i32
      %dma_wait3A_580 = tpu.memref_slice %arg13[%dma_wait3A_571, %dma_wait3A_578, %dma_wait3A_579] : memref<2x1x208xi32, #tpu.memory_space<vmem>> -> memref<1x1x200xi32, #tpu.memory_space<vmem>>
      %dma_wait3A_581 = tpu.memref_squeeze %dma_wait3A_580 : memref<1x1x200xi32, #tpu.memory_space<vmem>> -> memref<1x200xi32, #tpu.memory_space<vmem>>
      %dma_wait3A_582 = arith.constant 0 : i32
      %dma_wait3A_583 = tpu.memref_slice %arg4[%add3A_570, %dma_wait3A_582] : memref<4096x200xi32, #tpu.memory_space<hbm>> -> memref<1x200xi32, #tpu.memory_space<hbm>>
      tpu.wait_dma2 semaphore(%arg25 : memref<!tpu.dma_semaphore, #tpu.memory_space<semaphore_mem>>) src(%dma_wait3A_583 : memref<1x200xi32, #tpu.memory_space<hbm>>) dst(%dma_wait3A_581 : memref<1x200xi32, #tpu.memory_space<vmem>>)
      %scan3A_584 = arith.constant 0 : i32
      %scan3A_585 = arith.constant 104 : i32
      %scan3A_586 = arith.addi %scan3A_584, %scan3A_585 : i32
      %scan3A_587 = arith.constant 4 : i32
      %scan3A_588:2 = scf.for %scan3A_1973 = %scan3A_584 to %scan3A_586 step %scan3A_587 iter_args(%scan3A_1974 = %broadcast_in_dim3A_3, %scan3A_1975 = %broadcast_in_dim3A_3) -> (vector<16xf32>, vector<16xf32>)  : i32 {
        %get3A_1976 = arith.constant 0 : i32
        %get3A_1977 = arith.constant 0 : i32
        %get3A_1978 = arith.index_cast %get3A_1976 : i32 to index
        %get3A_1979 = arith.index_cast %get3A_1977 : i32 to index
        %get3A_1980 = arith.index_cast %scan3A_1973 : i32 to index
        %get3A_1981 = arith.constant 0 : index
        %get3A_1982 = tpu.vector_load %arg14[%get3A_1978, %get3A_1979, %get3A_1980, %get3A_1981] {strides = array<i32>} : memref<2x2x104x32xf32, #tpu.memory_space<vmem>>, vector<1x1x1x16xf32>,
        %get3A_1983 = vector.shape_cast %get3A_1982 : vector<1x1x1x16xf32> to vector<16xf32>
        %add3A_1984 = arith.addf %scan3A_1974, %get3A_1983 : vector<16xf32>
        %get3A_1985 = arith.constant 0 : i32
        %get3A_1986 = arith.constant 0 : i32
        %get3A_1987 = arith.index_cast %get3A_1985 : i32 to index
        %get3A_1988 = arith.index_cast %get3A_1986 : i32 to index
        %get3A_1989 = arith.index_cast %scan3A_1973 : i32 to index
        %get3A_1990 = arith.constant 16 : index
        %get3A_1991 = tpu.vector_load %arg14[%get3A_1987, %get3A_1988, %get3A_1989, %get3A_1990] {strides = array<i32>} : memref<2x2x104x32xf32, #tpu.memory_space<vmem>>, vector<1x1x1x16xf32>,
        %get3A_1992 = vector.shape_cast %get3A_1991 : vector<1x1x1x16xf32> to vector<16xf32>
        %add3A_1993 = arith.addf %scan3A_1975, %get3A_1992 : vector<16xf32>
        %scan3A_1994 = arith.constant 1 : i32
        %scan3A_1995 = arith.addi %scan3A_1973, %scan3A_1994 : i32
        %get3A_1996 = arith.constant 0 : i32
        %get3A_1997 = arith.constant 0 : i32
        %get3A_1998 = arith.index_cast %get3A_1996 : i32 to index
        %get3A_1999 = arith.index_cast %get3A_1997 : i32 to index
        %get3A_2000 = arith.index_cast %scan3A_1995 : i32 to index
        %get3A_2001 = arith.constant 0 : index
        %get3A_2002 = tpu.vector_load %arg14[%get3A_1998, %get3A_1999, %get3A_2000, %get3A_2001] {strides = array<i32>} : memref<2x2x104x32xf32, #tpu.memory_space<vmem>>, vector<1x1x1x16xf32>,
        %get3A_2003 = vector.shape_cast %get3A_2002 : vector<1x1x1x16xf32> to vector<16xf32>
        %add3A_2004 = arith.addf %add3A_1984, %get3A_2003 : vector<16xf32>
        %get3A_2005 = arith.constant 0 : i32
        %get3A_2006 = arith.constant 0 : i32
        %get3A_2007 = arith.index_cast %get3A_2005 : i32 to index
        %get3A_2008 = arith.index_cast %get3A_2006 : i32 to index
        %get3A_2009 = arith.index_cast %scan3A_1995 : i32 to index
        %get3A_2010 = arith.constant 16 : index
        %get3A_2011 = tpu.vector_load %arg14[%get3A_2007, %get3A_2008, %get3A_2009, %get3A_2010] {strides = array<i32>} : memref<2x2x104x32xf32, #tpu.memory_space<vmem>>, vector<1x1x1x16xf32>,
        %get3A_2012 = vector.shape_cast %get3A_2011 : vector<1x1x1x16xf32> to vector<16xf32>
        %add3A_2013 = arith.addf %add3A_1993, %get3A_2012 : vector<16xf32>
        %scan3A_2014 = arith.constant 2 : i32
        %scan3A_2015 = arith.addi %scan3A_1973, %scan3A_2014 : i32
        %get3A_2016 = arith.constant 0 : i32
        %get3A_2017 = arith.constant 0 : i32
        %get3A_2018 = arith.index_cast %get3A_2016 : i32 to index
        %get3A_2019 = arith.index_cast %get3A_2017 : i32 to index
        %get3A_2020 = arith.index_cast %scan3A_2015 : i32 to index
        %get3A_2021 = arith.constant 0 : index
        %get3A_2022 = tpu.vector_load %arg14[%get3A_2018, %get3A_2019, %get3A_2020, %get3A_2021] {strides = array<i32>} : memref<2x2x104x32xf32, #tpu.memory_space<vmem>>, vector<1x1x1x16xf32>,
        %get3A_2023 = vector.shape_cast %get3A_2022 : vector<1x1x1x16xf32> to vector<16xf32>
        %add3A_2024 = arith.addf %add3A_2004, %get3A_2023 : vector<16xf32>
        %get3A_2025 = arith.constant 0 : i32
        %get3A_2026 = arith.constant 0 : i32
        %get3A_2027 = arith.index_cast %get3A_2025 : i32 to index
        %get3A_2028 = arith.index_cast %get3A_2026 : i32 to index
        %get3A_2029 = arith.index_cast %scan3A_2015 : i32 to index
        %get3A_2030 = arith.constant 16 : index
        %get3A_2031 = tpu.vector_load %arg14[%get3A_2027, %get3A_2028, %get3A_2029, %get3A_2030] {strides = array<i32>} : memref<2x2x104x32xf32, #tpu.memory_space<vmem>>, vector<1x1x1x16xf32>,
        %get3A_2032 = vector.shape_cast %get3A_2031 : vector<1x1x1x16xf32> to vector<16xf32>
        %add3A_2033 = arith.addf %add3A_2013, %get3A_2032 : vector<16xf32>
        %scan3A_2034 = arith.constant 3 : i32
        %scan3A_2035 = arith.addi %scan3A_1973, %scan3A_2034 : i32
        %get3A_2036 = arith.constant 0 : i32
        %get3A_2037 = arith.constant 0 : i32
        %get3A_2038 = arith.index_cast %get3A_2036 : i32 to index
        %get3A_2039 = arith.index_cast %get3A_2037 : i32 to index
        %get3A_2040 = arith.index_cast %scan3A_2035 : i32 to index
        %get3A_2041 = arith.constant 0 : index
        %get3A_2042 = tpu.vector_load %arg14[%get3A_2038, %get3A_2039, %get3A_2040, %get3A_2041] {strides = array<i32>} : memref<2x2x104x32xf32, #tpu.memory_space<vmem>>, vector<1x1x1x16xf32>,
        %get3A_2043 = vector.shape_cast %get3A_2042 : vector<1x1x1x16xf32> to vector<16xf32>
        %add3A_2044 = arith.addf %add3A_2024, %get3A_2043 : vector<16xf32>
        %get3A_2045 = arith.constant 0 : i32
        %get3A_2046 = arith.constant 0 : i32
        %get3A_2047 = arith.index_cast %get3A_2045 : i32 to index
        %get3A_2048 = arith.index_cast %get3A_2046 : i32 to index
        %get3A_2049 = arith.index_cast %scan3A_2035 : i32 to index
        %get3A_2050 = arith.constant 16 : index
        %get3A_2051 = tpu.vector_load %arg14[%get3A_2047, %get3A_2048, %get3A_2049, %get3A_2050] {strides = array<i32>} : memref<2x2x104x32xf32, #tpu.memory_space<vmem>>, vector<1x1x1x16xf32>,
        %get3A_2052 = vector.shape_cast %get3A_2051 : vector<1x1x1x16xf32> to vector<16xf32>
        %add3A_2053 = arith.addf %add3A_2033, %get3A_2052 : vector<16xf32>
        scf.yield %add3A_2044, %add3A_2053 : vector<16xf32>, vector<16xf32>
      }
      %scan3A_589 = arith.constant 104 : i32
      %scan3A_590 = arith.constant 0 : i32
      %scan3A_591 = arith.constant 96 : i32
      %scan3A_592 = arith.addi %scan3A_590, %scan3A_591 : i32
      %scan3A_593 = arith.constant 4 : i32
      %scan3A_594:2 = scf.for %scan3A_1973 = %scan3A_590 to %scan3A_592 step %scan3A_593 iter_args(%scan3A_1974 = %scan3A_588#0, %scan3A_1975 = %scan3A_588#1) -> (vector<16xf32>, vector<16xf32>)  : i32 {
        %get3A_1976 = arith.constant 0 : i32
        %get3A_1977 = arith.constant 1 : i32
        %get3A_1978 = arith.index_cast %get3A_1976 : i32 to index
        %get3A_1979 = arith.index_cast %get3A_1977 : i32 to index
        %get3A_1980 = arith.index_cast %scan3A_1973 : i32 to index
        %get3A_1981 = arith.constant 0 : index
        %get3A_1982 = tpu.vector_load %arg14[%get3A_1978, %get3A_1979, %get3A_1980, %get3A_1981] {strides = array<i32>} : memref<2x2x104x32xf32, #tpu.memory_space<vmem>>, vector<1x1x1x16xf32>,
        %get3A_1983 = vector.shape_cast %get3A_1982 : vector<1x1x1x16xf32> to vector<16xf32>
        %add3A_1984 = arith.addf %scan3A_1974, %get3A_1983 : vector<16xf32>
        %get3A_1985 = arith.constant 0 : i32
        %get3A_1986 = arith.constant 1 : i32
        %get3A_1987 = arith.index_cast %get3A_1985 : i32 to index
        %get3A_1988 = arith.index_cast %get3A_1986 : i32 to index
        %get3A_1989 = arith.index_cast %scan3A_1973 : i32 to index
        %get3A_1990 = arith.constant 16 : index
        %get3A_1991 = tpu.vector_load %arg14[%get3A_1987, %get3A_1988, %get3A_1989, %get3A_1990] {strides = array<i32>} : memref<2x2x104x32xf32, #tpu.memory_space<vmem>>, vector<1x1x1x16xf32>,
        %get3A_1992 = vector.shape_cast %get3A_1991 : vector<1x1x1x16xf32> to vector<16xf32>
        %add3A_1993 = arith.addf %scan3A_1975, %get3A_1992 : vector<16xf32>
        %scan3A_1994 = arith.constant 1 : i32
        %scan3A_1995 = arith.addi %scan3A_1973, %scan3A_1994 : i32
        %get3A_1996 = arith.constant 0 : i32
        %get3A_1997 = arith.constant 1 : i32
        %get3A_1998 = arith.index_cast %get3A_1996 : i32 to index
        %get3A_1999 = arith.index_cast %get3A_1997 : i32 to index
        %get3A_2000 = arith.index_cast %scan3A_1995 : i32 to index
        %get3A_2001 = arith.constant 0 : index
        %get3A_2002 = tpu.vector_load %arg14[%get3A_1998, %get3A_1999, %get3A_2000, %get3A_2001] {strides = array<i32>} : memref<2x2x104x32xf32, #tpu.memory_space<vmem>>, vector<1x1x1x16xf32>,
        %get3A_2003 = vector.shape_cast %get3A_2002 : vector<1x1x1x16xf32> to vector<16xf32>
        %add3A_2004 = arith.addf %add3A_1984, %get3A_2003 : vector<16xf32>
        %get3A_2005 = arith.constant 0 : i32
        %get3A_2006 = arith.constant 1 : i32
        %get3A_2007 = arith.index_cast %get3A_2005 : i32 to index
        %get3A_2008 = arith.index_cast %get3A_2006 : i32 to index
        %get3A_2009 = arith.index_cast %scan3A_1995 : i32 to index
        %get3A_2010 = arith.constant 16 : index
        %get3A_2011 = tpu.vector_load %arg14[%get3A_2007, %get3A_2008, %get3A_2009, %get3A_2010] {strides = array<i32>} : memref<2x2x104x32xf32, #tpu.memory_space<vmem>>, vector<1x1x1x16xf32>,
        %get3A_2012 = vector.shape_cast %get3A_2011 : vector<1x1x1x16xf32> to vector<16xf32>
        %add3A_2013 = arith.addf %add3A_1993, %get3A_2012 : vector<16xf32>
        %scan3A_2014 = arith.constant 2 : i32
        %scan3A_2015 = arith.addi %scan3A_1973, %scan3A_2014 : i32
        %get3A_2016 = arith.constant 0 : i32
        %get3A_2017 = arith.constant 1 : i32
        %get3A_2018 = arith.index_cast %get3A_2016 : i32 to index
        %get3A_2019 = arith.index_cast %get3A_2017 : i32 to index
        %get3A_2020 = arith.index_cast %scan3A_2015 : i32 to index
        %get3A_2021 = arith.constant 0 : index
        %get3A_2022 = tpu.vector_load %arg14[%get3A_2018, %get3A_2019, %get3A_2020, %get3A_2021] {strides = array<i32>} : memref<2x2x104x32xf32, #tpu.memory_space<vmem>>, vector<1x1x1x16xf32>,
        %get3A_2023 = vector.shape_cast %get3A_2022 : vector<1x1x1x16xf32> to vector<16xf32>
        %add3A_2024 = arith.addf %add3A_2004, %get3A_2023 : vector<16xf32>
        %get3A_2025 = arith.constant 0 : i32
        %get3A_2026 = arith.constant 1 : i32
        %get3A_2027 = arith.index_cast %get3A_2025 : i32 to index
        %get3A_2028 = arith.index_cast %get3A_2026 : i32 to index
        %get3A_2029 = arith.index_cast %scan3A_2015 : i32 to index
        %get3A_2030 = arith.constant 16 : index
        %get3A_2031 = tpu.vector_load %arg14[%get3A_2027, %get3A_2028, %get3A_2029, %get3A_2030] {strides = array<i32>} : memref<2x2x104x32xf32, #tpu.memory_space<vmem>>, vector<1x1x1x16xf32>,
        %get3A_2032 = vector.shape_cast %get3A_2031 : vector<1x1x1x16xf32> to vector<16xf32>
        %add3A_2033 = arith.addf %add3A_2013, %get3A_2032 : vector<16xf32>
        %scan3A_2034 = arith.constant 3 : i32
        %scan3A_2035 = arith.addi %scan3A_1973, %scan3A_2034 : i32
        %get3A_2036 = arith.constant 0 : i32
        %get3A_2037 = arith.constant 1 : i32
        %get3A_2038 = arith.index_cast %get3A_2036 : i32 to index
        %get3A_2039 = arith.index_cast %get3A_2037 : i32 to index
        %get3A_2040 = arith.index_cast %scan3A_2035 : i32 to index
        %get3A_2041 = arith.constant 0 : index
        %get3A_2042 = tpu.vector_load %arg14[%get3A_2038, %get3A_2039, %get3A_2040, %get3A_2041] {strides = array<i32>} : memref<2x2x104x32xf32, #tpu.memory_space<vmem>>, vector<1x1x1x16xf32>,
        %get3A_2043 = vector.shape_cast %get3A_2042 : vector<1x1x1x16xf32> to vector<16xf32>
        %add3A_2044 = arith.addf %add3A_2024, %get3A_2043 : vector<16xf32>
        %get3A_2045 = arith.constant 0 : i32
        %get3A_2046 = arith.constant 1 : i32
        %get3A_2047 = arith.index_cast %get3A_2045 : i32 to index
        %get3A_2048 = arith.index_cast %get3A_2046 : i32 to index
        %get3A_2049 = arith.index_cast %scan3A_2035 : i32 to index
        %get3A_2050 = arith.constant 16 : index
        %get3A_2051 = tpu.vector_load %arg14[%get3A_2047, %get3A_2048, %get3A_2049, %get3A_2050] {strides = array<i32>} : memref<2x2x104x32xf32, #tpu.memory_space<vmem>>, vector<1x1x1x16xf32>,
        %get3A_2052 = vector.shape_cast %get3A_2051 : vector<1x1x1x16xf32> to vector<16xf32>
        %add3A_2053 = arith.addf %add3A_2033, %get3A_2052 : vector<16xf32>
        scf.yield %add3A_2044, %add3A_2053 : vector<16xf32>, vector<16xf32>
      }
      %scan3A_595 = arith.constant 96 : i32
      %mul3A_596 = arith.constant 5.000000e-03 : f32
      %mul3A_597 = vector.broadcast %mul3A_596 : f32 to vector<16xf32>
      %mul3A_598 = arith.mulf %scan3A_594#0, %mul3A_597 : vector<16xf32>
      %swap3A_599 = arith.constant 3 : i32
      %swap3A_600 = arith.index_cast %add3A_481 : i32 to index
      %swap3A_601 = arith.index_cast %swap3A_599 : i32 to index
      %swap3A_602 = arith.constant 0 : index
      %swap3A_603 = tpu.vector_load %arg21[%swap3A_600, %swap3A_601, %swap3A_602] {strides = array<i32>} : memref<128x7x32xf32, #tpu.memory_space<vmem>>, vector<1x1x16xf32>,
      %swap3A_604 = vector.shape_cast %swap3A_603 : vector<1x1x16xf32> to vector<16xf32>
      %swap3A_605 = vector.shape_cast %mul3A_598 : vector<16xf32> to vector<1x1x16xf32>
      tpu.vector_store %arg21[%swap3A_600, %swap3A_601, %swap3A_602], %swap3A_605 {strides = array<i32>} : memref<128x7x32xf32, #tpu.memory_space<vmem>>, vector<1x1x16xf32>,
      %mul3A_606 = arith.constant 5.000000e-03 : f32
      %mul3A_607 = vector.broadcast %mul3A_606 : f32 to vector<16xf32>
      %mul3A_608 = arith.mulf %scan3A_594#1, %mul3A_607 : vector<16xf32>
      %swap3A_609 = arith.constant 3 : i32
      %swap3A_610 = arith.index_cast %add3A_481 : i32 to index
      %swap3A_611 = arith.index_cast %swap3A_609 : i32 to index
      %swap3A_612 = arith.constant 16 : index
      %swap3A_613 = tpu.vector_load %arg21[%swap3A_610, %swap3A_611, %swap3A_612] {strides = array<i32>} : memref<128x7x32xf32, #tpu.memory_space<vmem>>, vector<1x1x16xf32>,
      %swap3A_614 = vector.shape_cast %swap3A_613 : vector<1x1x16xf32> to vector<16xf32>
      %swap3A_615 = vector.shape_cast %mul3A_608 : vector<16xf32> to vector<1x1x16xf32>
      tpu.vector_store %arg21[%swap3A_610, %swap3A_611, %swap3A_612], %swap3A_615 {strides = array<i32>} : memref<128x7x32xf32, #tpu.memory_space<vmem>>, vector<1x1x16xf32>,
      %scan3A_616 = arith.constant 0 : i32
      %scan3A_617 = arith.constant 52 : i32
      %scan3A_618 = arith.addi %scan3A_616, %scan3A_617 : i32
      %scan3A_619 = arith.constant 4 : i32
      %scan3A_620:4 = scf.for %scan3A_1973 = %scan3A_616 to %scan3A_618 step %scan3A_619 iter_args(%scan3A_1974 = %broadcast_in_dim3A_3, %scan3A_1975 = %broadcast_in_dim3A_3, %scan3A_1976 = %broadcast_in_dim3A_3, %scan3A_1977 = %broadcast_in_dim3A_3) -> (vector<16xf32>, vector<16xf32>, vector<16xf32>, vector<16xf32>)  : i32 {
        %mul3A_1978 = arith.constant 2 : i32
        %mul3A_1979 = arith.muli %mul3A_1978, %scan3A_1973 : i32
        %get3A_1980 = arith.constant 0 : i32
        %get3A_1981 = arith.constant 0 : i32
        %get3A_1982 = arith.index_cast %get3A_1980 : i32 to index
        %get3A_1983 = arith.index_cast %get3A_1981 : i32 to index
        %get3A_1984 = arith.index_cast %mul3A_1979 : i32 to index
        %get3A_1985 = arith.constant 0 : index
        %get3A_1986 = tpu.vector_load %arg15[%get3A_1982, %get3A_1983, %get3A_1984, %get3A_1985] {strides = array<i32>} : memref<2x4x104x32xf32, #tpu.memory_space<vmem>>, vector<1x1x1x16xf32>,
        %get3A_1987 = vector.shape_cast %get3A_1986 : vector<1x1x1x16xf32> to vector<16xf32>
        %add3A_1988 = arith.addf %scan3A_1974, %get3A_1987 : vector<16xf32>
        %mul3A_1989 = arith.constant 2 : i32
        %mul3A_1990 = arith.muli %mul3A_1989, %scan3A_1973 : i32
        %get3A_1991 = arith.constant 0 : i32
        %get3A_1992 = arith.constant 0 : i32
        %get3A_1993 = arith.index_cast %get3A_1991 : i32 to index
        %get3A_1994 = arith.index_cast %get3A_1992 : i32 to index
        %get3A_1995 = arith.index_cast %mul3A_1990 : i32 to index
        %get3A_1996 = arith.constant 16 : index
        %get3A_1997 = tpu.vector_load %arg15[%get3A_1993, %get3A_1994, %get3A_1995, %get3A_1996] {strides = array<i32>} : memref<2x4x104x32xf32, #tpu.memory_space<vmem>>, vector<1x1x1x16xf32>,
        %get3A_1998 = vector.shape_cast %get3A_1997 : vector<1x1x1x16xf32> to vector<16xf32>
        %add3A_1999 = arith.addf %scan3A_1975, %get3A_1998 : vector<16xf32>
        %mul3A_2000 = arith.constant 2 : i32
        %mul3A_2001 = arith.muli %mul3A_2000, %scan3A_1973 : i32
        %add3A_2002 = arith.constant 1 : i32
        %add3A_2003 = arith.addi %mul3A_2001, %add3A_2002 : i32
        %get3A_2004 = arith.constant 0 : i32
        %get3A_2005 = arith.constant 0 : i32
        %get3A_2006 = arith.index_cast %get3A_2004 : i32 to index
        %get3A_2007 = arith.index_cast %get3A_2005 : i32 to index
        %get3A_2008 = arith.index_cast %add3A_2003 : i32 to index
        %get3A_2009 = arith.constant 0 : index
        %get3A_2010 = tpu.vector_load %arg15[%get3A_2006, %get3A_2007, %get3A_2008, %get3A_2009] {strides = array<i32>} : memref<2x4x104x32xf32, #tpu.memory_space<vmem>>, vector<1x1x1x16xf32>,
        %get3A_2011 = vector.shape_cast %get3A_2010 : vector<1x1x1x16xf32> to vector<16xf32>
        %add3A_2012 = arith.addf %scan3A_1976, %get3A_2011 : vector<16xf32>
        %mul3A_2013 = arith.constant 2 : i32
        %mul3A_2014 = arith.muli %mul3A_2013, %scan3A_1973 : i32
        %add3A_2015 = arith.constant 1 : i32
        %add3A_2016 = arith.addi %mul3A_2014, %add3A_2015 : i32
        %get3A_2017 = arith.constant 0 : i32
        %get3A_2018 = arith.constant 0 : i32
        %get3A_2019 = arith.index_cast %get3A_2017 : i32 to index
        %get3A_2020 = arith.index_cast %get3A_2018 : i32 to index
        %get3A_2021 = arith.index_cast %add3A_2016 : i32 to index
        %get3A_2022 = arith.constant 16 : index
        %get3A_2023 = tpu.vector_load %arg15[%get3A_2019, %get3A_2020, %get3A_2021, %get3A_2022] {strides = array<i32>} : memref<2x4x104x32xf32, #tpu.memory_space<vmem>>, vector<1x1x1x16xf32>,
        %get3A_2024 = vector.shape_cast %get3A_2023 : vector<1x1x1x16xf32> to vector<16xf32>
        %add3A_2025 = arith.addf %scan3A_1977, %get3A_2024 : vector<16xf32>
        %scan3A_2026 = arith.constant 1 : i32
        %scan3A_2027 = arith.addi %scan3A_1973, %scan3A_2026 : i32
        %mul3A_2028 = arith.constant 2 : i32
        %mul3A_2029 = arith.muli %mul3A_2028, %scan3A_2027 : i32
        %get3A_2030 = arith.constant 0 : i32
        %get3A_2031 = arith.constant 0 : i32
        %get3A_2032 = arith.index_cast %get3A_2030 : i32 to index
        %get3A_2033 = arith.index_cast %get3A_2031 : i32 to index
        %get3A_2034 = arith.index_cast %mul3A_2029 : i32 to index
        %get3A_2035 = arith.constant 0 : index
        %get3A_2036 = tpu.vector_load %arg15[%get3A_2032, %get3A_2033, %get3A_2034, %get3A_2035] {strides = array<i32>} : memref<2x4x104x32xf32, #tpu.memory_space<vmem>>, vector<1x1x1x16xf32>,
        %get3A_2037 = vector.shape_cast %get3A_2036 : vector<1x1x1x16xf32> to vector<16xf32>
        %add3A_2038 = arith.addf %add3A_1988, %get3A_2037 : vector<16xf32>
        %mul3A_2039 = arith.constant 2 : i32
        %mul3A_2040 = arith.muli %mul3A_2039, %scan3A_2027 : i32
        %get3A_2041 = arith.constant 0 : i32
        %get3A_2042 = arith.constant 0 : i32
        %get3A_2043 = arith.index_cast %get3A_2041 : i32 to index
        %get3A_2044 = arith.index_cast %get3A_2042 : i32 to index
        %get3A_2045 = arith.index_cast %mul3A_2040 : i32 to index
        %get3A_2046 = arith.constant 16 : index
        %get3A_2047 = tpu.vector_load %arg15[%get3A_2043, %get3A_2044, %get3A_2045, %get3A_2046] {strides = array<i32>} : memref<2x4x104x32xf32, #tpu.memory_space<vmem>>, vector<1x1x1x16xf32>,
        %get3A_2048 = vector.shape_cast %get3A_2047 : vector<1x1x1x16xf32> to vector<16xf32>
        %add3A_2049 = arith.addf %add3A_1999, %get3A_2048 : vector<16xf32>
        %mul3A_2050 = arith.constant 2 : i32
        %mul3A_2051 = arith.muli %mul3A_2050, %scan3A_2027 : i32
        %add3A_2052 = arith.constant 1 : i32
        %add3A_2053 = arith.addi %mul3A_2051, %add3A_2052 : i32
        %get3A_2054 = arith.constant 0 : i32
        %get3A_2055 = arith.constant 0 : i32
        %get3A_2056 = arith.index_cast %get3A_2054 : i32 to index
        %get3A_2057 = arith.index_cast %get3A_2055 : i32 to index
        %get3A_2058 = arith.index_cast %add3A_2053 : i32 to index
        %get3A_2059 = arith.constant 0 : index
        %get3A_2060 = tpu.vector_load %arg15[%get3A_2056, %get3A_2057, %get3A_2058, %get3A_2059] {strides = array<i32>} : memref<2x4x104x32xf32, #tpu.memory_space<vmem>>, vector<1x1x1x16xf32>,
        %get3A_2061 = vector.shape_cast %get3A_2060 : vector<1x1x1x16xf32> to vector<16xf32>
        %add3A_2062 = arith.addf %add3A_2012, %get3A_2061 : vector<16xf32>
        %mul3A_2063 = arith.constant 2 : i32
        %mul3A_2064 = arith.muli %mul3A_2063, %scan3A_2027 : i32
        %add3A_2065 = arith.constant 1 : i32
        %add3A_2066 = arith.addi %mul3A_2064, %add3A_2065 : i32
        %get3A_2067 = arith.constant 0 : i32
        %get3A_2068 = arith.constant 0 : i32
        %get3A_2069 = arith.index_cast %get3A_2067 : i32 to index
        %get3A_2070 = arith.index_cast %get3A_2068 : i32 to index
        %get3A_2071 = arith.index_cast %add3A_2066 : i32 to index
        %get3A_2072 = arith.constant 16 : index
        %get3A_2073 = tpu.vector_load %arg15[%get3A_2069, %get3A_2070, %get3A_2071, %get3A_2072] {strides = array<i32>} : memref<2x4x104x32xf32, #tpu.memory_space<vmem>>, vector<1x1x1x16xf32>,
        %get3A_2074 = vector.shape_cast %get3A_2073 : vector<1x1x1x16xf32> to vector<16xf32>
        %add3A_2075 = arith.addf %add3A_2025, %get3A_2074 : vector<16xf32>
        %scan3A_2076 = arith.constant 2 : i32
        %scan3A_2077 = arith.addi %scan3A_1973, %scan3A_2076 : i32
        %mul3A_2078 = arith.constant 2 : i32
        %mul3A_2079 = arith.muli %mul3A_2078, %scan3A_2077 : i32
        %get3A_2080 = arith.constant 0 : i32
        %get3A_2081 = arith.constant 0 : i32
        %get3A_2082 = arith.index_cast %get3A_2080 : i32 to index
        %get3A_2083 = arith.index_cast %get3A_2081 : i32 to index
        %get3A_2084 = arith.index_cast %mul3A_2079 : i32 to index
        %get3A_2085 = arith.constant 0 : index
        %get3A_2086 = tpu.vector_load %arg15[%get3A_2082, %get3A_2083, %get3A_2084, %get3A_2085] {strides = array<i32>} : memref<2x4x104x32xf32, #tpu.memory_space<vmem>>, vector<1x1x1x16xf32>,
        %get3A_2087 = vector.shape_cast %get3A_2086 : vector<1x1x1x16xf32> to vector<16xf32>
        %add3A_2088 = arith.addf %add3A_2038, %get3A_2087 : vector<16xf32>
        %mul3A_2089 = arith.constant 2 : i32
        %mul3A_2090 = arith.muli %mul3A_2089, %scan3A_2077 : i32
        %get3A_2091 = arith.constant 0 : i32
        %get3A_2092 = arith.constant 0 : i32
        %get3A_2093 = arith.index_cast %get3A_2091 : i32 to index
        %get3A_2094 = arith.index_cast %get3A_2092 : i32 to index
        %get3A_2095 = arith.index_cast %mul3A_2090 : i32 to index
        %get3A_2096 = arith.constant 16 : index
        %get3A_2097 = tpu.vector_load %arg15[%get3A_2093, %get3A_2094, %get3A_2095, %get3A_2096] {strides = array<i32>} : memref<2x4x104x32xf32, #tpu.memory_space<vmem>>, vector<1x1x1x16xf32>,
        %get3A_2098 = vector.shape_cast %get3A_2097 : vector<1x1x1x16xf32> to vector<16xf32>
        %add3A_2099 = arith.addf %add3A_2049, %get3A_2098 : vector<16xf32>
        %mul3A_2100 = arith.constant 2 : i32
        %mul3A_2101 = arith.muli %mul3A_2100, %scan3A_2077 : i32
        %add3A_2102 = arith.constant 1 : i32
        %add3A_2103 = arith.addi %mul3A_2101, %add3A_2102 : i32
        %get3A_2104 = arith.constant 0 : i32
        %get3A_2105 = arith.constant 0 : i32
        %get3A_2106 = arith.index_cast %get3A_2104 : i32 to index
        %get3A_2107 = arith.index_cast %get3A_2105 : i32 to index
        %get3A_2108 = arith.index_cast %add3A_2103 : i32 to index
        %get3A_2109 = arith.constant 0 : index
        %get3A_2110 = tpu.vector_load %arg15[%get3A_2106, %get3A_2107, %get3A_2108, %get3A_2109] {strides = array<i32>} : memref<2x4x104x32xf32, #tpu.memory_space<vmem>>, vector<1x1x1x16xf32>,
        %get3A_2111 = vector.shape_cast %get3A_2110 : vector<1x1x1x16xf32> to vector<16xf32>
        %add3A_2112 = arith.addf %add3A_2062, %get3A_2111 : vector<16xf32>
        %mul3A_2113 = arith.constant 2 : i32
        %mul3A_2114 = arith.muli %mul3A_2113, %scan3A_2077 : i32
        %add3A_2115 = arith.constant 1 : i32
        %add3A_2116 = arith.addi %mul3A_2114, %add3A_2115 : i32
        %get3A_2117 = arith.constant 0 : i32
        %get3A_2118 = arith.constant 0 : i32
        %get3A_2119 = arith.index_cast %get3A_2117 : i32 to index
        %get3A_2120 = arith.index_cast %get3A_2118 : i32 to index
        %get3A_2121 = arith.index_cast %add3A_2116 : i32 to index
        %get3A_2122 = arith.constant 16 : index
        %get3A_2123 = tpu.vector_load %arg15[%get3A_2119, %get3A_2120, %get3A_2121, %get3A_2122] {strides = array<i32>} : memref<2x4x104x32xf32, #tpu.memory_space<vmem>>, vector<1x1x1x16xf32>,
        %get3A_2124 = vector.shape_cast %get3A_2123 : vector<1x1x1x16xf32> to vector<16xf32>
        %add3A_2125 = arith.addf %add3A_2075, %get3A_2124 : vector<16xf32>
        %scan3A_2126 = arith.constant 3 : i32
        %scan3A_2127 = arith.addi %scan3A_1973, %scan3A_2126 : i32
        %mul3A_2128 = arith.constant 2 : i32
        %mul3A_2129 = arith.muli %mul3A_2128, %scan3A_2127 : i32
        %get3A_2130 = arith.constant 0 : i32
        %get3A_2131 = arith.constant 0 : i32
        %get3A_2132 = arith.index_cast %get3A_2130 : i32 to index
        %get3A_2133 = arith.index_cast %get3A_2131 : i32 to index
        %get3A_2134 = arith.index_cast %mul3A_2129 : i32 to index
        %get3A_2135 = arith.constant 0 : index
        %get3A_2136 = tpu.vector_load %arg15[%get3A_2132, %get3A_2133, %get3A_2134, %get3A_2135] {strides = array<i32>} : memref<2x4x104x32xf32, #tpu.memory_space<vmem>>, vector<1x1x1x16xf32>,
        %get3A_2137 = vector.shape_cast %get3A_2136 : vector<1x1x1x16xf32> to vector<16xf32>
        %add3A_2138 = arith.addf %add3A_2088, %get3A_2137 : vector<16xf32>
        %mul3A_2139 = arith.constant 2 : i32
        %mul3A_2140 = arith.muli %mul3A_2139, %scan3A_2127 : i32
        %get3A_2141 = arith.constant 0 : i32
        %get3A_2142 = arith.constant 0 : i32
        %get3A_2143 = arith.index_cast %get3A_2141 : i32 to index
        %get3A_2144 = arith.index_cast %get3A_2142 : i32 to index
        %get3A_2145 = arith.index_cast %mul3A_2140 : i32 to index
        %get3A_2146 = arith.constant 16 : index
        %get3A_2147 = tpu.vector_load %arg15[%get3A_2143, %get3A_2144, %get3A_2145, %get3A_2146] {strides = array<i32>} : memref<2x4x104x32xf32, #tpu.memory_space<vmem>>, vector<1x1x1x16xf32>,
        %get3A_2148 = vector.shape_cast %get3A_2147 : vector<1x1x1x16xf32> to vector<16xf32>
        %add3A_2149 = arith.addf %add3A_2099, %get3A_2148 : vector<16xf32>
        %mul3A_2150 = arith.constant 2 : i32
        %mul3A_2151 = arith.muli %mul3A_2150, %scan3A_2127 : i32
        %add3A_2152 = arith.constant 1 : i32
        %add3A_2153 = arith.addi %mul3A_2151, %add3A_2152 : i32
        %get3A_2154 = arith.constant 0 : i32
        %get3A_2155 = arith.constant 0 : i32
        %get3A_2156 = arith.index_cast %get3A_2154 : i32 to index
        %get3A_2157 = arith.index_cast %get3A_2155 : i32 to index
        %get3A_2158 = arith.index_cast %add3A_2153 : i32 to index
        %get3A_2159 = arith.constant 0 : index
        %get3A_2160 = tpu.vector_load %arg15[%get3A_2156, %get3A_2157, %get3A_2158, %get3A_2159] {strides = array<i32>} : memref<2x4x104x32xf32, #tpu.memory_space<vmem>>, vector<1x1x1x16xf32>,
        %get3A_2161 = vector.shape_cast %get3A_2160 : vector<1x1x1x16xf32> to vector<16xf32>
        %add3A_2162 = arith.addf %add3A_2112, %get3A_2161 : vector<16xf32>
        %mul3A_2163 = arith.constant 2 : i32
        %mul3A_2164 = arith.muli %mul3A_2163, %scan3A_2127 : i32
        %add3A_2165 = arith.constant 1 : i32
        %add3A_2166 = arith.addi %mul3A_2164, %add3A_2165 : i32
        %get3A_2167 = arith.constant 0 : i32
        %get3A_2168 = arith.constant 0 : i32
        %get3A_2169 = arith.index_cast %get3A_2167 : i32 to index
        %get3A_2170 = arith.index_cast %get3A_2168 : i32 to index
        %get3A_2171 = arith.index_cast %add3A_2166 : i32 to index
        %get3A_2172 = arith.constant 16 : index
        %get3A_2173 = tpu.vector_load %arg15[%get3A_2169, %get3A_2170, %get3A_2171, %get3A_2172] {strides = array<i32>} : memref<2x4x104x32xf32, #tpu.memory_space<vmem>>, vector<1x1x1x16xf32>,
        %get3A_2174 = vector.shape_cast %get3A_2173 : vector<1x1x1x16xf32> to vector<16xf32>
        %add3A_2175 = arith.addf %add3A_2125, %get3A_2174 : vector<16xf32>
        scf.yield %add3A_2138, %add3A_2149, %add3A_2162, %add3A_2175 : vector<16xf32>, vector<16xf32>, vector<16xf32>, vector<16xf32>
      }
      %scan3A_621 = arith.constant 52 : i32
      %scan3A_622 = arith.constant 0 : i32
      %scan3A_623 = arith.constant 52 : i32
      %scan3A_624 = arith.addi %scan3A_622, %scan3A_623 : i32
      %scan3A_625 = arith.constant 4 : i32
      %scan3A_626:4 = scf.for %scan3A_1973 = %scan3A_622 to %scan3A_624 step %scan3A_625 iter_args(%scan3A_1974 = %scan3A_620#0, %scan3A_1975 = %scan3A_620#1, %scan3A_1976 = %scan3A_620#2, %scan3A_1977 = %scan3A_620#3) -> (vector<16xf32>, vector<16xf32>, vector<16xf32>, vector<16xf32>)  : i32 {
        %mul3A_1978 = arith.constant 2 : i32
        %mul3A_1979 = arith.muli %mul3A_1978, %scan3A_1973 : i32
        %get3A_1980 = arith.constant 0 : i32
        %get3A_1981 = arith.constant 1 : i32
        %get3A_1982 = arith.index_cast %get3A_1980 : i32 to index
        %get3A_1983 = arith.index_cast %get3A_1981 : i32 to index
        %get3A_1984 = arith.index_cast %mul3A_1979 : i32 to index
        %get3A_1985 = arith.constant 0 : index
        %get3A_1986 = tpu.vector_load %arg15[%get3A_1982, %get3A_1983, %get3A_1984, %get3A_1985] {strides = array<i32>} : memref<2x4x104x32xf32, #tpu.memory_space<vmem>>, vector<1x1x1x16xf32>,
        %get3A_1987 = vector.shape_cast %get3A_1986 : vector<1x1x1x16xf32> to vector<16xf32>
        %add3A_1988 = arith.addf %scan3A_1974, %get3A_1987 : vector<16xf32>
        %mul3A_1989 = arith.constant 2 : i32
        %mul3A_1990 = arith.muli %mul3A_1989, %scan3A_1973 : i32
        %get3A_1991 = arith.constant 0 : i32
        %get3A_1992 = arith.constant 1 : i32
        %get3A_1993 = arith.index_cast %get3A_1991 : i32 to index
        %get3A_1994 = arith.index_cast %get3A_1992 : i32 to index
        %get3A_1995 = arith.index_cast %mul3A_1990 : i32 to index
        %get3A_1996 = arith.constant 16 : index
        %get3A_1997 = tpu.vector_load %arg15[%get3A_1993, %get3A_1994, %get3A_1995, %get3A_1996] {strides = array<i32>} : memref<2x4x104x32xf32, #tpu.memory_space<vmem>>, vector<1x1x1x16xf32>,
        %get3A_1998 = vector.shape_cast %get3A_1997 : vector<1x1x1x16xf32> to vector<16xf32>
        %add3A_1999 = arith.addf %scan3A_1975, %get3A_1998 : vector<16xf32>
        %mul3A_2000 = arith.constant 2 : i32
        %mul3A_2001 = arith.muli %mul3A_2000, %scan3A_1973 : i32
        %add3A_2002 = arith.constant 1 : i32
        %add3A_2003 = arith.addi %mul3A_2001, %add3A_2002 : i32
        %get3A_2004 = arith.constant 0 : i32
        %get3A_2005 = arith.constant 1 : i32
        %get3A_2006 = arith.index_cast %get3A_2004 : i32 to index
        %get3A_2007 = arith.index_cast %get3A_2005 : i32 to index
        %get3A_2008 = arith.index_cast %add3A_2003 : i32 to index
        %get3A_2009 = arith.constant 0 : index
        %get3A_2010 = tpu.vector_load %arg15[%get3A_2006, %get3A_2007, %get3A_2008, %get3A_2009] {strides = array<i32>} : memref<2x4x104x32xf32, #tpu.memory_space<vmem>>, vector<1x1x1x16xf32>,
        %get3A_2011 = vector.shape_cast %get3A_2010 : vector<1x1x1x16xf32> to vector<16xf32>
        %add3A_2012 = arith.addf %scan3A_1976, %get3A_2011 : vector<16xf32>
        %mul3A_2013 = arith.constant 2 : i32
        %mul3A_2014 = arith.muli %mul3A_2013, %scan3A_1973 : i32
        %add3A_2015 = arith.constant 1 : i32
        %add3A_2016 = arith.addi %mul3A_2014, %add3A_2015 : i32
        %get3A_2017 = arith.constant 0 : i32
        %get3A_2018 = arith.constant 1 : i32
        %get3A_2019 = arith.index_cast %get3A_2017 : i32 to index
        %get3A_2020 = arith.index_cast %get3A_2018 : i32 to index
        %get3A_2021 = arith.index_cast %add3A_2016 : i32 to index
        %get3A_2022 = arith.constant 16 : index
        %get3A_2023 = tpu.vector_load %arg15[%get3A_2019, %get3A_2020, %get3A_2021, %get3A_2022] {strides = array<i32>} : memref<2x4x104x32xf32, #tpu.memory_space<vmem>>, vector<1x1x1x16xf32>,
        %get3A_2024 = vector.shape_cast %get3A_2023 : vector<1x1x1x16xf32> to vector<16xf32>
        %add3A_2025 = arith.addf %scan3A_1977, %get3A_2024 : vector<16xf32>
        %scan3A_2026 = arith.constant 1 : i32
        %scan3A_2027 = arith.addi %scan3A_1973, %scan3A_2026 : i32
        %mul3A_2028 = arith.constant 2 : i32
        %mul3A_2029 = arith.muli %mul3A_2028, %scan3A_2027 : i32
        %get3A_2030 = arith.constant 0 : i32
        %get3A_2031 = arith.constant 1 : i32
        %get3A_2032 = arith.index_cast %get3A_2030 : i32 to index
        %get3A_2033 = arith.index_cast %get3A_2031 : i32 to index
        %get3A_2034 = arith.index_cast %mul3A_2029 : i32 to index
        %get3A_2035 = arith.constant 0 : index
        %get3A_2036 = tpu.vector_load %arg15[%get3A_2032, %get3A_2033, %get3A_2034, %get3A_2035] {strides = array<i32>} : memref<2x4x104x32xf32, #tpu.memory_space<vmem>>, vector<1x1x1x16xf32>,
        %get3A_2037 = vector.shape_cast %get3A_2036 : vector<1x1x1x16xf32> to vector<16xf32>
        %add3A_2038 = arith.addf %add3A_1988, %get3A_2037 : vector<16xf32>
        %mul3A_2039 = arith.constant 2 : i32
        %mul3A_2040 = arith.muli %mul3A_2039, %scan3A_2027 : i32
        %get3A_2041 = arith.constant 0 : i32
        %get3A_2042 = arith.constant 1 : i32
        %get3A_2043 = arith.index_cast %get3A_2041 : i32 to index
        %get3A_2044 = arith.index_cast %get3A_2042 : i32 to index
        %get3A_2045 = arith.index_cast %mul3A_2040 : i32 to index
        %get3A_2046 = arith.constant 16 : index
        %get3A_2047 = tpu.vector_load %arg15[%get3A_2043, %get3A_2044, %get3A_2045, %get3A_2046] {strides = array<i32>} : memref<2x4x104x32xf32, #tpu.memory_space<vmem>>, vector<1x1x1x16xf32>,
        %get3A_2048 = vector.shape_cast %get3A_2047 : vector<1x1x1x16xf32> to vector<16xf32>
        %add3A_2049 = arith.addf %add3A_1999, %get3A_2048 : vector<16xf32>
        %mul3A_2050 = arith.constant 2 : i32
        %mul3A_2051 = arith.muli %mul3A_2050, %scan3A_2027 : i32
        %add3A_2052 = arith.constant 1 : i32
        %add3A_2053 = arith.addi %mul3A_2051, %add3A_2052 : i32
        %get3A_2054 = arith.constant 0 : i32
        %get3A_2055 = arith.constant 1 : i32
        %get3A_2056 = arith.index_cast %get3A_2054 : i32 to index
        %get3A_2057 = arith.index_cast %get3A_2055 : i32 to index
        %get3A_2058 = arith.index_cast %add3A_2053 : i32 to index
        %get3A_2059 = arith.constant 0 : index
        %get3A_2060 = tpu.vector_load %arg15[%get3A_2056, %get3A_2057, %get3A_2058, %get3A_2059] {strides = array<i32>} : memref<2x4x104x32xf32, #tpu.memory_space<vmem>>, vector<1x1x1x16xf32>,
        %get3A_2061 = vector.shape_cast %get3A_2060 : vector<1x1x1x16xf32> to vector<16xf32>
        %add3A_2062 = arith.addf %add3A_2012, %get3A_2061 : vector<16xf32>
        %mul3A_2063 = arith.constant 2 : i32
        %mul3A_2064 = arith.muli %mul3A_2063, %scan3A_2027 : i32
        %add3A_2065 = arith.constant 1 : i32
        %add3A_2066 = arith.addi %mul3A_2064, %add3A_2065 : i32
        %get3A_2067 = arith.constant 0 : i32
        %get3A_2068 = arith.constant 1 : i32
        %get3A_2069 = arith.index_cast %get3A_2067 : i32 to index
        %get3A_2070 = arith.index_cast %get3A_2068 : i32 to index
        %get3A_2071 = arith.index_cast %add3A_2066 : i32 to index
        %get3A_2072 = arith.constant 16 : index
        %get3A_2073 = tpu.vector_load %arg15[%get3A_2069, %get3A_2070, %get3A_2071, %get3A_2072] {strides = array<i32>} : memref<2x4x104x32xf32, #tpu.memory_space<vmem>>, vector<1x1x1x16xf32>,
        %get3A_2074 = vector.shape_cast %get3A_2073 : vector<1x1x1x16xf32> to vector<16xf32>
        %add3A_2075 = arith.addf %add3A_2025, %get3A_2074 : vector<16xf32>
        %scan3A_2076 = arith.constant 2 : i32
        %scan3A_2077 = arith.addi %scan3A_1973, %scan3A_2076 : i32
        %mul3A_2078 = arith.constant 2 : i32
        %mul3A_2079 = arith.muli %mul3A_2078, %scan3A_2077 : i32
        %get3A_2080 = arith.constant 0 : i32
        %get3A_2081 = arith.constant 1 : i32
        %get3A_2082 = arith.index_cast %get3A_2080 : i32 to index
        %get3A_2083 = arith.index_cast %get3A_2081 : i32 to index
        %get3A_2084 = arith.index_cast %mul3A_2079 : i32 to index
        %get3A_2085 = arith.constant 0 : index
        %get3A_2086 = tpu.vector_load %arg15[%get3A_2082, %get3A_2083, %get3A_2084, %get3A_2085] {strides = array<i32>} : memref<2x4x104x32xf32, #tpu.memory_space<vmem>>, vector<1x1x1x16xf32>,
        %get3A_2087 = vector.shape_cast %get3A_2086 : vector<1x1x1x16xf32> to vector<16xf32>
        %add3A_2088 = arith.addf %add3A_2038, %get3A_2087 : vector<16xf32>
        %mul3A_2089 = arith.constant 2 : i32
        %mul3A_2090 = arith.muli %mul3A_2089, %scan3A_2077 : i32
        %get3A_2091 = arith.constant 0 : i32
        %get3A_2092 = arith.constant 1 : i32
        %get3A_2093 = arith.index_cast %get3A_2091 : i32 to index
        %get3A_2094 = arith.index_cast %get3A_2092 : i32 to index
        %get3A_2095 = arith.index_cast %mul3A_2090 : i32 to index
        %get3A_2096 = arith.constant 16 : index
        %get3A_2097 = tpu.vector_load %arg15[%get3A_2093, %get3A_2094, %get3A_2095, %get3A_2096] {strides = array<i32>} : memref<2x4x104x32xf32, #tpu.memory_space<vmem>>, vector<1x1x1x16xf32>,
        %get3A_2098 = vector.shape_cast %get3A_2097 : vector<1x1x1x16xf32> to vector<16xf32>
        %add3A_2099 = arith.addf %add3A_2049, %get3A_2098 : vector<16xf32>
        %mul3A_2100 = arith.constant 2 : i32
        %mul3A_2101 = arith.muli %mul3A_2100, %scan3A_2077 : i32
        %add3A_2102 = arith.constant 1 : i32
        %add3A_2103 = arith.addi %mul3A_2101, %add3A_2102 : i32
        %get3A_2104 = arith.constant 0 : i32
        %get3A_2105 = arith.constant 1 : i32
        %get3A_2106 = arith.index_cast %get3A_2104 : i32 to index
        %get3A_2107 = arith.index_cast %get3A_2105 : i32 to index
        %get3A_2108 = arith.index_cast %add3A_2103 : i32 to index
        %get3A_2109 = arith.constant 0 : index
        %get3A_2110 = tpu.vector_load %arg15[%get3A_2106, %get3A_2107, %get3A_2108, %get3A_2109] {strides = array<i32>} : memref<2x4x104x32xf32, #tpu.memory_space<vmem>>, vector<1x1x1x16xf32>,
        %get3A_2111 = vector.shape_cast %get3A_2110 : vector<1x1x1x16xf32> to vector<16xf32>
        %add3A_2112 = arith.addf %add3A_2062, %get3A_2111 : vector<16xf32>
        %mul3A_2113 = arith.constant 2 : i32
        %mul3A_2114 = arith.muli %mul3A_2113, %scan3A_2077 : i32
        %add3A_2115 = arith.constant 1 : i32
        %add3A_2116 = arith.addi %mul3A_2114, %add3A_2115 : i32
        %get3A_2117 = arith.constant 0 : i32
        %get3A_2118 = arith.constant 1 : i32
        %get3A_2119 = arith.index_cast %get3A_2117 : i32 to index
        %get3A_2120 = arith.index_cast %get3A_2118 : i32 to index
        %get3A_2121 = arith.index_cast %add3A_2116 : i32 to index
        %get3A_2122 = arith.constant 16 : index
        %get3A_2123 = tpu.vector_load %arg15[%get3A_2119, %get3A_2120, %get3A_2121, %get3A_2122] {strides = array<i32>} : memref<2x4x104x32xf32, #tpu.memory_space<vmem>>, vector<1x1x1x16xf32>,
        %get3A_2124 = vector.shape_cast %get3A_2123 : vector<1x1x1x16xf32> to vector<16xf32>
        %add3A_2125 = arith.addf %add3A_2075, %get3A_2124 : vector<16xf32>
        %scan3A_2126 = arith.constant 3 : i32
        %scan3A_2127 = arith.addi %scan3A_1973, %scan3A_2126 : i32
        %mul3A_2128 = arith.constant 2 : i32
        %mul3A_2129 = arith.muli %mul3A_2128, %scan3A_2127 : i32
        %get3A_2130 = arith.constant 0 : i32
        %get3A_2131 = arith.constant 1 : i32
        %get3A_2132 = arith.index_cast %get3A_2130 : i32 to index
        %get3A_2133 = arith.index_cast %get3A_2131 : i32 to index
        %get3A_2134 = arith.index_cast %mul3A_2129 : i32 to index
        %get3A_2135 = arith.constant 0 : index
        %get3A_2136 = tpu.vector_load %arg15[%get3A_2132, %get3A_2133, %get3A_2134, %get3A_2135] {strides = array<i32>} : memref<2x4x104x32xf32, #tpu.memory_space<vmem>>, vector<1x1x1x16xf32>,
        %get3A_2137 = vector.shape_cast %get3A_2136 : vector<1x1x1x16xf32> to vector<16xf32>
        %add3A_2138 = arith.addf %add3A_2088, %get3A_2137 : vector<16xf32>
        %mul3A_2139 = arith.constant 2 : i32
        %mul3A_2140 = arith.muli %mul3A_2139, %scan3A_2127 : i32
        %get3A_2141 = arith.constant 0 : i32
        %get3A_2142 = arith.constant 1 : i32
        %get3A_2143 = arith.index_cast %get3A_2141 : i32 to index
        %get3A_2144 = arith.index_cast %get3A_2142 : i32 to index
        %get3A_2145 = arith.index_cast %mul3A_2140 : i32 to index
        %get3A_2146 = arith.constant 16 : index
        %get3A_2147 = tpu.vector_load %arg15[%get3A_2143, %get3A_2144, %get3A_2145, %get3A_2146] {strides = array<i32>} : memref<2x4x104x32xf32, #tpu.memory_space<vmem>>, vector<1x1x1x16xf32>,
        %get3A_2148 = vector.shape_cast %get3A_2147 : vector<1x1x1x16xf32> to vector<16xf32>
        %add3A_2149 = arith.addf %add3A_2099, %get3A_2148 : vector<16xf32>
        %mul3A_2150 = arith.constant 2 : i32
        %mul3A_2151 = arith.muli %mul3A_2150, %scan3A_2127 : i32
        %add3A_2152 = arith.constant 1 : i32
        %add3A_2153 = arith.addi %mul3A_2151, %add3A_2152 : i32
        %get3A_2154 = arith.constant 0 : i32
        %get3A_2155 = arith.constant 1 : i32
        %get3A_2156 = arith.index_cast %get3A_2154 : i32 to index
        %get3A_2157 = arith.index_cast %get3A_2155 : i32 to index
        %get3A_2158 = arith.index_cast %add3A_2153 : i32 to index
        %get3A_2159 = arith.constant 0 : index
        %get3A_2160 = tpu.vector_load %arg15[%get3A_2156, %get3A_2157, %get3A_2158, %get3A_2159] {strides = array<i32>} : memref<2x4x104x32xf32, #tpu.memory_space<vmem>>, vector<1x1x1x16xf32>,
        %get3A_2161 = vector.shape_cast %get3A_2160 : vector<1x1x1x16xf32> to vector<16xf32>
        %add3A_2162 = arith.addf %add3A_2112, %get3A_2161 : vector<16xf32>
        %mul3A_2163 = arith.constant 2 : i32
        %mul3A_2164 = arith.muli %mul3A_2163, %scan3A_2127 : i32
        %add3A_2165 = arith.constant 1 : i32
        %add3A_2166 = arith.addi %mul3A_2164, %add3A_2165 : i32
        %get3A_2167 = arith.constant 0 : i32
        %get3A_2168 = arith.constant 1 : i32
        %get3A_2169 = arith.index_cast %get3A_2167 : i32 to index
        %get3A_2170 = arith.index_cast %get3A_2168 : i32 to index
        %get3A_2171 = arith.index_cast %add3A_2166 : i32 to index
        %get3A_2172 = arith.constant 16 : index
        %get3A_2173 = tpu.vector_load %arg15[%get3A_2169, %get3A_2170, %get3A_2171, %get3A_2172] {strides = array<i32>} : memref<2x4x104x32xf32, #tpu.memory_space<vmem>>, vector<1x1x1x16xf32>,
        %get3A_2174 = vector.shape_cast %get3A_2173 : vector<1x1x1x16xf32> to vector<16xf32>
        %add3A_2175 = arith.addf %add3A_2125, %get3A_2174 : vector<16xf32>
        scf.yield %add3A_2138, %add3A_2149, %add3A_2162, %add3A_2175 : vector<16xf32>, vector<16xf32>, vector<16xf32>, vector<16xf32>
      }
      %scan3A_627 = arith.constant 52 : i32
      %scan3A_628 = arith.constant 0 : i32
      %scan3A_629 = arith.constant 52 : i32
      %scan3A_630 = arith.addi %scan3A_628, %scan3A_629 : i32
      %scan3A_631 = arith.constant 4 : i32
      %scan3A_632:4 = scf.for %scan3A_1973 = %scan3A_628 to %scan3A_630 step %scan3A_631 iter_args(%scan3A_1974 = %scan3A_626#0, %scan3A_1975 = %scan3A_626#1, %scan3A_1976 = %scan3A_626#2, %scan3A_1977 = %scan3A_626#3) -> (vector<16xf32>, vector<16xf32>, vector<16xf32>, vector<16xf32>)  : i32 {
        %mul3A_1978 = arith.constant 2 : i32
        %mul3A_1979 = arith.muli %mul3A_1978, %scan3A_1973 : i32
        %get3A_1980 = arith.constant 0 : i32
        %get3A_1981 = arith.constant 2 : i32
        %get3A_1982 = arith.index_cast %get3A_1980 : i32 to index
        %get3A_1983 = arith.index_cast %get3A_1981 : i32 to index
        %get3A_1984 = arith.index_cast %mul3A_1979 : i32 to index
        %get3A_1985 = arith.constant 0 : index
        %get3A_1986 = tpu.vector_load %arg15[%get3A_1982, %get3A_1983, %get3A_1984, %get3A_1985] {strides = array<i32>} : memref<2x4x104x32xf32, #tpu.memory_space<vmem>>, vector<1x1x1x16xf32>,
        %get3A_1987 = vector.shape_cast %get3A_1986 : vector<1x1x1x16xf32> to vector<16xf32>
        %add3A_1988 = arith.addf %scan3A_1974, %get3A_1987 : vector<16xf32>
        %mul3A_1989 = arith.constant 2 : i32
        %mul3A_1990 = arith.muli %mul3A_1989, %scan3A_1973 : i32
        %get3A_1991 = arith.constant 0 : i32
        %get3A_1992 = arith.constant 2 : i32
        %get3A_1993 = arith.index_cast %get3A_1991 : i32 to index
        %get3A_1994 = arith.index_cast %get3A_1992 : i32 to index
        %get3A_1995 = arith.index_cast %mul3A_1990 : i32 to index
        %get3A_1996 = arith.constant 16 : index
        %get3A_1997 = tpu.vector_load %arg15[%get3A_1993, %get3A_1994, %get3A_1995, %get3A_1996] {strides = array<i32>} : memref<2x4x104x32xf32, #tpu.memory_space<vmem>>, vector<1x1x1x16xf32>,
        %get3A_1998 = vector.shape_cast %get3A_1997 : vector<1x1x1x16xf32> to vector<16xf32>
        %add3A_1999 = arith.addf %scan3A_1975, %get3A_1998 : vector<16xf32>
        %mul3A_2000 = arith.constant 2 : i32
        %mul3A_2001 = arith.muli %mul3A_2000, %scan3A_1973 : i32
        %add3A_2002 = arith.constant 1 : i32
        %add3A_2003 = arith.addi %mul3A_2001, %add3A_2002 : i32
        %get3A_2004 = arith.constant 0 : i32
        %get3A_2005 = arith.constant 2 : i32
        %get3A_2006 = arith.index_cast %get3A_2004 : i32 to index
        %get3A_2007 = arith.index_cast %get3A_2005 : i32 to index
        %get3A_2008 = arith.index_cast %add3A_2003 : i32 to index
        %get3A_2009 = arith.constant 0 : index
        %get3A_2010 = tpu.vector_load %arg15[%get3A_2006, %get3A_2007, %get3A_2008, %get3A_2009] {strides = array<i32>} : memref<2x4x104x32xf32, #tpu.memory_space<vmem>>, vector<1x1x1x16xf32>,
        %get3A_2011 = vector.shape_cast %get3A_2010 : vector<1x1x1x16xf32> to vector<16xf32>
        %add3A_2012 = arith.addf %scan3A_1976, %get3A_2011 : vector<16xf32>
        %mul3A_2013 = arith.constant 2 : i32
        %mul3A_2014 = arith.muli %mul3A_2013, %scan3A_1973 : i32
        %add3A_2015 = arith.constant 1 : i32
        %add3A_2016 = arith.addi %mul3A_2014, %add3A_2015 : i32
        %get3A_2017 = arith.constant 0 : i32
        %get3A_2018 = arith.constant 2 : i32
        %get3A_2019 = arith.index_cast %get3A_2017 : i32 to index
        %get3A_2020 = arith.index_cast %get3A_2018 : i32 to index
        %get3A_2021 = arith.index_cast %add3A_2016 : i32 to index
        %get3A_2022 = arith.constant 16 : index
        %get3A_2023 = tpu.vector_load %arg15[%get3A_2019, %get3A_2020, %get3A_2021, %get3A_2022] {strides = array<i32>} : memref<2x4x104x32xf32, #tpu.memory_space<vmem>>, vector<1x1x1x16xf32>,
        %get3A_2024 = vector.shape_cast %get3A_2023 : vector<1x1x1x16xf32> to vector<16xf32>
        %add3A_2025 = arith.addf %scan3A_1977, %get3A_2024 : vector<16xf32>
        %scan3A_2026 = arith.constant 1 : i32
        %scan3A_2027 = arith.addi %scan3A_1973, %scan3A_2026 : i32
        %mul3A_2028 = arith.constant 2 : i32
        %mul3A_2029 = arith.muli %mul3A_2028, %scan3A_2027 : i32
        %get3A_2030 = arith.constant 0 : i32
        %get3A_2031 = arith.constant 2 : i32
        %get3A_2032 = arith.index_cast %get3A_2030 : i32 to index
        %get3A_2033 = arith.index_cast %get3A_2031 : i32 to index
        %get3A_2034 = arith.index_cast %mul3A_2029 : i32 to index
        %get3A_2035 = arith.constant 0 : index
        %get3A_2036 = tpu.vector_load %arg15[%get3A_2032, %get3A_2033, %get3A_2034, %get3A_2035] {strides = array<i32>} : memref<2x4x104x32xf32, #tpu.memory_space<vmem>>, vector<1x1x1x16xf32>,
        %get3A_2037 = vector.shape_cast %get3A_2036 : vector<1x1x1x16xf32> to vector<16xf32>
        %add3A_2038 = arith.addf %add3A_1988, %get3A_2037 : vector<16xf32>
        %mul3A_2039 = arith.constant 2 : i32
        %mul3A_2040 = arith.muli %mul3A_2039, %scan3A_2027 : i32
        %get3A_2041 = arith.constant 0 : i32
        %get3A_2042 = arith.constant 2 : i32
        %get3A_2043 = arith.index_cast %get3A_2041 : i32 to index
        %get3A_2044 = arith.index_cast %get3A_2042 : i32 to index
        %get3A_2045 = arith.index_cast %mul3A_2040 : i32 to index
        %get3A_2046 = arith.constant 16 : index
        %get3A_2047 = tpu.vector_load %arg15[%get3A_2043, %get3A_2044, %get3A_2045, %get3A_2046] {strides = array<i32>} : memref<2x4x104x32xf32, #tpu.memory_space<vmem>>, vector<1x1x1x16xf32>,
        %get3A_2048 = vector.shape_cast %get3A_2047 : vector<1x1x1x16xf32> to vector<16xf32>
        %add3A_2049 = arith.addf %add3A_1999, %get3A_2048 : vector<16xf32>
        %mul3A_2050 = arith.constant 2 : i32
        %mul3A_2051 = arith.muli %mul3A_2050, %scan3A_2027 : i32
        %add3A_2052 = arith.constant 1 : i32
        %add3A_2053 = arith.addi %mul3A_2051, %add3A_2052 : i32
        %get3A_2054 = arith.constant 0 : i32
        %get3A_2055 = arith.constant 2 : i32
        %get3A_2056 = arith.index_cast %get3A_2054 : i32 to index
        %get3A_2057 = arith.index_cast %get3A_2055 : i32 to index
        %get3A_2058 = arith.index_cast %add3A_2053 : i32 to index
        %get3A_2059 = arith.constant 0 : index
        %get3A_2060 = tpu.vector_load %arg15[%get3A_2056, %get3A_2057, %get3A_2058, %get3A_2059] {strides = array<i32>} : memref<2x4x104x32xf32, #tpu.memory_space<vmem>>, vector<1x1x1x16xf32>,
        %get3A_2061 = vector.shape_cast %get3A_2060 : vector<1x1x1x16xf32> to vector<16xf32>
        %add3A_2062 = arith.addf %add3A_2012, %get3A_2061 : vector<16xf32>
        %mul3A_2063 = arith.constant 2 : i32
        %mul3A_2064 = arith.muli %mul3A_2063, %scan3A_2027 : i32
        %add3A_2065 = arith.constant 1 : i32
        %add3A_2066 = arith.addi %mul3A_2064, %add3A_2065 : i32
        %get3A_2067 = arith.constant 0 : i32
        %get3A_2068 = arith.constant 2 : i32
        %get3A_2069 = arith.index_cast %get3A_2067 : i32 to index
        %get3A_2070 = arith.index_cast %get3A_2068 : i32 to index
        %get3A_2071 = arith.index_cast %add3A_2066 : i32 to index
        %get3A_2072 = arith.constant 16 : index
        %get3A_2073 = tpu.vector_load %arg15[%get3A_2069, %get3A_2070, %get3A_2071, %get3A_2072] {strides = array<i32>} : memref<2x4x104x32xf32, #tpu.memory_space<vmem>>, vector<1x1x1x16xf32>,
        %get3A_2074 = vector.shape_cast %get3A_2073 : vector<1x1x1x16xf32> to vector<16xf32>
        %add3A_2075 = arith.addf %add3A_2025, %get3A_2074 : vector<16xf32>
        %scan3A_2076 = arith.constant 2 : i32
        %scan3A_2077 = arith.addi %scan3A_1973, %scan3A_2076 : i32
        %mul3A_2078 = arith.constant 2 : i32
        %mul3A_2079 = arith.muli %mul3A_2078, %scan3A_2077 : i32
        %get3A_2080 = arith.constant 0 : i32
        %get3A_2081 = arith.constant 2 : i32
        %get3A_2082 = arith.index_cast %get3A_2080 : i32 to index
        %get3A_2083 = arith.index_cast %get3A_2081 : i32 to index
        %get3A_2084 = arith.index_cast %mul3A_2079 : i32 to index
        %get3A_2085 = arith.constant 0 : index
        %get3A_2086 = tpu.vector_load %arg15[%get3A_2082, %get3A_2083, %get3A_2084, %get3A_2085] {strides = array<i32>} : memref<2x4x104x32xf32, #tpu.memory_space<vmem>>, vector<1x1x1x16xf32>,
        %get3A_2087 = vector.shape_cast %get3A_2086 : vector<1x1x1x16xf32> to vector<16xf32>
        %add3A_2088 = arith.addf %add3A_2038, %get3A_2087 : vector<16xf32>
        %mul3A_2089 = arith.constant 2 : i32
        %mul3A_2090 = arith.muli %mul3A_2089, %scan3A_2077 : i32
        %get3A_2091 = arith.constant 0 : i32
        %get3A_2092 = arith.constant 2 : i32
        %get3A_2093 = arith.index_cast %get3A_2091 : i32 to index
        %get3A_2094 = arith.index_cast %get3A_2092 : i32 to index
        %get3A_2095 = arith.index_cast %mul3A_2090 : i32 to index
        %get3A_2096 = arith.constant 16 : index
        %get3A_2097 = tpu.vector_load %arg15[%get3A_2093, %get3A_2094, %get3A_2095, %get3A_2096] {strides = array<i32>} : memref<2x4x104x32xf32, #tpu.memory_space<vmem>>, vector<1x1x1x16xf32>,
        %get3A_2098 = vector.shape_cast %get3A_2097 : vector<1x1x1x16xf32> to vector<16xf32>
        %add3A_2099 = arith.addf %add3A_2049, %get3A_2098 : vector<16xf32>
        %mul3A_2100 = arith.constant 2 : i32
        %mul3A_2101 = arith.muli %mul3A_2100, %scan3A_2077 : i32
        %add3A_2102 = arith.constant 1 : i32
        %add3A_2103 = arith.addi %mul3A_2101, %add3A_2102 : i32
        %get3A_2104 = arith.constant 0 : i32
        %get3A_2105 = arith.constant 2 : i32
        %get3A_2106 = arith.index_cast %get3A_2104 : i32 to index
        %get3A_2107 = arith.index_cast %get3A_2105 : i32 to index
        %get3A_2108 = arith.index_cast %add3A_2103 : i32 to index
        %get3A_2109 = arith.constant 0 : index
        %get3A_2110 = tpu.vector_load %arg15[%get3A_2106, %get3A_2107, %get3A_2108, %get3A_2109] {strides = array<i32>} : memref<2x4x104x32xf32, #tpu.memory_space<vmem>>, vector<1x1x1x16xf32>,
        %get3A_2111 = vector.shape_cast %get3A_2110 : vector<1x1x1x16xf32> to vector<16xf32>
        %add3A_2112 = arith.addf %add3A_2062, %get3A_2111 : vector<16xf32>
        %mul3A_2113 = arith.constant 2 : i32
        %mul3A_2114 = arith.muli %mul3A_2113, %scan3A_2077 : i32
        %add3A_2115 = arith.constant 1 : i32
        %add3A_2116 = arith.addi %mul3A_2114, %add3A_2115 : i32
        %get3A_2117 = arith.constant 0 : i32
        %get3A_2118 = arith.constant 2 : i32
        %get3A_2119 = arith.index_cast %get3A_2117 : i32 to index
        %get3A_2120 = arith.index_cast %get3A_2118 : i32 to index
        %get3A_2121 = arith.index_cast %add3A_2116 : i32 to index
        %get3A_2122 = arith.constant 16 : index
        %get3A_2123 = tpu.vector_load %arg15[%get3A_2119, %get3A_2120, %get3A_2121, %get3A_2122] {strides = array<i32>} : memref<2x4x104x32xf32, #tpu.memory_space<vmem>>, vector<1x1x1x16xf32>,
        %get3A_2124 = vector.shape_cast %get3A_2123 : vector<1x1x1x16xf32> to vector<16xf32>
        %add3A_2125 = arith.addf %add3A_2075, %get3A_2124 : vector<16xf32>
        %scan3A_2126 = arith.constant 3 : i32
        %scan3A_2127 = arith.addi %scan3A_1973, %scan3A_2126 : i32
        %mul3A_2128 = arith.constant 2 : i32
        %mul3A_2129 = arith.muli %mul3A_2128, %scan3A_2127 : i32
        %get3A_2130 = arith.constant 0 : i32
        %get3A_2131 = arith.constant 2 : i32
        %get3A_2132 = arith.index_cast %get3A_2130 : i32 to index
        %get3A_2133 = arith.index_cast %get3A_2131 : i32 to index
        %get3A_2134 = arith.index_cast %mul3A_2129 : i32 to index
        %get3A_2135 = arith.constant 0 : index
        %get3A_2136 = tpu.vector_load %arg15[%get3A_2132, %get3A_2133, %get3A_2134, %get3A_2135] {strides = array<i32>} : memref<2x4x104x32xf32, #tpu.memory_space<vmem>>, vector<1x1x1x16xf32>,
        %get3A_2137 = vector.shape_cast %get3A_2136 : vector<1x1x1x16xf32> to vector<16xf32>
        %add3A_2138 = arith.addf %add3A_2088, %get3A_2137 : vector<16xf32>
        %mul3A_2139 = arith.constant 2 : i32
        %mul3A_2140 = arith.muli %mul3A_2139, %scan3A_2127 : i32
        %get3A_2141 = arith.constant 0 : i32
        %get3A_2142 = arith.constant 2 : i32
        %get3A_2143 = arith.index_cast %get3A_2141 : i32 to index
        %get3A_2144 = arith.index_cast %get3A_2142 : i32 to index
        %get3A_2145 = arith.index_cast %mul3A_2140 : i32 to index
        %get3A_2146 = arith.constant 16 : index
        %get3A_2147 = tpu.vector_load %arg15[%get3A_2143, %get3A_2144, %get3A_2145, %get3A_2146] {strides = array<i32>} : memref<2x4x104x32xf32, #tpu.memory_space<vmem>>, vector<1x1x1x16xf32>,
        %get3A_2148 = vector.shape_cast %get3A_2147 : vector<1x1x1x16xf32> to vector<16xf32>
        %add3A_2149 = arith.addf %add3A_2099, %get3A_2148 : vector<16xf32>
        %mul3A_2150 = arith.constant 2 : i32
        %mul3A_2151 = arith.muli %mul3A_2150, %scan3A_2127 : i32
        %add3A_2152 = arith.constant 1 : i32
        %add3A_2153 = arith.addi %mul3A_2151, %add3A_2152 : i32
        %get3A_2154 = arith.constant 0 : i32
        %get3A_2155 = arith.constant 2 : i32
        %get3A_2156 = arith.index_cast %get3A_2154 : i32 to index
        %get3A_2157 = arith.index_cast %get3A_2155 : i32 to index
        %get3A_2158 = arith.index_cast %add3A_2153 : i32 to index
        %get3A_2159 = arith.constant 0 : index
        %get3A_2160 = tpu.vector_load %arg15[%get3A_2156, %get3A_2157, %get3A_2158, %get3A_2159] {strides = array<i32>} : memref<2x4x104x32xf32, #tpu.memory_space<vmem>>, vector<1x1x1x16xf32>,
        %get3A_2161 = vector.shape_cast %get3A_2160 : vector<1x1x1x16xf32> to vector<16xf32>
        %add3A_2162 = arith.addf %add3A_2112, %get3A_2161 : vector<16xf32>
        %mul3A_2163 = arith.constant 2 : i32
        %mul3A_2164 = arith.muli %mul3A_2163, %scan3A_2127 : i32
        %add3A_2165 = arith.constant 1 : i32
        %add3A_2166 = arith.addi %mul3A_2164, %add3A_2165 : i32
        %get3A_2167 = arith.constant 0 : i32
        %get3A_2168 = arith.constant 2 : i32
        %get3A_2169 = arith.index_cast %get3A_2167 : i32 to index
        %get3A_2170 = arith.index_cast %get3A_2168 : i32 to index
        %get3A_2171 = arith.index_cast %add3A_2166 : i32 to index
        %get3A_2172 = arith.constant 16 : index
        %get3A_2173 = tpu.vector_load %arg15[%get3A_2169, %get3A_2170, %get3A_2171, %get3A_2172] {strides = array<i32>} : memref<2x4x104x32xf32, #tpu.memory_space<vmem>>, vector<1x1x1x16xf32>,
        %get3A_2174 = vector.shape_cast %get3A_2173 : vector<1x1x1x16xf32> to vector<16xf32>
        %add3A_2175 = arith.addf %add3A_2125, %get3A_2174 : vector<16xf32>
        scf.yield %add3A_2138, %add3A_2149, %add3A_2162, %add3A_2175 : vector<16xf32>, vector<16xf32>, vector<16xf32>, vector<16xf32>
      }
      %scan3A_633 = arith.constant 52 : i32
      %scan3A_634 = arith.constant 0 : i32
      %scan3A_635 = arith.constant 44 : i32
      %scan3A_636 = arith.addi %scan3A_634, %scan3A_635 : i32
      %scan3A_637 = arith.constant 4 : i32
      %scan3A_638:4 = scf.for %scan3A_1973 = %scan3A_634 to %scan3A_636 step %scan3A_637 iter_args(%scan3A_1974 = %scan3A_632#0, %scan3A_1975 = %scan3A_632#1, %scan3A_1976 = %scan3A_632#2, %scan3A_1977 = %scan3A_632#3) -> (vector<16xf32>, vector<16xf32>, vector<16xf32>, vector<16xf32>)  : i32 {
        %mul3A_1978 = arith.constant 2 : i32
        %mul3A_1979 = arith.muli %mul3A_1978, %scan3A_1973 : i32
        %get3A_1980 = arith.constant 0 : i32
        %get3A_1981 = arith.constant 3 : i32
        %get3A_1982 = arith.index_cast %get3A_1980 : i32 to index
        %get3A_1983 = arith.index_cast %get3A_1981 : i32 to index
        %get3A_1984 = arith.index_cast %mul3A_1979 : i32 to index
        %get3A_1985 = arith.constant 0 : index
        %get3A_1986 = tpu.vector_load %arg15[%get3A_1982, %get3A_1983, %get3A_1984, %get3A_1985] {strides = array<i32>} : memref<2x4x104x32xf32, #tpu.memory_space<vmem>>, vector<1x1x1x16xf32>,
        %get3A_1987 = vector.shape_cast %get3A_1986 : vector<1x1x1x16xf32> to vector<16xf32>
        %add3A_1988 = arith.addf %scan3A_1974, %get3A_1987 : vector<16xf32>
        %mul3A_1989 = arith.constant 2 : i32
        %mul3A_1990 = arith.muli %mul3A_1989, %scan3A_1973 : i32
        %get3A_1991 = arith.constant 0 : i32
        %get3A_1992 = arith.constant 3 : i32
        %get3A_1993 = arith.index_cast %get3A_1991 : i32 to index
        %get3A_1994 = arith.index_cast %get3A_1992 : i32 to index
        %get3A_1995 = arith.index_cast %mul3A_1990 : i32 to index
        %get3A_1996 = arith.constant 16 : index
        %get3A_1997 = tpu.vector_load %arg15[%get3A_1993, %get3A_1994, %get3A_1995, %get3A_1996] {strides = array<i32>} : memref<2x4x104x32xf32, #tpu.memory_space<vmem>>, vector<1x1x1x16xf32>,
        %get3A_1998 = vector.shape_cast %get3A_1997 : vector<1x1x1x16xf32> to vector<16xf32>
        %add3A_1999 = arith.addf %scan3A_1975, %get3A_1998 : vector<16xf32>
        %mul3A_2000 = arith.constant 2 : i32
        %mul3A_2001 = arith.muli %mul3A_2000, %scan3A_1973 : i32
        %add3A_2002 = arith.constant 1 : i32
        %add3A_2003 = arith.addi %mul3A_2001, %add3A_2002 : i32
        %get3A_2004 = arith.constant 0 : i32
        %get3A_2005 = arith.constant 3 : i32
        %get3A_2006 = arith.index_cast %get3A_2004 : i32 to index
        %get3A_2007 = arith.index_cast %get3A_2005 : i32 to index
        %get3A_2008 = arith.index_cast %add3A_2003 : i32 to index
        %get3A_2009 = arith.constant 0 : index
        %get3A_2010 = tpu.vector_load %arg15[%get3A_2006, %get3A_2007, %get3A_2008, %get3A_2009] {strides = array<i32>} : memref<2x4x104x32xf32, #tpu.memory_space<vmem>>, vector<1x1x1x16xf32>,
        %get3A_2011 = vector.shape_cast %get3A_2010 : vector<1x1x1x16xf32> to vector<16xf32>
        %add3A_2012 = arith.addf %scan3A_1976, %get3A_2011 : vector<16xf32>
        %mul3A_2013 = arith.constant 2 : i32
        %mul3A_2014 = arith.muli %mul3A_2013, %scan3A_1973 : i32
        %add3A_2015 = arith.constant 1 : i32
        %add3A_2016 = arith.addi %mul3A_2014, %add3A_2015 : i32
        %get3A_2017 = arith.constant 0 : i32
        %get3A_2018 = arith.constant 3 : i32
        %get3A_2019 = arith.index_cast %get3A_2017 : i32 to index
        %get3A_2020 = arith.index_cast %get3A_2018 : i32 to index
        %get3A_2021 = arith.index_cast %add3A_2016 : i32 to index
        %get3A_2022 = arith.constant 16 : index
        %get3A_2023 = tpu.vector_load %arg15[%get3A_2019, %get3A_2020, %get3A_2021, %get3A_2022] {strides = array<i32>} : memref<2x4x104x32xf32, #tpu.memory_space<vmem>>, vector<1x1x1x16xf32>,
        %get3A_2024 = vector.shape_cast %get3A_2023 : vector<1x1x1x16xf32> to vector<16xf32>
        %add3A_2025 = arith.addf %scan3A_1977, %get3A_2024 : vector<16xf32>
        %scan3A_2026 = arith.constant 1 : i32
        %scan3A_2027 = arith.addi %scan3A_1973, %scan3A_2026 : i32
        %mul3A_2028 = arith.constant 2 : i32
        %mul3A_2029 = arith.muli %mul3A_2028, %scan3A_2027 : i32
        %get3A_2030 = arith.constant 0 : i32
        %get3A_2031 = arith.constant 3 : i32
        %get3A_2032 = arith.index_cast %get3A_2030 : i32 to index
        %get3A_2033 = arith.index_cast %get3A_2031 : i32 to index
        %get3A_2034 = arith.index_cast %mul3A_2029 : i32 to index
        %get3A_2035 = arith.constant 0 : index
        %get3A_2036 = tpu.vector_load %arg15[%get3A_2032, %get3A_2033, %get3A_2034, %get3A_2035] {strides = array<i32>} : memref<2x4x104x32xf32, #tpu.memory_space<vmem>>, vector<1x1x1x16xf32>,
        %get3A_2037 = vector.shape_cast %get3A_2036 : vector<1x1x1x16xf32> to vector<16xf32>
        %add3A_2038 = arith.addf %add3A_1988, %get3A_2037 : vector<16xf32>
        %mul3A_2039 = arith.constant 2 : i32
        %mul3A_2040 = arith.muli %mul3A_2039, %scan3A_2027 : i32
        %get3A_2041 = arith.constant 0 : i32
        %get3A_2042 = arith.constant 3 : i32
        %get3A_2043 = arith.index_cast %get3A_2041 : i32 to index
        %get3A_2044 = arith.index_cast %get3A_2042 : i32 to index
        %get3A_2045 = arith.index_cast %mul3A_2040 : i32 to index
        %get3A_2046 = arith.constant 16 : index
        %get3A_2047 = tpu.vector_load %arg15[%get3A_2043, %get3A_2044, %get3A_2045, %get3A_2046] {strides = array<i32>} : memref<2x4x104x32xf32, #tpu.memory_space<vmem>>, vector<1x1x1x16xf32>,
        %get3A_2048 = vector.shape_cast %get3A_2047 : vector<1x1x1x16xf32> to vector<16xf32>
        %add3A_2049 = arith.addf %add3A_1999, %get3A_2048 : vector<16xf32>
        %mul3A_2050 = arith.constant 2 : i32
        %mul3A_2051 = arith.muli %mul3A_2050, %scan3A_2027 : i32
        %add3A_2052 = arith.constant 1 : i32
        %add3A_2053 = arith.addi %mul3A_2051, %add3A_2052 : i32
        %get3A_2054 = arith.constant 0 : i32
        %get3A_2055 = arith.constant 3 : i32
        %get3A_2056 = arith.index_cast %get3A_2054 : i32 to index
        %get3A_2057 = arith.index_cast %get3A_2055 : i32 to index
        %get3A_2058 = arith.index_cast %add3A_2053 : i32 to index
        %get3A_2059 = arith.constant 0 : index
        %get3A_2060 = tpu.vector_load %arg15[%get3A_2056, %get3A_2057, %get3A_2058, %get3A_2059] {strides = array<i32>} : memref<2x4x104x32xf32, #tpu.memory_space<vmem>>, vector<1x1x1x16xf32>,
        %get3A_2061 = vector.shape_cast %get3A_2060 : vector<1x1x1x16xf32> to vector<16xf32>
        %add3A_2062 = arith.addf %add3A_2012, %get3A_2061 : vector<16xf32>
        %mul3A_2063 = arith.constant 2 : i32
        %mul3A_2064 = arith.muli %mul3A_2063, %scan3A_2027 : i32
        %add3A_2065 = arith.constant 1 : i32
        %add3A_2066 = arith.addi %mul3A_2064, %add3A_2065 : i32
        %get3A_2067 = arith.constant 0 : i32
        %get3A_2068 = arith.constant 3 : i32
        %get3A_2069 = arith.index_cast %get3A_2067 : i32 to index
        %get3A_2070 = arith.index_cast %get3A_2068 : i32 to index
        %get3A_2071 = arith.index_cast %add3A_2066 : i32 to index
        %get3A_2072 = arith.constant 16 : index
        %get3A_2073 = tpu.vector_load %arg15[%get3A_2069, %get3A_2070, %get3A_2071, %get3A_2072] {strides = array<i32>} : memref<2x4x104x32xf32, #tpu.memory_space<vmem>>, vector<1x1x1x16xf32>,
        %get3A_2074 = vector.shape_cast %get3A_2073 : vector<1x1x1x16xf32> to vector<16xf32>
        %add3A_2075 = arith.addf %add3A_2025, %get3A_2074 : vector<16xf32>
        %scan3A_2076 = arith.constant 2 : i32
        %scan3A_2077 = arith.addi %scan3A_1973, %scan3A_2076 : i32
        %mul3A_2078 = arith.constant 2 : i32
        %mul3A_2079 = arith.muli %mul3A_2078, %scan3A_2077 : i32
        %get3A_2080 = arith.constant 0 : i32
        %get3A_2081 = arith.constant 3 : i32
        %get3A_2082 = arith.index_cast %get3A_2080 : i32 to index
        %get3A_2083 = arith.index_cast %get3A_2081 : i32 to index
        %get3A_2084 = arith.index_cast %mul3A_2079 : i32 to index
        %get3A_2085 = arith.constant 0 : index
        %get3A_2086 = tpu.vector_load %arg15[%get3A_2082, %get3A_2083, %get3A_2084, %get3A_2085] {strides = array<i32>} : memref<2x4x104x32xf32, #tpu.memory_space<vmem>>, vector<1x1x1x16xf32>,
        %get3A_2087 = vector.shape_cast %get3A_2086 : vector<1x1x1x16xf32> to vector<16xf32>
        %add3A_2088 = arith.addf %add3A_2038, %get3A_2087 : vector<16xf32>
        %mul3A_2089 = arith.constant 2 : i32
        %mul3A_2090 = arith.muli %mul3A_2089, %scan3A_2077 : i32
        %get3A_2091 = arith.constant 0 : i32
        %get3A_2092 = arith.constant 3 : i32
        %get3A_2093 = arith.index_cast %get3A_2091 : i32 to index
        %get3A_2094 = arith.index_cast %get3A_2092 : i32 to index
        %get3A_2095 = arith.index_cast %mul3A_2090 : i32 to index
        %get3A_2096 = arith.constant 16 : index
        %get3A_2097 = tpu.vector_load %arg15[%get3A_2093, %get3A_2094, %get3A_2095, %get3A_2096] {strides = array<i32>} : memref<2x4x104x32xf32, #tpu.memory_space<vmem>>, vector<1x1x1x16xf32>,
        %get3A_2098 = vector.shape_cast %get3A_2097 : vector<1x1x1x16xf32> to vector<16xf32>
        %add3A_2099 = arith.addf %add3A_2049, %get3A_2098 : vector<16xf32>
        %mul3A_2100 = arith.constant 2 : i32
        %mul3A_2101 = arith.muli %mul3A_2100, %scan3A_2077 : i32
        %add3A_2102 = arith.constant 1 : i32
        %add3A_2103 = arith.addi %mul3A_2101, %add3A_2102 : i32
        %get3A_2104 = arith.constant 0 : i32
        %get3A_2105 = arith.constant 3 : i32
        %get3A_2106 = arith.index_cast %get3A_2104 : i32 to index
        %get3A_2107 = arith.index_cast %get3A_2105 : i32 to index
        %get3A_2108 = arith.index_cast %add3A_2103 : i32 to index
        %get3A_2109 = arith.constant 0 : index
        %get3A_2110 = tpu.vector_load %arg15[%get3A_2106, %get3A_2107, %get3A_2108, %get3A_2109] {strides = array<i32>} : memref<2x4x104x32xf32, #tpu.memory_space<vmem>>, vector<1x1x1x16xf32>,
        %get3A_2111 = vector.shape_cast %get3A_2110 : vector<1x1x1x16xf32> to vector<16xf32>
        %add3A_2112 = arith.addf %add3A_2062, %get3A_2111 : vector<16xf32>
        %mul3A_2113 = arith.constant 2 : i32
        %mul3A_2114 = arith.muli %mul3A_2113, %scan3A_2077 : i32
        %add3A_2115 = arith.constant 1 : i32
        %add3A_2116 = arith.addi %mul3A_2114, %add3A_2115 : i32
        %get3A_2117 = arith.constant 0 : i32
        %get3A_2118 = arith.constant 3 : i32
        %get3A_2119 = arith.index_cast %get3A_2117 : i32 to index
        %get3A_2120 = arith.index_cast %get3A_2118 : i32 to index
        %get3A_2121 = arith.index_cast %add3A_2116 : i32 to index
        %get3A_2122 = arith.constant 16 : index
        %get3A_2123 = tpu.vector_load %arg15[%get3A_2119, %get3A_2120, %get3A_2121, %get3A_2122] {strides = array<i32>} : memref<2x4x104x32xf32, #tpu.memory_space<vmem>>, vector<1x1x1x16xf32>,
        %get3A_2124 = vector.shape_cast %get3A_2123 : vector<1x1x1x16xf32> to vector<16xf32>
        %add3A_2125 = arith.addf %add3A_2075, %get3A_2124 : vector<16xf32>
        %scan3A_2126 = arith.constant 3 : i32
        %scan3A_2127 = arith.addi %scan3A_1973, %scan3A_2126 : i32
        %mul3A_2128 = arith.constant 2 : i32
        %mul3A_2129 = arith.muli %mul3A_2128, %scan3A_2127 : i32
        %get3A_2130 = arith.constant 0 : i32
        %get3A_2131 = arith.constant 3 : i32
        %get3A_2132 = arith.index_cast %get3A_2130 : i32 to index
        %get3A_2133 = arith.index_cast %get3A_2131 : i32 to index
        %get3A_2134 = arith.index_cast %mul3A_2129 : i32 to index
        %get3A_2135 = arith.constant 0 : index
        %get3A_2136 = tpu.vector_load %arg15[%get3A_2132, %get3A_2133, %get3A_2134, %get3A_2135] {strides = array<i32>} : memref<2x4x104x32xf32, #tpu.memory_space<vmem>>, vector<1x1x1x16xf32>,
        %get3A_2137 = vector.shape_cast %get3A_2136 : vector<1x1x1x16xf32> to vector<16xf32>
        %add3A_2138 = arith.addf %add3A_2088, %get3A_2137 : vector<16xf32>
        %mul3A_2139 = arith.constant 2 : i32
        %mul3A_2140 = arith.muli %mul3A_2139, %scan3A_2127 : i32
        %get3A_2141 = arith.constant 0 : i32
        %get3A_2142 = arith.constant 3 : i32
        %get3A_2143 = arith.index_cast %get3A_2141 : i32 to index
        %get3A_2144 = arith.index_cast %get3A_2142 : i32 to index
        %get3A_2145 = arith.index_cast %mul3A_2140 : i32 to index
        %get3A_2146 = arith.constant 16 : index
        %get3A_2147 = tpu.vector_load %arg15[%get3A_2143, %get3A_2144, %get3A_2145, %get3A_2146] {strides = array<i32>} : memref<2x4x104x32xf32, #tpu.memory_space<vmem>>, vector<1x1x1x16xf32>,
        %get3A_2148 = vector.shape_cast %get3A_2147 : vector<1x1x1x16xf32> to vector<16xf32>
        %add3A_2149 = arith.addf %add3A_2099, %get3A_2148 : vector<16xf32>
        %mul3A_2150 = arith.constant 2 : i32
        %mul3A_2151 = arith.muli %mul3A_2150, %scan3A_2127 : i32
        %add3A_2152 = arith.constant 1 : i32
        %add3A_2153 = arith.addi %mul3A_2151, %add3A_2152 : i32
        %get3A_2154 = arith.constant 0 : i32
        %get3A_2155 = arith.constant 3 : i32
        %get3A_2156 = arith.index_cast %get3A_2154 : i32 to index
        %get3A_2157 = arith.index_cast %get3A_2155 : i32 to index
        %get3A_2158 = arith.index_cast %add3A_2153 : i32 to index
        %get3A_2159 = arith.constant 0 : index
        %get3A_2160 = tpu.vector_load %arg15[%get3A_2156, %get3A_2157, %get3A_2158, %get3A_2159] {strides = array<i32>} : memref<2x4x104x32xf32, #tpu.memory_space<vmem>>, vector<1x1x1x16xf32>,
        %get3A_2161 = vector.shape_cast %get3A_2160 : vector<1x1x1x16xf32> to vector<16xf32>
        %add3A_2162 = arith.addf %add3A_2112, %get3A_2161 : vector<16xf32>
        %mul3A_2163 = arith.constant 2 : i32
        %mul3A_2164 = arith.muli %mul3A_2163, %scan3A_2127 : i32
        %add3A_2165 = arith.constant 1 : i32
        %add3A_2166 = arith.addi %mul3A_2164, %add3A_2165 : i32
        %get3A_2167 = arith.constant 0 : i32
        %get3A_2168 = arith.constant 3 : i32
        %get3A_2169 = arith.index_cast %get3A_2167 : i32 to index
        %get3A_2170 = arith.index_cast %get3A_2168 : i32 to index
        %get3A_2171 = arith.index_cast %add3A_2166 : i32 to index
        %get3A_2172 = arith.constant 16 : index
        %get3A_2173 = tpu.vector_load %arg15[%get3A_2169, %get3A_2170, %get3A_2171, %get3A_2172] {strides = array<i32>} : memref<2x4x104x32xf32, #tpu.memory_space<vmem>>, vector<1x1x1x16xf32>,
        %get3A_2174 = vector.shape_cast %get3A_2173 : vector<1x1x1x16xf32> to vector<16xf32>
        %add3A_2175 = arith.addf %add3A_2125, %get3A_2174 : vector<16xf32>
        scf.yield %add3A_2138, %add3A_2149, %add3A_2162, %add3A_2175 : vector<16xf32>, vector<16xf32>, vector<16xf32>, vector<16xf32>
      }
      %scan3A_639 = arith.constant 44 : i32
      %mul3A_640 = arith.constant 5.000000e-03 : f32
      %mul3A_641 = vector.broadcast %mul3A_640 : f32 to vector<16xf32>
      %mul3A_642 = arith.mulf %scan3A_638#0, %mul3A_641 : vector<16xf32>
      %swap3A_643 = arith.constant 4 : i32
      %swap3A_644 = arith.index_cast %add3A_481 : i32 to index
      %swap3A_645 = arith.index_cast %swap3A_643 : i32 to index
      %swap3A_646 = arith.constant 0 : index
      %swap3A_647 = tpu.vector_load %arg21[%swap3A_644, %swap3A_645, %swap3A_646] {strides = array<i32>} : memref<128x7x32xf32, #tpu.memory_space<vmem>>, vector<1x1x16xf32>,
      %swap3A_648 = vector.shape_cast %swap3A_647 : vector<1x1x16xf32> to vector<16xf32>
      %swap3A_649 = vector.shape_cast %mul3A_642 : vector<16xf32> to vector<1x1x16xf32>
      tpu.vector_store %arg21[%swap3A_644, %swap3A_645, %swap3A_646], %swap3A_649 {strides = array<i32>} : memref<128x7x32xf32, #tpu.memory_space<vmem>>, vector<1x1x16xf32>,
      %mul3A_650 = arith.constant 5.000000e-03 : f32
      %mul3A_651 = vector.broadcast %mul3A_650 : f32 to vector<16xf32>
      %mul3A_652 = arith.mulf %scan3A_638#1, %mul3A_651 : vector<16xf32>
      %swap3A_653 = arith.constant 4 : i32
      %swap3A_654 = arith.index_cast %add3A_481 : i32 to index
      %swap3A_655 = arith.index_cast %swap3A_653 : i32 to index
      %swap3A_656 = arith.constant 16 : index
      %swap3A_657 = tpu.vector_load %arg21[%swap3A_654, %swap3A_655, %swap3A_656] {strides = array<i32>} : memref<128x7x32xf32, #tpu.memory_space<vmem>>, vector<1x1x16xf32>,
      %swap3A_658 = vector.shape_cast %swap3A_657 : vector<1x1x16xf32> to vector<16xf32>
      %swap3A_659 = vector.shape_cast %mul3A_652 : vector<16xf32> to vector<1x1x16xf32>
      tpu.vector_store %arg21[%swap3A_654, %swap3A_655, %swap3A_656], %swap3A_659 {strides = array<i32>} : memref<128x7x32xf32, #tpu.memory_space<vmem>>, vector<1x1x16xf32>,
      %mul3A_660 = arith.constant 5.000000e-03 : f32
      %mul3A_661 = vector.broadcast %mul3A_660 : f32 to vector<16xf32>
      %mul3A_662 = arith.mulf %scan3A_638#2, %mul3A_661 : vector<16xf32>
      %swap3A_663 = arith.constant 5 : i32
      %swap3A_664 = arith.index_cast %add3A_481 : i32 to index
      %swap3A_665 = arith.index_cast %swap3A_663 : i32 to index
      %swap3A_666 = arith.constant 0 : index
      %swap3A_667 = tpu.vector_load %arg21[%swap3A_664, %swap3A_665, %swap3A_666] {strides = array<i32>} : memref<128x7x32xf32, #tpu.memory_space<vmem>>, vector<1x1x16xf32>,
      %swap3A_668 = vector.shape_cast %swap3A_667 : vector<1x1x16xf32> to vector<16xf32>
      %swap3A_669 = vector.shape_cast %mul3A_662 : vector<16xf32> to vector<1x1x16xf32>
      tpu.vector_store %arg21[%swap3A_664, %swap3A_665, %swap3A_666], %swap3A_669 {strides = array<i32>} : memref<128x7x32xf32, #tpu.memory_space<vmem>>, vector<1x1x16xf32>,
      %mul3A_670 = arith.constant 5.000000e-03 : f32
      %mul3A_671 = vector.broadcast %mul3A_670 : f32 to vector<16xf32>
      %mul3A_672 = arith.mulf %scan3A_638#3, %mul3A_671 : vector<16xf32>
      %swap3A_673 = arith.constant 5 : i32
      %swap3A_674 = arith.index_cast %add3A_481 : i32 to index
      %swap3A_675 = arith.index_cast %swap3A_673 : i32 to index
      %swap3A_676 = arith.constant 16 : index
      %swap3A_677 = tpu.vector_load %arg21[%swap3A_674, %swap3A_675, %swap3A_676] {strides = array<i32>} : memref<128x7x32xf32, #tpu.memory_space<vmem>>, vector<1x1x16xf32>,
      %swap3A_678 = vector.shape_cast %swap3A_677 : vector<1x1x16xf32> to vector<16xf32>
      %swap3A_679 = vector.shape_cast %mul3A_672 : vector<16xf32> to vector<1x1x16xf32>
      tpu.vector_store %arg21[%swap3A_674, %swap3A_675, %swap3A_676], %swap3A_679 {strides = array<i32>} : memref<128x7x32xf32, #tpu.memory_space<vmem>>, vector<1x1x16xf32>,
      %broadcast_in_dim3A_680 = arith.constant 1.000000e+00 : f32
      %broadcast_in_dim3A_681 = vector.broadcast %broadcast_in_dim3A_680 : f32 to vector<16xf32>
      %get3A_682 = arith.constant 0 : i32
      %get3A_683 = arith.constant 0 : i32
      %get3A_684 = arith.index_cast %get3A_682 : i32 to index
      %get3A_685 = arith.index_cast %get3A_683 : i32 to index
      %get3A_686 = arith.constant 0 : index
      %get3A_687 = tpu.vector_load %arg13[%get3A_684, %get3A_685, %get3A_686] {strides = array<i32>} : memref<2x1x208xi32, #tpu.memory_space<vmem>>, vector<1x1x16xi32>,
      %get3A_688 = vector.shape_cast %get3A_687 : vector<1x1x16xi32> to vector<16xi32>
      %eq3A = arith.constant 0 : i32
      %eq3A_689 = vector.broadcast %eq3A : i32 to vector<16xi32>
      %eq3A_690 = arith.cmpi eq, %get3A_688, %eq3A_689 : vector<16xi32>
      %select_n3A = arith.select %eq3A_690, %broadcast_in_dim3A_681, %broadcast_in_dim3A_3 : vector<16xi1>, vector<16xf32>
      %add3A_691 = arith.addf %broadcast_in_dim3A_3, %select_n3A : vector<16xf32>
      %eq3A_692 = arith.constant 1 : i32
      %eq3A_693 = vector.broadcast %eq3A_692 : i32 to vector<16xi32>
      %eq3A_694 = arith.cmpi eq, %get3A_688, %eq3A_693 : vector<16xi32>
      %select_n3A_695 = arith.select %eq3A_694, %broadcast_in_dim3A_681, %broadcast_in_dim3A_3 : vector<16xi1>, vector<16xf32>
      %add3A_696 = arith.addf %broadcast_in_dim3A_3, %select_n3A_695 : vector<16xf32>
      %eq3A_697 = arith.constant 2 : i32
      %eq3A_698 = vector.broadcast %eq3A_697 : i32 to vector<16xi32>
      %eq3A_699 = arith.cmpi eq, %get3A_688, %eq3A_698 : vector<16xi32>
      %select_n3A_700 = arith.select %eq3A_699, %broadcast_in_dim3A_681, %broadcast_in_dim3A_3 : vector<16xi1>, vector<16xf32>
      %add3A_701 = arith.addf %broadcast_in_dim3A_3, %select_n3A_700 : vector<16xf32>
      %eq3A_702 = arith.constant 3 : i32
      %eq3A_703 = vector.broadcast %eq3A_702 : i32 to vector<16xi32>
      %eq3A_704 = arith.cmpi eq, %get3A_688, %eq3A_703 : vector<16xi32>
      %select_n3A_705 = arith.select %eq3A_704, %broadcast_in_dim3A_681, %broadcast_in_dim3A_3 : vector<16xi1>, vector<16xf32>
      %add3A_706 = arith.addf %broadcast_in_dim3A_3, %select_n3A_705 : vector<16xf32>
      %eq3A_707 = arith.constant 4 : i32
      %eq3A_708 = vector.broadcast %eq3A_707 : i32 to vector<16xi32>
      %eq3A_709 = arith.cmpi eq, %get3A_688, %eq3A_708 : vector<16xi32>
      %select_n3A_710 = arith.select %eq3A_709, %broadcast_in_dim3A_681, %broadcast_in_dim3A_3 : vector<16xi1>, vector<16xf32>
      %add3A_711 = arith.addf %broadcast_in_dim3A_3, %select_n3A_710 : vector<16xf32>
      %get3A_712 = arith.constant 0 : i32
      %get3A_713 = arith.constant 0 : i32
      %get3A_714 = arith.index_cast %get3A_712 : i32 to index
      %get3A_715 = arith.index_cast %get3A_713 : i32 to index
      %get3A_716 = arith.constant 16 : index
      %get3A_717 = tpu.vector_load %arg13[%get3A_714, %get3A_715, %get3A_716] {strides = array<i32>} : memref<2x1x208xi32, #tpu.memory_space<vmem>>, vector<1x1x16xi32>,
      %get3A_718 = vector.shape_cast %get3A_717 : vector<1x1x16xi32> to vector<16xi32>
      %eq3A_719 = arith.constant 0 : i32
      %eq3A_720 = vector.broadcast %eq3A_719 : i32 to vector<16xi32>
      %eq3A_721 = arith.cmpi eq, %get3A_718, %eq3A_720 : vector<16xi32>
      %select_n3A_722 = arith.select %eq3A_721, %broadcast_in_dim3A_681, %broadcast_in_dim3A_3 : vector<16xi1>, vector<16xf32>
      %add3A_723 = arith.addf %add3A_691, %select_n3A_722 : vector<16xf32>
      %eq3A_724 = arith.constant 1 : i32
      %eq3A_725 = vector.broadcast %eq3A_724 : i32 to vector<16xi32>
      %eq3A_726 = arith.cmpi eq, %get3A_718, %eq3A_725 : vector<16xi32>
      %select_n3A_727 = arith.select %eq3A_726, %broadcast_in_dim3A_681, %broadcast_in_dim3A_3 : vector<16xi1>, vector<16xf32>
      %add3A_728 = arith.addf %add3A_696, %select_n3A_727 : vector<16xf32>
      %eq3A_729 = arith.constant 2 : i32
      %eq3A_730 = vector.broadcast %eq3A_729 : i32 to vector<16xi32>
      %eq3A_731 = arith.cmpi eq, %get3A_718, %eq3A_730 : vector<16xi32>
      %select_n3A_732 = arith.select %eq3A_731, %broadcast_in_dim3A_681, %broadcast_in_dim3A_3 : vector<16xi1>, vector<16xf32>
      %add3A_733 = arith.addf %add3A_701, %select_n3A_732 : vector<16xf32>
      %eq3A_734 = arith.constant 3 : i32
      %eq3A_735 = vector.broadcast %eq3A_734 : i32 to vector<16xi32>
      %eq3A_736 = arith.cmpi eq, %get3A_718, %eq3A_735 : vector<16xi32>
      %select_n3A_737 = arith.select %eq3A_736, %broadcast_in_dim3A_681, %broadcast_in_dim3A_3 : vector<16xi1>, vector<16xf32>
      %add3A_738 = arith.addf %add3A_706, %select_n3A_737 : vector<16xf32>
      %eq3A_739 = arith.constant 4 : i32
      %eq3A_740 = vector.broadcast %eq3A_739 : i32 to vector<16xi32>
      %eq3A_741 = arith.cmpi eq, %get3A_718, %eq3A_740 : vector<16xi32>
      %select_n3A_742 = arith.select %eq3A_741, %broadcast_in_dim3A_681, %broadcast_in_dim3A_3 : vector<16xi1>, vector<16xf32>
      %add3A_743 = arith.addf %add3A_711, %select_n3A_742 : vector<16xf32>
      %get3A_744 = arith.constant 0 : i32
      %get3A_745 = arith.constant 0 : i32
      %get3A_746 = arith.index_cast %get3A_744 : i32 to index
      %get3A_747 = arith.index_cast %get3A_745 : i32 to index
      %get3A_748 = arith.constant 32 : index
      %get3A_749 = tpu.vector_load %arg13[%get3A_746, %get3A_747, %get3A_748] {strides = array<i32>} : memref<2x1x208xi32, #tpu.memory_space<vmem>>, vector<1x1x16xi32>,
      %get3A_750 = vector.shape_cast %get3A_749 : vector<1x1x16xi32> to vector<16xi32>
      %eq3A_751 = arith.constant 0 : i32
      %eq3A_752 = vector.broadcast %eq3A_751 : i32 to vector<16xi32>
      %eq3A_753 = arith.cmpi eq, %get3A_750, %eq3A_752 : vector<16xi32>
      %select_n3A_754 = arith.select %eq3A_753, %broadcast_in_dim3A_681, %broadcast_in_dim3A_3 : vector<16xi1>, vector<16xf32>
      %add3A_755 = arith.addf %add3A_723, %select_n3A_754 : vector<16xf32>
      %eq3A_756 = arith.constant 1 : i32
      %eq3A_757 = vector.broadcast %eq3A_756 : i32 to vector<16xi32>
      %eq3A_758 = arith.cmpi eq, %get3A_750, %eq3A_757 : vector<16xi32>
      %select_n3A_759 = arith.select %eq3A_758, %broadcast_in_dim3A_681, %broadcast_in_dim3A_3 : vector<16xi1>, vector<16xf32>
      %add3A_760 = arith.addf %add3A_728, %select_n3A_759 : vector<16xf32>
      %eq3A_761 = arith.constant 2 : i32
      %eq3A_762 = vector.broadcast %eq3A_761 : i32 to vector<16xi32>
      %eq3A_763 = arith.cmpi eq, %get3A_750, %eq3A_762 : vector<16xi32>
      %select_n3A_764 = arith.select %eq3A_763, %broadcast_in_dim3A_681, %broadcast_in_dim3A_3 : vector<16xi1>, vector<16xf32>
      %add3A_765 = arith.addf %add3A_733, %select_n3A_764 : vector<16xf32>
      %eq3A_766 = arith.constant 3 : i32
      %eq3A_767 = vector.broadcast %eq3A_766 : i32 to vector<16xi32>
      %eq3A_768 = arith.cmpi eq, %get3A_750, %eq3A_767 : vector<16xi32>
      %select_n3A_769 = arith.select %eq3A_768, %broadcast_in_dim3A_681, %broadcast_in_dim3A_3 : vector<16xi1>, vector<16xf32>
      %add3A_770 = arith.addf %add3A_738, %select_n3A_769 : vector<16xf32>
      %eq3A_771 = arith.constant 4 : i32
      %eq3A_772 = vector.broadcast %eq3A_771 : i32 to vector<16xi32>
      %eq3A_773 = arith.cmpi eq, %get3A_750, %eq3A_772 : vector<16xi32>
      %select_n3A_774 = arith.select %eq3A_773, %broadcast_in_dim3A_681, %broadcast_in_dim3A_3 : vector<16xi1>, vector<16xf32>
      %add3A_775 = arith.addf %add3A_743, %select_n3A_774 : vector<16xf32>
      %get3A_776 = arith.constant 0 : i32
      %get3A_777 = arith.constant 0 : i32
      %get3A_778 = arith.index_cast %get3A_776 : i32 to index
      %get3A_779 = arith.index_cast %get3A_777 : i32 to index
      %get3A_780 = arith.constant 48 : index
      %get3A_781 = tpu.vector_load %arg13[%get3A_778, %get3A_779, %get3A_780] {strides = array<i32>} : memref<2x1x208xi32, #tpu.memory_space<vmem>>, vector<1x1x16xi32>,
      %get3A_782 = vector.shape_cast %get3A_781 : vector<1x1x16xi32> to vector<16xi32>
      %eq3A_783 = arith.constant 0 : i32
      %eq3A_784 = vector.broadcast %eq3A_783 : i32 to vector<16xi32>
      %eq3A_785 = arith.cmpi eq, %get3A_782, %eq3A_784 : vector<16xi32>
      %select_n3A_786 = arith.select %eq3A_785, %broadcast_in_dim3A_681, %broadcast_in_dim3A_3 : vector<16xi1>, vector<16xf32>
      %add3A_787 = arith.addf %add3A_755, %select_n3A_786 : vector<16xf32>
      %eq3A_788 = arith.constant 1 : i32
      %eq3A_789 = vector.broadcast %eq3A_788 : i32 to vector<16xi32>
      %eq3A_790 = arith.cmpi eq, %get3A_782, %eq3A_789 : vector<16xi32>
      %select_n3A_791 = arith.select %eq3A_790, %broadcast_in_dim3A_681, %broadcast_in_dim3A_3 : vector<16xi1>, vector<16xf32>
      %add3A_792 = arith.addf %add3A_760, %select_n3A_791 : vector<16xf32>
      %eq3A_793 = arith.constant 2 : i32
      %eq3A_794 = vector.broadcast %eq3A_793 : i32 to vector<16xi32>
      %eq3A_795 = arith.cmpi eq, %get3A_782, %eq3A_794 : vector<16xi32>
      %select_n3A_796 = arith.select %eq3A_795, %broadcast_in_dim3A_681, %broadcast_in_dim3A_3 : vector<16xi1>, vector<16xf32>
      %add3A_797 = arith.addf %add3A_765, %select_n3A_796 : vector<16xf32>
      %eq3A_798 = arith.constant 3 : i32
      %eq3A_799 = vector.broadcast %eq3A_798 : i32 to vector<16xi32>
      %eq3A_800 = arith.cmpi eq, %get3A_782, %eq3A_799 : vector<16xi32>
      %select_n3A_801 = arith.select %eq3A_800, %broadcast_in_dim3A_681, %broadcast_in_dim3A_3 : vector<16xi1>, vector<16xf32>
      %add3A_802 = arith.addf %add3A_770, %select_n3A_801 : vector<16xf32>
      %eq3A_803 = arith.constant 4 : i32
      %eq3A_804 = vector.broadcast %eq3A_803 : i32 to vector<16xi32>
      %eq3A_805 = arith.cmpi eq, %get3A_782, %eq3A_804 : vector<16xi32>
      %select_n3A_806 = arith.select %eq3A_805, %broadcast_in_dim3A_681, %broadcast_in_dim3A_3 : vector<16xi1>, vector<16xf32>
      %add3A_807 = arith.addf %add3A_775, %select_n3A_806 : vector<16xf32>
      %get3A_808 = arith.constant 0 : i32
      %get3A_809 = arith.constant 0 : i32
      %get3A_810 = arith.index_cast %get3A_808 : i32 to index
      %get3A_811 = arith.index_cast %get3A_809 : i32 to index
      %get3A_812 = arith.constant 64 : index
      %get3A_813 = tpu.vector_load %arg13[%get3A_810, %get3A_811, %get3A_812] {strides = array<i32>} : memref<2x1x208xi32, #tpu.memory_space<vmem>>, vector<1x1x16xi32>,
      %get3A_814 = vector.shape_cast %get3A_813 : vector<1x1x16xi32> to vector<16xi32>
      %eq3A_815 = arith.constant 0 : i32
      %eq3A_816 = vector.broadcast %eq3A_815 : i32 to vector<16xi32>
      %eq3A_817 = arith.cmpi eq, %get3A_814, %eq3A_816 : vector<16xi32>
      %select_n3A_818 = arith.select %eq3A_817, %broadcast_in_dim3A_681, %broadcast_in_dim3A_3 : vector<16xi1>, vector<16xf32>
      %add3A_819 = arith.addf %add3A_787, %select_n3A_818 : vector<16xf32>
      %eq3A_820 = arith.constant 1 : i32
      %eq3A_821 = vector.broadcast %eq3A_820 : i32 to vector<16xi32>
      %eq3A_822 = arith.cmpi eq, %get3A_814, %eq3A_821 : vector<16xi32>
      %select_n3A_823 = arith.select %eq3A_822, %broadcast_in_dim3A_681, %broadcast_in_dim3A_3 : vector<16xi1>, vector<16xf32>
      %add3A_824 = arith.addf %add3A_792, %select_n3A_823 : vector<16xf32>
      %eq3A_825 = arith.constant 2 : i32
      %eq3A_826 = vector.broadcast %eq3A_825 : i32 to vector<16xi32>
      %eq3A_827 = arith.cmpi eq, %get3A_814, %eq3A_826 : vector<16xi32>
      %select_n3A_828 = arith.select %eq3A_827, %broadcast_in_dim3A_681, %broadcast_in_dim3A_3 : vector<16xi1>, vector<16xf32>
      %add3A_829 = arith.addf %add3A_797, %select_n3A_828 : vector<16xf32>
      %eq3A_830 = arith.constant 3 : i32
      %eq3A_831 = vector.broadcast %eq3A_830 : i32 to vector<16xi32>
      %eq3A_832 = arith.cmpi eq, %get3A_814, %eq3A_831 : vector<16xi32>
      %select_n3A_833 = arith.select %eq3A_832, %broadcast_in_dim3A_681, %broadcast_in_dim3A_3 : vector<16xi1>, vector<16xf32>
      %add3A_834 = arith.addf %add3A_802, %select_n3A_833 : vector<16xf32>
      %eq3A_835 = arith.constant 4 : i32
      %eq3A_836 = vector.broadcast %eq3A_835 : i32 to vector<16xi32>
      %eq3A_837 = arith.cmpi eq, %get3A_814, %eq3A_836 : vector<16xi32>
      %select_n3A_838 = arith.select %eq3A_837, %broadcast_in_dim3A_681, %broadcast_in_dim3A_3 : vector<16xi1>, vector<16xf32>
      %add3A_839 = arith.addf %add3A_807, %select_n3A_838 : vector<16xf32>
      %get3A_840 = arith.constant 0 : i32
      %get3A_841 = arith.constant 0 : i32
      %get3A_842 = arith.index_cast %get3A_840 : i32 to index
      %get3A_843 = arith.index_cast %get3A_841 : i32 to index
      %get3A_844 = arith.constant 80 : index
      %get3A_845 = tpu.vector_load %arg13[%get3A_842, %get3A_843, %get3A_844] {strides = array<i32>} : memref<2x1x208xi32, #tpu.memory_space<vmem>>, vector<1x1x16xi32>,
      %get3A_846 = vector.shape_cast %get3A_845 : vector<1x1x16xi32> to vector<16xi32>
      %eq3A_847 = arith.constant 0 : i32
      %eq3A_848 = vector.broadcast %eq3A_847 : i32 to vector<16xi32>
      %eq3A_849 = arith.cmpi eq, %get3A_846, %eq3A_848 : vector<16xi32>
      %select_n3A_850 = arith.select %eq3A_849, %broadcast_in_dim3A_681, %broadcast_in_dim3A_3 : vector<16xi1>, vector<16xf32>
      %add3A_851 = arith.addf %add3A_819, %select_n3A_850 : vector<16xf32>
      %eq3A_852 = arith.constant 1 : i32
      %eq3A_853 = vector.broadcast %eq3A_852 : i32 to vector<16xi32>
      %eq3A_854 = arith.cmpi eq, %get3A_846, %eq3A_853 : vector<16xi32>
      %select_n3A_855 = arith.select %eq3A_854, %broadcast_in_dim3A_681, %broadcast_in_dim3A_3 : vector<16xi1>, vector<16xf32>
      %add3A_856 = arith.addf %add3A_824, %select_n3A_855 : vector<16xf32>
      %eq3A_857 = arith.constant 2 : i32
      %eq3A_858 = vector.broadcast %eq3A_857 : i32 to vector<16xi32>
      %eq3A_859 = arith.cmpi eq, %get3A_846, %eq3A_858 : vector<16xi32>
      %select_n3A_860 = arith.select %eq3A_859, %broadcast_in_dim3A_681, %broadcast_in_dim3A_3 : vector<16xi1>, vector<16xf32>
      %add3A_861 = arith.addf %add3A_829, %select_n3A_860 : vector<16xf32>
      %eq3A_862 = arith.constant 3 : i32
      %eq3A_863 = vector.broadcast %eq3A_862 : i32 to vector<16xi32>
      %eq3A_864 = arith.cmpi eq, %get3A_846, %eq3A_863 : vector<16xi32>
      %select_n3A_865 = arith.select %eq3A_864, %broadcast_in_dim3A_681, %broadcast_in_dim3A_3 : vector<16xi1>, vector<16xf32>
      %add3A_866 = arith.addf %add3A_834, %select_n3A_865 : vector<16xf32>
      %eq3A_867 = arith.constant 4 : i32
      %eq3A_868 = vector.broadcast %eq3A_867 : i32 to vector<16xi32>
      %eq3A_869 = arith.cmpi eq, %get3A_846, %eq3A_868 : vector<16xi32>
      %select_n3A_870 = arith.select %eq3A_869, %broadcast_in_dim3A_681, %broadcast_in_dim3A_3 : vector<16xi1>, vector<16xf32>
      %add3A_871 = arith.addf %add3A_839, %select_n3A_870 : vector<16xf32>
      %get3A_872 = arith.constant 0 : i32
      %get3A_873 = arith.constant 0 : i32
      %get3A_874 = arith.index_cast %get3A_872 : i32 to index
      %get3A_875 = arith.index_cast %get3A_873 : i32 to index
      %get3A_876 = arith.constant 96 : index
      %get3A_877 = tpu.vector_load %arg13[%get3A_874, %get3A_875, %get3A_876] {strides = array<i32>} : memref<2x1x208xi32, #tpu.memory_space<vmem>>, vector<1x1x16xi32>,
      %get3A_878 = vector.shape_cast %get3A_877 : vector<1x1x16xi32> to vector<16xi32>
      %eq3A_879 = arith.constant 0 : i32
      %eq3A_880 = vector.broadcast %eq3A_879 : i32 to vector<16xi32>
      %eq3A_881 = arith.cmpi eq, %get3A_878, %eq3A_880 : vector<16xi32>
      %select_n3A_882 = arith.select %eq3A_881, %broadcast_in_dim3A_681, %broadcast_in_dim3A_3 : vector<16xi1>, vector<16xf32>
      %add3A_883 = arith.addf %add3A_851, %select_n3A_882 : vector<16xf32>
      %eq3A_884 = arith.constant 1 : i32
      %eq3A_885 = vector.broadcast %eq3A_884 : i32 to vector<16xi32>
      %eq3A_886 = arith.cmpi eq, %get3A_878, %eq3A_885 : vector<16xi32>
      %select_n3A_887 = arith.select %eq3A_886, %broadcast_in_dim3A_681, %broadcast_in_dim3A_3 : vector<16xi1>, vector<16xf32>
      %add3A_888 = arith.addf %add3A_856, %select_n3A_887 : vector<16xf32>
      %eq3A_889 = arith.constant 2 : i32
      %eq3A_890 = vector.broadcast %eq3A_889 : i32 to vector<16xi32>
      %eq3A_891 = arith.cmpi eq, %get3A_878, %eq3A_890 : vector<16xi32>
      %select_n3A_892 = arith.select %eq3A_891, %broadcast_in_dim3A_681, %broadcast_in_dim3A_3 : vector<16xi1>, vector<16xf32>
      %add3A_893 = arith.addf %add3A_861, %select_n3A_892 : vector<16xf32>
      %eq3A_894 = arith.constant 3 : i32
      %eq3A_895 = vector.broadcast %eq3A_894 : i32 to vector<16xi32>
      %eq3A_896 = arith.cmpi eq, %get3A_878, %eq3A_895 : vector<16xi32>
      %select_n3A_897 = arith.select %eq3A_896, %broadcast_in_dim3A_681, %broadcast_in_dim3A_3 : vector<16xi1>, vector<16xf32>
      %add3A_898 = arith.addf %add3A_866, %select_n3A_897 : vector<16xf32>
      %eq3A_899 = arith.constant 4 : i32
      %eq3A_900 = vector.broadcast %eq3A_899 : i32 to vector<16xi32>
      %eq3A_901 = arith.cmpi eq, %get3A_878, %eq3A_900 : vector<16xi32>
      %select_n3A_902 = arith.select %eq3A_901, %broadcast_in_dim3A_681, %broadcast_in_dim3A_3 : vector<16xi1>, vector<16xf32>
      %add3A_903 = arith.addf %add3A_871, %select_n3A_902 : vector<16xf32>
      %get3A_904 = arith.constant 0 : i32
      %get3A_905 = arith.constant 0 : i32
      %get3A_906 = arith.index_cast %get3A_904 : i32 to index
      %get3A_907 = arith.index_cast %get3A_905 : i32 to index
      %get3A_908 = arith.constant 112 : index
      %get3A_909 = tpu.vector_load %arg13[%get3A_906, %get3A_907, %get3A_908] {strides = array<i32>} : memref<2x1x208xi32, #tpu.memory_space<vmem>>, vector<1x1x16xi32>,
      %get3A_910 = vector.shape_cast %get3A_909 : vector<1x1x16xi32> to vector<16xi32>
      %eq3A_911 = arith.constant 0 : i32
      %eq3A_912 = vector.broadcast %eq3A_911 : i32 to vector<16xi32>
      %eq3A_913 = arith.cmpi eq, %get3A_910, %eq3A_912 : vector<16xi32>
      %select_n3A_914 = arith.select %eq3A_913, %broadcast_in_dim3A_681, %broadcast_in_dim3A_3 : vector<16xi1>, vector<16xf32>
      %add3A_915 = arith.addf %add3A_883, %select_n3A_914 : vector<16xf32>
      %eq3A_916 = arith.constant 1 : i32
      %eq3A_917 = vector.broadcast %eq3A_916 : i32 to vector<16xi32>
      %eq3A_918 = arith.cmpi eq, %get3A_910, %eq3A_917 : vector<16xi32>
      %select_n3A_919 = arith.select %eq3A_918, %broadcast_in_dim3A_681, %broadcast_in_dim3A_3 : vector<16xi1>, vector<16xf32>
      %add3A_920 = arith.addf %add3A_888, %select_n3A_919 : vector<16xf32>
      %eq3A_921 = arith.constant 2 : i32
      %eq3A_922 = vector.broadcast %eq3A_921 : i32 to vector<16xi32>
      %eq3A_923 = arith.cmpi eq, %get3A_910, %eq3A_922 : vector<16xi32>
      %select_n3A_924 = arith.select %eq3A_923, %broadcast_in_dim3A_681, %broadcast_in_dim3A_3 : vector<16xi1>, vector<16xf32>
      %add3A_925 = arith.addf %add3A_893, %select_n3A_924 : vector<16xf32>
      %eq3A_926 = arith.constant 3 : i32
      %eq3A_927 = vector.broadcast %eq3A_926 : i32 to vector<16xi32>
      %eq3A_928 = arith.cmpi eq, %get3A_910, %eq3A_927 : vector<16xi32>
      %select_n3A_929 = arith.select %eq3A_928, %broadcast_in_dim3A_681, %broadcast_in_dim3A_3 : vector<16xi1>, vector<16xf32>
      %add3A_930 = arith.addf %add3A_898, %select_n3A_929 : vector<16xf32>
      %eq3A_931 = arith.constant 4 : i32
      %eq3A_932 = vector.broadcast %eq3A_931 : i32 to vector<16xi32>
      %eq3A_933 = arith.cmpi eq, %get3A_910, %eq3A_932 : vector<16xi32>
      %select_n3A_934 = arith.select %eq3A_933, %broadcast_in_dim3A_681, %broadcast_in_dim3A_3 : vector<16xi1>, vector<16xf32>
      %add3A_935 = arith.addf %add3A_903, %select_n3A_934 : vector<16xf32>
      %get3A_936 = arith.constant 0 : i32
      %get3A_937 = arith.constant 0 : i32
      %get3A_938 = arith.index_cast %get3A_936 : i32 to index
      %get3A_939 = arith.index_cast %get3A_937 : i32 to index
      %get3A_940 = arith.constant 128 : index
      %get3A_941 = tpu.vector_load %arg13[%get3A_938, %get3A_939, %get3A_940] {strides = array<i32>} : memref<2x1x208xi32, #tpu.memory_space<vmem>>, vector<1x1x16xi32>,
      %get3A_942 = vector.shape_cast %get3A_941 : vector<1x1x16xi32> to vector<16xi32>
      %eq3A_943 = arith.constant 0 : i32
      %eq3A_944 = vector.broadcast %eq3A_943 : i32 to vector<16xi32>
      %eq3A_945 = arith.cmpi eq, %get3A_942, %eq3A_944 : vector<16xi32>
      %select_n3A_946 = arith.select %eq3A_945, %broadcast_in_dim3A_681, %broadcast_in_dim3A_3 : vector<16xi1>, vector<16xf32>
      %add3A_947 = arith.addf %add3A_915, %select_n3A_946 : vector<16xf32>
      %eq3A_948 = arith.constant 1 : i32
      %eq3A_949 = vector.broadcast %eq3A_948 : i32 to vector<16xi32>
      %eq3A_950 = arith.cmpi eq, %get3A_942, %eq3A_949 : vector<16xi32>
      %select_n3A_951 = arith.select %eq3A_950, %broadcast_in_dim3A_681, %broadcast_in_dim3A_3 : vector<16xi1>, vector<16xf32>
      %add3A_952 = arith.addf %add3A_920, %select_n3A_951 : vector<16xf32>
      %eq3A_953 = arith.constant 2 : i32
      %eq3A_954 = vector.broadcast %eq3A_953 : i32 to vector<16xi32>
      %eq3A_955 = arith.cmpi eq, %get3A_942, %eq3A_954 : vector<16xi32>
      %select_n3A_956 = arith.select %eq3A_955, %broadcast_in_dim3A_681, %broadcast_in_dim3A_3 : vector<16xi1>, vector<16xf32>
      %add3A_957 = arith.addf %add3A_925, %select_n3A_956 : vector<16xf32>
      %eq3A_958 = arith.constant 3 : i32
      %eq3A_959 = vector.broadcast %eq3A_958 : i32 to vector<16xi32>
      %eq3A_960 = arith.cmpi eq, %get3A_942, %eq3A_959 : vector<16xi32>
      %select_n3A_961 = arith.select %eq3A_960, %broadcast_in_dim3A_681, %broadcast_in_dim3A_3 : vector<16xi1>, vector<16xf32>
      %add3A_962 = arith.addf %add3A_930, %select_n3A_961 : vector<16xf32>
      %eq3A_963 = arith.constant 4 : i32
      %eq3A_964 = vector.broadcast %eq3A_963 : i32 to vector<16xi32>
      %eq3A_965 = arith.cmpi eq, %get3A_942, %eq3A_964 : vector<16xi32>
      %select_n3A_966 = arith.select %eq3A_965, %broadcast_in_dim3A_681, %broadcast_in_dim3A_3 : vector<16xi1>, vector<16xf32>
      %add3A_967 = arith.addf %add3A_935, %select_n3A_966 : vector<16xf32>
      %get3A_968 = arith.constant 0 : i32
      %get3A_969 = arith.constant 0 : i32
      %get3A_970 = arith.index_cast %get3A_968 : i32 to index
      %get3A_971 = arith.index_cast %get3A_969 : i32 to index
      %get3A_972 = arith.constant 144 : index
      %get3A_973 = tpu.vector_load %arg13[%get3A_970, %get3A_971, %get3A_972] {strides = array<i32>} : memref<2x1x208xi32, #tpu.memory_space<vmem>>, vector<1x1x16xi32>,
      %get3A_974 = vector.shape_cast %get3A_973 : vector<1x1x16xi32> to vector<16xi32>
      %eq3A_975 = arith.constant 0 : i32
      %eq3A_976 = vector.broadcast %eq3A_975 : i32 to vector<16xi32>
      %eq3A_977 = arith.cmpi eq, %get3A_974, %eq3A_976 : vector<16xi32>
      %select_n3A_978 = arith.select %eq3A_977, %broadcast_in_dim3A_681, %broadcast_in_dim3A_3 : vector<16xi1>, vector<16xf32>
      %add3A_979 = arith.addf %add3A_947, %select_n3A_978 : vector<16xf32>
      %eq3A_980 = arith.constant 1 : i32
      %eq3A_981 = vector.broadcast %eq3A_980 : i32 to vector<16xi32>
      %eq3A_982 = arith.cmpi eq, %get3A_974, %eq3A_981 : vector<16xi32>
      %select_n3A_983 = arith.select %eq3A_982, %broadcast_in_dim3A_681, %broadcast_in_dim3A_3 : vector<16xi1>, vector<16xf32>
      %add3A_984 = arith.addf %add3A_952, %select_n3A_983 : vector<16xf32>
      %eq3A_985 = arith.constant 2 : i32
      %eq3A_986 = vector.broadcast %eq3A_985 : i32 to vector<16xi32>
      %eq3A_987 = arith.cmpi eq, %get3A_974, %eq3A_986 : vector<16xi32>
      %select_n3A_988 = arith.select %eq3A_987, %broadcast_in_dim3A_681, %broadcast_in_dim3A_3 : vector<16xi1>, vector<16xf32>
      %add3A_989 = arith.addf %add3A_957, %select_n3A_988 : vector<16xf32>
      %eq3A_990 = arith.constant 3 : i32
      %eq3A_991 = vector.broadcast %eq3A_990 : i32 to vector<16xi32>
      %eq3A_992 = arith.cmpi eq, %get3A_974, %eq3A_991 : vector<16xi32>
      %select_n3A_993 = arith.select %eq3A_992, %broadcast_in_dim3A_681, %broadcast_in_dim3A_3 : vector<16xi1>, vector<16xf32>
      %add3A_994 = arith.addf %add3A_962, %select_n3A_993 : vector<16xf32>
      %eq3A_995 = arith.constant 4 : i32
      %eq3A_996 = vector.broadcast %eq3A_995 : i32 to vector<16xi32>
      %eq3A_997 = arith.cmpi eq, %get3A_974, %eq3A_996 : vector<16xi32>
      %select_n3A_998 = arith.select %eq3A_997, %broadcast_in_dim3A_681, %broadcast_in_dim3A_3 : vector<16xi1>, vector<16xf32>
      %add3A_999 = arith.addf %add3A_967, %select_n3A_998 : vector<16xf32>
      %get3A_1000 = arith.constant 0 : i32
      %get3A_1001 = arith.constant 0 : i32
      %get3A_1002 = arith.index_cast %get3A_1000 : i32 to index
      %get3A_1003 = arith.index_cast %get3A_1001 : i32 to index
      %get3A_1004 = arith.constant 160 : index
      %get3A_1005 = tpu.vector_load %arg13[%get3A_1002, %get3A_1003, %get3A_1004] {strides = array<i32>} : memref<2x1x208xi32, #tpu.memory_space<vmem>>, vector<1x1x16xi32>,
      %get3A_1006 = vector.shape_cast %get3A_1005 : vector<1x1x16xi32> to vector<16xi32>
      %eq3A_1007 = arith.constant 0 : i32
      %eq3A_1008 = vector.broadcast %eq3A_1007 : i32 to vector<16xi32>
      %eq3A_1009 = arith.cmpi eq, %get3A_1006, %eq3A_1008 : vector<16xi32>
      %select_n3A_1010 = arith.select %eq3A_1009, %broadcast_in_dim3A_681, %broadcast_in_dim3A_3 : vector<16xi1>, vector<16xf32>
      %add3A_1011 = arith.addf %add3A_979, %select_n3A_1010 : vector<16xf32>
      %eq3A_1012 = arith.constant 1 : i32
      %eq3A_1013 = vector.broadcast %eq3A_1012 : i32 to vector<16xi32>
      %eq3A_1014 = arith.cmpi eq, %get3A_1006, %eq3A_1013 : vector<16xi32>
      %select_n3A_1015 = arith.select %eq3A_1014, %broadcast_in_dim3A_681, %broadcast_in_dim3A_3 : vector<16xi1>, vector<16xf32>
      %add3A_1016 = arith.addf %add3A_984, %select_n3A_1015 : vector<16xf32>
      %eq3A_1017 = arith.constant 2 : i32
      %eq3A_1018 = vector.broadcast %eq3A_1017 : i32 to vector<16xi32>
      %eq3A_1019 = arith.cmpi eq, %get3A_1006, %eq3A_1018 : vector<16xi32>
      %select_n3A_1020 = arith.select %eq3A_1019, %broadcast_in_dim3A_681, %broadcast_in_dim3A_3 : vector<16xi1>, vector<16xf32>
      %add3A_1021 = arith.addf %add3A_989, %select_n3A_1020 : vector<16xf32>
      %eq3A_1022 = arith.constant 3 : i32
      %eq3A_1023 = vector.broadcast %eq3A_1022 : i32 to vector<16xi32>
      %eq3A_1024 = arith.cmpi eq, %get3A_1006, %eq3A_1023 : vector<16xi32>
      %select_n3A_1025 = arith.select %eq3A_1024, %broadcast_in_dim3A_681, %broadcast_in_dim3A_3 : vector<16xi1>, vector<16xf32>
      %add3A_1026 = arith.addf %add3A_994, %select_n3A_1025 : vector<16xf32>
      %eq3A_1027 = arith.constant 4 : i32
      %eq3A_1028 = vector.broadcast %eq3A_1027 : i32 to vector<16xi32>
      %eq3A_1029 = arith.cmpi eq, %get3A_1006, %eq3A_1028 : vector<16xi32>
      %select_n3A_1030 = arith.select %eq3A_1029, %broadcast_in_dim3A_681, %broadcast_in_dim3A_3 : vector<16xi1>, vector<16xf32>
      %add3A_1031 = arith.addf %add3A_999, %select_n3A_1030 : vector<16xf32>
      %get3A_1032 = arith.constant 0 : i32
      %get3A_1033 = arith.constant 0 : i32
      %get3A_1034 = arith.index_cast %get3A_1032 : i32 to index
      %get3A_1035 = arith.index_cast %get3A_1033 : i32 to index
      %get3A_1036 = arith.constant 176 : index
      %get3A_1037 = tpu.vector_load %arg13[%get3A_1034, %get3A_1035, %get3A_1036] {strides = array<i32>} : memref<2x1x208xi32, #tpu.memory_space<vmem>>, vector<1x1x16xi32>,
      %get3A_1038 = vector.shape_cast %get3A_1037 : vector<1x1x16xi32> to vector<16xi32>
      %eq3A_1039 = arith.constant 0 : i32
      %eq3A_1040 = vector.broadcast %eq3A_1039 : i32 to vector<16xi32>
      %eq3A_1041 = arith.cmpi eq, %get3A_1038, %eq3A_1040 : vector<16xi32>
      %select_n3A_1042 = arith.select %eq3A_1041, %broadcast_in_dim3A_681, %broadcast_in_dim3A_3 : vector<16xi1>, vector<16xf32>
      %add3A_1043 = arith.addf %add3A_1011, %select_n3A_1042 : vector<16xf32>
      %eq3A_1044 = arith.constant 1 : i32
      %eq3A_1045 = vector.broadcast %eq3A_1044 : i32 to vector<16xi32>
      %eq3A_1046 = arith.cmpi eq, %get3A_1038, %eq3A_1045 : vector<16xi32>
      %select_n3A_1047 = arith.select %eq3A_1046, %broadcast_in_dim3A_681, %broadcast_in_dim3A_3 : vector<16xi1>, vector<16xf32>
      %add3A_1048 = arith.addf %add3A_1016, %select_n3A_1047 : vector<16xf32>
      %eq3A_1049 = arith.constant 2 : i32
      %eq3A_1050 = vector.broadcast %eq3A_1049 : i32 to vector<16xi32>
      %eq3A_1051 = arith.cmpi eq, %get3A_1038, %eq3A_1050 : vector<16xi32>
      %select_n3A_1052 = arith.select %eq3A_1051, %broadcast_in_dim3A_681, %broadcast_in_dim3A_3 : vector<16xi1>, vector<16xf32>
      %add3A_1053 = arith.addf %add3A_1021, %select_n3A_1052 : vector<16xf32>
      %eq3A_1054 = arith.constant 3 : i32
      %eq3A_1055 = vector.broadcast %eq3A_1054 : i32 to vector<16xi32>
      %eq3A_1056 = arith.cmpi eq, %get3A_1038, %eq3A_1055 : vector<16xi32>
      %select_n3A_1057 = arith.select %eq3A_1056, %broadcast_in_dim3A_681, %broadcast_in_dim3A_3 : vector<16xi1>, vector<16xf32>
      %add3A_1058 = arith.addf %add3A_1026, %select_n3A_1057 : vector<16xf32>
      %eq3A_1059 = arith.constant 4 : i32
      %eq3A_1060 = vector.broadcast %eq3A_1059 : i32 to vector<16xi32>
      %eq3A_1061 = arith.cmpi eq, %get3A_1038, %eq3A_1060 : vector<16xi32>
      %select_n3A_1062 = arith.select %eq3A_1061, %broadcast_in_dim3A_681, %broadcast_in_dim3A_3 : vector<16xi1>, vector<16xf32>
      %add3A_1063 = arith.addf %add3A_1031, %select_n3A_1062 : vector<16xf32>
      %get3A_1064 = arith.constant 0 : i32
      %get3A_1065 = arith.constant 0 : i32
      %get3A_1066 = arith.index_cast %get3A_1064 : i32 to index
      %get3A_1067 = arith.index_cast %get3A_1065 : i32 to index
      %get3A_1068 = arith.constant 192 : index
      %get3A_1069 = tpu.vector_load %arg13[%get3A_1066, %get3A_1067, %get3A_1068] {strides = array<i32>} : memref<2x1x208xi32, #tpu.memory_space<vmem>>, vector<1x1x16xi32>,
      %get3A_1070 = vector.shape_cast %get3A_1069 : vector<1x1x16xi32> to vector<16xi32>
      %eq3A_1071 = arith.constant 0 : i32
      %eq3A_1072 = vector.broadcast %eq3A_1071 : i32 to vector<16xi32>
      %eq3A_1073 = arith.cmpi eq, %get3A_1070, %eq3A_1072 : vector<16xi32>
      %select_n3A_1074 = arith.select %eq3A_1073, %broadcast_in_dim3A_681, %broadcast_in_dim3A_3 : vector<16xi1>, vector<16xf32>
      %add3A_1075 = arith.addf %add3A_1043, %select_n3A_1074 : vector<16xf32>
      %eq3A_1076 = arith.constant 1 : i32
      %eq3A_1077 = vector.broadcast %eq3A_1076 : i32 to vector<16xi32>
      %eq3A_1078 = arith.cmpi eq, %get3A_1070, %eq3A_1077 : vector<16xi32>
      %select_n3A_1079 = arith.select %eq3A_1078, %broadcast_in_dim3A_681, %broadcast_in_dim3A_3 : vector<16xi1>, vector<16xf32>
      %add3A_1080 = arith.addf %add3A_1048, %select_n3A_1079 : vector<16xf32>
      %eq3A_1081 = arith.constant 2 : i32
      %eq3A_1082 = vector.broadcast %eq3A_1081 : i32 to vector<16xi32>
      %eq3A_1083 = arith.cmpi eq, %get3A_1070, %eq3A_1082 : vector<16xi32>
      %select_n3A_1084 = arith.select %eq3A_1083, %broadcast_in_dim3A_681, %broadcast_in_dim3A_3 : vector<16xi1>, vector<16xf32>
      %add3A_1085 = arith.addf %add3A_1053, %select_n3A_1084 : vector<16xf32>
      %eq3A_1086 = arith.constant 3 : i32
      %eq3A_1087 = vector.broadcast %eq3A_1086 : i32 to vector<16xi32>
      %eq3A_1088 = arith.cmpi eq, %get3A_1070, %eq3A_1087 : vector<16xi32>
      %select_n3A_1089 = arith.select %eq3A_1088, %broadcast_in_dim3A_681, %broadcast_in_dim3A_3 : vector<16xi1>, vector<16xf32>
      %add3A_1090 = arith.addf %add3A_1058, %select_n3A_1089 : vector<16xf32>
      %eq3A_1091 = arith.constant 4 : i32
      %eq3A_1092 = vector.broadcast %eq3A_1091 : i32 to vector<16xi32>
      %eq3A_1093 = arith.cmpi eq, %get3A_1070, %eq3A_1092 : vector<16xi32>
      %select_n3A_1094 = arith.select %eq3A_1093, %broadcast_in_dim3A_681, %broadcast_in_dim3A_3 : vector<16xi1>, vector<16xf32>
      %add3A_1095 = arith.addf %add3A_1063, %select_n3A_1094 : vector<16xf32>
      %broadcast_in_dim3A_1096 = vector.shape_cast %and3A_450 : vector<16xi32> to vector<16x1xi32>
      %gather3A = vector.shape_cast %broadcast_in_dim3A_1096 : vector<16x1xi32> to vector<16xi32>
      %gather3A_1097 = tpu.dynamic_gather %add3A_1075[%gather3A] in [0] : vector<16xf32>, vector<16xi32> -> vector<16xf32>
      %add3A_1098 = arith.addf %add3A_1075, %gather3A_1097 : vector<16xf32>
      %broadcast_in_dim3A_1099 = vector.shape_cast %and3A_456 : vector<16xi32> to vector<16x1xi32>
      %gather3A_1100 = vector.shape_cast %broadcast_in_dim3A_1099 : vector<16x1xi32> to vector<16xi32>
      %gather3A_1101 = tpu.dynamic_gather %add3A_1098[%gather3A_1100] in [0] : vector<16xf32>, vector<16xi32> -> vector<16xf32>
      %add3A_1102 = arith.addf %add3A_1098, %gather3A_1101 : vector<16xf32>
      %broadcast_in_dim3A_1103 = vector.shape_cast %and3A_462 : vector<16xi32> to vector<16x1xi32>
      %gather3A_1104 = vector.shape_cast %broadcast_in_dim3A_1103 : vector<16x1xi32> to vector<16xi32>
      %gather3A_1105 = tpu.dynamic_gather %add3A_1102[%gather3A_1104] in [0] : vector<16xf32>, vector<16xi32> -> vector<16xf32>
      %add3A_1106 = arith.addf %add3A_1102, %gather3A_1105 : vector<16xf32>
      %broadcast_in_dim3A_1107 = vector.shape_cast %and3A_468 : vector<16xi32> to vector<16x1xi32>
      %gather3A_1108 = vector.shape_cast %broadcast_in_dim3A_1107 : vector<16x1xi32> to vector<16xi32>
      %gather3A_1109 = tpu.dynamic_gather %add3A_1106[%gather3A_1108] in [0] : vector<16xf32>, vector<16xi32> -> vector<16xf32>
      %add3A_1110 = arith.addf %add3A_1106, %gather3A_1109 : vector<16xf32>
      %mul3A_1111 = arith.mulf %add3A_1110, %get3A_109 : vector<16xf32>
      %add3A_1112 = arith.addf %broadcast_in_dim3A_3, %mul3A_1111 : vector<16xf32>
      %mul3A_1113 = arith.mulf %add3A_1110, %get3A_114 : vector<16xf32>
      %add3A_1114 = arith.addf %broadcast_in_dim3A_3, %mul3A_1113 : vector<16xf32>
      %broadcast_in_dim3A_1115 = vector.shape_cast %and3A_450 : vector<16xi32> to vector<16x1xi32>
      %gather3A_1116 = vector.shape_cast %broadcast_in_dim3A_1115 : vector<16x1xi32> to vector<16xi32>
      %gather3A_1117 = tpu.dynamic_gather %add3A_1080[%gather3A_1116] in [0] : vector<16xf32>, vector<16xi32> -> vector<16xf32>
      %add3A_1118 = arith.addf %add3A_1080, %gather3A_1117 : vector<16xf32>
      %broadcast_in_dim3A_1119 = vector.shape_cast %and3A_456 : vector<16xi32> to vector<16x1xi32>
      %gather3A_1120 = vector.shape_cast %broadcast_in_dim3A_1119 : vector<16x1xi32> to vector<16xi32>
      %gather3A_1121 = tpu.dynamic_gather %add3A_1118[%gather3A_1120] in [0] : vector<16xf32>, vector<16xi32> -> vector<16xf32>
      %add3A_1122 = arith.addf %add3A_1118, %gather3A_1121 : vector<16xf32>
      %broadcast_in_dim3A_1123 = vector.shape_cast %and3A_462 : vector<16xi32> to vector<16x1xi32>
      %gather3A_1124 = vector.shape_cast %broadcast_in_dim3A_1123 : vector<16x1xi32> to vector<16xi32>
      %gather3A_1125 = tpu.dynamic_gather %add3A_1122[%gather3A_1124] in [0] : vector<16xf32>, vector<16xi32> -> vector<16xf32>
      %add3A_1126 = arith.addf %add3A_1122, %gather3A_1125 : vector<16xf32>
      %broadcast_in_dim3A_1127 = vector.shape_cast %and3A_468 : vector<16xi32> to vector<16x1xi32>
      %gather3A_1128 = vector.shape_cast %broadcast_in_dim3A_1127 : vector<16x1xi32> to vector<16xi32>
      %gather3A_1129 = tpu.dynamic_gather %add3A_1126[%gather3A_1128] in [0] : vector<16xf32>, vector<16xi32> -> vector<16xf32>
      %add3A_1130 = arith.addf %add3A_1126, %gather3A_1129 : vector<16xf32>
      %mul3A_1131 = arith.mulf %add3A_1130, %get3A_119 : vector<16xf32>
      %add3A_1132 = arith.addf %add3A_1112, %mul3A_1131 : vector<16xf32>
      %mul3A_1133 = arith.mulf %add3A_1130, %get3A_124 : vector<16xf32>
      %add3A_1134 = arith.addf %add3A_1114, %mul3A_1133 : vector<16xf32>
      %broadcast_in_dim3A_1135 = vector.shape_cast %and3A_450 : vector<16xi32> to vector<16x1xi32>
      %gather3A_1136 = vector.shape_cast %broadcast_in_dim3A_1135 : vector<16x1xi32> to vector<16xi32>
      %gather3A_1137 = tpu.dynamic_gather %add3A_1085[%gather3A_1136] in [0] : vector<16xf32>, vector<16xi32> -> vector<16xf32>
      %add3A_1138 = arith.addf %add3A_1085, %gather3A_1137 : vector<16xf32>
      %broadcast_in_dim3A_1139 = vector.shape_cast %and3A_456 : vector<16xi32> to vector<16x1xi32>
      %gather3A_1140 = vector.shape_cast %broadcast_in_dim3A_1139 : vector<16x1xi32> to vector<16xi32>
      %gather3A_1141 = tpu.dynamic_gather %add3A_1138[%gather3A_1140] in [0] : vector<16xf32>, vector<16xi32> -> vector<16xf32>
      %add3A_1142 = arith.addf %add3A_1138, %gather3A_1141 : vector<16xf32>
      %broadcast_in_dim3A_1143 = vector.shape_cast %and3A_462 : vector<16xi32> to vector<16x1xi32>
      %gather3A_1144 = vector.shape_cast %broadcast_in_dim3A_1143 : vector<16x1xi32> to vector<16xi32>
      %gather3A_1145 = tpu.dynamic_gather %add3A_1142[%gather3A_1144] in [0] : vector<16xf32>, vector<16xi32> -> vector<16xf32>
      %add3A_1146 = arith.addf %add3A_1142, %gather3A_1145 : vector<16xf32>
      %broadcast_in_dim3A_1147 = vector.shape_cast %and3A_468 : vector<16xi32> to vector<16x1xi32>
      %gather3A_1148 = vector.shape_cast %broadcast_in_dim3A_1147 : vector<16x1xi32> to vector<16xi32>
      %gather3A_1149 = tpu.dynamic_gather %add3A_1146[%gather3A_1148] in [0] : vector<16xf32>, vector<16xi32> -> vector<16xf32>
      %add3A_1150 = arith.addf %add3A_1146, %gather3A_1149 : vector<16xf32>
      %mul3A_1151 = arith.mulf %add3A_1150, %get3A_129 : vector<16xf32>
      %add3A_1152 = arith.addf %add3A_1132, %mul3A_1151 : vector<16xf32>
      %mul3A_1153 = arith.mulf %add3A_1150, %get3A_134 : vector<16xf32>
      %add3A_1154 = arith.addf %add3A_1134, %mul3A_1153 : vector<16xf32>
      %broadcast_in_dim3A_1155 = vector.shape_cast %and3A_450 : vector<16xi32> to vector<16x1xi32>
      %gather3A_1156 = vector.shape_cast %broadcast_in_dim3A_1155 : vector<16x1xi32> to vector<16xi32>
      %gather3A_1157 = tpu.dynamic_gather %add3A_1090[%gather3A_1156] in [0] : vector<16xf32>, vector<16xi32> -> vector<16xf32>
      %add3A_1158 = arith.addf %add3A_1090, %gather3A_1157 : vector<16xf32>
      %broadcast_in_dim3A_1159 = vector.shape_cast %and3A_456 : vector<16xi32> to vector<16x1xi32>
      %gather3A_1160 = vector.shape_cast %broadcast_in_dim3A_1159 : vector<16x1xi32> to vector<16xi32>
      %gather3A_1161 = tpu.dynamic_gather %add3A_1158[%gather3A_1160] in [0] : vector<16xf32>, vector<16xi32> -> vector<16xf32>
      %add3A_1162 = arith.addf %add3A_1158, %gather3A_1161 : vector<16xf32>
      %broadcast_in_dim3A_1163 = vector.shape_cast %and3A_462 : vector<16xi32> to vector<16x1xi32>
      %gather3A_1164 = vector.shape_cast %broadcast_in_dim3A_1163 : vector<16x1xi32> to vector<16xi32>
      %gather3A_1165 = tpu.dynamic_gather %add3A_1162[%gather3A_1164] in [0] : vector<16xf32>, vector<16xi32> -> vector<16xf32>
      %add3A_1166 = arith.addf %add3A_1162, %gather3A_1165 : vector<16xf32>
      %broadcast_in_dim3A_1167 = vector.shape_cast %and3A_468 : vector<16xi32> to vector<16x1xi32>
      %gather3A_1168 = vector.shape_cast %broadcast_in_dim3A_1167 : vector<16x1xi32> to vector<16xi32>
      %gather3A_1169 = tpu.dynamic_gather %add3A_1166[%gather3A_1168] in [0] : vector<16xf32>, vector<16xi32> -> vector<16xf32>
      %add3A_1170 = arith.addf %add3A_1166, %gather3A_1169 : vector<16xf32>
      %mul3A_1171 = arith.mulf %add3A_1170, %get3A_139 : vector<16xf32>
      %add3A_1172 = arith.addf %add3A_1152, %mul3A_1171 : vector<16xf32>
      %mul3A_1173 = arith.mulf %add3A_1170, %get3A_144 : vector<16xf32>
      %add3A_1174 = arith.addf %add3A_1154, %mul3A_1173 : vector<16xf32>
      %broadcast_in_dim3A_1175 = vector.shape_cast %and3A_450 : vector<16xi32> to vector<16x1xi32>
      %gather3A_1176 = vector.shape_cast %broadcast_in_dim3A_1175 : vector<16x1xi32> to vector<16xi32>
      %gather3A_1177 = tpu.dynamic_gather %add3A_1095[%gather3A_1176] in [0] : vector<16xf32>, vector<16xi32> -> vector<16xf32>
      %add3A_1178 = arith.addf %add3A_1095, %gather3A_1177 : vector<16xf32>
      %broadcast_in_dim3A_1179 = vector.shape_cast %and3A_456 : vector<16xi32> to vector<16x1xi32>
      %gather3A_1180 = vector.shape_cast %broadcast_in_dim3A_1179 : vector<16x1xi32> to vector<16xi32>
      %gather3A_1181 = tpu.dynamic_gather %add3A_1178[%gather3A_1180] in [0] : vector<16xf32>, vector<16xi32> -> vector<16xf32>
      %add3A_1182 = arith.addf %add3A_1178, %gather3A_1181 : vector<16xf32>
      %broadcast_in_dim3A_1183 = vector.shape_cast %and3A_462 : vector<16xi32> to vector<16x1xi32>
      %gather3A_1184 = vector.shape_cast %broadcast_in_dim3A_1183 : vector<16x1xi32> to vector<16xi32>
      %gather3A_1185 = tpu.dynamic_gather %add3A_1182[%gather3A_1184] in [0] : vector<16xf32>, vector<16xi32> -> vector<16xf32>
      %add3A_1186 = arith.addf %add3A_1182, %gather3A_1185 : vector<16xf32>
      %broadcast_in_dim3A_1187 = vector.shape_cast %and3A_468 : vector<16xi32> to vector<16x1xi32>
      %gather3A_1188 = vector.shape_cast %broadcast_in_dim3A_1187 : vector<16x1xi32> to vector<16xi32>
      %gather3A_1189 = tpu.dynamic_gather %add3A_1186[%gather3A_1188] in [0] : vector<16xf32>, vector<16xi32> -> vector<16xf32>
      %add3A_1190 = arith.addf %add3A_1186, %gather3A_1189 : vector<16xf32>
      %mul3A_1191 = arith.mulf %add3A_1190, %get3A_149 : vector<16xf32>
      %add3A_1192 = arith.addf %add3A_1172, %mul3A_1191 : vector<16xf32>
      %mul3A_1193 = arith.mulf %add3A_1190, %get3A_154 : vector<16xf32>
      %add3A_1194 = arith.addf %add3A_1174, %mul3A_1193 : vector<16xf32>
      %mul3A_1195 = arith.constant 5.000000e-03 : f32
      %mul3A_1196 = vector.broadcast %mul3A_1195 : f32 to vector<16xf32>
      %mul3A_1197 = arith.mulf %add3A_1192, %mul3A_1196 : vector<16xf32>
      %swap3A_1198 = arith.constant 6 : i32
      %swap3A_1199 = arith.index_cast %add3A_481 : i32 to index
      %swap3A_1200 = arith.index_cast %swap3A_1198 : i32 to index
      %swap3A_1201 = arith.constant 0 : index
      %swap3A_1202 = tpu.vector_load %arg21[%swap3A_1199, %swap3A_1200, %swap3A_1201] {strides = array<i32>} : memref<128x7x32xf32, #tpu.memory_space<vmem>>, vector<1x1x16xf32>,
      %swap3A_1203 = vector.shape_cast %swap3A_1202 : vector<1x1x16xf32> to vector<16xf32>
      %swap3A_1204 = vector.shape_cast %mul3A_1197 : vector<16xf32> to vector<1x1x16xf32>
      tpu.vector_store %arg21[%swap3A_1199, %swap3A_1200, %swap3A_1201], %swap3A_1204 {strides = array<i32>} : memref<128x7x32xf32, #tpu.memory_space<vmem>>, vector<1x1x16xf32>,
      %mul3A_1205 = arith.constant 5.000000e-03 : f32
      %mul3A_1206 = vector.broadcast %mul3A_1205 : f32 to vector<16xf32>
      %mul3A_1207 = arith.mulf %add3A_1194, %mul3A_1206 : vector<16xf32>
      %swap3A_1208 = arith.constant 6 : i32
      %swap3A_1209 = arith.index_cast %add3A_481 : i32 to index
      %swap3A_1210 = arith.index_cast %swap3A_1208 : i32 to index
      %swap3A_1211 = arith.constant 16 : index
      %swap3A_1212 = tpu.vector_load %arg21[%swap3A_1209, %swap3A_1210, %swap3A_1211] {strides = array<i32>} : memref<128x7x32xf32, #tpu.memory_space<vmem>>, vector<1x1x16xf32>,
      %swap3A_1213 = vector.shape_cast %swap3A_1212 : vector<1x1x16xf32> to vector<16xf32>
      %swap3A_1214 = vector.shape_cast %mul3A_1207 : vector<16xf32> to vector<1x1x16xf32>
      tpu.vector_store %arg21[%swap3A_1209, %swap3A_1210, %swap3A_1211], %swap3A_1214 {strides = array<i32>} : memref<128x7x32xf32, #tpu.memory_space<vmem>>, vector<1x1x16xf32>,
      %add3A_1215 = arith.constant 2 : i32
      %add3A_1216 = arith.addi %add3A_481, %add3A_1215 : i32
      %lt3A_1217 = arith.constant 128 : i32
      %lt3A_1218 = arith.cmpi slt, %add3A_1216, %lt3A_1217 : i32
      %convert_element_type3A_1219 = arith.extui %lt3A_1218 : i1 to i32
      %cond3A_1220 = arith.constant 0 : i32
      %cond3A_1221 = arith.cmpi ne, %convert_element_type3A_1219, %cond3A_1220 : i32
      scf.if %cond3A_1221 {
        %add3A_1973 = arith.addi %mul3A_2, %add3A_481 : i32
        %add3A_1974 = arith.constant 2 : i32
        %add3A_1975 = arith.addi %add3A_1973, %add3A_1974 : i32
        %dma_start3A_1976 = arith.constant 0 : i32
        %dma_start3A_1977 = arith.constant 0 : i32
        %dma_start3A_1978 = arith.constant 0 : i32
        %dma_start3A_1979 = tpu.memref_slice %arg13[%dma_start3A_1976, %dma_start3A_1977, %dma_start3A_1978] : memref<2x1x208xi32, #tpu.memory_space<vmem>> -> memref<1x1x200xi32, #tpu.memory_space<vmem>>
        %dma_start3A_1980 = tpu.memref_squeeze %dma_start3A_1979 : memref<1x1x200xi32, #tpu.memory_space<vmem>> -> memref<1x200xi32, #tpu.memory_space<vmem>>
        %dma_start3A_1981 = arith.constant 0 : i32
        %dma_start3A_1982 = tpu.memref_slice %arg4[%add3A_1975, %dma_start3A_1981] : memref<4096x200xi32, #tpu.memory_space<hbm>> -> memref<1x200xi32, #tpu.memory_space<hbm>>
        %dma_start3A_1983 = arith.constant 0 : i32
        %dma_start3A_1984 = arith.constant 0 : i32
        %dma_start3A_1985 = tpu.memref_slice %arg13[%dma_start3A_1976, %dma_start3A_1983, %dma_start3A_1984] : memref<2x1x208xi32, #tpu.memory_space<vmem>> -> memref<1x1x200xi32, #tpu.memory_space<vmem>>
        %dma_start3A_1986 = tpu.memref_squeeze %dma_start3A_1985 : memref<1x1x200xi32, #tpu.memory_space<vmem>> -> memref<1x200xi32, #tpu.memory_space<vmem>>
        %dma_start3A_1987 = arith.constant 0 : i32
        %dma_start3A_1988 = tpu.memref_slice %arg4[%add3A_1975, %dma_start3A_1987] : memref<4096x200xi32, #tpu.memory_space<hbm>> -> memref<1x200xi32, #tpu.memory_space<hbm>>
        tpu.enqueue_dma source(%dma_start3A_1988 : memref<1x200xi32, #tpu.memory_space<hbm>>) target(%dma_start3A_1986 : memref<1x200xi32, #tpu.memory_space<vmem>>) target_semaphore(%arg25 : memref<!tpu.dma_semaphore, #tpu.memory_space<semaphore_mem>>)
        %add3A_1989 = arith.addi %mul3A_2, %add3A_481 : i32
        %add3A_1990 = arith.constant 2 : i32
        %add3A_1991 = arith.addi %add3A_1989, %add3A_1990 : i32
        %dma_wait3A_1992 = arith.constant 0 : i32
        %dma_wait3A_1993 = arith.constant 0 : i32
        %dma_wait3A_1994 = arith.constant 0 : i32
        %dma_wait3A_1995 = tpu.memref_slice %arg11[%dma_wait3A_1992, %dma_wait3A_1993, %dma_wait3A_1994] : memref<2x1x200xi32, #tpu.memory_space<vmem>> -> memref<1x1x200xi32, #tpu.memory_space<vmem>>
        %dma_wait3A_1996 = tpu.memref_squeeze %dma_wait3A_1995 : memref<1x1x200xi32, #tpu.memory_space<vmem>> -> memref<1x200xi32, #tpu.memory_space<vmem>>
        %dma_wait3A_1997 = arith.constant 0 : i32
        %dma_wait3A_1998 = tpu.memref_slice %arg2[%add3A_1991, %dma_wait3A_1997] : memref<4096x200xi32, #tpu.memory_space<hbm>> -> memref<1x200xi32, #tpu.memory_space<hbm>>
        %dma_wait3A_1999 = arith.constant 0 : i32
        %dma_wait3A_2000 = arith.constant 0 : i32
        %dma_wait3A_2001 = tpu.memref_slice %arg11[%dma_wait3A_1992, %dma_wait3A_1999, %dma_wait3A_2000] : memref<2x1x200xi32, #tpu.memory_space<vmem>> -> memref<1x1x200xi32, #tpu.memory_space<vmem>>
        %dma_wait3A_2002 = tpu.memref_squeeze %dma_wait3A_2001 : memref<1x1x200xi32, #tpu.memory_space<vmem>> -> memref<1x200xi32, #tpu.memory_space<vmem>>
        %dma_wait3A_2003 = arith.constant 0 : i32
        %dma_wait3A_2004 = tpu.memref_slice %arg2[%add3A_1991, %dma_wait3A_2003] : memref<4096x200xi32, #tpu.memory_space<hbm>> -> memref<1x200xi32, #tpu.memory_space<hbm>>
        tpu.wait_dma2 semaphore(%arg23 : memref<!tpu.dma_semaphore, #tpu.memory_space<semaphore_mem>>) src(%dma_wait3A_2004 : memref<1x200xi32, #tpu.memory_space<hbm>>) dst(%dma_wait3A_2002 : memref<1x200xi32, #tpu.memory_space<vmem>>)
        %dma_wait3A_2005 = arith.constant 0 : i32
        %dma_wait3A_2006 = arith.constant 0 : i32
        %dma_wait3A_2007 = arith.constant 0 : i32
        %dma_wait3A_2008 = tpu.memref_slice %arg12[%dma_wait3A_2005, %dma_wait3A_2006, %dma_wait3A_2007] : memref<2x1x400xi32, #tpu.memory_space<vmem>> -> memref<1x1x400xi32, #tpu.memory_space<vmem>>
        %dma_wait3A_2009 = tpu.memref_squeeze %dma_wait3A_2008 : memref<1x1x400xi32, #tpu.memory_space<vmem>> -> memref<1x400xi32, #tpu.memory_space<vmem>>
        %dma_wait3A_2010 = arith.constant 0 : i32
        %dma_wait3A_2011 = tpu.memref_slice %arg3[%add3A_1991, %dma_wait3A_2010] : memref<4096x400xi32, #tpu.memory_space<hbm>> -> memref<1x400xi32, #tpu.memory_space<hbm>>
        %dma_wait3A_2012 = arith.constant 0 : i32
        %dma_wait3A_2013 = arith.constant 0 : i32
        %dma_wait3A_2014 = tpu.memref_slice %arg12[%dma_wait3A_2005, %dma_wait3A_2012, %dma_wait3A_2013] : memref<2x1x400xi32, #tpu.memory_space<vmem>> -> memref<1x1x400xi32, #tpu.memory_space<vmem>>
        %dma_wait3A_2015 = tpu.memref_squeeze %dma_wait3A_2014 : memref<1x1x400xi32, #tpu.memory_space<vmem>> -> memref<1x400xi32, #tpu.memory_space<vmem>>
        %dma_wait3A_2016 = arith.constant 0 : i32
        %dma_wait3A_2017 = tpu.memref_slice %arg3[%add3A_1991, %dma_wait3A_2016] : memref<4096x400xi32, #tpu.memory_space<hbm>> -> memref<1x400xi32, #tpu.memory_space<hbm>>
        tpu.wait_dma2 semaphore(%arg23 : memref<!tpu.dma_semaphore, #tpu.memory_space<semaphore_mem>>) src(%dma_wait3A_2017 : memref<1x400xi32, #tpu.memory_space<hbm>>) dst(%dma_wait3A_2015 : memref<1x400xi32, #tpu.memory_space<vmem>>)
        %dma_start3A_2018 = arith.constant 0 : i32
        %dma_start3A_2019 = arith.constant 0 : i32
        %dma_start3A_2020 = arith.constant 0 : i32
        %dma_start3A_2021 = arith.constant 0 : i32
        %dma_start3A_2022 = arith.constant 0 : i32
        %dma_start3A_2023 = arith.constant 0 : i32
        %dma_start3A_2024 = tpu.memref_slice %arg14[%dma_start3A_2020, %dma_start3A_2021, %dma_start3A_2022, %dma_start3A_2023] : memref<2x2x104x32xf32, #tpu.memory_space<vmem>> -> memref<1x1x104x32xf32, #tpu.memory_space<vmem>>
        %dma_start3A_2025 = tpu.memref_squeeze %dma_start3A_2024 : memref<1x1x104x32xf32, #tpu.memory_space<vmem>> -> memref<104x32xf32, #tpu.memory_space<vmem>>
        %dma_start3A_2026 = arith.constant 0 : i32
        %dma_start3A_2027 = tpu.memref_slice %arg11[%dma_start3A_2018, %dma_start3A_2019, %dma_start3A_2026] : memref<2x1x200xi32, #tpu.memory_space<vmem>> -> memref<1x1x104xi32, #tpu.memory_space<vmem>>
        %dma_start3A_2028 = tpu.memref_squeeze %dma_start3A_2027 : memref<1x1x104xi32, #tpu.memory_space<vmem>> -> memref<104xi32, #tpu.memory_space<vmem>>
        %dma_start3A_2029 = arith.constant 0 : i32
        %dma_start3A_2030 = arith.constant 0 : i32
        %dma_start3A_2031 = tpu.memref_slice %arg7[%dma_start3A_2029, %dma_start3A_2030] : memref<1000001x32xf32, #tpu.memory_space<hbm>> -> memref<1000001x32xf32, #tpu.memory_space<hbm>>
        tpu.enqueue_indirect_dma source(%dma_start3A_2031 : memref<1000001x32xf32, #tpu.memory_space<hbm>>) target(%dma_start3A_2025 : memref<104x32xf32, #tpu.memory_space<vmem>>) offsets(%dma_start3A_2028 : memref<104xi32, #tpu.memory_space<vmem>>) semaphore(%arg27 : memref<!tpu.dma_semaphore, #tpu.memory_space<semaphore_mem>>)
        %dma_start3A_2032 = arith.constant 0 : i32
        %dma_start3A_2033 = arith.constant 0 : i32
        %dma_start3A_2034 = arith.constant 0 : i32
        %dma_start3A_2035 = arith.constant 1 : i32
        %dma_start3A_2036 = arith.constant 0 : i32
        %dma_start3A_2037 = arith.constant 0 : i32
        %dma_start3A_2038 = tpu.memref_slice %arg14[%dma_start3A_2034, %dma_start3A_2035, %dma_start3A_2036, %dma_start3A_2037] : memref<2x2x104x32xf32, #tpu.memory_space<vmem>> -> memref<1x1x96x32xf32, #tpu.memory_space<vmem>>
        %dma_start3A_2039 = tpu.memref_squeeze %dma_start3A_2038 : memref<1x1x96x32xf32, #tpu.memory_space<vmem>> -> memref<96x32xf32, #tpu.memory_space<vmem>>
        %dma_start3A_2040 = arith.constant 104 : i32
        %dma_start3A_2041 = tpu.memref_slice %arg11[%dma_start3A_2032, %dma_start3A_2033, %dma_start3A_2040] : memref<2x1x200xi32, #tpu.memory_space<vmem>> -> memref<1x1x96xi32, #tpu.memory_space<vmem>>
        %dma_start3A_2042 = tpu.memref_squeeze %dma_start3A_2041 : memref<1x1x96xi32, #tpu.memory_space<vmem>> -> memref<96xi32, #tpu.memory_space<vmem>>
        %dma_start3A_2043 = arith.constant 0 : i32
        %dma_start3A_2044 = arith.constant 0 : i32
        %dma_start3A_2045 = tpu.memref_slice %arg7[%dma_start3A_2043, %dma_start3A_2044] : memref<1000001x32xf32, #tpu.memory_space<hbm>> -> memref<1000001x32xf32, #tpu.memory_space<hbm>>
        tpu.enqueue_indirect_dma source(%dma_start3A_2045 : memref<1000001x32xf32, #tpu.memory_space<hbm>>) target(%dma_start3A_2039 : memref<96x32xf32, #tpu.memory_space<vmem>>) offsets(%dma_start3A_2042 : memref<96xi32, #tpu.memory_space<vmem>>) semaphore(%arg27 : memref<!tpu.dma_semaphore, #tpu.memory_space<semaphore_mem>>)
        %dma_start3A_2046 = arith.constant 0 : i32
        %dma_start3A_2047 = arith.constant 0 : i32
        %dma_start3A_2048 = arith.constant 0 : i32
        %dma_start3A_2049 = arith.constant 0 : i32
        %dma_start3A_2050 = arith.constant 0 : i32
        %dma_start3A_2051 = arith.constant 0 : i32
        %dma_start3A_2052 = tpu.memref_slice %arg15[%dma_start3A_2048, %dma_start3A_2049, %dma_start3A_2050, %dma_start3A_2051] : memref<2x4x104x32xf32, #tpu.memory_space<vmem>> -> memref<1x1x104x32xf32, #tpu.memory_space<vmem>>
        %dma_start3A_2053 = tpu.memref_squeeze %dma_start3A_2052 : memref<1x1x104x32xf32, #tpu.memory_space<vmem>> -> memref<104x32xf32, #tpu.memory_space<vmem>>
        %dma_start3A_2054 = arith.constant 0 : i32
        %dma_start3A_2055 = tpu.memref_slice %arg12[%dma_start3A_2046, %dma_start3A_2047, %dma_start3A_2054] : memref<2x1x400xi32, #tpu.memory_space<vmem>> -> memref<1x1x104xi32, #tpu.memory_space<vmem>>
        %dma_start3A_2056 = tpu.memref_squeeze %dma_start3A_2055 : memref<1x1x104xi32, #tpu.memory_space<vmem>> -> memref<104xi32, #tpu.memory_space<vmem>>
        %dma_start3A_2057 = arith.constant 0 : i32
        %dma_start3A_2058 = arith.constant 0 : i32
        %dma_start3A_2059 = tpu.memref_slice %arg8[%dma_start3A_2057, %dma_start3A_2058] : memref<100001x32xf32, #tpu.memory_space<hbm>> -> memref<100001x32xf32, #tpu.memory_space<hbm>>
        tpu.enqueue_indirect_dma source(%dma_start3A_2059 : memref<100001x32xf32, #tpu.memory_space<hbm>>) target(%dma_start3A_2053 : memref<104x32xf32, #tpu.memory_space<vmem>>) offsets(%dma_start3A_2056 : memref<104xi32, #tpu.memory_space<vmem>>) semaphore(%arg27 : memref<!tpu.dma_semaphore, #tpu.memory_space<semaphore_mem>>)
        %dma_start3A_2060 = arith.constant 0 : i32
        %dma_start3A_2061 = arith.constant 0 : i32
        %dma_start3A_2062 = arith.constant 0 : i32
        %dma_start3A_2063 = arith.constant 1 : i32
        %dma_start3A_2064 = arith.constant 0 : i32
        %dma_start3A_2065 = arith.constant 0 : i32
        %dma_start3A_2066 = tpu.memref_slice %arg15[%dma_start3A_2062, %dma_start3A_2063, %dma_start3A_2064, %dma_start3A_2065] : memref<2x4x104x32xf32, #tpu.memory_space<vmem>> -> memref<1x1x104x32xf32, #tpu.memory_space<vmem>>
        %dma_start3A_2067 = tpu.memref_squeeze %dma_start3A_2066 : memref<1x1x104x32xf32, #tpu.memory_space<vmem>> -> memref<104x32xf32, #tpu.memory_space<vmem>>
        %dma_start3A_2068 = arith.constant 104 : i32
        %dma_start3A_2069 = tpu.memref_slice %arg12[%dma_start3A_2060, %dma_start3A_2061, %dma_start3A_2068] : memref<2x1x400xi32, #tpu.memory_space<vmem>> -> memref<1x1x104xi32, #tpu.memory_space<vmem>>
        %dma_start3A_2070 = tpu.memref_squeeze %dma_start3A_2069 : memref<1x1x104xi32, #tpu.memory_space<vmem>> -> memref<104xi32, #tpu.memory_space<vmem>>
        %dma_start3A_2071 = arith.constant 0 : i32
        %dma_start3A_2072 = arith.constant 0 : i32
        %dma_start3A_2073 = tpu.memref_slice %arg8[%dma_start3A_2071, %dma_start3A_2072] : memref<100001x32xf32, #tpu.memory_space<hbm>> -> memref<100001x32xf32, #tpu.memory_space<hbm>>
        tpu.enqueue_indirect_dma source(%dma_start3A_2073 : memref<100001x32xf32, #tpu.memory_space<hbm>>) target(%dma_start3A_2067 : memref<104x32xf32, #tpu.memory_space<vmem>>) offsets(%dma_start3A_2070 : memref<104xi32, #tpu.memory_space<vmem>>) semaphore(%arg27 : memref<!tpu.dma_semaphore, #tpu.memory_space<semaphore_mem>>)
        %dma_start3A_2074 = arith.constant 0 : i32
        %dma_start3A_2075 = arith.constant 0 : i32
        %dma_start3A_2076 = arith.constant 0 : i32
        %dma_start3A_2077 = arith.constant 2 : i32
        %dma_start3A_2078 = arith.constant 0 : i32
        %dma_start3A_2079 = arith.constant 0 : i32
        %dma_start3A_2080 = tpu.memref_slice %arg15[%dma_start3A_2076, %dma_start3A_2077, %dma_start3A_2078, %dma_start3A_2079] : memref<2x4x104x32xf32, #tpu.memory_space<vmem>> -> memref<1x1x104x32xf32, #tpu.memory_space<vmem>>
        %dma_start3A_2081 = tpu.memref_squeeze %dma_start3A_2080 : memref<1x1x104x32xf32, #tpu.memory_space<vmem>> -> memref<104x32xf32, #tpu.memory_space<vmem>>
        %dma_start3A_2082 = arith.constant 208 : i32
        %dma_start3A_2083 = tpu.memref_slice %arg12[%dma_start3A_2074, %dma_start3A_2075, %dma_start3A_2082] : memref<2x1x400xi32, #tpu.memory_space<vmem>> -> memref<1x1x104xi32, #tpu.memory_space<vmem>>
        %dma_start3A_2084 = tpu.memref_squeeze %dma_start3A_2083 : memref<1x1x104xi32, #tpu.memory_space<vmem>> -> memref<104xi32, #tpu.memory_space<vmem>>
        %dma_start3A_2085 = arith.constant 0 : i32
        %dma_start3A_2086 = arith.constant 0 : i32
        %dma_start3A_2087 = tpu.memref_slice %arg8[%dma_start3A_2085, %dma_start3A_2086] : memref<100001x32xf32, #tpu.memory_space<hbm>> -> memref<100001x32xf32, #tpu.memory_space<hbm>>
        tpu.enqueue_indirect_dma source(%dma_start3A_2087 : memref<100001x32xf32, #tpu.memory_space<hbm>>) target(%dma_start3A_2081 : memref<104x32xf32, #tpu.memory_space<vmem>>) offsets(%dma_start3A_2084 : memref<104xi32, #tpu.memory_space<vmem>>) semaphore(%arg27 : memref<!tpu.dma_semaphore, #tpu.memory_space<semaphore_mem>>)
        %dma_start3A_2088 = arith.constant 0 : i32
        %dma_start3A_2089 = arith.constant 0 : i32
        %dma_start3A_2090 = arith.constant 0 : i32
        %dma_start3A_2091 = arith.constant 3 : i32
        %dma_start3A_2092 = arith.constant 0 : i32
        %dma_start3A_2093 = arith.constant 0 : i32
        %dma_start3A_2094 = tpu.memref_slice %arg15[%dma_start3A_2090, %dma_start3A_2091, %dma_start3A_2092, %dma_start3A_2093] : memref<2x4x104x32xf32, #tpu.memory_space<vmem>> -> memref<1x1x88x32xf32, #tpu.memory_space<vmem>>
        %dma_start3A_2095 = tpu.memref_squeeze %dma_start3A_2094 : memref<1x1x88x32xf32, #tpu.memory_space<vmem>> -> memref<88x32xf32, #tpu.memory_space<vmem>>
        %dma_start3A_2096 = arith.constant 312 : i32
        %dma_start3A_2097 = tpu.memref_slice %arg12[%dma_start3A_2088, %dma_start3A_2089, %dma_start3A_2096] : memref<2x1x400xi32, #tpu.memory_space<vmem>> -> memref<1x1x88xi32, #tpu.memory_space<vmem>>
        %dma_start3A_2098 = tpu.memref_squeeze %dma_start3A_2097 : memref<1x1x88xi32, #tpu.memory_space<vmem>> -> memref<88xi32, #tpu.memory_space<vmem>>
        %dma_start3A_2099 = arith.constant 0 : i32
        %dma_start3A_2100 = arith.constant 0 : i32
        %dma_start3A_2101 = tpu.memref_slice %arg8[%dma_start3A_2099, %dma_start3A_2100] : memref<100001x32xf32, #tpu.memory_space<hbm>> -> memref<100001x32xf32, #tpu.memory_space<hbm>>
        tpu.enqueue_indirect_dma source(%dma_start3A_2101 : memref<100001x32xf32, #tpu.memory_space<hbm>>) target(%dma_start3A_2095 : memref<88x32xf32, #tpu.memory_space<vmem>>) offsets(%dma_start3A_2098 : memref<88xi32, #tpu.memory_space<vmem>>) semaphore(%arg27 : memref<!tpu.dma_semaphore, #tpu.memory_space<semaphore_mem>>)
      } else {
      }
      %mul3A_1222 = arith.constant 2 : i32
      %mul3A_1223 = arith.muli %mul3A_1222, %scan3A_476 : i32
      %add3A_1224 = arith.constant 1 : i32
      %add3A_1225 = arith.addi %mul3A_1223, %add3A_1224 : i32
      %dma_wait3A_1226 = arith.constant 1 : i32
      %dma_wait3A_1227 = arith.constant 0 : i32
      %dma_wait3A_1228 = arith.constant 1 : i32
      %dma_wait3A_1229 = arith.constant 0 : i32
      %dma_wait3A_1230 = arith.constant 0 : i32
      %dma_wait3A_1231 = arith.constant 0 : i32
      %dma_wait3A_1232 = tpu.memref_slice %arg14[%dma_wait3A_1228, %dma_wait3A_1229, %dma_wait3A_1230, %dma_wait3A_1231] : memref<2x2x104x32xf32, #tpu.memory_space<vmem>> -> memref<1x1x104x32xf32, #tpu.memory_space<vmem>>
      %dma_wait3A_1233 = tpu.memref_squeeze %dma_wait3A_1232 : memref<1x1x104x32xf32, #tpu.memory_space<vmem>> -> memref<104x32xf32, #tpu.memory_space<vmem>>
      %dma_wait3A_1234 = arith.constant 0 : i32
      %dma_wait3A_1235 = tpu.memref_slice %arg11[%dma_wait3A_1226, %dma_wait3A_1227, %dma_wait3A_1234] : memref<2x1x200xi32, #tpu.memory_space<vmem>> -> memref<1x1x104xi32, #tpu.memory_space<vmem>>
      %dma_wait3A_1236 = tpu.memref_squeeze %dma_wait3A_1235 : memref<1x1x104xi32, #tpu.memory_space<vmem>> -> memref<104xi32, #tpu.memory_space<vmem>>
      %dma_wait3A_1237 = arith.constant 0 : i32
      %dma_wait3A_1238 = arith.constant 0 : i32
      %dma_wait3A_1239 = tpu.memref_slice %arg7[%dma_wait3A_1237, %dma_wait3A_1238] : memref<1000001x32xf32, #tpu.memory_space<hbm>> -> memref<1000001x32xf32, #tpu.memory_space<hbm>>
      tpu.wait_indirect_dma semaphore(%arg28 : memref<!tpu.dma_semaphore, #tpu.memory_space<semaphore_mem>>) src(%dma_wait3A_1239 : memref<1000001x32xf32, #tpu.memory_space<hbm>>) dst(%dma_wait3A_1233 : memref<104x32xf32, #tpu.memory_space<vmem>>)
      %dma_wait3A_1240 = arith.constant 1 : i32
      %dma_wait3A_1241 = arith.constant 0 : i32
      %dma_wait3A_1242 = arith.constant 1 : i32
      %dma_wait3A_1243 = arith.constant 1 : i32
      %dma_wait3A_1244 = arith.constant 0 : i32
      %dma_wait3A_1245 = arith.constant 0 : i32
      %dma_wait3A_1246 = tpu.memref_slice %arg14[%dma_wait3A_1242, %dma_wait3A_1243, %dma_wait3A_1244, %dma_wait3A_1245] : memref<2x2x104x32xf32, #tpu.memory_space<vmem>> -> memref<1x1x96x32xf32, #tpu.memory_space<vmem>>
      %dma_wait3A_1247 = tpu.memref_squeeze %dma_wait3A_1246 : memref<1x1x96x32xf32, #tpu.memory_space<vmem>> -> memref<96x32xf32, #tpu.memory_space<vmem>>
      %dma_wait3A_1248 = arith.constant 104 : i32
      %dma_wait3A_1249 = tpu.memref_slice %arg11[%dma_wait3A_1240, %dma_wait3A_1241, %dma_wait3A_1248] : memref<2x1x200xi32, #tpu.memory_space<vmem>> -> memref<1x1x96xi32, #tpu.memory_space<vmem>>
      %dma_wait3A_1250 = tpu.memref_squeeze %dma_wait3A_1249 : memref<1x1x96xi32, #tpu.memory_space<vmem>> -> memref<96xi32, #tpu.memory_space<vmem>>
      %dma_wait3A_1251 = arith.constant 0 : i32
      %dma_wait3A_1252 = arith.constant 0 : i32
      %dma_wait3A_1253 = tpu.memref_slice %arg7[%dma_wait3A_1251, %dma_wait3A_1252] : memref<1000001x32xf32, #tpu.memory_space<hbm>> -> memref<1000001x32xf32, #tpu.memory_space<hbm>>
      tpu.wait_indirect_dma semaphore(%arg28 : memref<!tpu.dma_semaphore, #tpu.memory_space<semaphore_mem>>) src(%dma_wait3A_1253 : memref<1000001x32xf32, #tpu.memory_space<hbm>>) dst(%dma_wait3A_1247 : memref<96x32xf32, #tpu.memory_space<vmem>>)
      %dma_wait3A_1254 = arith.constant 1 : i32
      %dma_wait3A_1255 = arith.constant 0 : i32
      %dma_wait3A_1256 = arith.constant 1 : i32
      %dma_wait3A_1257 = arith.constant 0 : i32
      %dma_wait3A_1258 = arith.constant 0 : i32
      %dma_wait3A_1259 = arith.constant 0 : i32
      %dma_wait3A_1260 = tpu.memref_slice %arg15[%dma_wait3A_1256, %dma_wait3A_1257, %dma_wait3A_1258, %dma_wait3A_1259] : memref<2x4x104x32xf32, #tpu.memory_space<vmem>> -> memref<1x1x104x32xf32, #tpu.memory_space<vmem>>
      %dma_wait3A_1261 = tpu.memref_squeeze %dma_wait3A_1260 : memref<1x1x104x32xf32, #tpu.memory_space<vmem>> -> memref<104x32xf32, #tpu.memory_space<vmem>>
      %dma_wait3A_1262 = arith.constant 0 : i32
      %dma_wait3A_1263 = tpu.memref_slice %arg12[%dma_wait3A_1254, %dma_wait3A_1255, %dma_wait3A_1262] : memref<2x1x400xi32, #tpu.memory_space<vmem>> -> memref<1x1x104xi32, #tpu.memory_space<vmem>>
      %dma_wait3A_1264 = tpu.memref_squeeze %dma_wait3A_1263 : memref<1x1x104xi32, #tpu.memory_space<vmem>> -> memref<104xi32, #tpu.memory_space<vmem>>
      %dma_wait3A_1265 = arith.constant 0 : i32
      %dma_wait3A_1266 = arith.constant 0 : i32
      %dma_wait3A_1267 = tpu.memref_slice %arg8[%dma_wait3A_1265, %dma_wait3A_1266] : memref<100001x32xf32, #tpu.memory_space<hbm>> -> memref<100001x32xf32, #tpu.memory_space<hbm>>
      tpu.wait_indirect_dma semaphore(%arg28 : memref<!tpu.dma_semaphore, #tpu.memory_space<semaphore_mem>>) src(%dma_wait3A_1267 : memref<100001x32xf32, #tpu.memory_space<hbm>>) dst(%dma_wait3A_1261 : memref<104x32xf32, #tpu.memory_space<vmem>>)
      %dma_wait3A_1268 = arith.constant 1 : i32
      %dma_wait3A_1269 = arith.constant 0 : i32
      %dma_wait3A_1270 = arith.constant 1 : i32
      %dma_wait3A_1271 = arith.constant 1 : i32
      %dma_wait3A_1272 = arith.constant 0 : i32
      %dma_wait3A_1273 = arith.constant 0 : i32
      %dma_wait3A_1274 = tpu.memref_slice %arg15[%dma_wait3A_1270, %dma_wait3A_1271, %dma_wait3A_1272, %dma_wait3A_1273] : memref<2x4x104x32xf32, #tpu.memory_space<vmem>> -> memref<1x1x104x32xf32, #tpu.memory_space<vmem>>
      %dma_wait3A_1275 = tpu.memref_squeeze %dma_wait3A_1274 : memref<1x1x104x32xf32, #tpu.memory_space<vmem>> -> memref<104x32xf32, #tpu.memory_space<vmem>>
      %dma_wait3A_1276 = arith.constant 104 : i32
      %dma_wait3A_1277 = tpu.memref_slice %arg12[%dma_wait3A_1268, %dma_wait3A_1269, %dma_wait3A_1276] : memref<2x1x400xi32, #tpu.memory_space<vmem>> -> memref<1x1x104xi32, #tpu.memory_space<vmem>>
      %dma_wait3A_1278 = tpu.memref_squeeze %dma_wait3A_1277 : memref<1x1x104xi32, #tpu.memory_space<vmem>> -> memref<104xi32, #tpu.memory_space<vmem>>
      %dma_wait3A_1279 = arith.constant 0 : i32
      %dma_wait3A_1280 = arith.constant 0 : i32
      %dma_wait3A_1281 = tpu.memref_slice %arg8[%dma_wait3A_1279, %dma_wait3A_1280] : memref<100001x32xf32, #tpu.memory_space<hbm>> -> memref<100001x32xf32, #tpu.memory_space<hbm>>
      tpu.wait_indirect_dma semaphore(%arg28 : memref<!tpu.dma_semaphore, #tpu.memory_space<semaphore_mem>>) src(%dma_wait3A_1281 : memref<100001x32xf32, #tpu.memory_space<hbm>>) dst(%dma_wait3A_1275 : memref<104x32xf32, #tpu.memory_space<vmem>>)
      %dma_wait3A_1282 = arith.constant 1 : i32
      %dma_wait3A_1283 = arith.constant 0 : i32
      %dma_wait3A_1284 = arith.constant 1 : i32
      %dma_wait3A_1285 = arith.constant 2 : i32
      %dma_wait3A_1286 = arith.constant 0 : i32
      %dma_wait3A_1287 = arith.constant 0 : i32
      %dma_wait3A_1288 = tpu.memref_slice %arg15[%dma_wait3A_1284, %dma_wait3A_1285, %dma_wait3A_1286, %dma_wait3A_1287] : memref<2x4x104x32xf32, #tpu.memory_space<vmem>> -> memref<1x1x104x32xf32, #tpu.memory_space<vmem>>
      %dma_wait3A_1289 = tpu.memref_squeeze %dma_wait3A_1288 : memref<1x1x104x32xf32, #tpu.memory_space<vmem>> -> memref<104x32xf32, #tpu.memory_space<vmem>>
      %dma_wait3A_1290 = arith.constant 208 : i32
      %dma_wait3A_1291 = tpu.memref_slice %arg12[%dma_wait3A_1282, %dma_wait3A_1283, %dma_wait3A_1290] : memref<2x1x400xi32, #tpu.memory_space<vmem>> -> memref<1x1x104xi32, #tpu.memory_space<vmem>>
      %dma_wait3A_1292 = tpu.memref_squeeze %dma_wait3A_1291 : memref<1x1x104xi32, #tpu.memory_space<vmem>> -> memref<104xi32, #tpu.memory_space<vmem>>
      %dma_wait3A_1293 = arith.constant 0 : i32
      %dma_wait3A_1294 = arith.constant 0 : i32
      %dma_wait3A_1295 = tpu.memref_slice %arg8[%dma_wait3A_1293, %dma_wait3A_1294] : memref<100001x32xf32, #tpu.memory_space<hbm>> -> memref<100001x32xf32, #tpu.memory_space<hbm>>
      tpu.wait_indirect_dma semaphore(%arg28 : memref<!tpu.dma_semaphore, #tpu.memory_space<semaphore_mem>>) src(%dma_wait3A_1295 : memref<100001x32xf32, #tpu.memory_space<hbm>>) dst(%dma_wait3A_1289 : memref<104x32xf32, #tpu.memory_space<vmem>>)
      %dma_wait3A_1296 = arith.constant 1 : i32
      %dma_wait3A_1297 = arith.constant 0 : i32
      %dma_wait3A_1298 = arith.constant 1 : i32
      %dma_wait3A_1299 = arith.constant 3 : i32
      %dma_wait3A_1300 = arith.constant 0 : i32
      %dma_wait3A_1301 = arith.constant 0 : i32
      %dma_wait3A_1302 = tpu.memref_slice %arg15[%dma_wait3A_1298, %dma_wait3A_1299, %dma_wait3A_1300, %dma_wait3A_1301] : memref<2x4x104x32xf32, #tpu.memory_space<vmem>> -> memref<1x1x88x32xf32, #tpu.memory_space<vmem>>
      %dma_wait3A_1303 = tpu.memref_squeeze %dma_wait3A_1302 : memref<1x1x88x32xf32, #tpu.memory_space<vmem>> -> memref<88x32xf32, #tpu.memory_space<vmem>>
      %dma_wait3A_1304 = arith.constant 312 : i32
      %dma_wait3A_1305 = tpu.memref_slice %arg12[%dma_wait3A_1296, %dma_wait3A_1297, %dma_wait3A_1304] : memref<2x1x400xi32, #tpu.memory_space<vmem>> -> memref<1x1x88xi32, #tpu.memory_space<vmem>>
      %dma_wait3A_1306 = tpu.memref_squeeze %dma_wait3A_1305 : memref<1x1x88xi32, #tpu.memory_space<vmem>> -> memref<88xi32, #tpu.memory_space<vmem>>
      %dma_wait3A_1307 = arith.constant 0 : i32
      %dma_wait3A_1308 = arith.constant 0 : i32
      %dma_wait3A_1309 = tpu.memref_slice %arg8[%dma_wait3A_1307, %dma_wait3A_1308] : memref<100001x32xf32, #tpu.memory_space<hbm>> -> memref<100001x32xf32, #tpu.memory_space<hbm>>
      tpu.wait_indirect_dma semaphore(%arg28 : memref<!tpu.dma_semaphore, #tpu.memory_space<semaphore_mem>>) src(%dma_wait3A_1309 : memref<100001x32xf32, #tpu.memory_space<hbm>>) dst(%dma_wait3A_1303 : memref<88x32xf32, #tpu.memory_space<vmem>>)
      %add3A_1310 = arith.constant 2 : i32
      %add3A_1311 = arith.addi %add3A_1225, %add3A_1310 : i32
      %lt3A_1312 = arith.constant 128 : i32
      %lt3A_1313 = arith.cmpi slt, %add3A_1311, %lt3A_1312 : i32
      %convert_element_type3A_1314 = arith.extui %lt3A_1313 : i1 to i32
      %cond3A_1315 = arith.constant 0 : i32
      %cond3A_1316 = arith.cmpi ne, %convert_element_type3A_1314, %cond3A_1315 : i32
      scf.if %cond3A_1316 {
        %add3A_1973 = arith.addi %mul3A_2, %add3A_1225 : i32
        %add3A_1974 = arith.constant 2 : i32
        %add3A_1975 = arith.addi %add3A_1973, %add3A_1974 : i32
        %dma_start3A_1976 = arith.constant 1 : i32
        %dma_start3A_1977 = arith.constant 0 : i32
        %dma_start3A_1978 = arith.constant 0 : i32
        %dma_start3A_1979 = tpu.memref_slice %arg11[%dma_start3A_1976, %dma_start3A_1977, %dma_start3A_1978] : memref<2x1x200xi32, #tpu.memory_space<vmem>> -> memref<1x1x200xi32, #tpu.memory_space<vmem>>
        %dma_start3A_1980 = tpu.memref_squeeze %dma_start3A_1979 : memref<1x1x200xi32, #tpu.memory_space<vmem>> -> memref<1x200xi32, #tpu.memory_space<vmem>>
        %dma_start3A_1981 = arith.constant 0 : i32
        %dma_start3A_1982 = tpu.memref_slice %arg2[%add3A_1975, %dma_start3A_1981] : memref<4096x200xi32, #tpu.memory_space<hbm>> -> memref<1x200xi32, #tpu.memory_space<hbm>>
        %dma_start3A_1983 = arith.constant 0 : i32
        %dma_start3A_1984 = arith.constant 0 : i32
        %dma_start3A_1985 = tpu.memref_slice %arg11[%dma_start3A_1976, %dma_start3A_1983, %dma_start3A_1984] : memref<2x1x200xi32, #tpu.memory_space<vmem>> -> memref<1x1x200xi32, #tpu.memory_space<vmem>>
        %dma_start3A_1986 = tpu.memref_squeeze %dma_start3A_1985 : memref<1x1x200xi32, #tpu.memory_space<vmem>> -> memref<1x200xi32, #tpu.memory_space<vmem>>
        %dma_start3A_1987 = arith.constant 0 : i32
        %dma_start3A_1988 = tpu.memref_slice %arg2[%add3A_1975, %dma_start3A_1987] : memref<4096x200xi32, #tpu.memory_space<hbm>> -> memref<1x200xi32, #tpu.memory_space<hbm>>
        tpu.enqueue_dma source(%dma_start3A_1988 : memref<1x200xi32, #tpu.memory_space<hbm>>) target(%dma_start3A_1986 : memref<1x200xi32, #tpu.memory_space<vmem>>) target_semaphore(%arg24 : memref<!tpu.dma_semaphore, #tpu.memory_space<semaphore_mem>>)
        %dma_start3A_1989 = arith.constant 1 : i32
        %dma_start3A_1990 = arith.constant 0 : i32
        %dma_start3A_1991 = arith.constant 0 : i32
        %dma_start3A_1992 = tpu.memref_slice %arg12[%dma_start3A_1989, %dma_start3A_1990, %dma_start3A_1991] : memref<2x1x400xi32, #tpu.memory_space<vmem>> -> memref<1x1x400xi32, #tpu.memory_space<vmem>>
        %dma_start3A_1993 = tpu.memref_squeeze %dma_start3A_1992 : memref<1x1x400xi32, #tpu.memory_space<vmem>> -> memref<1x400xi32, #tpu.memory_space<vmem>>
        %dma_start3A_1994 = arith.constant 0 : i32
        %dma_start3A_1995 = tpu.memref_slice %arg3[%add3A_1975, %dma_start3A_1994] : memref<4096x400xi32, #tpu.memory_space<hbm>> -> memref<1x400xi32, #tpu.memory_space<hbm>>
        %dma_start3A_1996 = arith.constant 0 : i32
        %dma_start3A_1997 = arith.constant 0 : i32
        %dma_start3A_1998 = tpu.memref_slice %arg12[%dma_start3A_1989, %dma_start3A_1996, %dma_start3A_1997] : memref<2x1x400xi32, #tpu.memory_space<vmem>> -> memref<1x1x400xi32, #tpu.memory_space<vmem>>
        %dma_start3A_1999 = tpu.memref_squeeze %dma_start3A_1998 : memref<1x1x400xi32, #tpu.memory_space<vmem>> -> memref<1x400xi32, #tpu.memory_space<vmem>>
        %dma_start3A_2000 = arith.constant 0 : i32
        %dma_start3A_2001 = tpu.memref_slice %arg3[%add3A_1975, %dma_start3A_2000] : memref<4096x400xi32, #tpu.memory_space<hbm>> -> memref<1x400xi32, #tpu.memory_space<hbm>>
        tpu.enqueue_dma source(%dma_start3A_2001 : memref<1x400xi32, #tpu.memory_space<hbm>>) target(%dma_start3A_1999 : memref<1x400xi32, #tpu.memory_space<vmem>>) target_semaphore(%arg24 : memref<!tpu.dma_semaphore, #tpu.memory_space<semaphore_mem>>)
      } else {
      }
      %add3A_1317 = arith.addi %mul3A_2, %add3A_1225 : i32
      %dma_wait3A_1318 = arith.constant 1 : i32
      %dma_wait3A_1319 = arith.constant 0 : i32
      %dma_wait3A_1320 = arith.constant 0 : i32
      %dma_wait3A_1321 = tpu.memref_slice %arg13[%dma_wait3A_1318, %dma_wait3A_1319, %dma_wait3A_1320] : memref<2x1x208xi32, #tpu.memory_space<vmem>> -> memref<1x1x200xi32, #tpu.memory_space<vmem>>
      %dma_wait3A_1322 = tpu.memref_squeeze %dma_wait3A_1321 : memref<1x1x200xi32, #tpu.memory_space<vmem>> -> memref<1x200xi32, #tpu.memory_space<vmem>>
      %dma_wait3A_1323 = arith.constant 0 : i32
      %dma_wait3A_1324 = tpu.memref_slice %arg4[%add3A_1317, %dma_wait3A_1323] : memref<4096x200xi32, #tpu.memory_space<hbm>> -> memref<1x200xi32, #tpu.memory_space<hbm>>
      %dma_wait3A_1325 = arith.constant 0 : i32
      %dma_wait3A_1326 = arith.constant 0 : i32
      %dma_wait3A_1327 = tpu.memref_slice %arg13[%dma_wait3A_1318, %dma_wait3A_1325, %dma_wait3A_1326] : memref<2x1x208xi32, #tpu.memory_space<vmem>> -> memref<1x1x200xi32, #tpu.memory_space<vmem>>
      %dma_wait3A_1328 = tpu.memref_squeeze %dma_wait3A_1327 : memref<1x1x200xi32, #tpu.memory_space<vmem>> -> memref<1x200xi32, #tpu.memory_space<vmem>>
      %dma_wait3A_1329 = arith.constant 0 : i32
      %dma_wait3A_1330 = tpu.memref_slice %arg4[%add3A_1317, %dma_wait3A_1329] : memref<4096x200xi32, #tpu.memory_space<hbm>> -> memref<1x200xi32, #tpu.memory_space<hbm>>
      tpu.wait_dma2 semaphore(%arg26 : memref<!tpu.dma_semaphore, #tpu.memory_space<semaphore_mem>>) src(%dma_wait3A_1330 : memref<1x200xi32, #tpu.memory_space<hbm>>) dst(%dma_wait3A_1328 : memref<1x200xi32, #tpu.memory_space<vmem>>)
      %scan3A_1331 = arith.constant 0 : i32
      %scan3A_1332 = arith.constant 104 : i32
      %scan3A_1333 = arith.addi %scan3A_1331, %scan3A_1332 : i32
      %scan3A_1334 = arith.constant 4 : i32
      %scan3A_1335:2 = scf.for %scan3A_1973 = %scan3A_1331 to %scan3A_1333 step %scan3A_1334 iter_args(%scan3A_1974 = %broadcast_in_dim3A_3, %scan3A_1975 = %broadcast_in_dim3A_3) -> (vector<16xf32>, vector<16xf32>)  : i32 {
        %get3A_1976 = arith.constant 1 : i32
        %get3A_1977 = arith.constant 0 : i32
        %get3A_1978 = arith.index_cast %get3A_1976 : i32 to index
        %get3A_1979 = arith.index_cast %get3A_1977 : i32 to index
        %get3A_1980 = arith.index_cast %scan3A_1973 : i32 to index
        %get3A_1981 = arith.constant 0 : index
        %get3A_1982 = tpu.vector_load %arg14[%get3A_1978, %get3A_1979, %get3A_1980, %get3A_1981] {strides = array<i32>} : memref<2x2x104x32xf32, #tpu.memory_space<vmem>>, vector<1x1x1x16xf32>,
        %get3A_1983 = vector.shape_cast %get3A_1982 : vector<1x1x1x16xf32> to vector<16xf32>
        %add3A_1984 = arith.addf %scan3A_1974, %get3A_1983 : vector<16xf32>
        %get3A_1985 = arith.constant 1 : i32
        %get3A_1986 = arith.constant 0 : i32
        %get3A_1987 = arith.index_cast %get3A_1985 : i32 to index
        %get3A_1988 = arith.index_cast %get3A_1986 : i32 to index
        %get3A_1989 = arith.index_cast %scan3A_1973 : i32 to index
        %get3A_1990 = arith.constant 16 : index
        %get3A_1991 = tpu.vector_load %arg14[%get3A_1987, %get3A_1988, %get3A_1989, %get3A_1990] {strides = array<i32>} : memref<2x2x104x32xf32, #tpu.memory_space<vmem>>, vector<1x1x1x16xf32>,
        %get3A_1992 = vector.shape_cast %get3A_1991 : vector<1x1x1x16xf32> to vector<16xf32>
        %add3A_1993 = arith.addf %scan3A_1975, %get3A_1992 : vector<16xf32>
        %scan3A_1994 = arith.constant 1 : i32
        %scan3A_1995 = arith.addi %scan3A_1973, %scan3A_1994 : i32
        %get3A_1996 = arith.constant 1 : i32
        %get3A_1997 = arith.constant 0 : i32
        %get3A_1998 = arith.index_cast %get3A_1996 : i32 to index
        %get3A_1999 = arith.index_cast %get3A_1997 : i32 to index
        %get3A_2000 = arith.index_cast %scan3A_1995 : i32 to index
        %get3A_2001 = arith.constant 0 : index
        %get3A_2002 = tpu.vector_load %arg14[%get3A_1998, %get3A_1999, %get3A_2000, %get3A_2001] {strides = array<i32>} : memref<2x2x104x32xf32, #tpu.memory_space<vmem>>, vector<1x1x1x16xf32>,
        %get3A_2003 = vector.shape_cast %get3A_2002 : vector<1x1x1x16xf32> to vector<16xf32>
        %add3A_2004 = arith.addf %add3A_1984, %get3A_2003 : vector<16xf32>
        %get3A_2005 = arith.constant 1 : i32
        %get3A_2006 = arith.constant 0 : i32
        %get3A_2007 = arith.index_cast %get3A_2005 : i32 to index
        %get3A_2008 = arith.index_cast %get3A_2006 : i32 to index
        %get3A_2009 = arith.index_cast %scan3A_1995 : i32 to index
        %get3A_2010 = arith.constant 16 : index
        %get3A_2011 = tpu.vector_load %arg14[%get3A_2007, %get3A_2008, %get3A_2009, %get3A_2010] {strides = array<i32>} : memref<2x2x104x32xf32, #tpu.memory_space<vmem>>, vector<1x1x1x16xf32>,
        %get3A_2012 = vector.shape_cast %get3A_2011 : vector<1x1x1x16xf32> to vector<16xf32>
        %add3A_2013 = arith.addf %add3A_1993, %get3A_2012 : vector<16xf32>
        %scan3A_2014 = arith.constant 2 : i32
        %scan3A_2015 = arith.addi %scan3A_1973, %scan3A_2014 : i32
        %get3A_2016 = arith.constant 1 : i32
        %get3A_2017 = arith.constant 0 : i32
        %get3A_2018 = arith.index_cast %get3A_2016 : i32 to index
        %get3A_2019 = arith.index_cast %get3A_2017 : i32 to index
        %get3A_2020 = arith.index_cast %scan3A_2015 : i32 to index
        %get3A_2021 = arith.constant 0 : index
        %get3A_2022 = tpu.vector_load %arg14[%get3A_2018, %get3A_2019, %get3A_2020, %get3A_2021] {strides = array<i32>} : memref<2x2x104x32xf32, #tpu.memory_space<vmem>>, vector<1x1x1x16xf32>,
        %get3A_2023 = vector.shape_cast %get3A_2022 : vector<1x1x1x16xf32> to vector<16xf32>
        %add3A_2024 = arith.addf %add3A_2004, %get3A_2023 : vector<16xf32>
        %get3A_2025 = arith.constant 1 : i32
        %get3A_2026 = arith.constant 0 : i32
        %get3A_2027 = arith.index_cast %get3A_2025 : i32 to index
        %get3A_2028 = arith.index_cast %get3A_2026 : i32 to index
        %get3A_2029 = arith.index_cast %scan3A_2015 : i32 to index
        %get3A_2030 = arith.constant 16 : index
        %get3A_2031 = tpu.vector_load %arg14[%get3A_2027, %get3A_2028, %get3A_2029, %get3A_2030] {strides = array<i32>} : memref<2x2x104x32xf32, #tpu.memory_space<vmem>>, vector<1x1x1x16xf32>,
        %get3A_2032 = vector.shape_cast %get3A_2031 : vector<1x1x1x16xf32> to vector<16xf32>
        %add3A_2033 = arith.addf %add3A_2013, %get3A_2032 : vector<16xf32>
        %scan3A_2034 = arith.constant 3 : i32
        %scan3A_2035 = arith.addi %scan3A_1973, %scan3A_2034 : i32
        %get3A_2036 = arith.constant 1 : i32
        %get3A_2037 = arith.constant 0 : i32
        %get3A_2038 = arith.index_cast %get3A_2036 : i32 to index
        %get3A_2039 = arith.index_cast %get3A_2037 : i32 to index
        %get3A_2040 = arith.index_cast %scan3A_2035 : i32 to index
        %get3A_2041 = arith.constant 0 : index
        %get3A_2042 = tpu.vector_load %arg14[%get3A_2038, %get3A_2039, %get3A_2040, %get3A_2041] {strides = array<i32>} : memref<2x2x104x32xf32, #tpu.memory_space<vmem>>, vector<1x1x1x16xf32>,
        %get3A_2043 = vector.shape_cast %get3A_2042 : vector<1x1x1x16xf32> to vector<16xf32>
        %add3A_2044 = arith.addf %add3A_2024, %get3A_2043 : vector<16xf32>
        %get3A_2045 = arith.constant 1 : i32
        %get3A_2046 = arith.constant 0 : i32
        %get3A_2047 = arith.index_cast %get3A_2045 : i32 to index
        %get3A_2048 = arith.index_cast %get3A_2046 : i32 to index
        %get3A_2049 = arith.index_cast %scan3A_2035 : i32 to index
        %get3A_2050 = arith.constant 16 : index
        %get3A_2051 = tpu.vector_load %arg14[%get3A_2047, %get3A_2048, %get3A_2049, %get3A_2050] {strides = array<i32>} : memref<2x2x104x32xf32, #tpu.memory_space<vmem>>, vector<1x1x1x16xf32>,
        %get3A_2052 = vector.shape_cast %get3A_2051 : vector<1x1x1x16xf32> to vector<16xf32>
        %add3A_2053 = arith.addf %add3A_2033, %get3A_2052 : vector<16xf32>
        scf.yield %add3A_2044, %add3A_2053 : vector<16xf32>, vector<16xf32>
      }
      %scan3A_1336 = arith.constant 104 : i32
      %scan3A_1337 = arith.constant 0 : i32
      %scan3A_1338 = arith.constant 96 : i32
      %scan3A_1339 = arith.addi %scan3A_1337, %scan3A_1338 : i32
      %scan3A_1340 = arith.constant 4 : i32
      %scan3A_1341:2 = scf.for %scan3A_1973 = %scan3A_1337 to %scan3A_1339 step %scan3A_1340 iter_args(%scan3A_1974 = %scan3A_1335#0, %scan3A_1975 = %scan3A_1335#1) -> (vector<16xf32>, vector<16xf32>)  : i32 {
        %get3A_1976 = arith.constant 1 : i32
        %get3A_1977 = arith.constant 1 : i32
        %get3A_1978 = arith.index_cast %get3A_1976 : i32 to index
        %get3A_1979 = arith.index_cast %get3A_1977 : i32 to index
        %get3A_1980 = arith.index_cast %scan3A_1973 : i32 to index
        %get3A_1981 = arith.constant 0 : index
        %get3A_1982 = tpu.vector_load %arg14[%get3A_1978, %get3A_1979, %get3A_1980, %get3A_1981] {strides = array<i32>} : memref<2x2x104x32xf32, #tpu.memory_space<vmem>>, vector<1x1x1x16xf32>,
        %get3A_1983 = vector.shape_cast %get3A_1982 : vector<1x1x1x16xf32> to vector<16xf32>
        %add3A_1984 = arith.addf %scan3A_1974, %get3A_1983 : vector<16xf32>
        %get3A_1985 = arith.constant 1 : i32
        %get3A_1986 = arith.constant 1 : i32
        %get3A_1987 = arith.index_cast %get3A_1985 : i32 to index
        %get3A_1988 = arith.index_cast %get3A_1986 : i32 to index
        %get3A_1989 = arith.index_cast %scan3A_1973 : i32 to index
        %get3A_1990 = arith.constant 16 : index
        %get3A_1991 = tpu.vector_load %arg14[%get3A_1987, %get3A_1988, %get3A_1989, %get3A_1990] {strides = array<i32>} : memref<2x2x104x32xf32, #tpu.memory_space<vmem>>, vector<1x1x1x16xf32>,
        %get3A_1992 = vector.shape_cast %get3A_1991 : vector<1x1x1x16xf32> to vector<16xf32>
        %add3A_1993 = arith.addf %scan3A_1975, %get3A_1992 : vector<16xf32>
        %scan3A_1994 = arith.constant 1 : i32
        %scan3A_1995 = arith.addi %scan3A_1973, %scan3A_1994 : i32
        %get3A_1996 = arith.constant 1 : i32
        %get3A_1997 = arith.constant 1 : i32
        %get3A_1998 = arith.index_cast %get3A_1996 : i32 to index
        %get3A_1999 = arith.index_cast %get3A_1997 : i32 to index
        %get3A_2000 = arith.index_cast %scan3A_1995 : i32 to index
        %get3A_2001 = arith.constant 0 : index
        %get3A_2002 = tpu.vector_load %arg14[%get3A_1998, %get3A_1999, %get3A_2000, %get3A_2001] {strides = array<i32>} : memref<2x2x104x32xf32, #tpu.memory_space<vmem>>, vector<1x1x1x16xf32>,
        %get3A_2003 = vector.shape_cast %get3A_2002 : vector<1x1x1x16xf32> to vector<16xf32>
        %add3A_2004 = arith.addf %add3A_1984, %get3A_2003 : vector<16xf32>
        %get3A_2005 = arith.constant 1 : i32
        %get3A_2006 = arith.constant 1 : i32
        %get3A_2007 = arith.index_cast %get3A_2005 : i32 to index
        %get3A_2008 = arith.index_cast %get3A_2006 : i32 to index
        %get3A_2009 = arith.index_cast %scan3A_1995 : i32 to index
        %get3A_2010 = arith.constant 16 : index
        %get3A_2011 = tpu.vector_load %arg14[%get3A_2007, %get3A_2008, %get3A_2009, %get3A_2010] {strides = array<i32>} : memref<2x2x104x32xf32, #tpu.memory_space<vmem>>, vector<1x1x1x16xf32>,
        %get3A_2012 = vector.shape_cast %get3A_2011 : vector<1x1x1x16xf32> to vector<16xf32>
        %add3A_2013 = arith.addf %add3A_1993, %get3A_2012 : vector<16xf32>
        %scan3A_2014 = arith.constant 2 : i32
        %scan3A_2015 = arith.addi %scan3A_1973, %scan3A_2014 : i32
        %get3A_2016 = arith.constant 1 : i32
        %get3A_2017 = arith.constant 1 : i32
        %get3A_2018 = arith.index_cast %get3A_2016 : i32 to index
        %get3A_2019 = arith.index_cast %get3A_2017 : i32 to index
        %get3A_2020 = arith.index_cast %scan3A_2015 : i32 to index
        %get3A_2021 = arith.constant 0 : index
        %get3A_2022 = tpu.vector_load %arg14[%get3A_2018, %get3A_2019, %get3A_2020, %get3A_2021] {strides = array<i32>} : memref<2x2x104x32xf32, #tpu.memory_space<vmem>>, vector<1x1x1x16xf32>,
        %get3A_2023 = vector.shape_cast %get3A_2022 : vector<1x1x1x16xf32> to vector<16xf32>
        %add3A_2024 = arith.addf %add3A_2004, %get3A_2023 : vector<16xf32>
        %get3A_2025 = arith.constant 1 : i32
        %get3A_2026 = arith.constant 1 : i32
        %get3A_2027 = arith.index_cast %get3A_2025 : i32 to index
        %get3A_2028 = arith.index_cast %get3A_2026 : i32 to index
        %get3A_2029 = arith.index_cast %scan3A_2015 : i32 to index
        %get3A_2030 = arith.constant 16 : index
        %get3A_2031 = tpu.vector_load %arg14[%get3A_2027, %get3A_2028, %get3A_2029, %get3A_2030] {strides = array<i32>} : memref<2x2x104x32xf32, #tpu.memory_space<vmem>>, vector<1x1x1x16xf32>,
        %get3A_2032 = vector.shape_cast %get3A_2031 : vector<1x1x1x16xf32> to vector<16xf32>
        %add3A_2033 = arith.addf %add3A_2013, %get3A_2032 : vector<16xf32>
        %scan3A_2034 = arith.constant 3 : i32
        %scan3A_2035 = arith.addi %scan3A_1973, %scan3A_2034 : i32
        %get3A_2036 = arith.constant 1 : i32
        %get3A_2037 = arith.constant 1 : i32
        %get3A_2038 = arith.index_cast %get3A_2036 : i32 to index
        %get3A_2039 = arith.index_cast %get3A_2037 : i32 to index
        %get3A_2040 = arith.index_cast %scan3A_2035 : i32 to index
        %get3A_2041 = arith.constant 0 : index
        %get3A_2042 = tpu.vector_load %arg14[%get3A_2038, %get3A_2039, %get3A_2040, %get3A_2041] {strides = array<i32>} : memref<2x2x104x32xf32, #tpu.memory_space<vmem>>, vector<1x1x1x16xf32>,
        %get3A_2043 = vector.shape_cast %get3A_2042 : vector<1x1x1x16xf32> to vector<16xf32>
        %add3A_2044 = arith.addf %add3A_2024, %get3A_2043 : vector<16xf32>
        %get3A_2045 = arith.constant 1 : i32
        %get3A_2046 = arith.constant 1 : i32
        %get3A_2047 = arith.index_cast %get3A_2045 : i32 to index
        %get3A_2048 = arith.index_cast %get3A_2046 : i32 to index
        %get3A_2049 = arith.index_cast %scan3A_2035 : i32 to index
        %get3A_2050 = arith.constant 16 : index
        %get3A_2051 = tpu.vector_load %arg14[%get3A_2047, %get3A_2048, %get3A_2049, %get3A_2050] {strides = array<i32>} : memref<2x2x104x32xf32, #tpu.memory_space<vmem>>, vector<1x1x1x16xf32>,
        %get3A_2052 = vector.shape_cast %get3A_2051 : vector<1x1x1x16xf32> to vector<16xf32>
        %add3A_2053 = arith.addf %add3A_2033, %get3A_2052 : vector<16xf32>
        scf.yield %add3A_2044, %add3A_2053 : vector<16xf32>, vector<16xf32>
      }
      %scan3A_1342 = arith.constant 96 : i32
      %mul3A_1343 = arith.constant 5.000000e-03 : f32
      %mul3A_1344 = vector.broadcast %mul3A_1343 : f32 to vector<16xf32>
      %mul3A_1345 = arith.mulf %scan3A_1341#0, %mul3A_1344 : vector<16xf32>
      %swap3A_1346 = arith.constant 3 : i32
      %swap3A_1347 = arith.index_cast %add3A_1225 : i32 to index
      %swap3A_1348 = arith.index_cast %swap3A_1346 : i32 to index
      %swap3A_1349 = arith.constant 0 : index
      %swap3A_1350 = tpu.vector_load %arg21[%swap3A_1347, %swap3A_1348, %swap3A_1349] {strides = array<i32>} : memref<128x7x32xf32, #tpu.memory_space<vmem>>, vector<1x1x16xf32>,
      %swap3A_1351 = vector.shape_cast %swap3A_1350 : vector<1x1x16xf32> to vector<16xf32>
      %swap3A_1352 = vector.shape_cast %mul3A_1345 : vector<16xf32> to vector<1x1x16xf32>
      tpu.vector_store %arg21[%swap3A_1347, %swap3A_1348, %swap3A_1349], %swap3A_1352 {strides = array<i32>} : memref<128x7x32xf32, #tpu.memory_space<vmem>>, vector<1x1x16xf32>,
      %mul3A_1353 = arith.constant 5.000000e-03 : f32
      %mul3A_1354 = vector.broadcast %mul3A_1353 : f32 to vector<16xf32>
      %mul3A_1355 = arith.mulf %scan3A_1341#1, %mul3A_1354 : vector<16xf32>
      %swap3A_1356 = arith.constant 3 : i32
      %swap3A_1357 = arith.index_cast %add3A_1225 : i32 to index
      %swap3A_1358 = arith.index_cast %swap3A_1356 : i32 to index
      %swap3A_1359 = arith.constant 16 : index
      %swap3A_1360 = tpu.vector_load %arg21[%swap3A_1357, %swap3A_1358, %swap3A_1359] {strides = array<i32>} : memref<128x7x32xf32, #tpu.memory_space<vmem>>, vector<1x1x16xf32>,
      %swap3A_1361 = vector.shape_cast %swap3A_1360 : vector<1x1x16xf32> to vector<16xf32>
      %swap3A_1362 = vector.shape_cast %mul3A_1355 : vector<16xf32> to vector<1x1x16xf32>
      tpu.vector_store %arg21[%swap3A_1357, %swap3A_1358, %swap3A_1359], %swap3A_1362 {strides = array<i32>} : memref<128x7x32xf32, #tpu.memory_space<vmem>>, vector<1x1x16xf32>,
      %scan3A_1363 = arith.constant 0 : i32
      %scan3A_1364 = arith.constant 52 : i32
      %scan3A_1365 = arith.addi %scan3A_1363, %scan3A_1364 : i32
      %scan3A_1366 = arith.constant 4 : i32
      %scan3A_1367:4 = scf.for %scan3A_1973 = %scan3A_1363 to %scan3A_1365 step %scan3A_1366 iter_args(%scan3A_1974 = %broadcast_in_dim3A_3, %scan3A_1975 = %broadcast_in_dim3A_3, %scan3A_1976 = %broadcast_in_dim3A_3, %scan3A_1977 = %broadcast_in_dim3A_3) -> (vector<16xf32>, vector<16xf32>, vector<16xf32>, vector<16xf32>)  : i32 {
        %mul3A_1978 = arith.constant 2 : i32
        %mul3A_1979 = arith.muli %mul3A_1978, %scan3A_1973 : i32
        %get3A_1980 = arith.constant 1 : i32
        %get3A_1981 = arith.constant 0 : i32
        %get3A_1982 = arith.index_cast %get3A_1980 : i32 to index
        %get3A_1983 = arith.index_cast %get3A_1981 : i32 to index
        %get3A_1984 = arith.index_cast %mul3A_1979 : i32 to index
        %get3A_1985 = arith.constant 0 : index
        %get3A_1986 = tpu.vector_load %arg15[%get3A_1982, %get3A_1983, %get3A_1984, %get3A_1985] {strides = array<i32>} : memref<2x4x104x32xf32, #tpu.memory_space<vmem>>, vector<1x1x1x16xf32>,
        %get3A_1987 = vector.shape_cast %get3A_1986 : vector<1x1x1x16xf32> to vector<16xf32>
        %add3A_1988 = arith.addf %scan3A_1974, %get3A_1987 : vector<16xf32>
        %mul3A_1989 = arith.constant 2 : i32
        %mul3A_1990 = arith.muli %mul3A_1989, %scan3A_1973 : i32
        %get3A_1991 = arith.constant 1 : i32
        %get3A_1992 = arith.constant 0 : i32
        %get3A_1993 = arith.index_cast %get3A_1991 : i32 to index
        %get3A_1994 = arith.index_cast %get3A_1992 : i32 to index
        %get3A_1995 = arith.index_cast %mul3A_1990 : i32 to index
        %get3A_1996 = arith.constant 16 : index
        %get3A_1997 = tpu.vector_load %arg15[%get3A_1993, %get3A_1994, %get3A_1995, %get3A_1996] {strides = array<i32>} : memref<2x4x104x32xf32, #tpu.memory_space<vmem>>, vector<1x1x1x16xf32>,
        %get3A_1998 = vector.shape_cast %get3A_1997 : vector<1x1x1x16xf32> to vector<16xf32>
        %add3A_1999 = arith.addf %scan3A_1975, %get3A_1998 : vector<16xf32>
        %mul3A_2000 = arith.constant 2 : i32
        %mul3A_2001 = arith.muli %mul3A_2000, %scan3A_1973 : i32
        %add3A_2002 = arith.constant 1 : i32
        %add3A_2003 = arith.addi %mul3A_2001, %add3A_2002 : i32
        %get3A_2004 = arith.constant 1 : i32
        %get3A_2005 = arith.constant 0 : i32
        %get3A_2006 = arith.index_cast %get3A_2004 : i32 to index
        %get3A_2007 = arith.index_cast %get3A_2005 : i32 to index
        %get3A_2008 = arith.index_cast %add3A_2003 : i32 to index
        %get3A_2009 = arith.constant 0 : index
        %get3A_2010 = tpu.vector_load %arg15[%get3A_2006, %get3A_2007, %get3A_2008, %get3A_2009] {strides = array<i32>} : memref<2x4x104x32xf32, #tpu.memory_space<vmem>>, vector<1x1x1x16xf32>,
        %get3A_2011 = vector.shape_cast %get3A_2010 : vector<1x1x1x16xf32> to vector<16xf32>
        %add3A_2012 = arith.addf %scan3A_1976, %get3A_2011 : vector<16xf32>
        %mul3A_2013 = arith.constant 2 : i32
        %mul3A_2014 = arith.muli %mul3A_2013, %scan3A_1973 : i32
        %add3A_2015 = arith.constant 1 : i32
        %add3A_2016 = arith.addi %mul3A_2014, %add3A_2015 : i32
        %get3A_2017 = arith.constant 1 : i32
        %get3A_2018 = arith.constant 0 : i32
        %get3A_2019 = arith.index_cast %get3A_2017 : i32 to index
        %get3A_2020 = arith.index_cast %get3A_2018 : i32 to index
        %get3A_2021 = arith.index_cast %add3A_2016 : i32 to index
        %get3A_2022 = arith.constant 16 : index
        %get3A_2023 = tpu.vector_load %arg15[%get3A_2019, %get3A_2020, %get3A_2021, %get3A_2022] {strides = array<i32>} : memref<2x4x104x32xf32, #tpu.memory_space<vmem>>, vector<1x1x1x16xf32>,
        %get3A_2024 = vector.shape_cast %get3A_2023 : vector<1x1x1x16xf32> to vector<16xf32>
        %add3A_2025 = arith.addf %scan3A_1977, %get3A_2024 : vector<16xf32>
        %scan3A_2026 = arith.constant 1 : i32
        %scan3A_2027 = arith.addi %scan3A_1973, %scan3A_2026 : i32
        %mul3A_2028 = arith.constant 2 : i32
        %mul3A_2029 = arith.muli %mul3A_2028, %scan3A_2027 : i32
        %get3A_2030 = arith.constant 1 : i32
        %get3A_2031 = arith.constant 0 : i32
        %get3A_2032 = arith.index_cast %get3A_2030 : i32 to index
        %get3A_2033 = arith.index_cast %get3A_2031 : i32 to index
        %get3A_2034 = arith.index_cast %mul3A_2029 : i32 to index
        %get3A_2035 = arith.constant 0 : index
        %get3A_2036 = tpu.vector_load %arg15[%get3A_2032, %get3A_2033, %get3A_2034, %get3A_2035] {strides = array<i32>} : memref<2x4x104x32xf32, #tpu.memory_space<vmem>>, vector<1x1x1x16xf32>,
        %get3A_2037 = vector.shape_cast %get3A_2036 : vector<1x1x1x16xf32> to vector<16xf32>
        %add3A_2038 = arith.addf %add3A_1988, %get3A_2037 : vector<16xf32>
        %mul3A_2039 = arith.constant 2 : i32
        %mul3A_2040 = arith.muli %mul3A_2039, %scan3A_2027 : i32
        %get3A_2041 = arith.constant 1 : i32
        %get3A_2042 = arith.constant 0 : i32
        %get3A_2043 = arith.index_cast %get3A_2041 : i32 to index
        %get3A_2044 = arith.index_cast %get3A_2042 : i32 to index
        %get3A_2045 = arith.index_cast %mul3A_2040 : i32 to index
        %get3A_2046 = arith.constant 16 : index
        %get3A_2047 = tpu.vector_load %arg15[%get3A_2043, %get3A_2044, %get3A_2045, %get3A_2046] {strides = array<i32>} : memref<2x4x104x32xf32, #tpu.memory_space<vmem>>, vector<1x1x1x16xf32>,
        %get3A_2048 = vector.shape_cast %get3A_2047 : vector<1x1x1x16xf32> to vector<16xf32>
        %add3A_2049 = arith.addf %add3A_1999, %get3A_2048 : vector<16xf32>
        %mul3A_2050 = arith.constant 2 : i32
        %mul3A_2051 = arith.muli %mul3A_2050, %scan3A_2027 : i32
        %add3A_2052 = arith.constant 1 : i32
        %add3A_2053 = arith.addi %mul3A_2051, %add3A_2052 : i32
        %get3A_2054 = arith.constant 1 : i32
        %get3A_2055 = arith.constant 0 : i32
        %get3A_2056 = arith.index_cast %get3A_2054 : i32 to index
        %get3A_2057 = arith.index_cast %get3A_2055 : i32 to index
        %get3A_2058 = arith.index_cast %add3A_2053 : i32 to index
        %get3A_2059 = arith.constant 0 : index
        %get3A_2060 = tpu.vector_load %arg15[%get3A_2056, %get3A_2057, %get3A_2058, %get3A_2059] {strides = array<i32>} : memref<2x4x104x32xf32, #tpu.memory_space<vmem>>, vector<1x1x1x16xf32>,
        %get3A_2061 = vector.shape_cast %get3A_2060 : vector<1x1x1x16xf32> to vector<16xf32>
        %add3A_2062 = arith.addf %add3A_2012, %get3A_2061 : vector<16xf32>
        %mul3A_2063 = arith.constant 2 : i32
        %mul3A_2064 = arith.muli %mul3A_2063, %scan3A_2027 : i32
        %add3A_2065 = arith.constant 1 : i32
        %add3A_2066 = arith.addi %mul3A_2064, %add3A_2065 : i32
        %get3A_2067 = arith.constant 1 : i32
        %get3A_2068 = arith.constant 0 : i32
        %get3A_2069 = arith.index_cast %get3A_2067 : i32 to index
        %get3A_2070 = arith.index_cast %get3A_2068 : i32 to index
        %get3A_2071 = arith.index_cast %add3A_2066 : i32 to index
        %get3A_2072 = arith.constant 16 : index
        %get3A_2073 = tpu.vector_load %arg15[%get3A_2069, %get3A_2070, %get3A_2071, %get3A_2072] {strides = array<i32>} : memref<2x4x104x32xf32, #tpu.memory_space<vmem>>, vector<1x1x1x16xf32>,
        %get3A_2074 = vector.shape_cast %get3A_2073 : vector<1x1x1x16xf32> to vector<16xf32>
        %add3A_2075 = arith.addf %add3A_2025, %get3A_2074 : vector<16xf32>
        %scan3A_2076 = arith.constant 2 : i32
        %scan3A_2077 = arith.addi %scan3A_1973, %scan3A_2076 : i32
        %mul3A_2078 = arith.constant 2 : i32
        %mul3A_2079 = arith.muli %mul3A_2078, %scan3A_2077 : i32
        %get3A_2080 = arith.constant 1 : i32
        %get3A_2081 = arith.constant 0 : i32
        %get3A_2082 = arith.index_cast %get3A_2080 : i32 to index
        %get3A_2083 = arith.index_cast %get3A_2081 : i32 to index
        %get3A_2084 = arith.index_cast %mul3A_2079 : i32 to index
        %get3A_2085 = arith.constant 0 : index
        %get3A_2086 = tpu.vector_load %arg15[%get3A_2082, %get3A_2083, %get3A_2084, %get3A_2085] {strides = array<i32>} : memref<2x4x104x32xf32, #tpu.memory_space<vmem>>, vector<1x1x1x16xf32>,
        %get3A_2087 = vector.shape_cast %get3A_2086 : vector<1x1x1x16xf32> to vector<16xf32>
        %add3A_2088 = arith.addf %add3A_2038, %get3A_2087 : vector<16xf32>
        %mul3A_2089 = arith.constant 2 : i32
        %mul3A_2090 = arith.muli %mul3A_2089, %scan3A_2077 : i32
        %get3A_2091 = arith.constant 1 : i32
        %get3A_2092 = arith.constant 0 : i32
        %get3A_2093 = arith.index_cast %get3A_2091 : i32 to index
        %get3A_2094 = arith.index_cast %get3A_2092 : i32 to index
        %get3A_2095 = arith.index_cast %mul3A_2090 : i32 to index
        %get3A_2096 = arith.constant 16 : index
        %get3A_2097 = tpu.vector_load %arg15[%get3A_2093, %get3A_2094, %get3A_2095, %get3A_2096] {strides = array<i32>} : memref<2x4x104x32xf32, #tpu.memory_space<vmem>>, vector<1x1x1x16xf32>,
        %get3A_2098 = vector.shape_cast %get3A_2097 : vector<1x1x1x16xf32> to vector<16xf32>
        %add3A_2099 = arith.addf %add3A_2049, %get3A_2098 : vector<16xf32>
        %mul3A_2100 = arith.constant 2 : i32
        %mul3A_2101 = arith.muli %mul3A_2100, %scan3A_2077 : i32
        %add3A_2102 = arith.constant 1 : i32
        %add3A_2103 = arith.addi %mul3A_2101, %add3A_2102 : i32
        %get3A_2104 = arith.constant 1 : i32
        %get3A_2105 = arith.constant 0 : i32
        %get3A_2106 = arith.index_cast %get3A_2104 : i32 to index
        %get3A_2107 = arith.index_cast %get3A_2105 : i32 to index
        %get3A_2108 = arith.index_cast %add3A_2103 : i32 to index
        %get3A_2109 = arith.constant 0 : index
        %get3A_2110 = tpu.vector_load %arg15[%get3A_2106, %get3A_2107, %get3A_2108, %get3A_2109] {strides = array<i32>} : memref<2x4x104x32xf32, #tpu.memory_space<vmem>>, vector<1x1x1x16xf32>,
        %get3A_2111 = vector.shape_cast %get3A_2110 : vector<1x1x1x16xf32> to vector<16xf32>
        %add3A_2112 = arith.addf %add3A_2062, %get3A_2111 : vector<16xf32>
        %mul3A_2113 = arith.constant 2 : i32
        %mul3A_2114 = arith.muli %mul3A_2113, %scan3A_2077 : i32
        %add3A_2115 = arith.constant 1 : i32
        %add3A_2116 = arith.addi %mul3A_2114, %add3A_2115 : i32
        %get3A_2117 = arith.constant 1 : i32
        %get3A_2118 = arith.constant 0 : i32
        %get3A_2119 = arith.index_cast %get3A_2117 : i32 to index
        %get3A_2120 = arith.index_cast %get3A_2118 : i32 to index
        %get3A_2121 = arith.index_cast %add3A_2116 : i32 to index
        %get3A_2122 = arith.constant 16 : index
        %get3A_2123 = tpu.vector_load %arg15[%get3A_2119, %get3A_2120, %get3A_2121, %get3A_2122] {strides = array<i32>} : memref<2x4x104x32xf32, #tpu.memory_space<vmem>>, vector<1x1x1x16xf32>,
        %get3A_2124 = vector.shape_cast %get3A_2123 : vector<1x1x1x16xf32> to vector<16xf32>
        %add3A_2125 = arith.addf %add3A_2075, %get3A_2124 : vector<16xf32>
        %scan3A_2126 = arith.constant 3 : i32
        %scan3A_2127 = arith.addi %scan3A_1973, %scan3A_2126 : i32
        %mul3A_2128 = arith.constant 2 : i32
        %mul3A_2129 = arith.muli %mul3A_2128, %scan3A_2127 : i32
        %get3A_2130 = arith.constant 1 : i32
        %get3A_2131 = arith.constant 0 : i32
        %get3A_2132 = arith.index_cast %get3A_2130 : i32 to index
        %get3A_2133 = arith.index_cast %get3A_2131 : i32 to index
        %get3A_2134 = arith.index_cast %mul3A_2129 : i32 to index
        %get3A_2135 = arith.constant 0 : index
        %get3A_2136 = tpu.vector_load %arg15[%get3A_2132, %get3A_2133, %get3A_2134, %get3A_2135] {strides = array<i32>} : memref<2x4x104x32xf32, #tpu.memory_space<vmem>>, vector<1x1x1x16xf32>,
        %get3A_2137 = vector.shape_cast %get3A_2136 : vector<1x1x1x16xf32> to vector<16xf32>
        %add3A_2138 = arith.addf %add3A_2088, %get3A_2137 : vector<16xf32>
        %mul3A_2139 = arith.constant 2 : i32
        %mul3A_2140 = arith.muli %mul3A_2139, %scan3A_2127 : i32
        %get3A_2141 = arith.constant 1 : i32
        %get3A_2142 = arith.constant 0 : i32
        %get3A_2143 = arith.index_cast %get3A_2141 : i32 to index
        %get3A_2144 = arith.index_cast %get3A_2142 : i32 to index
        %get3A_2145 = arith.index_cast %mul3A_2140 : i32 to index
        %get3A_2146 = arith.constant 16 : index
        %get3A_2147 = tpu.vector_load %arg15[%get3A_2143, %get3A_2144, %get3A_2145, %get3A_2146] {strides = array<i32>} : memref<2x4x104x32xf32, #tpu.memory_space<vmem>>, vector<1x1x1x16xf32>,
        %get3A_2148 = vector.shape_cast %get3A_2147 : vector<1x1x1x16xf32> to vector<16xf32>
        %add3A_2149 = arith.addf %add3A_2099, %get3A_2148 : vector<16xf32>
        %mul3A_2150 = arith.constant 2 : i32
        %mul3A_2151 = arith.muli %mul3A_2150, %scan3A_2127 : i32
        %add3A_2152 = arith.constant 1 : i32
        %add3A_2153 = arith.addi %mul3A_2151, %add3A_2152 : i32
        %get3A_2154 = arith.constant 1 : i32
        %get3A_2155 = arith.constant 0 : i32
        %get3A_2156 = arith.index_cast %get3A_2154 : i32 to index
        %get3A_2157 = arith.index_cast %get3A_2155 : i32 to index
        %get3A_2158 = arith.index_cast %add3A_2153 : i32 to index
        %get3A_2159 = arith.constant 0 : index
        %get3A_2160 = tpu.vector_load %arg15[%get3A_2156, %get3A_2157, %get3A_2158, %get3A_2159] {strides = array<i32>} : memref<2x4x104x32xf32, #tpu.memory_space<vmem>>, vector<1x1x1x16xf32>,
        %get3A_2161 = vector.shape_cast %get3A_2160 : vector<1x1x1x16xf32> to vector<16xf32>
        %add3A_2162 = arith.addf %add3A_2112, %get3A_2161 : vector<16xf32>
        %mul3A_2163 = arith.constant 2 : i32
        %mul3A_2164 = arith.muli %mul3A_2163, %scan3A_2127 : i32
        %add3A_2165 = arith.constant 1 : i32
        %add3A_2166 = arith.addi %mul3A_2164, %add3A_2165 : i32
        %get3A_2167 = arith.constant 1 : i32
        %get3A_2168 = arith.constant 0 : i32
        %get3A_2169 = arith.index_cast %get3A_2167 : i32 to index
        %get3A_2170 = arith.index_cast %get3A_2168 : i32 to index
        %get3A_2171 = arith.index_cast %add3A_2166 : i32 to index
        %get3A_2172 = arith.constant 16 : index
        %get3A_2173 = tpu.vector_load %arg15[%get3A_2169, %get3A_2170, %get3A_2171, %get3A_2172] {strides = array<i32>} : memref<2x4x104x32xf32, #tpu.memory_space<vmem>>, vector<1x1x1x16xf32>,
        %get3A_2174 = vector.shape_cast %get3A_2173 : vector<1x1x1x16xf32> to vector<16xf32>
        %add3A_2175 = arith.addf %add3A_2125, %get3A_2174 : vector<16xf32>
        scf.yield %add3A_2138, %add3A_2149, %add3A_2162, %add3A_2175 : vector<16xf32>, vector<16xf32>, vector<16xf32>, vector<16xf32>
      }
      %scan3A_1368 = arith.constant 52 : i32
      %scan3A_1369 = arith.constant 0 : i32
      %scan3A_1370 = arith.constant 52 : i32
      %scan3A_1371 = arith.addi %scan3A_1369, %scan3A_1370 : i32
      %scan3A_1372 = arith.constant 4 : i32
      %scan3A_1373:4 = scf.for %scan3A_1973 = %scan3A_1369 to %scan3A_1371 step %scan3A_1372 iter_args(%scan3A_1974 = %scan3A_1367#0, %scan3A_1975 = %scan3A_1367#1, %scan3A_1976 = %scan3A_1367#2, %scan3A_1977 = %scan3A_1367#3) -> (vector<16xf32>, vector<16xf32>, vector<16xf32>, vector<16xf32>)  : i32 {
        %mul3A_1978 = arith.constant 2 : i32
        %mul3A_1979 = arith.muli %mul3A_1978, %scan3A_1973 : i32
        %get3A_1980 = arith.constant 1 : i32
        %get3A_1981 = arith.constant 1 : i32
        %get3A_1982 = arith.index_cast %get3A_1980 : i32 to index
        %get3A_1983 = arith.index_cast %get3A_1981 : i32 to index
        %get3A_1984 = arith.index_cast %mul3A_1979 : i32 to index
        %get3A_1985 = arith.constant 0 : index
        %get3A_1986 = tpu.vector_load %arg15[%get3A_1982, %get3A_1983, %get3A_1984, %get3A_1985] {strides = array<i32>} : memref<2x4x104x32xf32, #tpu.memory_space<vmem>>, vector<1x1x1x16xf32>,
        %get3A_1987 = vector.shape_cast %get3A_1986 : vector<1x1x1x16xf32> to vector<16xf32>
        %add3A_1988 = arith.addf %scan3A_1974, %get3A_1987 : vector<16xf32>
        %mul3A_1989 = arith.constant 2 : i32
        %mul3A_1990 = arith.muli %mul3A_1989, %scan3A_1973 : i32
        %get3A_1991 = arith.constant 1 : i32
        %get3A_1992 = arith.constant 1 : i32
        %get3A_1993 = arith.index_cast %get3A_1991 : i32 to index
        %get3A_1994 = arith.index_cast %get3A_1992 : i32 to index
        %get3A_1995 = arith.index_cast %mul3A_1990 : i32 to index
        %get3A_1996 = arith.constant 16 : index
        %get3A_1997 = tpu.vector_load %arg15[%get3A_1993, %get3A_1994, %get3A_1995, %get3A_1996] {strides = array<i32>} : memref<2x4x104x32xf32, #tpu.memory_space<vmem>>, vector<1x1x1x16xf32>,
        %get3A_1998 = vector.shape_cast %get3A_1997 : vector<1x1x1x16xf32> to vector<16xf32>
        %add3A_1999 = arith.addf %scan3A_1975, %get3A_1998 : vector<16xf32>
        %mul3A_2000 = arith.constant 2 : i32
        %mul3A_2001 = arith.muli %mul3A_2000, %scan3A_1973 : i32
        %add3A_2002 = arith.constant 1 : i32
        %add3A_2003 = arith.addi %mul3A_2001, %add3A_2002 : i32
        %get3A_2004 = arith.constant 1 : i32
        %get3A_2005 = arith.constant 1 : i32
        %get3A_2006 = arith.index_cast %get3A_2004 : i32 to index
        %get3A_2007 = arith.index_cast %get3A_2005 : i32 to index
        %get3A_2008 = arith.index_cast %add3A_2003 : i32 to index
        %get3A_2009 = arith.constant 0 : index
        %get3A_2010 = tpu.vector_load %arg15[%get3A_2006, %get3A_2007, %get3A_2008, %get3A_2009] {strides = array<i32>} : memref<2x4x104x32xf32, #tpu.memory_space<vmem>>, vector<1x1x1x16xf32>,
        %get3A_2011 = vector.shape_cast %get3A_2010 : vector<1x1x1x16xf32> to vector<16xf32>
        %add3A_2012 = arith.addf %scan3A_1976, %get3A_2011 : vector<16xf32>
        %mul3A_2013 = arith.constant 2 : i32
        %mul3A_2014 = arith.muli %mul3A_2013, %scan3A_1973 : i32
        %add3A_2015 = arith.constant 1 : i32
        %add3A_2016 = arith.addi %mul3A_2014, %add3A_2015 : i32
        %get3A_2017 = arith.constant 1 : i32
        %get3A_2018 = arith.constant 1 : i32
        %get3A_2019 = arith.index_cast %get3A_2017 : i32 to index
        %get3A_2020 = arith.index_cast %get3A_2018 : i32 to index
        %get3A_2021 = arith.index_cast %add3A_2016 : i32 to index
        %get3A_2022 = arith.constant 16 : index
        %get3A_2023 = tpu.vector_load %arg15[%get3A_2019, %get3A_2020, %get3A_2021, %get3A_2022] {strides = array<i32>} : memref<2x4x104x32xf32, #tpu.memory_space<vmem>>, vector<1x1x1x16xf32>,
        %get3A_2024 = vector.shape_cast %get3A_2023 : vector<1x1x1x16xf32> to vector<16xf32>
        %add3A_2025 = arith.addf %scan3A_1977, %get3A_2024 : vector<16xf32>
        %scan3A_2026 = arith.constant 1 : i32
        %scan3A_2027 = arith.addi %scan3A_1973, %scan3A_2026 : i32
        %mul3A_2028 = arith.constant 2 : i32
        %mul3A_2029 = arith.muli %mul3A_2028, %scan3A_2027 : i32
        %get3A_2030 = arith.constant 1 : i32
        %get3A_2031 = arith.constant 1 : i32
        %get3A_2032 = arith.index_cast %get3A_2030 : i32 to index
        %get3A_2033 = arith.index_cast %get3A_2031 : i32 to index
        %get3A_2034 = arith.index_cast %mul3A_2029 : i32 to index
        %get3A_2035 = arith.constant 0 : index
        %get3A_2036 = tpu.vector_load %arg15[%get3A_2032, %get3A_2033, %get3A_2034, %get3A_2035] {strides = array<i32>} : memref<2x4x104x32xf32, #tpu.memory_space<vmem>>, vector<1x1x1x16xf32>,
        %get3A_2037 = vector.shape_cast %get3A_2036 : vector<1x1x1x16xf32> to vector<16xf32>
        %add3A_2038 = arith.addf %add3A_1988, %get3A_2037 : vector<16xf32>
        %mul3A_2039 = arith.constant 2 : i32
        %mul3A_2040 = arith.muli %mul3A_2039, %scan3A_2027 : i32
        %get3A_2041 = arith.constant 1 : i32
        %get3A_2042 = arith.constant 1 : i32
        %get3A_2043 = arith.index_cast %get3A_2041 : i32 to index
        %get3A_2044 = arith.index_cast %get3A_2042 : i32 to index
        %get3A_2045 = arith.index_cast %mul3A_2040 : i32 to index
        %get3A_2046 = arith.constant 16 : index
        %get3A_2047 = tpu.vector_load %arg15[%get3A_2043, %get3A_2044, %get3A_2045, %get3A_2046] {strides = array<i32>} : memref<2x4x104x32xf32, #tpu.memory_space<vmem>>, vector<1x1x1x16xf32>,
        %get3A_2048 = vector.shape_cast %get3A_2047 : vector<1x1x1x16xf32> to vector<16xf32>
        %add3A_2049 = arith.addf %add3A_1999, %get3A_2048 : vector<16xf32>
        %mul3A_2050 = arith.constant 2 : i32
        %mul3A_2051 = arith.muli %mul3A_2050, %scan3A_2027 : i32
        %add3A_2052 = arith.constant 1 : i32
        %add3A_2053 = arith.addi %mul3A_2051, %add3A_2052 : i32
        %get3A_2054 = arith.constant 1 : i32
        %get3A_2055 = arith.constant 1 : i32
        %get3A_2056 = arith.index_cast %get3A_2054 : i32 to index
        %get3A_2057 = arith.index_cast %get3A_2055 : i32 to index
        %get3A_2058 = arith.index_cast %add3A_2053 : i32 to index
        %get3A_2059 = arith.constant 0 : index
        %get3A_2060 = tpu.vector_load %arg15[%get3A_2056, %get3A_2057, %get3A_2058, %get3A_2059] {strides = array<i32>} : memref<2x4x104x32xf32, #tpu.memory_space<vmem>>, vector<1x1x1x16xf32>,
        %get3A_2061 = vector.shape_cast %get3A_2060 : vector<1x1x1x16xf32> to vector<16xf32>
        %add3A_2062 = arith.addf %add3A_2012, %get3A_2061 : vector<16xf32>
        %mul3A_2063 = arith.constant 2 : i32
        %mul3A_2064 = arith.muli %mul3A_2063, %scan3A_2027 : i32
        %add3A_2065 = arith.constant 1 : i32
        %add3A_2066 = arith.addi %mul3A_2064, %add3A_2065 : i32
        %get3A_2067 = arith.constant 1 : i32
        %get3A_2068 = arith.constant 1 : i32
        %get3A_2069 = arith.index_cast %get3A_2067 : i32 to index
        %get3A_2070 = arith.index_cast %get3A_2068 : i32 to index
        %get3A_2071 = arith.index_cast %add3A_2066 : i32 to index
        %get3A_2072 = arith.constant 16 : index
        %get3A_2073 = tpu.vector_load %arg15[%get3A_2069, %get3A_2070, %get3A_2071, %get3A_2072] {strides = array<i32>} : memref<2x4x104x32xf32, #tpu.memory_space<vmem>>, vector<1x1x1x16xf32>,
        %get3A_2074 = vector.shape_cast %get3A_2073 : vector<1x1x1x16xf32> to vector<16xf32>
        %add3A_2075 = arith.addf %add3A_2025, %get3A_2074 : vector<16xf32>
        %scan3A_2076 = arith.constant 2 : i32
        %scan3A_2077 = arith.addi %scan3A_1973, %scan3A_2076 : i32
        %mul3A_2078 = arith.constant 2 : i32
        %mul3A_2079 = arith.muli %mul3A_2078, %scan3A_2077 : i32
        %get3A_2080 = arith.constant 1 : i32
        %get3A_2081 = arith.constant 1 : i32
        %get3A_2082 = arith.index_cast %get3A_2080 : i32 to index
        %get3A_2083 = arith.index_cast %get3A_2081 : i32 to index
        %get3A_2084 = arith.index_cast %mul3A_2079 : i32 to index
        %get3A_2085 = arith.constant 0 : index
        %get3A_2086 = tpu.vector_load %arg15[%get3A_2082, %get3A_2083, %get3A_2084, %get3A_2085] {strides = array<i32>} : memref<2x4x104x32xf32, #tpu.memory_space<vmem>>, vector<1x1x1x16xf32>,
        %get3A_2087 = vector.shape_cast %get3A_2086 : vector<1x1x1x16xf32> to vector<16xf32>
        %add3A_2088 = arith.addf %add3A_2038, %get3A_2087 : vector<16xf32>
        %mul3A_2089 = arith.constant 2 : i32
        %mul3A_2090 = arith.muli %mul3A_2089, %scan3A_2077 : i32
        %get3A_2091 = arith.constant 1 : i32
        %get3A_2092 = arith.constant 1 : i32
        %get3A_2093 = arith.index_cast %get3A_2091 : i32 to index
        %get3A_2094 = arith.index_cast %get3A_2092 : i32 to index
        %get3A_2095 = arith.index_cast %mul3A_2090 : i32 to index
        %get3A_2096 = arith.constant 16 : index
        %get3A_2097 = tpu.vector_load %arg15[%get3A_2093, %get3A_2094, %get3A_2095, %get3A_2096] {strides = array<i32>} : memref<2x4x104x32xf32, #tpu.memory_space<vmem>>, vector<1x1x1x16xf32>,
        %get3A_2098 = vector.shape_cast %get3A_2097 : vector<1x1x1x16xf32> to vector<16xf32>
        %add3A_2099 = arith.addf %add3A_2049, %get3A_2098 : vector<16xf32>
        %mul3A_2100 = arith.constant 2 : i32
        %mul3A_2101 = arith.muli %mul3A_2100, %scan3A_2077 : i32
        %add3A_2102 = arith.constant 1 : i32
        %add3A_2103 = arith.addi %mul3A_2101, %add3A_2102 : i32
        %get3A_2104 = arith.constant 1 : i32
        %get3A_2105 = arith.constant 1 : i32
        %get3A_2106 = arith.index_cast %get3A_2104 : i32 to index
        %get3A_2107 = arith.index_cast %get3A_2105 : i32 to index
        %get3A_2108 = arith.index_cast %add3A_2103 : i32 to index
        %get3A_2109 = arith.constant 0 : index
        %get3A_2110 = tpu.vector_load %arg15[%get3A_2106, %get3A_2107, %get3A_2108, %get3A_2109] {strides = array<i32>} : memref<2x4x104x32xf32, #tpu.memory_space<vmem>>, vector<1x1x1x16xf32>,
        %get3A_2111 = vector.shape_cast %get3A_2110 : vector<1x1x1x16xf32> to vector<16xf32>
        %add3A_2112 = arith.addf %add3A_2062, %get3A_2111 : vector<16xf32>
        %mul3A_2113 = arith.constant 2 : i32
        %mul3A_2114 = arith.muli %mul3A_2113, %scan3A_2077 : i32
        %add3A_2115 = arith.constant 1 : i32
        %add3A_2116 = arith.addi %mul3A_2114, %add3A_2115 : i32
        %get3A_2117 = arith.constant 1 : i32
        %get3A_2118 = arith.constant 1 : i32
        %get3A_2119 = arith.index_cast %get3A_2117 : i32 to index
        %get3A_2120 = arith.index_cast %get3A_2118 : i32 to index
        %get3A_2121 = arith.index_cast %add3A_2116 : i32 to index
        %get3A_2122 = arith.constant 16 : index
        %get3A_2123 = tpu.vector_load %arg15[%get3A_2119, %get3A_2120, %get3A_2121, %get3A_2122] {strides = array<i32>} : memref<2x4x104x32xf32, #tpu.memory_space<vmem>>, vector<1x1x1x16xf32>,
        %get3A_2124 = vector.shape_cast %get3A_2123 : vector<1x1x1x16xf32> to vector<16xf32>
        %add3A_2125 = arith.addf %add3A_2075, %get3A_2124 : vector<16xf32>
        %scan3A_2126 = arith.constant 3 : i32
        %scan3A_2127 = arith.addi %scan3A_1973, %scan3A_2126 : i32
        %mul3A_2128 = arith.constant 2 : i32
        %mul3A_2129 = arith.muli %mul3A_2128, %scan3A_2127 : i32
        %get3A_2130 = arith.constant 1 : i32
        %get3A_2131 = arith.constant 1 : i32
        %get3A_2132 = arith.index_cast %get3A_2130 : i32 to index
        %get3A_2133 = arith.index_cast %get3A_2131 : i32 to index
        %get3A_2134 = arith.index_cast %mul3A_2129 : i32 to index
        %get3A_2135 = arith.constant 0 : index
        %get3A_2136 = tpu.vector_load %arg15[%get3A_2132, %get3A_2133, %get3A_2134, %get3A_2135] {strides = array<i32>} : memref<2x4x104x32xf32, #tpu.memory_space<vmem>>, vector<1x1x1x16xf32>,
        %get3A_2137 = vector.shape_cast %get3A_2136 : vector<1x1x1x16xf32> to vector<16xf32>
        %add3A_2138 = arith.addf %add3A_2088, %get3A_2137 : vector<16xf32>
        %mul3A_2139 = arith.constant 2 : i32
        %mul3A_2140 = arith.muli %mul3A_2139, %scan3A_2127 : i32
        %get3A_2141 = arith.constant 1 : i32
        %get3A_2142 = arith.constant 1 : i32
        %get3A_2143 = arith.index_cast %get3A_2141 : i32 to index
        %get3A_2144 = arith.index_cast %get3A_2142 : i32 to index
        %get3A_2145 = arith.index_cast %mul3A_2140 : i32 to index
        %get3A_2146 = arith.constant 16 : index
        %get3A_2147 = tpu.vector_load %arg15[%get3A_2143, %get3A_2144, %get3A_2145, %get3A_2146] {strides = array<i32>} : memref<2x4x104x32xf32, #tpu.memory_space<vmem>>, vector<1x1x1x16xf32>,
        %get3A_2148 = vector.shape_cast %get3A_2147 : vector<1x1x1x16xf32> to vector<16xf32>
        %add3A_2149 = arith.addf %add3A_2099, %get3A_2148 : vector<16xf32>
        %mul3A_2150 = arith.constant 2 : i32
        %mul3A_2151 = arith.muli %mul3A_2150, %scan3A_2127 : i32
        %add3A_2152 = arith.constant 1 : i32
        %add3A_2153 = arith.addi %mul3A_2151, %add3A_2152 : i32
        %get3A_2154 = arith.constant 1 : i32
        %get3A_2155 = arith.constant 1 : i32
        %get3A_2156 = arith.index_cast %get3A_2154 : i32 to index
        %get3A_2157 = arith.index_cast %get3A_2155 : i32 to index
        %get3A_2158 = arith.index_cast %add3A_2153 : i32 to index
        %get3A_2159 = arith.constant 0 : index
        %get3A_2160 = tpu.vector_load %arg15[%get3A_2156, %get3A_2157, %get3A_2158, %get3A_2159] {strides = array<i32>} : memref<2x4x104x32xf32, #tpu.memory_space<vmem>>, vector<1x1x1x16xf32>,
        %get3A_2161 = vector.shape_cast %get3A_2160 : vector<1x1x1x16xf32> to vector<16xf32>
        %add3A_2162 = arith.addf %add3A_2112, %get3A_2161 : vector<16xf32>
        %mul3A_2163 = arith.constant 2 : i32
        %mul3A_2164 = arith.muli %mul3A_2163, %scan3A_2127 : i32
        %add3A_2165 = arith.constant 1 : i32
        %add3A_2166 = arith.addi %mul3A_2164, %add3A_2165 : i32
        %get3A_2167 = arith.constant 1 : i32
        %get3A_2168 = arith.constant 1 : i32
        %get3A_2169 = arith.index_cast %get3A_2167 : i32 to index
        %get3A_2170 = arith.index_cast %get3A_2168 : i32 to index
        %get3A_2171 = arith.index_cast %add3A_2166 : i32 to index
        %get3A_2172 = arith.constant 16 : index
        %get3A_2173 = tpu.vector_load %arg15[%get3A_2169, %get3A_2170, %get3A_2171, %get3A_2172] {strides = array<i32>} : memref<2x4x104x32xf32, #tpu.memory_space<vmem>>, vector<1x1x1x16xf32>,
        %get3A_2174 = vector.shape_cast %get3A_2173 : vector<1x1x1x16xf32> to vector<16xf32>
        %add3A_2175 = arith.addf %add3A_2125, %get3A_2174 : vector<16xf32>
        scf.yield %add3A_2138, %add3A_2149, %add3A_2162, %add3A_2175 : vector<16xf32>, vector<16xf32>, vector<16xf32>, vector<16xf32>
      }
      %scan3A_1374 = arith.constant 52 : i32
      %scan3A_1375 = arith.constant 0 : i32
      %scan3A_1376 = arith.constant 52 : i32
      %scan3A_1377 = arith.addi %scan3A_1375, %scan3A_1376 : i32
      %scan3A_1378 = arith.constant 4 : i32
      %scan3A_1379:4 = scf.for %scan3A_1973 = %scan3A_1375 to %scan3A_1377 step %scan3A_1378 iter_args(%scan3A_1974 = %scan3A_1373#0, %scan3A_1975 = %scan3A_1373#1, %scan3A_1976 = %scan3A_1373#2, %scan3A_1977 = %scan3A_1373#3) -> (vector<16xf32>, vector<16xf32>, vector<16xf32>, vector<16xf32>)  : i32 {
        %mul3A_1978 = arith.constant 2 : i32
        %mul3A_1979 = arith.muli %mul3A_1978, %scan3A_1973 : i32
        %get3A_1980 = arith.constant 1 : i32
        %get3A_1981 = arith.constant 2 : i32
        %get3A_1982 = arith.index_cast %get3A_1980 : i32 to index
        %get3A_1983 = arith.index_cast %get3A_1981 : i32 to index
        %get3A_1984 = arith.index_cast %mul3A_1979 : i32 to index
        %get3A_1985 = arith.constant 0 : index
        %get3A_1986 = tpu.vector_load %arg15[%get3A_1982, %get3A_1983, %get3A_1984, %get3A_1985] {strides = array<i32>} : memref<2x4x104x32xf32, #tpu.memory_space<vmem>>, vector<1x1x1x16xf32>,
        %get3A_1987 = vector.shape_cast %get3A_1986 : vector<1x1x1x16xf32> to vector<16xf32>
        %add3A_1988 = arith.addf %scan3A_1974, %get3A_1987 : vector<16xf32>
        %mul3A_1989 = arith.constant 2 : i32
        %mul3A_1990 = arith.muli %mul3A_1989, %scan3A_1973 : i32
        %get3A_1991 = arith.constant 1 : i32
        %get3A_1992 = arith.constant 2 : i32
        %get3A_1993 = arith.index_cast %get3A_1991 : i32 to index
        %get3A_1994 = arith.index_cast %get3A_1992 : i32 to index
        %get3A_1995 = arith.index_cast %mul3A_1990 : i32 to index
        %get3A_1996 = arith.constant 16 : index
        %get3A_1997 = tpu.vector_load %arg15[%get3A_1993, %get3A_1994, %get3A_1995, %get3A_1996] {strides = array<i32>} : memref<2x4x104x32xf32, #tpu.memory_space<vmem>>, vector<1x1x1x16xf32>,
        %get3A_1998 = vector.shape_cast %get3A_1997 : vector<1x1x1x16xf32> to vector<16xf32>
        %add3A_1999 = arith.addf %scan3A_1975, %get3A_1998 : vector<16xf32>
        %mul3A_2000 = arith.constant 2 : i32
        %mul3A_2001 = arith.muli %mul3A_2000, %scan3A_1973 : i32
        %add3A_2002 = arith.constant 1 : i32
        %add3A_2003 = arith.addi %mul3A_2001, %add3A_2002 : i32
        %get3A_2004 = arith.constant 1 : i32
        %get3A_2005 = arith.constant 2 : i32
        %get3A_2006 = arith.index_cast %get3A_2004 : i32 to index
        %get3A_2007 = arith.index_cast %get3A_2005 : i32 to index
        %get3A_2008 = arith.index_cast %add3A_2003 : i32 to index
        %get3A_2009 = arith.constant 0 : index
        %get3A_2010 = tpu.vector_load %arg15[%get3A_2006, %get3A_2007, %get3A_2008, %get3A_2009] {strides = array<i32>} : memref<2x4x104x32xf32, #tpu.memory_space<vmem>>, vector<1x1x1x16xf32>,
        %get3A_2011 = vector.shape_cast %get3A_2010 : vector<1x1x1x16xf32> to vector<16xf32>
        %add3A_2012 = arith.addf %scan3A_1976, %get3A_2011 : vector<16xf32>
        %mul3A_2013 = arith.constant 2 : i32
        %mul3A_2014 = arith.muli %mul3A_2013, %scan3A_1973 : i32
        %add3A_2015 = arith.constant 1 : i32
        %add3A_2016 = arith.addi %mul3A_2014, %add3A_2015 : i32
        %get3A_2017 = arith.constant 1 : i32
        %get3A_2018 = arith.constant 2 : i32
        %get3A_2019 = arith.index_cast %get3A_2017 : i32 to index
        %get3A_2020 = arith.index_cast %get3A_2018 : i32 to index
        %get3A_2021 = arith.index_cast %add3A_2016 : i32 to index
        %get3A_2022 = arith.constant 16 : index
        %get3A_2023 = tpu.vector_load %arg15[%get3A_2019, %get3A_2020, %get3A_2021, %get3A_2022] {strides = array<i32>} : memref<2x4x104x32xf32, #tpu.memory_space<vmem>>, vector<1x1x1x16xf32>,
        %get3A_2024 = vector.shape_cast %get3A_2023 : vector<1x1x1x16xf32> to vector<16xf32>
        %add3A_2025 = arith.addf %scan3A_1977, %get3A_2024 : vector<16xf32>
        %scan3A_2026 = arith.constant 1 : i32
        %scan3A_2027 = arith.addi %scan3A_1973, %scan3A_2026 : i32
        %mul3A_2028 = arith.constant 2 : i32
        %mul3A_2029 = arith.muli %mul3A_2028, %scan3A_2027 : i32
        %get3A_2030 = arith.constant 1 : i32
        %get3A_2031 = arith.constant 2 : i32
        %get3A_2032 = arith.index_cast %get3A_2030 : i32 to index
        %get3A_2033 = arith.index_cast %get3A_2031 : i32 to index
        %get3A_2034 = arith.index_cast %mul3A_2029 : i32 to index
        %get3A_2035 = arith.constant 0 : index
        %get3A_2036 = tpu.vector_load %arg15[%get3A_2032, %get3A_2033, %get3A_2034, %get3A_2035] {strides = array<i32>} : memref<2x4x104x32xf32, #tpu.memory_space<vmem>>, vector<1x1x1x16xf32>,
        %get3A_2037 = vector.shape_cast %get3A_2036 : vector<1x1x1x16xf32> to vector<16xf32>
        %add3A_2038 = arith.addf %add3A_1988, %get3A_2037 : vector<16xf32>
        %mul3A_2039 = arith.constant 2 : i32
        %mul3A_2040 = arith.muli %mul3A_2039, %scan3A_2027 : i32
        %get3A_2041 = arith.constant 1 : i32
        %get3A_2042 = arith.constant 2 : i32
        %get3A_2043 = arith.index_cast %get3A_2041 : i32 to index
        %get3A_2044 = arith.index_cast %get3A_2042 : i32 to index
        %get3A_2045 = arith.index_cast %mul3A_2040 : i32 to index
        %get3A_2046 = arith.constant 16 : index
        %get3A_2047 = tpu.vector_load %arg15[%get3A_2043, %get3A_2044, %get3A_2045, %get3A_2046] {strides = array<i32>} : memref<2x4x104x32xf32, #tpu.memory_space<vmem>>, vector<1x1x1x16xf32>,
        %get3A_2048 = vector.shape_cast %get3A_2047 : vector<1x1x1x16xf32> to vector<16xf32>
        %add3A_2049 = arith.addf %add3A_1999, %get3A_2048 : vector<16xf32>
        %mul3A_2050 = arith.constant 2 : i32
        %mul3A_2051 = arith.muli %mul3A_2050, %scan3A_2027 : i32
        %add3A_2052 = arith.constant 1 : i32
        %add3A_2053 = arith.addi %mul3A_2051, %add3A_2052 : i32
        %get3A_2054 = arith.constant 1 : i32
        %get3A_2055 = arith.constant 2 : i32
        %get3A_2056 = arith.index_cast %get3A_2054 : i32 to index
        %get3A_2057 = arith.index_cast %get3A_2055 : i32 to index
        %get3A_2058 = arith.index_cast %add3A_2053 : i32 to index
        %get3A_2059 = arith.constant 0 : index
        %get3A_2060 = tpu.vector_load %arg15[%get3A_2056, %get3A_2057, %get3A_2058, %get3A_2059] {strides = array<i32>} : memref<2x4x104x32xf32, #tpu.memory_space<vmem>>, vector<1x1x1x16xf32>,
        %get3A_2061 = vector.shape_cast %get3A_2060 : vector<1x1x1x16xf32> to vector<16xf32>
        %add3A_2062 = arith.addf %add3A_2012, %get3A_2061 : vector<16xf32>
        %mul3A_2063 = arith.constant 2 : i32
        %mul3A_2064 = arith.muli %mul3A_2063, %scan3A_2027 : i32
        %add3A_2065 = arith.constant 1 : i32
        %add3A_2066 = arith.addi %mul3A_2064, %add3A_2065 : i32
        %get3A_2067 = arith.constant 1 : i32
        %get3A_2068 = arith.constant 2 : i32
        %get3A_2069 = arith.index_cast %get3A_2067 : i32 to index
        %get3A_2070 = arith.index_cast %get3A_2068 : i32 to index
        %get3A_2071 = arith.index_cast %add3A_2066 : i32 to index
        %get3A_2072 = arith.constant 16 : index
        %get3A_2073 = tpu.vector_load %arg15[%get3A_2069, %get3A_2070, %get3A_2071, %get3A_2072] {strides = array<i32>} : memref<2x4x104x32xf32, #tpu.memory_space<vmem>>, vector<1x1x1x16xf32>,
        %get3A_2074 = vector.shape_cast %get3A_2073 : vector<1x1x1x16xf32> to vector<16xf32>
        %add3A_2075 = arith.addf %add3A_2025, %get3A_2074 : vector<16xf32>
        %scan3A_2076 = arith.constant 2 : i32
        %scan3A_2077 = arith.addi %scan3A_1973, %scan3A_2076 : i32
        %mul3A_2078 = arith.constant 2 : i32
        %mul3A_2079 = arith.muli %mul3A_2078, %scan3A_2077 : i32
        %get3A_2080 = arith.constant 1 : i32
        %get3A_2081 = arith.constant 2 : i32
        %get3A_2082 = arith.index_cast %get3A_2080 : i32 to index
        %get3A_2083 = arith.index_cast %get3A_2081 : i32 to index
        %get3A_2084 = arith.index_cast %mul3A_2079 : i32 to index
        %get3A_2085 = arith.constant 0 : index
        %get3A_2086 = tpu.vector_load %arg15[%get3A_2082, %get3A_2083, %get3A_2084, %get3A_2085] {strides = array<i32>} : memref<2x4x104x32xf32, #tpu.memory_space<vmem>>, vector<1x1x1x16xf32>,
        %get3A_2087 = vector.shape_cast %get3A_2086 : vector<1x1x1x16xf32> to vector<16xf32>
        %add3A_2088 = arith.addf %add3A_2038, %get3A_2087 : vector<16xf32>
        %mul3A_2089 = arith.constant 2 : i32
        %mul3A_2090 = arith.muli %mul3A_2089, %scan3A_2077 : i32
        %get3A_2091 = arith.constant 1 : i32
        %get3A_2092 = arith.constant 2 : i32
        %get3A_2093 = arith.index_cast %get3A_2091 : i32 to index
        %get3A_2094 = arith.index_cast %get3A_2092 : i32 to index
        %get3A_2095 = arith.index_cast %mul3A_2090 : i32 to index
        %get3A_2096 = arith.constant 16 : index
        %get3A_2097 = tpu.vector_load %arg15[%get3A_2093, %get3A_2094, %get3A_2095, %get3A_2096] {strides = array<i32>} : memref<2x4x104x32xf32, #tpu.memory_space<vmem>>, vector<1x1x1x16xf32>,
        %get3A_2098 = vector.shape_cast %get3A_2097 : vector<1x1x1x16xf32> to vector<16xf32>
        %add3A_2099 = arith.addf %add3A_2049, %get3A_2098 : vector<16xf32>
        %mul3A_2100 = arith.constant 2 : i32
        %mul3A_2101 = arith.muli %mul3A_2100, %scan3A_2077 : i32
        %add3A_2102 = arith.constant 1 : i32
        %add3A_2103 = arith.addi %mul3A_2101, %add3A_2102 : i32
        %get3A_2104 = arith.constant 1 : i32
        %get3A_2105 = arith.constant 2 : i32
        %get3A_2106 = arith.index_cast %get3A_2104 : i32 to index
        %get3A_2107 = arith.index_cast %get3A_2105 : i32 to index
        %get3A_2108 = arith.index_cast %add3A_2103 : i32 to index
        %get3A_2109 = arith.constant 0 : index
        %get3A_2110 = tpu.vector_load %arg15[%get3A_2106, %get3A_2107, %get3A_2108, %get3A_2109] {strides = array<i32>} : memref<2x4x104x32xf32, #tpu.memory_space<vmem>>, vector<1x1x1x16xf32>,
        %get3A_2111 = vector.shape_cast %get3A_2110 : vector<1x1x1x16xf32> to vector<16xf32>
        %add3A_2112 = arith.addf %add3A_2062, %get3A_2111 : vector<16xf32>
        %mul3A_2113 = arith.constant 2 : i32
        %mul3A_2114 = arith.muli %mul3A_2113, %scan3A_2077 : i32
        %add3A_2115 = arith.constant 1 : i32
        %add3A_2116 = arith.addi %mul3A_2114, %add3A_2115 : i32
        %get3A_2117 = arith.constant 1 : i32
        %get3A_2118 = arith.constant 2 : i32
        %get3A_2119 = arith.index_cast %get3A_2117 : i32 to index
        %get3A_2120 = arith.index_cast %get3A_2118 : i32 to index
        %get3A_2121 = arith.index_cast %add3A_2116 : i32 to index
        %get3A_2122 = arith.constant 16 : index
        %get3A_2123 = tpu.vector_load %arg15[%get3A_2119, %get3A_2120, %get3A_2121, %get3A_2122] {strides = array<i32>} : memref<2x4x104x32xf32, #tpu.memory_space<vmem>>, vector<1x1x1x16xf32>,
        %get3A_2124 = vector.shape_cast %get3A_2123 : vector<1x1x1x16xf32> to vector<16xf32>
        %add3A_2125 = arith.addf %add3A_2075, %get3A_2124 : vector<16xf32>
        %scan3A_2126 = arith.constant 3 : i32
        %scan3A_2127 = arith.addi %scan3A_1973, %scan3A_2126 : i32
        %mul3A_2128 = arith.constant 2 : i32
        %mul3A_2129 = arith.muli %mul3A_2128, %scan3A_2127 : i32
        %get3A_2130 = arith.constant 1 : i32
        %get3A_2131 = arith.constant 2 : i32
        %get3A_2132 = arith.index_cast %get3A_2130 : i32 to index
        %get3A_2133 = arith.index_cast %get3A_2131 : i32 to index
        %get3A_2134 = arith.index_cast %mul3A_2129 : i32 to index
        %get3A_2135 = arith.constant 0 : index
        %get3A_2136 = tpu.vector_load %arg15[%get3A_2132, %get3A_2133, %get3A_2134, %get3A_2135] {strides = array<i32>} : memref<2x4x104x32xf32, #tpu.memory_space<vmem>>, vector<1x1x1x16xf32>,
        %get3A_2137 = vector.shape_cast %get3A_2136 : vector<1x1x1x16xf32> to vector<16xf32>
        %add3A_2138 = arith.addf %add3A_2088, %get3A_2137 : vector<16xf32>
        %mul3A_2139 = arith.constant 2 : i32
        %mul3A_2140 = arith.muli %mul3A_2139, %scan3A_2127 : i32
        %get3A_2141 = arith.constant 1 : i32
        %get3A_2142 = arith.constant 2 : i32
        %get3A_2143 = arith.index_cast %get3A_2141 : i32 to index
        %get3A_2144 = arith.index_cast %get3A_2142 : i32 to index
        %get3A_2145 = arith.index_cast %mul3A_2140 : i32 to index
        %get3A_2146 = arith.constant 16 : index
        %get3A_2147 = tpu.vector_load %arg15[%get3A_2143, %get3A_2144, %get3A_2145, %get3A_2146] {strides = array<i32>} : memref<2x4x104x32xf32, #tpu.memory_space<vmem>>, vector<1x1x1x16xf32>,
        %get3A_2148 = vector.shape_cast %get3A_2147 : vector<1x1x1x16xf32> to vector<16xf32>
        %add3A_2149 = arith.addf %add3A_2099, %get3A_2148 : vector<16xf32>
        %mul3A_2150 = arith.constant 2 : i32
        %mul3A_2151 = arith.muli %mul3A_2150, %scan3A_2127 : i32
        %add3A_2152 = arith.constant 1 : i32
        %add3A_2153 = arith.addi %mul3A_2151, %add3A_2152 : i32
        %get3A_2154 = arith.constant 1 : i32
        %get3A_2155 = arith.constant 2 : i32
        %get3A_2156 = arith.index_cast %get3A_2154 : i32 to index
        %get3A_2157 = arith.index_cast %get3A_2155 : i32 to index
        %get3A_2158 = arith.index_cast %add3A_2153 : i32 to index
        %get3A_2159 = arith.constant 0 : index
        %get3A_2160 = tpu.vector_load %arg15[%get3A_2156, %get3A_2157, %get3A_2158, %get3A_2159] {strides = array<i32>} : memref<2x4x104x32xf32, #tpu.memory_space<vmem>>, vector<1x1x1x16xf32>,
        %get3A_2161 = vector.shape_cast %get3A_2160 : vector<1x1x1x16xf32> to vector<16xf32>
        %add3A_2162 = arith.addf %add3A_2112, %get3A_2161 : vector<16xf32>
        %mul3A_2163 = arith.constant 2 : i32
        %mul3A_2164 = arith.muli %mul3A_2163, %scan3A_2127 : i32
        %add3A_2165 = arith.constant 1 : i32
        %add3A_2166 = arith.addi %mul3A_2164, %add3A_2165 : i32
        %get3A_2167 = arith.constant 1 : i32
        %get3A_2168 = arith.constant 2 : i32
        %get3A_2169 = arith.index_cast %get3A_2167 : i32 to index
        %get3A_2170 = arith.index_cast %get3A_2168 : i32 to index
        %get3A_2171 = arith.index_cast %add3A_2166 : i32 to index
        %get3A_2172 = arith.constant 16 : index
        %get3A_2173 = tpu.vector_load %arg15[%get3A_2169, %get3A_2170, %get3A_2171, %get3A_2172] {strides = array<i32>} : memref<2x4x104x32xf32, #tpu.memory_space<vmem>>, vector<1x1x1x16xf32>,
        %get3A_2174 = vector.shape_cast %get3A_2173 : vector<1x1x1x16xf32> to vector<16xf32>
        %add3A_2175 = arith.addf %add3A_2125, %get3A_2174 : vector<16xf32>
        scf.yield %add3A_2138, %add3A_2149, %add3A_2162, %add3A_2175 : vector<16xf32>, vector<16xf32>, vector<16xf32>, vector<16xf32>
      }
      %scan3A_1380 = arith.constant 52 : i32
      %scan3A_1381 = arith.constant 0 : i32
      %scan3A_1382 = arith.constant 44 : i32
      %scan3A_1383 = arith.addi %scan3A_1381, %scan3A_1382 : i32
      %scan3A_1384 = arith.constant 4 : i32
      %scan3A_1385:4 = scf.for %scan3A_1973 = %scan3A_1381 to %scan3A_1383 step %scan3A_1384 iter_args(%scan3A_1974 = %scan3A_1379#0, %scan3A_1975 = %scan3A_1379#1, %scan3A_1976 = %scan3A_1379#2, %scan3A_1977 = %scan3A_1379#3) -> (vector<16xf32>, vector<16xf32>, vector<16xf32>, vector<16xf32>)  : i32 {
        %mul3A_1978 = arith.constant 2 : i32
        %mul3A_1979 = arith.muli %mul3A_1978, %scan3A_1973 : i32
        %get3A_1980 = arith.constant 1 : i32
        %get3A_1981 = arith.constant 3 : i32
        %get3A_1982 = arith.index_cast %get3A_1980 : i32 to index
        %get3A_1983 = arith.index_cast %get3A_1981 : i32 to index
        %get3A_1984 = arith.index_cast %mul3A_1979 : i32 to index
        %get3A_1985 = arith.constant 0 : index
        %get3A_1986 = tpu.vector_load %arg15[%get3A_1982, %get3A_1983, %get3A_1984, %get3A_1985] {strides = array<i32>} : memref<2x4x104x32xf32, #tpu.memory_space<vmem>>, vector<1x1x1x16xf32>,
        %get3A_1987 = vector.shape_cast %get3A_1986 : vector<1x1x1x16xf32> to vector<16xf32>
        %add3A_1988 = arith.addf %scan3A_1974, %get3A_1987 : vector<16xf32>
        %mul3A_1989 = arith.constant 2 : i32
        %mul3A_1990 = arith.muli %mul3A_1989, %scan3A_1973 : i32
        %get3A_1991 = arith.constant 1 : i32
        %get3A_1992 = arith.constant 3 : i32
        %get3A_1993 = arith.index_cast %get3A_1991 : i32 to index
        %get3A_1994 = arith.index_cast %get3A_1992 : i32 to index
        %get3A_1995 = arith.index_cast %mul3A_1990 : i32 to index
        %get3A_1996 = arith.constant 16 : index
        %get3A_1997 = tpu.vector_load %arg15[%get3A_1993, %get3A_1994, %get3A_1995, %get3A_1996] {strides = array<i32>} : memref<2x4x104x32xf32, #tpu.memory_space<vmem>>, vector<1x1x1x16xf32>,
        %get3A_1998 = vector.shape_cast %get3A_1997 : vector<1x1x1x16xf32> to vector<16xf32>
        %add3A_1999 = arith.addf %scan3A_1975, %get3A_1998 : vector<16xf32>
        %mul3A_2000 = arith.constant 2 : i32
        %mul3A_2001 = arith.muli %mul3A_2000, %scan3A_1973 : i32
        %add3A_2002 = arith.constant 1 : i32
        %add3A_2003 = arith.addi %mul3A_2001, %add3A_2002 : i32
        %get3A_2004 = arith.constant 1 : i32
        %get3A_2005 = arith.constant 3 : i32
        %get3A_2006 = arith.index_cast %get3A_2004 : i32 to index
        %get3A_2007 = arith.index_cast %get3A_2005 : i32 to index
        %get3A_2008 = arith.index_cast %add3A_2003 : i32 to index
        %get3A_2009 = arith.constant 0 : index
        %get3A_2010 = tpu.vector_load %arg15[%get3A_2006, %get3A_2007, %get3A_2008, %get3A_2009] {strides = array<i32>} : memref<2x4x104x32xf32, #tpu.memory_space<vmem>>, vector<1x1x1x16xf32>,
        %get3A_2011 = vector.shape_cast %get3A_2010 : vector<1x1x1x16xf32> to vector<16xf32>
        %add3A_2012 = arith.addf %scan3A_1976, %get3A_2011 : vector<16xf32>
        %mul3A_2013 = arith.constant 2 : i32
        %mul3A_2014 = arith.muli %mul3A_2013, %scan3A_1973 : i32
        %add3A_2015 = arith.constant 1 : i32
        %add3A_2016 = arith.addi %mul3A_2014, %add3A_2015 : i32
        %get3A_2017 = arith.constant 1 : i32
        %get3A_2018 = arith.constant 3 : i32
        %get3A_2019 = arith.index_cast %get3A_2017 : i32 to index
        %get3A_2020 = arith.index_cast %get3A_2018 : i32 to index
        %get3A_2021 = arith.index_cast %add3A_2016 : i32 to index
        %get3A_2022 = arith.constant 16 : index
        %get3A_2023 = tpu.vector_load %arg15[%get3A_2019, %get3A_2020, %get3A_2021, %get3A_2022] {strides = array<i32>} : memref<2x4x104x32xf32, #tpu.memory_space<vmem>>, vector<1x1x1x16xf32>,
        %get3A_2024 = vector.shape_cast %get3A_2023 : vector<1x1x1x16xf32> to vector<16xf32>
        %add3A_2025 = arith.addf %scan3A_1977, %get3A_2024 : vector<16xf32>
        %scan3A_2026 = arith.constant 1 : i32
        %scan3A_2027 = arith.addi %scan3A_1973, %scan3A_2026 : i32
        %mul3A_2028 = arith.constant 2 : i32
        %mul3A_2029 = arith.muli %mul3A_2028, %scan3A_2027 : i32
        %get3A_2030 = arith.constant 1 : i32
        %get3A_2031 = arith.constant 3 : i32
        %get3A_2032 = arith.index_cast %get3A_2030 : i32 to index
        %get3A_2033 = arith.index_cast %get3A_2031 : i32 to index
        %get3A_2034 = arith.index_cast %mul3A_2029 : i32 to index
        %get3A_2035 = arith.constant 0 : index
        %get3A_2036 = tpu.vector_load %arg15[%get3A_2032, %get3A_2033, %get3A_2034, %get3A_2035] {strides = array<i32>} : memref<2x4x104x32xf32, #tpu.memory_space<vmem>>, vector<1x1x1x16xf32>,
        %get3A_2037 = vector.shape_cast %get3A_2036 : vector<1x1x1x16xf32> to vector<16xf32>
        %add3A_2038 = arith.addf %add3A_1988, %get3A_2037 : vector<16xf32>
        %mul3A_2039 = arith.constant 2 : i32
        %mul3A_2040 = arith.muli %mul3A_2039, %scan3A_2027 : i32
        %get3A_2041 = arith.constant 1 : i32
        %get3A_2042 = arith.constant 3 : i32
        %get3A_2043 = arith.index_cast %get3A_2041 : i32 to index
        %get3A_2044 = arith.index_cast %get3A_2042 : i32 to index
        %get3A_2045 = arith.index_cast %mul3A_2040 : i32 to index
        %get3A_2046 = arith.constant 16 : index
        %get3A_2047 = tpu.vector_load %arg15[%get3A_2043, %get3A_2044, %get3A_2045, %get3A_2046] {strides = array<i32>} : memref<2x4x104x32xf32, #tpu.memory_space<vmem>>, vector<1x1x1x16xf32>,
        %get3A_2048 = vector.shape_cast %get3A_2047 : vector<1x1x1x16xf32> to vector<16xf32>
        %add3A_2049 = arith.addf %add3A_1999, %get3A_2048 : vector<16xf32>
        %mul3A_2050 = arith.constant 2 : i32
        %mul3A_2051 = arith.muli %mul3A_2050, %scan3A_2027 : i32
        %add3A_2052 = arith.constant 1 : i32
        %add3A_2053 = arith.addi %mul3A_2051, %add3A_2052 : i32
        %get3A_2054 = arith.constant 1 : i32
        %get3A_2055 = arith.constant 3 : i32
        %get3A_2056 = arith.index_cast %get3A_2054 : i32 to index
        %get3A_2057 = arith.index_cast %get3A_2055 : i32 to index
        %get3A_2058 = arith.index_cast %add3A_2053 : i32 to index
        %get3A_2059 = arith.constant 0 : index
        %get3A_2060 = tpu.vector_load %arg15[%get3A_2056, %get3A_2057, %get3A_2058, %get3A_2059] {strides = array<i32>} : memref<2x4x104x32xf32, #tpu.memory_space<vmem>>, vector<1x1x1x16xf32>,
        %get3A_2061 = vector.shape_cast %get3A_2060 : vector<1x1x1x16xf32> to vector<16xf32>
        %add3A_2062 = arith.addf %add3A_2012, %get3A_2061 : vector<16xf32>
        %mul3A_2063 = arith.constant 2 : i32
        %mul3A_2064 = arith.muli %mul3A_2063, %scan3A_2027 : i32
        %add3A_2065 = arith.constant 1 : i32
        %add3A_2066 = arith.addi %mul3A_2064, %add3A_2065 : i32
        %get3A_2067 = arith.constant 1 : i32
        %get3A_2068 = arith.constant 3 : i32
        %get3A_2069 = arith.index_cast %get3A_2067 : i32 to index
        %get3A_2070 = arith.index_cast %get3A_2068 : i32 to index
        %get3A_2071 = arith.index_cast %add3A_2066 : i32 to index
        %get3A_2072 = arith.constant 16 : index
        %get3A_2073 = tpu.vector_load %arg15[%get3A_2069, %get3A_2070, %get3A_2071, %get3A_2072] {strides = array<i32>} : memref<2x4x104x32xf32, #tpu.memory_space<vmem>>, vector<1x1x1x16xf32>,
        %get3A_2074 = vector.shape_cast %get3A_2073 : vector<1x1x1x16xf32> to vector<16xf32>
        %add3A_2075 = arith.addf %add3A_2025, %get3A_2074 : vector<16xf32>
        %scan3A_2076 = arith.constant 2 : i32
        %scan3A_2077 = arith.addi %scan3A_1973, %scan3A_2076 : i32
        %mul3A_2078 = arith.constant 2 : i32
        %mul3A_2079 = arith.muli %mul3A_2078, %scan3A_2077 : i32
        %get3A_2080 = arith.constant 1 : i32
        %get3A_2081 = arith.constant 3 : i32
        %get3A_2082 = arith.index_cast %get3A_2080 : i32 to index
        %get3A_2083 = arith.index_cast %get3A_2081 : i32 to index
        %get3A_2084 = arith.index_cast %mul3A_2079 : i32 to index
        %get3A_2085 = arith.constant 0 : index
        %get3A_2086 = tpu.vector_load %arg15[%get3A_2082, %get3A_2083, %get3A_2084, %get3A_2085] {strides = array<i32>} : memref<2x4x104x32xf32, #tpu.memory_space<vmem>>, vector<1x1x1x16xf32>,
        %get3A_2087 = vector.shape_cast %get3A_2086 : vector<1x1x1x16xf32> to vector<16xf32>
        %add3A_2088 = arith.addf %add3A_2038, %get3A_2087 : vector<16xf32>
        %mul3A_2089 = arith.constant 2 : i32
        %mul3A_2090 = arith.muli %mul3A_2089, %scan3A_2077 : i32
        %get3A_2091 = arith.constant 1 : i32
        %get3A_2092 = arith.constant 3 : i32
        %get3A_2093 = arith.index_cast %get3A_2091 : i32 to index
        %get3A_2094 = arith.index_cast %get3A_2092 : i32 to index
        %get3A_2095 = arith.index_cast %mul3A_2090 : i32 to index
        %get3A_2096 = arith.constant 16 : index
        %get3A_2097 = tpu.vector_load %arg15[%get3A_2093, %get3A_2094, %get3A_2095, %get3A_2096] {strides = array<i32>} : memref<2x4x104x32xf32, #tpu.memory_space<vmem>>, vector<1x1x1x16xf32>,
        %get3A_2098 = vector.shape_cast %get3A_2097 : vector<1x1x1x16xf32> to vector<16xf32>
        %add3A_2099 = arith.addf %add3A_2049, %get3A_2098 : vector<16xf32>
        %mul3A_2100 = arith.constant 2 : i32
        %mul3A_2101 = arith.muli %mul3A_2100, %scan3A_2077 : i32
        %add3A_2102 = arith.constant 1 : i32
        %add3A_2103 = arith.addi %mul3A_2101, %add3A_2102 : i32
        %get3A_2104 = arith.constant 1 : i32
        %get3A_2105 = arith.constant 3 : i32
        %get3A_2106 = arith.index_cast %get3A_2104 : i32 to index
        %get3A_2107 = arith.index_cast %get3A_2105 : i32 to index
        %get3A_2108 = arith.index_cast %add3A_2103 : i32 to index
        %get3A_2109 = arith.constant 0 : index
        %get3A_2110 = tpu.vector_load %arg15[%get3A_2106, %get3A_2107, %get3A_2108, %get3A_2109] {strides = array<i32>} : memref<2x4x104x32xf32, #tpu.memory_space<vmem>>, vector<1x1x1x16xf32>,
        %get3A_2111 = vector.shape_cast %get3A_2110 : vector<1x1x1x16xf32> to vector<16xf32>
        %add3A_2112 = arith.addf %add3A_2062, %get3A_2111 : vector<16xf32>
        %mul3A_2113 = arith.constant 2 : i32
        %mul3A_2114 = arith.muli %mul3A_2113, %scan3A_2077 : i32
        %add3A_2115 = arith.constant 1 : i32
        %add3A_2116 = arith.addi %mul3A_2114, %add3A_2115 : i32
        %get3A_2117 = arith.constant 1 : i32
        %get3A_2118 = arith.constant 3 : i32
        %get3A_2119 = arith.index_cast %get3A_2117 : i32 to index
        %get3A_2120 = arith.index_cast %get3A_2118 : i32 to index
        %get3A_2121 = arith.index_cast %add3A_2116 : i32 to index
        %get3A_2122 = arith.constant 16 : index
        %get3A_2123 = tpu.vector_load %arg15[%get3A_2119, %get3A_2120, %get3A_2121, %get3A_2122] {strides = array<i32>} : memref<2x4x104x32xf32, #tpu.memory_space<vmem>>, vector<1x1x1x16xf32>,
        %get3A_2124 = vector.shape_cast %get3A_2123 : vector<1x1x1x16xf32> to vector<16xf32>
        %add3A_2125 = arith.addf %add3A_2075, %get3A_2124 : vector<16xf32>
        %scan3A_2126 = arith.constant 3 : i32
        %scan3A_2127 = arith.addi %scan3A_1973, %scan3A_2126 : i32
        %mul3A_2128 = arith.constant 2 : i32
        %mul3A_2129 = arith.muli %mul3A_2128, %scan3A_2127 : i32
        %get3A_2130 = arith.constant 1 : i32
        %get3A_2131 = arith.constant 3 : i32
        %get3A_2132 = arith.index_cast %get3A_2130 : i32 to index
        %get3A_2133 = arith.index_cast %get3A_2131 : i32 to index
        %get3A_2134 = arith.index_cast %mul3A_2129 : i32 to index
        %get3A_2135 = arith.constant 0 : index
        %get3A_2136 = tpu.vector_load %arg15[%get3A_2132, %get3A_2133, %get3A_2134, %get3A_2135] {strides = array<i32>} : memref<2x4x104x32xf32, #tpu.memory_space<vmem>>, vector<1x1x1x16xf32>,
        %get3A_2137 = vector.shape_cast %get3A_2136 : vector<1x1x1x16xf32> to vector<16xf32>
        %add3A_2138 = arith.addf %add3A_2088, %get3A_2137 : vector<16xf32>
        %mul3A_2139 = arith.constant 2 : i32
        %mul3A_2140 = arith.muli %mul3A_2139, %scan3A_2127 : i32
        %get3A_2141 = arith.constant 1 : i32
        %get3A_2142 = arith.constant 3 : i32
        %get3A_2143 = arith.index_cast %get3A_2141 : i32 to index
        %get3A_2144 = arith.index_cast %get3A_2142 : i32 to index
        %get3A_2145 = arith.index_cast %mul3A_2140 : i32 to index
        %get3A_2146 = arith.constant 16 : index
        %get3A_2147 = tpu.vector_load %arg15[%get3A_2143, %get3A_2144, %get3A_2145, %get3A_2146] {strides = array<i32>} : memref<2x4x104x32xf32, #tpu.memory_space<vmem>>, vector<1x1x1x16xf32>,
        %get3A_2148 = vector.shape_cast %get3A_2147 : vector<1x1x1x16xf32> to vector<16xf32>
        %add3A_2149 = arith.addf %add3A_2099, %get3A_2148 : vector<16xf32>
        %mul3A_2150 = arith.constant 2 : i32
        %mul3A_2151 = arith.muli %mul3A_2150, %scan3A_2127 : i32
        %add3A_2152 = arith.constant 1 : i32
        %add3A_2153 = arith.addi %mul3A_2151, %add3A_2152 : i32
        %get3A_2154 = arith.constant 1 : i32
        %get3A_2155 = arith.constant 3 : i32
        %get3A_2156 = arith.index_cast %get3A_2154 : i32 to index
        %get3A_2157 = arith.index_cast %get3A_2155 : i32 to index
        %get3A_2158 = arith.index_cast %add3A_2153 : i32 to index
        %get3A_2159 = arith.constant 0 : index
        %get3A_2160 = tpu.vector_load %arg15[%get3A_2156, %get3A_2157, %get3A_2158, %get3A_2159] {strides = array<i32>} : memref<2x4x104x32xf32, #tpu.memory_space<vmem>>, vector<1x1x1x16xf32>,
        %get3A_2161 = vector.shape_cast %get3A_2160 : vector<1x1x1x16xf32> to vector<16xf32>
        %add3A_2162 = arith.addf %add3A_2112, %get3A_2161 : vector<16xf32>
        %mul3A_2163 = arith.constant 2 : i32
        %mul3A_2164 = arith.muli %mul3A_2163, %scan3A_2127 : i32
        %add3A_2165 = arith.constant 1 : i32
        %add3A_2166 = arith.addi %mul3A_2164, %add3A_2165 : i32
        %get3A_2167 = arith.constant 1 : i32
        %get3A_2168 = arith.constant 3 : i32
        %get3A_2169 = arith.index_cast %get3A_2167 : i32 to index
        %get3A_2170 = arith.index_cast %get3A_2168 : i32 to index
        %get3A_2171 = arith.index_cast %add3A_2166 : i32 to index
        %get3A_2172 = arith.constant 16 : index
        %get3A_2173 = tpu.vector_load %arg15[%get3A_2169, %get3A_2170, %get3A_2171, %get3A_2172] {strides = array<i32>} : memref<2x4x104x32xf32, #tpu.memory_space<vmem>>, vector<1x1x1x16xf32>,
        %get3A_2174 = vector.shape_cast %get3A_2173 : vector<1x1x1x16xf32> to vector<16xf32>
        %add3A_2175 = arith.addf %add3A_2125, %get3A_2174 : vector<16xf32>
        scf.yield %add3A_2138, %add3A_2149, %add3A_2162, %add3A_2175 : vector<16xf32>, vector<16xf32>, vector<16xf32>, vector<16xf32>
      }
      %scan3A_1386 = arith.constant 44 : i32
      %mul3A_1387 = arith.constant 5.000000e-03 : f32
      %mul3A_1388 = vector.broadcast %mul3A_1387 : f32 to vector<16xf32>
      %mul3A_1389 = arith.mulf %scan3A_1385#0, %mul3A_1388 : vector<16xf32>
      %swap3A_1390 = arith.constant 4 : i32
      %swap3A_1391 = arith.index_cast %add3A_1225 : i32 to index
      %swap3A_1392 = arith.index_cast %swap3A_1390 : i32 to index
      %swap3A_1393 = arith.constant 0 : index
      %swap3A_1394 = tpu.vector_load %arg21[%swap3A_1391, %swap3A_1392, %swap3A_1393] {strides = array<i32>} : memref<128x7x32xf32, #tpu.memory_space<vmem>>, vector<1x1x16xf32>,
      %swap3A_1395 = vector.shape_cast %swap3A_1394 : vector<1x1x16xf32> to vector<16xf32>
      %swap3A_1396 = vector.shape_cast %mul3A_1389 : vector<16xf32> to vector<1x1x16xf32>
      tpu.vector_store %arg21[%swap3A_1391, %swap3A_1392, %swap3A_1393], %swap3A_1396 {strides = array<i32>} : memref<128x7x32xf32, #tpu.memory_space<vmem>>, vector<1x1x16xf32>,
      %mul3A_1397 = arith.constant 5.000000e-03 : f32
      %mul3A_1398 = vector.broadcast %mul3A_1397 : f32 to vector<16xf32>
      %mul3A_1399 = arith.mulf %scan3A_1385#1, %mul3A_1398 : vector<16xf32>
      %swap3A_1400 = arith.constant 4 : i32
      %swap3A_1401 = arith.index_cast %add3A_1225 : i32 to index
      %swap3A_1402 = arith.index_cast %swap3A_1400 : i32 to index
      %swap3A_1403 = arith.constant 16 : index
      %swap3A_1404 = tpu.vector_load %arg21[%swap3A_1401, %swap3A_1402, %swap3A_1403] {strides = array<i32>} : memref<128x7x32xf32, #tpu.memory_space<vmem>>, vector<1x1x16xf32>,
      %swap3A_1405 = vector.shape_cast %swap3A_1404 : vector<1x1x16xf32> to vector<16xf32>
      %swap3A_1406 = vector.shape_cast %mul3A_1399 : vector<16xf32> to vector<1x1x16xf32>
      tpu.vector_store %arg21[%swap3A_1401, %swap3A_1402, %swap3A_1403], %swap3A_1406 {strides = array<i32>} : memref<128x7x32xf32, #tpu.memory_space<vmem>>, vector<1x1x16xf32>,
      %mul3A_1407 = arith.constant 5.000000e-03 : f32
      %mul3A_1408 = vector.broadcast %mul3A_1407 : f32 to vector<16xf32>
      %mul3A_1409 = arith.mulf %scan3A_1385#2, %mul3A_1408 : vector<16xf32>
      %swap3A_1410 = arith.constant 5 : i32
      %swap3A_1411 = arith.index_cast %add3A_1225 : i32 to index
      %swap3A_1412 = arith.index_cast %swap3A_1410 : i32 to index
      %swap3A_1413 = arith.constant 0 : index
      %swap3A_1414 = tpu.vector_load %arg21[%swap3A_1411, %swap3A_1412, %swap3A_1413] {strides = array<i32>} : memref<128x7x32xf32, #tpu.memory_space<vmem>>, vector<1x1x16xf32>,
      %swap3A_1415 = vector.shape_cast %swap3A_1414 : vector<1x1x16xf32> to vector<16xf32>
      %swap3A_1416 = vector.shape_cast %mul3A_1409 : vector<16xf32> to vector<1x1x16xf32>
      tpu.vector_store %arg21[%swap3A_1411, %swap3A_1412, %swap3A_1413], %swap3A_1416 {strides = array<i32>} : memref<128x7x32xf32, #tpu.memory_space<vmem>>, vector<1x1x16xf32>,
      %mul3A_1417 = arith.constant 5.000000e-03 : f32
      %mul3A_1418 = vector.broadcast %mul3A_1417 : f32 to vector<16xf32>
      %mul3A_1419 = arith.mulf %scan3A_1385#3, %mul3A_1418 : vector<16xf32>
      %swap3A_1420 = arith.constant 5 : i32
      %swap3A_1421 = arith.index_cast %add3A_1225 : i32 to index
      %swap3A_1422 = arith.index_cast %swap3A_1420 : i32 to index
      %swap3A_1423 = arith.constant 16 : index
      %swap3A_1424 = tpu.vector_load %arg21[%swap3A_1421, %swap3A_1422, %swap3A_1423] {strides = array<i32>} : memref<128x7x32xf32, #tpu.memory_space<vmem>>, vector<1x1x16xf32>,
      %swap3A_1425 = vector.shape_cast %swap3A_1424 : vector<1x1x16xf32> to vector<16xf32>
      %swap3A_1426 = vector.shape_cast %mul3A_1419 : vector<16xf32> to vector<1x1x16xf32>
      tpu.vector_store %arg21[%swap3A_1421, %swap3A_1422, %swap3A_1423], %swap3A_1426 {strides = array<i32>} : memref<128x7x32xf32, #tpu.memory_space<vmem>>, vector<1x1x16xf32>,
      %broadcast_in_dim3A_1427 = arith.constant 1.000000e+00 : f32
      %broadcast_in_dim3A_1428 = vector.broadcast %broadcast_in_dim3A_1427 : f32 to vector<16xf32>
      %get3A_1429 = arith.constant 1 : i32
      %get3A_1430 = arith.constant 0 : i32
      %get3A_1431 = arith.index_cast %get3A_1429 : i32 to index
      %get3A_1432 = arith.index_cast %get3A_1430 : i32 to index
      %get3A_1433 = arith.constant 0 : index
      %get3A_1434 = tpu.vector_load %arg13[%get3A_1431, %get3A_1432, %get3A_1433] {strides = array<i32>} : memref<2x1x208xi32, #tpu.memory_space<vmem>>, vector<1x1x16xi32>,
      %get3A_1435 = vector.shape_cast %get3A_1434 : vector<1x1x16xi32> to vector<16xi32>
      %eq3A_1436 = arith.constant 0 : i32
      %eq3A_1437 = vector.broadcast %eq3A_1436 : i32 to vector<16xi32>
      %eq3A_1438 = arith.cmpi eq, %get3A_1435, %eq3A_1437 : vector<16xi32>
      %select_n3A_1439 = arith.select %eq3A_1438, %broadcast_in_dim3A_1428, %broadcast_in_dim3A_3 : vector<16xi1>, vector<16xf32>
      %add3A_1440 = arith.addf %broadcast_in_dim3A_3, %select_n3A_1439 : vector<16xf32>
      %eq3A_1441 = arith.constant 1 : i32
      %eq3A_1442 = vector.broadcast %eq3A_1441 : i32 to vector<16xi32>
      %eq3A_1443 = arith.cmpi eq, %get3A_1435, %eq3A_1442 : vector<16xi32>
      %select_n3A_1444 = arith.select %eq3A_1443, %broadcast_in_dim3A_1428, %broadcast_in_dim3A_3 : vector<16xi1>, vector<16xf32>
      %add3A_1445 = arith.addf %broadcast_in_dim3A_3, %select_n3A_1444 : vector<16xf32>
      %eq3A_1446 = arith.constant 2 : i32
      %eq3A_1447 = vector.broadcast %eq3A_1446 : i32 to vector<16xi32>
      %eq3A_1448 = arith.cmpi eq, %get3A_1435, %eq3A_1447 : vector<16xi32>
      %select_n3A_1449 = arith.select %eq3A_1448, %broadcast_in_dim3A_1428, %broadcast_in_dim3A_3 : vector<16xi1>, vector<16xf32>
      %add3A_1450 = arith.addf %broadcast_in_dim3A_3, %select_n3A_1449 : vector<16xf32>
      %eq3A_1451 = arith.constant 3 : i32
      %eq3A_1452 = vector.broadcast %eq3A_1451 : i32 to vector<16xi32>
      %eq3A_1453 = arith.cmpi eq, %get3A_1435, %eq3A_1452 : vector<16xi32>
      %select_n3A_1454 = arith.select %eq3A_1453, %broadcast_in_dim3A_1428, %broadcast_in_dim3A_3 : vector<16xi1>, vector<16xf32>
      %add3A_1455 = arith.addf %broadcast_in_dim3A_3, %select_n3A_1454 : vector<16xf32>
      %eq3A_1456 = arith.constant 4 : i32
      %eq3A_1457 = vector.broadcast %eq3A_1456 : i32 to vector<16xi32>
      %eq3A_1458 = arith.cmpi eq, %get3A_1435, %eq3A_1457 : vector<16xi32>
      %select_n3A_1459 = arith.select %eq3A_1458, %broadcast_in_dim3A_1428, %broadcast_in_dim3A_3 : vector<16xi1>, vector<16xf32>
      %add3A_1460 = arith.addf %broadcast_in_dim3A_3, %select_n3A_1459 : vector<16xf32>
      %get3A_1461 = arith.constant 1 : i32
      %get3A_1462 = arith.constant 0 : i32
      %get3A_1463 = arith.index_cast %get3A_1461 : i32 to index
      %get3A_1464 = arith.index_cast %get3A_1462 : i32 to index
      %get3A_1465 = arith.constant 16 : index
      %get3A_1466 = tpu.vector_load %arg13[%get3A_1463, %get3A_1464, %get3A_1465] {strides = array<i32>} : memref<2x1x208xi32, #tpu.memory_space<vmem>>, vector<1x1x16xi32>,
      %get3A_1467 = vector.shape_cast %get3A_1466 : vector<1x1x16xi32> to vector<16xi32>
      %eq3A_1468 = arith.constant 0 : i32
      %eq3A_1469 = vector.broadcast %eq3A_1468 : i32 to vector<16xi32>
      %eq3A_1470 = arith.cmpi eq, %get3A_1467, %eq3A_1469 : vector<16xi32>
      %select_n3A_1471 = arith.select %eq3A_1470, %broadcast_in_dim3A_1428, %broadcast_in_dim3A_3 : vector<16xi1>, vector<16xf32>
      %add3A_1472 = arith.addf %add3A_1440, %select_n3A_1471 : vector<16xf32>
      %eq3A_1473 = arith.constant 1 : i32
      %eq3A_1474 = vector.broadcast %eq3A_1473 : i32 to vector<16xi32>
      %eq3A_1475 = arith.cmpi eq, %get3A_1467, %eq3A_1474 : vector<16xi32>
      %select_n3A_1476 = arith.select %eq3A_1475, %broadcast_in_dim3A_1428, %broadcast_in_dim3A_3 : vector<16xi1>, vector<16xf32>
      %add3A_1477 = arith.addf %add3A_1445, %select_n3A_1476 : vector<16xf32>
      %eq3A_1478 = arith.constant 2 : i32
      %eq3A_1479 = vector.broadcast %eq3A_1478 : i32 to vector<16xi32>
      %eq3A_1480 = arith.cmpi eq, %get3A_1467, %eq3A_1479 : vector<16xi32>
      %select_n3A_1481 = arith.select %eq3A_1480, %broadcast_in_dim3A_1428, %broadcast_in_dim3A_3 : vector<16xi1>, vector<16xf32>
      %add3A_1482 = arith.addf %add3A_1450, %select_n3A_1481 : vector<16xf32>
      %eq3A_1483 = arith.constant 3 : i32
      %eq3A_1484 = vector.broadcast %eq3A_1483 : i32 to vector<16xi32>
      %eq3A_1485 = arith.cmpi eq, %get3A_1467, %eq3A_1484 : vector<16xi32>
      %select_n3A_1486 = arith.select %eq3A_1485, %broadcast_in_dim3A_1428, %broadcast_in_dim3A_3 : vector<16xi1>, vector<16xf32>
      %add3A_1487 = arith.addf %add3A_1455, %select_n3A_1486 : vector<16xf32>
      %eq3A_1488 = arith.constant 4 : i32
      %eq3A_1489 = vector.broadcast %eq3A_1488 : i32 to vector<16xi32>
      %eq3A_1490 = arith.cmpi eq, %get3A_1467, %eq3A_1489 : vector<16xi32>
      %select_n3A_1491 = arith.select %eq3A_1490, %broadcast_in_dim3A_1428, %broadcast_in_dim3A_3 : vector<16xi1>, vector<16xf32>
      %add3A_1492 = arith.addf %add3A_1460, %select_n3A_1491 : vector<16xf32>
      %get3A_1493 = arith.constant 1 : i32
      %get3A_1494 = arith.constant 0 : i32
      %get3A_1495 = arith.index_cast %get3A_1493 : i32 to index
      %get3A_1496 = arith.index_cast %get3A_1494 : i32 to index
      %get3A_1497 = arith.constant 32 : index
      %get3A_1498 = tpu.vector_load %arg13[%get3A_1495, %get3A_1496, %get3A_1497] {strides = array<i32>} : memref<2x1x208xi32, #tpu.memory_space<vmem>>, vector<1x1x16xi32>,
      %get3A_1499 = vector.shape_cast %get3A_1498 : vector<1x1x16xi32> to vector<16xi32>
      %eq3A_1500 = arith.constant 0 : i32
      %eq3A_1501 = vector.broadcast %eq3A_1500 : i32 to vector<16xi32>
      %eq3A_1502 = arith.cmpi eq, %get3A_1499, %eq3A_1501 : vector<16xi32>
      %select_n3A_1503 = arith.select %eq3A_1502, %broadcast_in_dim3A_1428, %broadcast_in_dim3A_3 : vector<16xi1>, vector<16xf32>
      %add3A_1504 = arith.addf %add3A_1472, %select_n3A_1503 : vector<16xf32>
      %eq3A_1505 = arith.constant 1 : i32
      %eq3A_1506 = vector.broadcast %eq3A_1505 : i32 to vector<16xi32>
      %eq3A_1507 = arith.cmpi eq, %get3A_1499, %eq3A_1506 : vector<16xi32>
      %select_n3A_1508 = arith.select %eq3A_1507, %broadcast_in_dim3A_1428, %broadcast_in_dim3A_3 : vector<16xi1>, vector<16xf32>
      %add3A_1509 = arith.addf %add3A_1477, %select_n3A_1508 : vector<16xf32>
      %eq3A_1510 = arith.constant 2 : i32
      %eq3A_1511 = vector.broadcast %eq3A_1510 : i32 to vector<16xi32>
      %eq3A_1512 = arith.cmpi eq, %get3A_1499, %eq3A_1511 : vector<16xi32>
      %select_n3A_1513 = arith.select %eq3A_1512, %broadcast_in_dim3A_1428, %broadcast_in_dim3A_3 : vector<16xi1>, vector<16xf32>
      %add3A_1514 = arith.addf %add3A_1482, %select_n3A_1513 : vector<16xf32>
      %eq3A_1515 = arith.constant 3 : i32
      %eq3A_1516 = vector.broadcast %eq3A_1515 : i32 to vector<16xi32>
      %eq3A_1517 = arith.cmpi eq, %get3A_1499, %eq3A_1516 : vector<16xi32>
      %select_n3A_1518 = arith.select %eq3A_1517, %broadcast_in_dim3A_1428, %broadcast_in_dim3A_3 : vector<16xi1>, vector<16xf32>
      %add3A_1519 = arith.addf %add3A_1487, %select_n3A_1518 : vector<16xf32>
      %eq3A_1520 = arith.constant 4 : i32
      %eq3A_1521 = vector.broadcast %eq3A_1520 : i32 to vector<16xi32>
      %eq3A_1522 = arith.cmpi eq, %get3A_1499, %eq3A_1521 : vector<16xi32>
      %select_n3A_1523 = arith.select %eq3A_1522, %broadcast_in_dim3A_1428, %broadcast_in_dim3A_3 : vector<16xi1>, vector<16xf32>
      %add3A_1524 = arith.addf %add3A_1492, %select_n3A_1523 : vector<16xf32>
      %get3A_1525 = arith.constant 1 : i32
      %get3A_1526 = arith.constant 0 : i32
      %get3A_1527 = arith.index_cast %get3A_1525 : i32 to index
      %get3A_1528 = arith.index_cast %get3A_1526 : i32 to index
      %get3A_1529 = arith.constant 48 : index
      %get3A_1530 = tpu.vector_load %arg13[%get3A_1527, %get3A_1528, %get3A_1529] {strides = array<i32>} : memref<2x1x208xi32, #tpu.memory_space<vmem>>, vector<1x1x16xi32>,
      %get3A_1531 = vector.shape_cast %get3A_1530 : vector<1x1x16xi32> to vector<16xi32>
      %eq3A_1532 = arith.constant 0 : i32
      %eq3A_1533 = vector.broadcast %eq3A_1532 : i32 to vector<16xi32>
      %eq3A_1534 = arith.cmpi eq, %get3A_1531, %eq3A_1533 : vector<16xi32>
      %select_n3A_1535 = arith.select %eq3A_1534, %broadcast_in_dim3A_1428, %broadcast_in_dim3A_3 : vector<16xi1>, vector<16xf32>
      %add3A_1536 = arith.addf %add3A_1504, %select_n3A_1535 : vector<16xf32>
      %eq3A_1537 = arith.constant 1 : i32
      %eq3A_1538 = vector.broadcast %eq3A_1537 : i32 to vector<16xi32>
      %eq3A_1539 = arith.cmpi eq, %get3A_1531, %eq3A_1538 : vector<16xi32>
      %select_n3A_1540 = arith.select %eq3A_1539, %broadcast_in_dim3A_1428, %broadcast_in_dim3A_3 : vector<16xi1>, vector<16xf32>
      %add3A_1541 = arith.addf %add3A_1509, %select_n3A_1540 : vector<16xf32>
      %eq3A_1542 = arith.constant 2 : i32
      %eq3A_1543 = vector.broadcast %eq3A_1542 : i32 to vector<16xi32>
      %eq3A_1544 = arith.cmpi eq, %get3A_1531, %eq3A_1543 : vector<16xi32>
      %select_n3A_1545 = arith.select %eq3A_1544, %broadcast_in_dim3A_1428, %broadcast_in_dim3A_3 : vector<16xi1>, vector<16xf32>
      %add3A_1546 = arith.addf %add3A_1514, %select_n3A_1545 : vector<16xf32>
      %eq3A_1547 = arith.constant 3 : i32
      %eq3A_1548 = vector.broadcast %eq3A_1547 : i32 to vector<16xi32>
      %eq3A_1549 = arith.cmpi eq, %get3A_1531, %eq3A_1548 : vector<16xi32>
      %select_n3A_1550 = arith.select %eq3A_1549, %broadcast_in_dim3A_1428, %broadcast_in_dim3A_3 : vector<16xi1>, vector<16xf32>
      %add3A_1551 = arith.addf %add3A_1519, %select_n3A_1550 : vector<16xf32>
      %eq3A_1552 = arith.constant 4 : i32
      %eq3A_1553 = vector.broadcast %eq3A_1552 : i32 to vector<16xi32>
      %eq3A_1554 = arith.cmpi eq, %get3A_1531, %eq3A_1553 : vector<16xi32>
      %select_n3A_1555 = arith.select %eq3A_1554, %broadcast_in_dim3A_1428, %broadcast_in_dim3A_3 : vector<16xi1>, vector<16xf32>
      %add3A_1556 = arith.addf %add3A_1524, %select_n3A_1555 : vector<16xf32>
      %get3A_1557 = arith.constant 1 : i32
      %get3A_1558 = arith.constant 0 : i32
      %get3A_1559 = arith.index_cast %get3A_1557 : i32 to index
      %get3A_1560 = arith.index_cast %get3A_1558 : i32 to index
      %get3A_1561 = arith.constant 64 : index
      %get3A_1562 = tpu.vector_load %arg13[%get3A_1559, %get3A_1560, %get3A_1561] {strides = array<i32>} : memref<2x1x208xi32, #tpu.memory_space<vmem>>, vector<1x1x16xi32>,
      %get3A_1563 = vector.shape_cast %get3A_1562 : vector<1x1x16xi32> to vector<16xi32>
      %eq3A_1564 = arith.constant 0 : i32
      %eq3A_1565 = vector.broadcast %eq3A_1564 : i32 to vector<16xi32>
      %eq3A_1566 = arith.cmpi eq, %get3A_1563, %eq3A_1565 : vector<16xi32>
      %select_n3A_1567 = arith.select %eq3A_1566, %broadcast_in_dim3A_1428, %broadcast_in_dim3A_3 : vector<16xi1>, vector<16xf32>
      %add3A_1568 = arith.addf %add3A_1536, %select_n3A_1567 : vector<16xf32>
      %eq3A_1569 = arith.constant 1 : i32
      %eq3A_1570 = vector.broadcast %eq3A_1569 : i32 to vector<16xi32>
      %eq3A_1571 = arith.cmpi eq, %get3A_1563, %eq3A_1570 : vector<16xi32>
      %select_n3A_1572 = arith.select %eq3A_1571, %broadcast_in_dim3A_1428, %broadcast_in_dim3A_3 : vector<16xi1>, vector<16xf32>
      %add3A_1573 = arith.addf %add3A_1541, %select_n3A_1572 : vector<16xf32>
      %eq3A_1574 = arith.constant 2 : i32
      %eq3A_1575 = vector.broadcast %eq3A_1574 : i32 to vector<16xi32>
      %eq3A_1576 = arith.cmpi eq, %get3A_1563, %eq3A_1575 : vector<16xi32>
      %select_n3A_1577 = arith.select %eq3A_1576, %broadcast_in_dim3A_1428, %broadcast_in_dim3A_3 : vector<16xi1>, vector<16xf32>
      %add3A_1578 = arith.addf %add3A_1546, %select_n3A_1577 : vector<16xf32>
      %eq3A_1579 = arith.constant 3 : i32
      %eq3A_1580 = vector.broadcast %eq3A_1579 : i32 to vector<16xi32>
      %eq3A_1581 = arith.cmpi eq, %get3A_1563, %eq3A_1580 : vector<16xi32>
      %select_n3A_1582 = arith.select %eq3A_1581, %broadcast_in_dim3A_1428, %broadcast_in_dim3A_3 : vector<16xi1>, vector<16xf32>
      %add3A_1583 = arith.addf %add3A_1551, %select_n3A_1582 : vector<16xf32>
      %eq3A_1584 = arith.constant 4 : i32
      %eq3A_1585 = vector.broadcast %eq3A_1584 : i32 to vector<16xi32>
      %eq3A_1586 = arith.cmpi eq, %get3A_1563, %eq3A_1585 : vector<16xi32>
      %select_n3A_1587 = arith.select %eq3A_1586, %broadcast_in_dim3A_1428, %broadcast_in_dim3A_3 : vector<16xi1>, vector<16xf32>
      %add3A_1588 = arith.addf %add3A_1556, %select_n3A_1587 : vector<16xf32>
      %get3A_1589 = arith.constant 1 : i32
      %get3A_1590 = arith.constant 0 : i32
      %get3A_1591 = arith.index_cast %get3A_1589 : i32 to index
      %get3A_1592 = arith.index_cast %get3A_1590 : i32 to index
      %get3A_1593 = arith.constant 80 : index
      %get3A_1594 = tpu.vector_load %arg13[%get3A_1591, %get3A_1592, %get3A_1593] {strides = array<i32>} : memref<2x1x208xi32, #tpu.memory_space<vmem>>, vector<1x1x16xi32>,
      %get3A_1595 = vector.shape_cast %get3A_1594 : vector<1x1x16xi32> to vector<16xi32>
      %eq3A_1596 = arith.constant 0 : i32
      %eq3A_1597 = vector.broadcast %eq3A_1596 : i32 to vector<16xi32>
      %eq3A_1598 = arith.cmpi eq, %get3A_1595, %eq3A_1597 : vector<16xi32>
      %select_n3A_1599 = arith.select %eq3A_1598, %broadcast_in_dim3A_1428, %broadcast_in_dim3A_3 : vector<16xi1>, vector<16xf32>
      %add3A_1600 = arith.addf %add3A_1568, %select_n3A_1599 : vector<16xf32>
      %eq3A_1601 = arith.constant 1 : i32
      %eq3A_1602 = vector.broadcast %eq3A_1601 : i32 to vector<16xi32>
      %eq3A_1603 = arith.cmpi eq, %get3A_1595, %eq3A_1602 : vector<16xi32>
      %select_n3A_1604 = arith.select %eq3A_1603, %broadcast_in_dim3A_1428, %broadcast_in_dim3A_3 : vector<16xi1>, vector<16xf32>
      %add3A_1605 = arith.addf %add3A_1573, %select_n3A_1604 : vector<16xf32>
      %eq3A_1606 = arith.constant 2 : i32
      %eq3A_1607 = vector.broadcast %eq3A_1606 : i32 to vector<16xi32>
      %eq3A_1608 = arith.cmpi eq, %get3A_1595, %eq3A_1607 : vector<16xi32>
      %select_n3A_1609 = arith.select %eq3A_1608, %broadcast_in_dim3A_1428, %broadcast_in_dim3A_3 : vector<16xi1>, vector<16xf32>
      %add3A_1610 = arith.addf %add3A_1578, %select_n3A_1609 : vector<16xf32>
      %eq3A_1611 = arith.constant 3 : i32
      %eq3A_1612 = vector.broadcast %eq3A_1611 : i32 to vector<16xi32>
      %eq3A_1613 = arith.cmpi eq, %get3A_1595, %eq3A_1612 : vector<16xi32>
      %select_n3A_1614 = arith.select %eq3A_1613, %broadcast_in_dim3A_1428, %broadcast_in_dim3A_3 : vector<16xi1>, vector<16xf32>
      %add3A_1615 = arith.addf %add3A_1583, %select_n3A_1614 : vector<16xf32>
      %eq3A_1616 = arith.constant 4 : i32
      %eq3A_1617 = vector.broadcast %eq3A_1616 : i32 to vector<16xi32>
      %eq3A_1618 = arith.cmpi eq, %get3A_1595, %eq3A_1617 : vector<16xi32>
      %select_n3A_1619 = arith.select %eq3A_1618, %broadcast_in_dim3A_1428, %broadcast_in_dim3A_3 : vector<16xi1>, vector<16xf32>
      %add3A_1620 = arith.addf %add3A_1588, %select_n3A_1619 : vector<16xf32>
      %get3A_1621 = arith.constant 1 : i32
      %get3A_1622 = arith.constant 0 : i32
      %get3A_1623 = arith.index_cast %get3A_1621 : i32 to index
      %get3A_1624 = arith.index_cast %get3A_1622 : i32 to index
      %get3A_1625 = arith.constant 96 : index
      %get3A_1626 = tpu.vector_load %arg13[%get3A_1623, %get3A_1624, %get3A_1625] {strides = array<i32>} : memref<2x1x208xi32, #tpu.memory_space<vmem>>, vector<1x1x16xi32>,
      %get3A_1627 = vector.shape_cast %get3A_1626 : vector<1x1x16xi32> to vector<16xi32>
      %eq3A_1628 = arith.constant 0 : i32
      %eq3A_1629 = vector.broadcast %eq3A_1628 : i32 to vector<16xi32>
      %eq3A_1630 = arith.cmpi eq, %get3A_1627, %eq3A_1629 : vector<16xi32>
      %select_n3A_1631 = arith.select %eq3A_1630, %broadcast_in_dim3A_1428, %broadcast_in_dim3A_3 : vector<16xi1>, vector<16xf32>
      %add3A_1632 = arith.addf %add3A_1600, %select_n3A_1631 : vector<16xf32>
      %eq3A_1633 = arith.constant 1 : i32
      %eq3A_1634 = vector.broadcast %eq3A_1633 : i32 to vector<16xi32>
      %eq3A_1635 = arith.cmpi eq, %get3A_1627, %eq3A_1634 : vector<16xi32>
      %select_n3A_1636 = arith.select %eq3A_1635, %broadcast_in_dim3A_1428, %broadcast_in_dim3A_3 : vector<16xi1>, vector<16xf32>
      %add3A_1637 = arith.addf %add3A_1605, %select_n3A_1636 : vector<16xf32>
      %eq3A_1638 = arith.constant 2 : i32
      %eq3A_1639 = vector.broadcast %eq3A_1638 : i32 to vector<16xi32>
      %eq3A_1640 = arith.cmpi eq, %get3A_1627, %eq3A_1639 : vector<16xi32>
      %select_n3A_1641 = arith.select %eq3A_1640, %broadcast_in_dim3A_1428, %broadcast_in_dim3A_3 : vector<16xi1>, vector<16xf32>
      %add3A_1642 = arith.addf %add3A_1610, %select_n3A_1641 : vector<16xf32>
      %eq3A_1643 = arith.constant 3 : i32
      %eq3A_1644 = vector.broadcast %eq3A_1643 : i32 to vector<16xi32>
      %eq3A_1645 = arith.cmpi eq, %get3A_1627, %eq3A_1644 : vector<16xi32>
      %select_n3A_1646 = arith.select %eq3A_1645, %broadcast_in_dim3A_1428, %broadcast_in_dim3A_3 : vector<16xi1>, vector<16xf32>
      %add3A_1647 = arith.addf %add3A_1615, %select_n3A_1646 : vector<16xf32>
      %eq3A_1648 = arith.constant 4 : i32
      %eq3A_1649 = vector.broadcast %eq3A_1648 : i32 to vector<16xi32>
      %eq3A_1650 = arith.cmpi eq, %get3A_1627, %eq3A_1649 : vector<16xi32>
      %select_n3A_1651 = arith.select %eq3A_1650, %broadcast_in_dim3A_1428, %broadcast_in_dim3A_3 : vector<16xi1>, vector<16xf32>
      %add3A_1652 = arith.addf %add3A_1620, %select_n3A_1651 : vector<16xf32>
      %get3A_1653 = arith.constant 1 : i32
      %get3A_1654 = arith.constant 0 : i32
      %get3A_1655 = arith.index_cast %get3A_1653 : i32 to index
      %get3A_1656 = arith.index_cast %get3A_1654 : i32 to index
      %get3A_1657 = arith.constant 112 : index
      %get3A_1658 = tpu.vector_load %arg13[%get3A_1655, %get3A_1656, %get3A_1657] {strides = array<i32>} : memref<2x1x208xi32, #tpu.memory_space<vmem>>, vector<1x1x16xi32>,
      %get3A_1659 = vector.shape_cast %get3A_1658 : vector<1x1x16xi32> to vector<16xi32>
      %eq3A_1660 = arith.constant 0 : i32
      %eq3A_1661 = vector.broadcast %eq3A_1660 : i32 to vector<16xi32>
      %eq3A_1662 = arith.cmpi eq, %get3A_1659, %eq3A_1661 : vector<16xi32>
      %select_n3A_1663 = arith.select %eq3A_1662, %broadcast_in_dim3A_1428, %broadcast_in_dim3A_3 : vector<16xi1>, vector<16xf32>
      %add3A_1664 = arith.addf %add3A_1632, %select_n3A_1663 : vector<16xf32>
      %eq3A_1665 = arith.constant 1 : i32
      %eq3A_1666 = vector.broadcast %eq3A_1665 : i32 to vector<16xi32>
      %eq3A_1667 = arith.cmpi eq, %get3A_1659, %eq3A_1666 : vector<16xi32>
      %select_n3A_1668 = arith.select %eq3A_1667, %broadcast_in_dim3A_1428, %broadcast_in_dim3A_3 : vector<16xi1>, vector<16xf32>
      %add3A_1669 = arith.addf %add3A_1637, %select_n3A_1668 : vector<16xf32>
      %eq3A_1670 = arith.constant 2 : i32
      %eq3A_1671 = vector.broadcast %eq3A_1670 : i32 to vector<16xi32>
      %eq3A_1672 = arith.cmpi eq, %get3A_1659, %eq3A_1671 : vector<16xi32>
      %select_n3A_1673 = arith.select %eq3A_1672, %broadcast_in_dim3A_1428, %broadcast_in_dim3A_3 : vector<16xi1>, vector<16xf32>
      %add3A_1674 = arith.addf %add3A_1642, %select_n3A_1673 : vector<16xf32>
      %eq3A_1675 = arith.constant 3 : i32
      %eq3A_1676 = vector.broadcast %eq3A_1675 : i32 to vector<16xi32>
      %eq3A_1677 = arith.cmpi eq, %get3A_1659, %eq3A_1676 : vector<16xi32>
      %select_n3A_1678 = arith.select %eq3A_1677, %broadcast_in_dim3A_1428, %broadcast_in_dim3A_3 : vector<16xi1>, vector<16xf32>
      %add3A_1679 = arith.addf %add3A_1647, %select_n3A_1678 : vector<16xf32>
      %eq3A_1680 = arith.constant 4 : i32
      %eq3A_1681 = vector.broadcast %eq3A_1680 : i32 to vector<16xi32>
      %eq3A_1682 = arith.cmpi eq, %get3A_1659, %eq3A_1681 : vector<16xi32>
      %select_n3A_1683 = arith.select %eq3A_1682, %broadcast_in_dim3A_1428, %broadcast_in_dim3A_3 : vector<16xi1>, vector<16xf32>
      %add3A_1684 = arith.addf %add3A_1652, %select_n3A_1683 : vector<16xf32>
      %get3A_1685 = arith.constant 1 : i32
      %get3A_1686 = arith.constant 0 : i32
      %get3A_1687 = arith.index_cast %get3A_1685 : i32 to index
      %get3A_1688 = arith.index_cast %get3A_1686 : i32 to index
      %get3A_1689 = arith.constant 128 : index
      %get3A_1690 = tpu.vector_load %arg13[%get3A_1687, %get3A_1688, %get3A_1689] {strides = array<i32>} : memref<2x1x208xi32, #tpu.memory_space<vmem>>, vector<1x1x16xi32>,
      %get3A_1691 = vector.shape_cast %get3A_1690 : vector<1x1x16xi32> to vector<16xi32>
      %eq3A_1692 = arith.constant 0 : i32
      %eq3A_1693 = vector.broadcast %eq3A_1692 : i32 to vector<16xi32>
      %eq3A_1694 = arith.cmpi eq, %get3A_1691, %eq3A_1693 : vector<16xi32>
      %select_n3A_1695 = arith.select %eq3A_1694, %broadcast_in_dim3A_1428, %broadcast_in_dim3A_3 : vector<16xi1>, vector<16xf32>
      %add3A_1696 = arith.addf %add3A_1664, %select_n3A_1695 : vector<16xf32>
      %eq3A_1697 = arith.constant 1 : i32
      %eq3A_1698 = vector.broadcast %eq3A_1697 : i32 to vector<16xi32>
      %eq3A_1699 = arith.cmpi eq, %get3A_1691, %eq3A_1698 : vector<16xi32>
      %select_n3A_1700 = arith.select %eq3A_1699, %broadcast_in_dim3A_1428, %broadcast_in_dim3A_3 : vector<16xi1>, vector<16xf32>
      %add3A_1701 = arith.addf %add3A_1669, %select_n3A_1700 : vector<16xf32>
      %eq3A_1702 = arith.constant 2 : i32
      %eq3A_1703 = vector.broadcast %eq3A_1702 : i32 to vector<16xi32>
      %eq3A_1704 = arith.cmpi eq, %get3A_1691, %eq3A_1703 : vector<16xi32>
      %select_n3A_1705 = arith.select %eq3A_1704, %broadcast_in_dim3A_1428, %broadcast_in_dim3A_3 : vector<16xi1>, vector<16xf32>
      %add3A_1706 = arith.addf %add3A_1674, %select_n3A_1705 : vector<16xf32>
      %eq3A_1707 = arith.constant 3 : i32
      %eq3A_1708 = vector.broadcast %eq3A_1707 : i32 to vector<16xi32>
      %eq3A_1709 = arith.cmpi eq, %get3A_1691, %eq3A_1708 : vector<16xi32>
      %select_n3A_1710 = arith.select %eq3A_1709, %broadcast_in_dim3A_1428, %broadcast_in_dim3A_3 : vector<16xi1>, vector<16xf32>
      %add3A_1711 = arith.addf %add3A_1679, %select_n3A_1710 : vector<16xf32>
      %eq3A_1712 = arith.constant 4 : i32
      %eq3A_1713 = vector.broadcast %eq3A_1712 : i32 to vector<16xi32>
      %eq3A_1714 = arith.cmpi eq, %get3A_1691, %eq3A_1713 : vector<16xi32>
      %select_n3A_1715 = arith.select %eq3A_1714, %broadcast_in_dim3A_1428, %broadcast_in_dim3A_3 : vector<16xi1>, vector<16xf32>
      %add3A_1716 = arith.addf %add3A_1684, %select_n3A_1715 : vector<16xf32>
      %get3A_1717 = arith.constant 1 : i32
      %get3A_1718 = arith.constant 0 : i32
      %get3A_1719 = arith.index_cast %get3A_1717 : i32 to index
      %get3A_1720 = arith.index_cast %get3A_1718 : i32 to index
      %get3A_1721 = arith.constant 144 : index
      %get3A_1722 = tpu.vector_load %arg13[%get3A_1719, %get3A_1720, %get3A_1721] {strides = array<i32>} : memref<2x1x208xi32, #tpu.memory_space<vmem>>, vector<1x1x16xi32>,
      %get3A_1723 = vector.shape_cast %get3A_1722 : vector<1x1x16xi32> to vector<16xi32>
      %eq3A_1724 = arith.constant 0 : i32
      %eq3A_1725 = vector.broadcast %eq3A_1724 : i32 to vector<16xi32>
      %eq3A_1726 = arith.cmpi eq, %get3A_1723, %eq3A_1725 : vector<16xi32>
      %select_n3A_1727 = arith.select %eq3A_1726, %broadcast_in_dim3A_1428, %broadcast_in_dim3A_3 : vector<16xi1>, vector<16xf32>
      %add3A_1728 = arith.addf %add3A_1696, %select_n3A_1727 : vector<16xf32>
      %eq3A_1729 = arith.constant 1 : i32
      %eq3A_1730 = vector.broadcast %eq3A_1729 : i32 to vector<16xi32>
      %eq3A_1731 = arith.cmpi eq, %get3A_1723, %eq3A_1730 : vector<16xi32>
      %select_n3A_1732 = arith.select %eq3A_1731, %broadcast_in_dim3A_1428, %broadcast_in_dim3A_3 : vector<16xi1>, vector<16xf32>
      %add3A_1733 = arith.addf %add3A_1701, %select_n3A_1732 : vector<16xf32>
      %eq3A_1734 = arith.constant 2 : i32
      %eq3A_1735 = vector.broadcast %eq3A_1734 : i32 to vector<16xi32>
      %eq3A_1736 = arith.cmpi eq, %get3A_1723, %eq3A_1735 : vector<16xi32>
      %select_n3A_1737 = arith.select %eq3A_1736, %broadcast_in_dim3A_1428, %broadcast_in_dim3A_3 : vector<16xi1>, vector<16xf32>
      %add3A_1738 = arith.addf %add3A_1706, %select_n3A_1737 : vector<16xf32>
      %eq3A_1739 = arith.constant 3 : i32
      %eq3A_1740 = vector.broadcast %eq3A_1739 : i32 to vector<16xi32>
      %eq3A_1741 = arith.cmpi eq, %get3A_1723, %eq3A_1740 : vector<16xi32>
      %select_n3A_1742 = arith.select %eq3A_1741, %broadcast_in_dim3A_1428, %broadcast_in_dim3A_3 : vector<16xi1>, vector<16xf32>
      %add3A_1743 = arith.addf %add3A_1711, %select_n3A_1742 : vector<16xf32>
      %eq3A_1744 = arith.constant 4 : i32
      %eq3A_1745 = vector.broadcast %eq3A_1744 : i32 to vector<16xi32>
      %eq3A_1746 = arith.cmpi eq, %get3A_1723, %eq3A_1745 : vector<16xi32>
      %select_n3A_1747 = arith.select %eq3A_1746, %broadcast_in_dim3A_1428, %broadcast_in_dim3A_3 : vector<16xi1>, vector<16xf32>
      %add3A_1748 = arith.addf %add3A_1716, %select_n3A_1747 : vector<16xf32>
      %get3A_1749 = arith.constant 1 : i32
      %get3A_1750 = arith.constant 0 : i32
      %get3A_1751 = arith.index_cast %get3A_1749 : i32 to index
      %get3A_1752 = arith.index_cast %get3A_1750 : i32 to index
      %get3A_1753 = arith.constant 160 : index
      %get3A_1754 = tpu.vector_load %arg13[%get3A_1751, %get3A_1752, %get3A_1753] {strides = array<i32>} : memref<2x1x208xi32, #tpu.memory_space<vmem>>, vector<1x1x16xi32>,
      %get3A_1755 = vector.shape_cast %get3A_1754 : vector<1x1x16xi32> to vector<16xi32>
      %eq3A_1756 = arith.constant 0 : i32
      %eq3A_1757 = vector.broadcast %eq3A_1756 : i32 to vector<16xi32>
      %eq3A_1758 = arith.cmpi eq, %get3A_1755, %eq3A_1757 : vector<16xi32>
      %select_n3A_1759 = arith.select %eq3A_1758, %broadcast_in_dim3A_1428, %broadcast_in_dim3A_3 : vector<16xi1>, vector<16xf32>
      %add3A_1760 = arith.addf %add3A_1728, %select_n3A_1759 : vector<16xf32>
      %eq3A_1761 = arith.constant 1 : i32
      %eq3A_1762 = vector.broadcast %eq3A_1761 : i32 to vector<16xi32>
      %eq3A_1763 = arith.cmpi eq, %get3A_1755, %eq3A_1762 : vector<16xi32>
      %select_n3A_1764 = arith.select %eq3A_1763, %broadcast_in_dim3A_1428, %broadcast_in_dim3A_3 : vector<16xi1>, vector<16xf32>
      %add3A_1765 = arith.addf %add3A_1733, %select_n3A_1764 : vector<16xf32>
      %eq3A_1766 = arith.constant 2 : i32
      %eq3A_1767 = vector.broadcast %eq3A_1766 : i32 to vector<16xi32>
      %eq3A_1768 = arith.cmpi eq, %get3A_1755, %eq3A_1767 : vector<16xi32>
      %select_n3A_1769 = arith.select %eq3A_1768, %broadcast_in_dim3A_1428, %broadcast_in_dim3A_3 : vector<16xi1>, vector<16xf32>
      %add3A_1770 = arith.addf %add3A_1738, %select_n3A_1769 : vector<16xf32>
      %eq3A_1771 = arith.constant 3 : i32
      %eq3A_1772 = vector.broadcast %eq3A_1771 : i32 to vector<16xi32>
      %eq3A_1773 = arith.cmpi eq, %get3A_1755, %eq3A_1772 : vector<16xi32>
      %select_n3A_1774 = arith.select %eq3A_1773, %broadcast_in_dim3A_1428, %broadcast_in_dim3A_3 : vector<16xi1>, vector<16xf32>
      %add3A_1775 = arith.addf %add3A_1743, %select_n3A_1774 : vector<16xf32>
      %eq3A_1776 = arith.constant 4 : i32
      %eq3A_1777 = vector.broadcast %eq3A_1776 : i32 to vector<16xi32>
      %eq3A_1778 = arith.cmpi eq, %get3A_1755, %eq3A_1777 : vector<16xi32>
      %select_n3A_1779 = arith.select %eq3A_1778, %broadcast_in_dim3A_1428, %broadcast_in_dim3A_3 : vector<16xi1>, vector<16xf32>
      %add3A_1780 = arith.addf %add3A_1748, %select_n3A_1779 : vector<16xf32>
      %get3A_1781 = arith.constant 1 : i32
      %get3A_1782 = arith.constant 0 : i32
      %get3A_1783 = arith.index_cast %get3A_1781 : i32 to index
      %get3A_1784 = arith.index_cast %get3A_1782 : i32 to index
      %get3A_1785 = arith.constant 176 : index
      %get3A_1786 = tpu.vector_load %arg13[%get3A_1783, %get3A_1784, %get3A_1785] {strides = array<i32>} : memref<2x1x208xi32, #tpu.memory_space<vmem>>, vector<1x1x16xi32>,
      %get3A_1787 = vector.shape_cast %get3A_1786 : vector<1x1x16xi32> to vector<16xi32>
      %eq3A_1788 = arith.constant 0 : i32
      %eq3A_1789 = vector.broadcast %eq3A_1788 : i32 to vector<16xi32>
      %eq3A_1790 = arith.cmpi eq, %get3A_1787, %eq3A_1789 : vector<16xi32>
      %select_n3A_1791 = arith.select %eq3A_1790, %broadcast_in_dim3A_1428, %broadcast_in_dim3A_3 : vector<16xi1>, vector<16xf32>
      %add3A_1792 = arith.addf %add3A_1760, %select_n3A_1791 : vector<16xf32>
      %eq3A_1793 = arith.constant 1 : i32
      %eq3A_1794 = vector.broadcast %eq3A_1793 : i32 to vector<16xi32>
      %eq3A_1795 = arith.cmpi eq, %get3A_1787, %eq3A_1794 : vector<16xi32>
      %select_n3A_1796 = arith.select %eq3A_1795, %broadcast_in_dim3A_1428, %broadcast_in_dim3A_3 : vector<16xi1>, vector<16xf32>
      %add3A_1797 = arith.addf %add3A_1765, %select_n3A_1796 : vector<16xf32>
      %eq3A_1798 = arith.constant 2 : i32
      %eq3A_1799 = vector.broadcast %eq3A_1798 : i32 to vector<16xi32>
      %eq3A_1800 = arith.cmpi eq, %get3A_1787, %eq3A_1799 : vector<16xi32>
      %select_n3A_1801 = arith.select %eq3A_1800, %broadcast_in_dim3A_1428, %broadcast_in_dim3A_3 : vector<16xi1>, vector<16xf32>
      %add3A_1802 = arith.addf %add3A_1770, %select_n3A_1801 : vector<16xf32>
      %eq3A_1803 = arith.constant 3 : i32
      %eq3A_1804 = vector.broadcast %eq3A_1803 : i32 to vector<16xi32>
      %eq3A_1805 = arith.cmpi eq, %get3A_1787, %eq3A_1804 : vector<16xi32>
      %select_n3A_1806 = arith.select %eq3A_1805, %broadcast_in_dim3A_1428, %broadcast_in_dim3A_3 : vector<16xi1>, vector<16xf32>
      %add3A_1807 = arith.addf %add3A_1775, %select_n3A_1806 : vector<16xf32>
      %eq3A_1808 = arith.constant 4 : i32
      %eq3A_1809 = vector.broadcast %eq3A_1808 : i32 to vector<16xi32>
      %eq3A_1810 = arith.cmpi eq, %get3A_1787, %eq3A_1809 : vector<16xi32>
      %select_n3A_1811 = arith.select %eq3A_1810, %broadcast_in_dim3A_1428, %broadcast_in_dim3A_3 : vector<16xi1>, vector<16xf32>
      %add3A_1812 = arith.addf %add3A_1780, %select_n3A_1811 : vector<16xf32>
      %get3A_1813 = arith.constant 1 : i32
      %get3A_1814 = arith.constant 0 : i32
      %get3A_1815 = arith.index_cast %get3A_1813 : i32 to index
      %get3A_1816 = arith.index_cast %get3A_1814 : i32 to index
      %get3A_1817 = arith.constant 192 : index
      %get3A_1818 = tpu.vector_load %arg13[%get3A_1815, %get3A_1816, %get3A_1817] {strides = array<i32>} : memref<2x1x208xi32, #tpu.memory_space<vmem>>, vector<1x1x16xi32>,
      %get3A_1819 = vector.shape_cast %get3A_1818 : vector<1x1x16xi32> to vector<16xi32>
      %eq3A_1820 = arith.constant 0 : i32
      %eq3A_1821 = vector.broadcast %eq3A_1820 : i32 to vector<16xi32>
      %eq3A_1822 = arith.cmpi eq, %get3A_1819, %eq3A_1821 : vector<16xi32>
      %select_n3A_1823 = arith.select %eq3A_1822, %broadcast_in_dim3A_1428, %broadcast_in_dim3A_3 : vector<16xi1>, vector<16xf32>
      %add3A_1824 = arith.addf %add3A_1792, %select_n3A_1823 : vector<16xf32>
      %eq3A_1825 = arith.constant 1 : i32
      %eq3A_1826 = vector.broadcast %eq3A_1825 : i32 to vector<16xi32>
      %eq3A_1827 = arith.cmpi eq, %get3A_1819, %eq3A_1826 : vector<16xi32>
      %select_n3A_1828 = arith.select %eq3A_1827, %broadcast_in_dim3A_1428, %broadcast_in_dim3A_3 : vector<16xi1>, vector<16xf32>
      %add3A_1829 = arith.addf %add3A_1797, %select_n3A_1828 : vector<16xf32>
      %eq3A_1830 = arith.constant 2 : i32
      %eq3A_1831 = vector.broadcast %eq3A_1830 : i32 to vector<16xi32>
      %eq3A_1832 = arith.cmpi eq, %get3A_1819, %eq3A_1831 : vector<16xi32>
      %select_n3A_1833 = arith.select %eq3A_1832, %broadcast_in_dim3A_1428, %broadcast_in_dim3A_3 : vector<16xi1>, vector<16xf32>
      %add3A_1834 = arith.addf %add3A_1802, %select_n3A_1833 : vector<16xf32>
      %eq3A_1835 = arith.constant 3 : i32
      %eq3A_1836 = vector.broadcast %eq3A_1835 : i32 to vector<16xi32>
      %eq3A_1837 = arith.cmpi eq, %get3A_1819, %eq3A_1836 : vector<16xi32>
      %select_n3A_1838 = arith.select %eq3A_1837, %broadcast_in_dim3A_1428, %broadcast_in_dim3A_3 : vector<16xi1>, vector<16xf32>
      %add3A_1839 = arith.addf %add3A_1807, %select_n3A_1838 : vector<16xf32>
      %eq3A_1840 = arith.constant 4 : i32
      %eq3A_1841 = vector.broadcast %eq3A_1840 : i32 to vector<16xi32>
      %eq3A_1842 = arith.cmpi eq, %get3A_1819, %eq3A_1841 : vector<16xi32>
      %select_n3A_1843 = arith.select %eq3A_1842, %broadcast_in_dim3A_1428, %broadcast_in_dim3A_3 : vector<16xi1>, vector<16xf32>
      %add3A_1844 = arith.addf %add3A_1812, %select_n3A_1843 : vector<16xf32>
      %broadcast_in_dim3A_1845 = vector.shape_cast %and3A_450 : vector<16xi32> to vector<16x1xi32>
      %gather3A_1846 = vector.shape_cast %broadcast_in_dim3A_1845 : vector<16x1xi32> to vector<16xi32>
      %gather3A_1847 = tpu.dynamic_gather %add3A_1824[%gather3A_1846] in [0] : vector<16xf32>, vector<16xi32> -> vector<16xf32>
      %add3A_1848 = arith.addf %add3A_1824, %gather3A_1847 : vector<16xf32>
      %broadcast_in_dim3A_1849 = vector.shape_cast %and3A_456 : vector<16xi32> to vector<16x1xi32>
      %gather3A_1850 = vector.shape_cast %broadcast_in_dim3A_1849 : vector<16x1xi32> to vector<16xi32>
      %gather3A_1851 = tpu.dynamic_gather %add3A_1848[%gather3A_1850] in [0] : vector<16xf32>, vector<16xi32> -> vector<16xf32>
      %add3A_1852 = arith.addf %add3A_1848, %gather3A_1851 : vector<16xf32>
      %broadcast_in_dim3A_1853 = vector.shape_cast %and3A_462 : vector<16xi32> to vector<16x1xi32>
      %gather3A_1854 = vector.shape_cast %broadcast_in_dim3A_1853 : vector<16x1xi32> to vector<16xi32>
      %gather3A_1855 = tpu.dynamic_gather %add3A_1852[%gather3A_1854] in [0] : vector<16xf32>, vector<16xi32> -> vector<16xf32>
      %add3A_1856 = arith.addf %add3A_1852, %gather3A_1855 : vector<16xf32>
      %broadcast_in_dim3A_1857 = vector.shape_cast %and3A_468 : vector<16xi32> to vector<16x1xi32>
      %gather3A_1858 = vector.shape_cast %broadcast_in_dim3A_1857 : vector<16x1xi32> to vector<16xi32>
      %gather3A_1859 = tpu.dynamic_gather %add3A_1856[%gather3A_1858] in [0] : vector<16xf32>, vector<16xi32> -> vector<16xf32>
      %add3A_1860 = arith.addf %add3A_1856, %gather3A_1859 : vector<16xf32>
      %mul3A_1861 = arith.mulf %add3A_1860, %get3A_109 : vector<16xf32>
      %add3A_1862 = arith.addf %broadcast_in_dim3A_3, %mul3A_1861 : vector<16xf32>
      %mul3A_1863 = arith.mulf %add3A_1860, %get3A_114 : vector<16xf32>
      %add3A_1864 = arith.addf %broadcast_in_dim3A_3, %mul3A_1863 : vector<16xf32>
      %broadcast_in_dim3A_1865 = vector.shape_cast %and3A_450 : vector<16xi32> to vector<16x1xi32>
      %gather3A_1866 = vector.shape_cast %broadcast_in_dim3A_1865 : vector<16x1xi32> to vector<16xi32>
      %gather3A_1867 = tpu.dynamic_gather %add3A_1829[%gather3A_1866] in [0] : vector<16xf32>, vector<16xi32> -> vector<16xf32>
      %add3A_1868 = arith.addf %add3A_1829, %gather3A_1867 : vector<16xf32>
      %broadcast_in_dim3A_1869 = vector.shape_cast %and3A_456 : vector<16xi32> to vector<16x1xi32>
      %gather3A_1870 = vector.shape_cast %broadcast_in_dim3A_1869 : vector<16x1xi32> to vector<16xi32>
      %gather3A_1871 = tpu.dynamic_gather %add3A_1868[%gather3A_1870] in [0] : vector<16xf32>, vector<16xi32> -> vector<16xf32>
      %add3A_1872 = arith.addf %add3A_1868, %gather3A_1871 : vector<16xf32>
      %broadcast_in_dim3A_1873 = vector.shape_cast %and3A_462 : vector<16xi32> to vector<16x1xi32>
      %gather3A_1874 = vector.shape_cast %broadcast_in_dim3A_1873 : vector<16x1xi32> to vector<16xi32>
      %gather3A_1875 = tpu.dynamic_gather %add3A_1872[%gather3A_1874] in [0] : vector<16xf32>, vector<16xi32> -> vector<16xf32>
      %add3A_1876 = arith.addf %add3A_1872, %gather3A_1875 : vector<16xf32>
      %broadcast_in_dim3A_1877 = vector.shape_cast %and3A_468 : vector<16xi32> to vector<16x1xi32>
      %gather3A_1878 = vector.shape_cast %broadcast_in_dim3A_1877 : vector<16x1xi32> to vector<16xi32>
      %gather3A_1879 = tpu.dynamic_gather %add3A_1876[%gather3A_1878] in [0] : vector<16xf32>, vector<16xi32> -> vector<16xf32>
      %add3A_1880 = arith.addf %add3A_1876, %gather3A_1879 : vector<16xf32>
      %mul3A_1881 = arith.mulf %add3A_1880, %get3A_119 : vector<16xf32>
      %add3A_1882 = arith.addf %add3A_1862, %mul3A_1881 : vector<16xf32>
      %mul3A_1883 = arith.mulf %add3A_1880, %get3A_124 : vector<16xf32>
      %add3A_1884 = arith.addf %add3A_1864, %mul3A_1883 : vector<16xf32>
      %broadcast_in_dim3A_1885 = vector.shape_cast %and3A_450 : vector<16xi32> to vector<16x1xi32>
      %gather3A_1886 = vector.shape_cast %broadcast_in_dim3A_1885 : vector<16x1xi32> to vector<16xi32>
      %gather3A_1887 = tpu.dynamic_gather %add3A_1834[%gather3A_1886] in [0] : vector<16xf32>, vector<16xi32> -> vector<16xf32>
      %add3A_1888 = arith.addf %add3A_1834, %gather3A_1887 : vector<16xf32>
      %broadcast_in_dim3A_1889 = vector.shape_cast %and3A_456 : vector<16xi32> to vector<16x1xi32>
      %gather3A_1890 = vector.shape_cast %broadcast_in_dim3A_1889 : vector<16x1xi32> to vector<16xi32>
      %gather3A_1891 = tpu.dynamic_gather %add3A_1888[%gather3A_1890] in [0] : vector<16xf32>, vector<16xi32> -> vector<16xf32>
      %add3A_1892 = arith.addf %add3A_1888, %gather3A_1891 : vector<16xf32>
      %broadcast_in_dim3A_1893 = vector.shape_cast %and3A_462 : vector<16xi32> to vector<16x1xi32>
      %gather3A_1894 = vector.shape_cast %broadcast_in_dim3A_1893 : vector<16x1xi32> to vector<16xi32>
      %gather3A_1895 = tpu.dynamic_gather %add3A_1892[%gather3A_1894] in [0] : vector<16xf32>, vector<16xi32> -> vector<16xf32>
      %add3A_1896 = arith.addf %add3A_1892, %gather3A_1895 : vector<16xf32>
      %broadcast_in_dim3A_1897 = vector.shape_cast %and3A_468 : vector<16xi32> to vector<16x1xi32>
      %gather3A_1898 = vector.shape_cast %broadcast_in_dim3A_1897 : vector<16x1xi32> to vector<16xi32>
      %gather3A_1899 = tpu.dynamic_gather %add3A_1896[%gather3A_1898] in [0] : vector<16xf32>, vector<16xi32> -> vector<16xf32>
      %add3A_1900 = arith.addf %add3A_1896, %gather3A_1899 : vector<16xf32>
      %mul3A_1901 = arith.mulf %add3A_1900, %get3A_129 : vector<16xf32>
      %add3A_1902 = arith.addf %add3A_1882, %mul3A_1901 : vector<16xf32>
      %mul3A_1903 = arith.mulf %add3A_1900, %get3A_134 : vector<16xf32>
      %add3A_1904 = arith.addf %add3A_1884, %mul3A_1903 : vector<16xf32>
      %broadcast_in_dim3A_1905 = vector.shape_cast %and3A_450 : vector<16xi32> to vector<16x1xi32>
      %gather3A_1906 = vector.shape_cast %broadcast_in_dim3A_1905 : vector<16x1xi32> to vector<16xi32>
      %gather3A_1907 = tpu.dynamic_gather %add3A_1839[%gather3A_1906] in [0] : vector<16xf32>, vector<16xi32> -> vector<16xf32>
      %add3A_1908 = arith.addf %add3A_1839, %gather3A_1907 : vector<16xf32>
      %broadcast_in_dim3A_1909 = vector.shape_cast %and3A_456 : vector<16xi32> to vector<16x1xi32>
      %gather3A_1910 = vector.shape_cast %broadcast_in_dim3A_1909 : vector<16x1xi32> to vector<16xi32>
      %gather3A_1911 = tpu.dynamic_gather %add3A_1908[%gather3A_1910] in [0] : vector<16xf32>, vector<16xi32> -> vector<16xf32>
      %add3A_1912 = arith.addf %add3A_1908, %gather3A_1911 : vector<16xf32>
      %broadcast_in_dim3A_1913 = vector.shape_cast %and3A_462 : vector<16xi32> to vector<16x1xi32>
      %gather3A_1914 = vector.shape_cast %broadcast_in_dim3A_1913 : vector<16x1xi32> to vector<16xi32>
      %gather3A_1915 = tpu.dynamic_gather %add3A_1912[%gather3A_1914] in [0] : vector<16xf32>, vector<16xi32> -> vector<16xf32>
      %add3A_1916 = arith.addf %add3A_1912, %gather3A_1915 : vector<16xf32>
      %broadcast_in_dim3A_1917 = vector.shape_cast %and3A_468 : vector<16xi32> to vector<16x1xi32>
      %gather3A_1918 = vector.shape_cast %broadcast_in_dim3A_1917 : vector<16x1xi32> to vector<16xi32>
      %gather3A_1919 = tpu.dynamic_gather %add3A_1916[%gather3A_1918] in [0] : vector<16xf32>, vector<16xi32> -> vector<16xf32>
      %add3A_1920 = arith.addf %add3A_1916, %gather3A_1919 : vector<16xf32>
      %mul3A_1921 = arith.mulf %add3A_1920, %get3A_139 : vector<16xf32>
      %add3A_1922 = arith.addf %add3A_1902, %mul3A_1921 : vector<16xf32>
      %mul3A_1923 = arith.mulf %add3A_1920, %get3A_144 : vector<16xf32>
      %add3A_1924 = arith.addf %add3A_1904, %mul3A_1923 : vector<16xf32>
      %broadcast_in_dim3A_1925 = vector.shape_cast %and3A_450 : vector<16xi32> to vector<16x1xi32>
      %gather3A_1926 = vector.shape_cast %broadcast_in_dim3A_1925 : vector<16x1xi32> to vector<16xi32>
      %gather3A_1927 = tpu.dynamic_gather %add3A_1844[%gather3A_1926] in [0] : vector<16xf32>, vector<16xi32> -> vector<16xf32>
      %add3A_1928 = arith.addf %add3A_1844, %gather3A_1927 : vector<16xf32>
      %broadcast_in_dim3A_1929 = vector.shape_cast %and3A_456 : vector<16xi32> to vector<16x1xi32>
      %gather3A_1930 = vector.shape_cast %broadcast_in_dim3A_1929 : vector<16x1xi32> to vector<16xi32>
      %gather3A_1931 = tpu.dynamic_gather %add3A_1928[%gather3A_1930] in [0] : vector<16xf32>, vector<16xi32> -> vector<16xf32>
      %add3A_1932 = arith.addf %add3A_1928, %gather3A_1931 : vector<16xf32>
      %broadcast_in_dim3A_1933 = vector.shape_cast %and3A_462 : vector<16xi32> to vector<16x1xi32>
      %gather3A_1934 = vector.shape_cast %broadcast_in_dim3A_1933 : vector<16x1xi32> to vector<16xi32>
      %gather3A_1935 = tpu.dynamic_gather %add3A_1932[%gather3A_1934] in [0] : vector<16xf32>, vector<16xi32> -> vector<16xf32>
      %add3A_1936 = arith.addf %add3A_1932, %gather3A_1935 : vector<16xf32>
      %broadcast_in_dim3A_1937 = vector.shape_cast %and3A_468 : vector<16xi32> to vector<16x1xi32>
      %gather3A_1938 = vector.shape_cast %broadcast_in_dim3A_1937 : vector<16x1xi32> to vector<16xi32>
      %gather3A_1939 = tpu.dynamic_gather %add3A_1936[%gather3A_1938] in [0] : vector<16xf32>, vector<16xi32> -> vector<16xf32>
      %add3A_1940 = arith.addf %add3A_1936, %gather3A_1939 : vector<16xf32>
      %mul3A_1941 = arith.mulf %add3A_1940, %get3A_149 : vector<16xf32>
      %add3A_1942 = arith.addf %add3A_1922, %mul3A_1941 : vector<16xf32>
      %mul3A_1943 = arith.mulf %add3A_1940, %get3A_154 : vector<16xf32>
      %add3A_1944 = arith.addf %add3A_1924, %mul3A_1943 : vector<16xf32>
      %mul3A_1945 = arith.constant 5.000000e-03 : f32
      %mul3A_1946 = vector.broadcast %mul3A_1945 : f32 to vector<16xf32>
      %mul3A_1947 = arith.mulf %add3A_1942, %mul3A_1946 : vector<16xf32>
      %swap3A_1948 = arith.constant 6 : i32
      %swap3A_1949 = arith.index_cast %add3A_1225 : i32 to index
      %swap3A_1950 = arith.index_cast %swap3A_1948 : i32 to index
      %swap3A_1951 = arith.constant 0 : index
      %swap3A_1952 = tpu.vector_load %arg21[%swap3A_1949, %swap3A_1950, %swap3A_1951] {strides = array<i32>} : memref<128x7x32xf32, #tpu.memory_space<vmem>>, vector<1x1x16xf32>,
      %swap3A_1953 = vector.shape_cast %swap3A_1952 : vector<1x1x16xf32> to vector<16xf32>
      %swap3A_1954 = vector.shape_cast %mul3A_1947 : vector<16xf32> to vector<1x1x16xf32>
      tpu.vector_store %arg21[%swap3A_1949, %swap3A_1950, %swap3A_1951], %swap3A_1954 {strides = array<i32>} : memref<128x7x32xf32, #tpu.memory_space<vmem>>, vector<1x1x16xf32>,
      %mul3A_1955 = arith.constant 5.000000e-03 : f32
      %mul3A_1956 = vector.broadcast %mul3A_1955 : f32 to vector<16xf32>
      %mul3A_1957 = arith.mulf %add3A_1944, %mul3A_1956 : vector<16xf32>
      %swap3A_1958 = arith.constant 6 : i32
      %swap3A_1959 = arith.index_cast %add3A_1225 : i32 to index
      %swap3A_1960 = arith.index_cast %swap3A_1958 : i32 to index
      %swap3A_1961 = arith.constant 16 : index
      %swap3A_1962 = tpu.vector_load %arg21[%swap3A_1959, %swap3A_1960, %swap3A_1961] {strides = array<i32>} : memref<128x7x32xf32, #tpu.memory_space<vmem>>, vector<1x1x16xf32>,
      %swap3A_1963 = vector.shape_cast %swap3A_1962 : vector<1x1x16xf32> to vector<16xf32>
      %swap3A_1964 = vector.shape_cast %mul3A_1957 : vector<16xf32> to vector<1x1x16xf32>
      tpu.vector_store %arg21[%swap3A_1959, %swap3A_1960, %swap3A_1961], %swap3A_1964 {strides = array<i32>} : memref<128x7x32xf32, #tpu.memory_space<vmem>>, vector<1x1x16xf32>,
      %add3A_1965 = arith.constant 2 : i32
      %add3A_1966 = arith.addi %add3A_1225, %add3A_1965 : i32
      %lt3A_1967 = arith.constant 128 : i32
      %lt3A_1968 = arith.cmpi slt, %add3A_1966, %lt3A_1967 : i32
      %convert_element_type3A_1969 = arith.extui %lt3A_1968 : i1 to i32
      %cond3A_1970 = arith.constant 0 : i32
      %cond3A_1971 = arith.cmpi ne, %convert_element_type3A_1969, %cond3A_1970 : i32
      scf.if %cond3A_1971 {
        %add3A_1973 = arith.addi %mul3A_2, %add3A_1225 : i32
        %add3A_1974 = arith.constant 2 : i32
        %add3A_1975 = arith.addi %add3A_1973, %add3A_1974 : i32
        %dma_start3A_1976 = arith.constant 1 : i32
        %dma_start3A_1977 = arith.constant 0 : i32
        %dma_start3A_1978 = arith.constant 0 : i32
        %dma_start3A_1979 = tpu.memref_slice %arg13[%dma_start3A_1976, %dma_start3A_1977, %dma_start3A_1978] : memref<2x1x208xi32, #tpu.memory_space<vmem>> -> memref<1x1x200xi32, #tpu.memory_space<vmem>>
        %dma_start3A_1980 = tpu.memref_squeeze %dma_start3A_1979 : memref<1x1x200xi32, #tpu.memory_space<vmem>> -> memref<1x200xi32, #tpu.memory_space<vmem>>
        %dma_start3A_1981 = arith.constant 0 : i32
        %dma_start3A_1982 = tpu.memref_slice %arg4[%add3A_1975, %dma_start3A_1981] : memref<4096x200xi32, #tpu.memory_space<hbm>> -> memref<1x200xi32, #tpu.memory_space<hbm>>
        %dma_start3A_1983 = arith.constant 0 : i32
        %dma_start3A_1984 = arith.constant 0 : i32
        %dma_start3A_1985 = tpu.memref_slice %arg13[%dma_start3A_1976, %dma_start3A_1983, %dma_start3A_1984] : memref<2x1x208xi32, #tpu.memory_space<vmem>> -> memref<1x1x200xi32, #tpu.memory_space<vmem>>
        %dma_start3A_1986 = tpu.memref_squeeze %dma_start3A_1985 : memref<1x1x200xi32, #tpu.memory_space<vmem>> -> memref<1x200xi32, #tpu.memory_space<vmem>>
        %dma_start3A_1987 = arith.constant 0 : i32
        %dma_start3A_1988 = tpu.memref_slice %arg4[%add3A_1975, %dma_start3A_1987] : memref<4096x200xi32, #tpu.memory_space<hbm>> -> memref<1x200xi32, #tpu.memory_space<hbm>>
        tpu.enqueue_dma source(%dma_start3A_1988 : memref<1x200xi32, #tpu.memory_space<hbm>>) target(%dma_start3A_1986 : memref<1x200xi32, #tpu.memory_space<vmem>>) target_semaphore(%arg26 : memref<!tpu.dma_semaphore, #tpu.memory_space<semaphore_mem>>)
        %add3A_1989 = arith.addi %mul3A_2, %add3A_1225 : i32
        %add3A_1990 = arith.constant 2 : i32
        %add3A_1991 = arith.addi %add3A_1989, %add3A_1990 : i32
        %dma_wait3A_1992 = arith.constant 1 : i32
        %dma_wait3A_1993 = arith.constant 0 : i32
        %dma_wait3A_1994 = arith.constant 0 : i32
        %dma_wait3A_1995 = tpu.memref_slice %arg11[%dma_wait3A_1992, %dma_wait3A_1993, %dma_wait3A_1994] : memref<2x1x200xi32, #tpu.memory_space<vmem>> -> memref<1x1x200xi32, #tpu.memory_space<vmem>>
        %dma_wait3A_1996 = tpu.memref_squeeze %dma_wait3A_1995 : memref<1x1x200xi32, #tpu.memory_space<vmem>> -> memref<1x200xi32, #tpu.memory_space<vmem>>
        %dma_wait3A_1997 = arith.constant 0 : i32
        %dma_wait3A_1998 = tpu.memref_slice %arg2[%add3A_1991, %dma_wait3A_1997] : memref<4096x200xi32, #tpu.memory_space<hbm>> -> memref<1x200xi32, #tpu.memory_space<hbm>>
        %dma_wait3A_1999 = arith.constant 0 : i32
        %dma_wait3A_2000 = arith.constant 0 : i32
        %dma_wait3A_2001 = tpu.memref_slice %arg11[%dma_wait3A_1992, %dma_wait3A_1999, %dma_wait3A_2000] : memref<2x1x200xi32, #tpu.memory_space<vmem>> -> memref<1x1x200xi32, #tpu.memory_space<vmem>>
        %dma_wait3A_2002 = tpu.memref_squeeze %dma_wait3A_2001 : memref<1x1x200xi32, #tpu.memory_space<vmem>> -> memref<1x200xi32, #tpu.memory_space<vmem>>
        %dma_wait3A_2003 = arith.constant 0 : i32
        %dma_wait3A_2004 = tpu.memref_slice %arg2[%add3A_1991, %dma_wait3A_2003] : memref<4096x200xi32, #tpu.memory_space<hbm>> -> memref<1x200xi32, #tpu.memory_space<hbm>>
        tpu.wait_dma2 semaphore(%arg24 : memref<!tpu.dma_semaphore, #tpu.memory_space<semaphore_mem>>) src(%dma_wait3A_2004 : memref<1x200xi32, #tpu.memory_space<hbm>>) dst(%dma_wait3A_2002 : memref<1x200xi32, #tpu.memory_space<vmem>>)
        %dma_wait3A_2005 = arith.constant 1 : i32
        %dma_wait3A_2006 = arith.constant 0 : i32
        %dma_wait3A_2007 = arith.constant 0 : i32
        %dma_wait3A_2008 = tpu.memref_slice %arg12[%dma_wait3A_2005, %dma_wait3A_2006, %dma_wait3A_2007] : memref<2x1x400xi32, #tpu.memory_space<vmem>> -> memref<1x1x400xi32, #tpu.memory_space<vmem>>
        %dma_wait3A_2009 = tpu.memref_squeeze %dma_wait3A_2008 : memref<1x1x400xi32, #tpu.memory_space<vmem>> -> memref<1x400xi32, #tpu.memory_space<vmem>>
        %dma_wait3A_2010 = arith.constant 0 : i32
        %dma_wait3A_2011 = tpu.memref_slice %arg3[%add3A_1991, %dma_wait3A_2010] : memref<4096x400xi32, #tpu.memory_space<hbm>> -> memref<1x400xi32, #tpu.memory_space<hbm>>
        %dma_wait3A_2012 = arith.constant 0 : i32
        %dma_wait3A_2013 = arith.constant 0 : i32
        %dma_wait3A_2014 = tpu.memref_slice %arg12[%dma_wait3A_2005, %dma_wait3A_2012, %dma_wait3A_2013] : memref<2x1x400xi32, #tpu.memory_space<vmem>> -> memref<1x1x400xi32, #tpu.memory_space<vmem>>
        %dma_wait3A_2015 = tpu.memref_squeeze %dma_wait3A_2014 : memref<1x1x400xi32, #tpu.memory_space<vmem>> -> memref<1x400xi32, #tpu.memory_space<vmem>>
        %dma_wait3A_2016 = arith.constant 0 : i32
        %dma_wait3A_2017 = tpu.memref_slice %arg3[%add3A_1991, %dma_wait3A_2016] : memref<4096x400xi32, #tpu.memory_space<hbm>> -> memref<1x400xi32, #tpu.memory_space<hbm>>
        tpu.wait_dma2 semaphore(%arg24 : memref<!tpu.dma_semaphore, #tpu.memory_space<semaphore_mem>>) src(%dma_wait3A_2017 : memref<1x400xi32, #tpu.memory_space<hbm>>) dst(%dma_wait3A_2015 : memref<1x400xi32, #tpu.memory_space<vmem>>)
        %dma_start3A_2018 = arith.constant 1 : i32
        %dma_start3A_2019 = arith.constant 0 : i32
        %dma_start3A_2020 = arith.constant 1 : i32
        %dma_start3A_2021 = arith.constant 0 : i32
        %dma_start3A_2022 = arith.constant 0 : i32
        %dma_start3A_2023 = arith.constant 0 : i32
        %dma_start3A_2024 = tpu.memref_slice %arg14[%dma_start3A_2020, %dma_start3A_2021, %dma_start3A_2022, %dma_start3A_2023] : memref<2x2x104x32xf32, #tpu.memory_space<vmem>> -> memref<1x1x104x32xf32, #tpu.memory_space<vmem>>
        %dma_start3A_2025 = tpu.memref_squeeze %dma_start3A_2024 : memref<1x1x104x32xf32, #tpu.memory_space<vmem>> -> memref<104x32xf32, #tpu.memory_space<vmem>>
        %dma_start3A_2026 = arith.constant 0 : i32
        %dma_start3A_2027 = tpu.memref_slice %arg11[%dma_start3A_2018, %dma_start3A_2019, %dma_start3A_2026] : memref<2x1x200xi32, #tpu.memory_space<vmem>> -> memref<1x1x104xi32, #tpu.memory_space<vmem>>
        %dma_start3A_2028 = tpu.memref_squeeze %dma_start3A_2027 : memref<1x1x104xi32, #tpu.memory_space<vmem>> -> memref<104xi32, #tpu.memory_space<vmem>>
        %dma_start3A_2029 = arith.constant 0 : i32
        %dma_start3A_2030 = arith.constant 0 : i32
        %dma_start3A_2031 = tpu.memref_slice %arg7[%dma_start3A_2029, %dma_start3A_2030] : memref<1000001x32xf32, #tpu.memory_space<hbm>> -> memref<1000001x32xf32, #tpu.memory_space<hbm>>
        tpu.enqueue_indirect_dma source(%dma_start3A_2031 : memref<1000001x32xf32, #tpu.memory_space<hbm>>) target(%dma_start3A_2025 : memref<104x32xf32, #tpu.memory_space<vmem>>) offsets(%dma_start3A_2028 : memref<104xi32, #tpu.memory_space<vmem>>) semaphore(%arg28 : memref<!tpu.dma_semaphore, #tpu.memory_space<semaphore_mem>>)
        %dma_start3A_2032 = arith.constant 1 : i32
        %dma_start3A_2033 = arith.constant 0 : i32
        %dma_start3A_2034 = arith.constant 1 : i32
        %dma_start3A_2035 = arith.constant 1 : i32
        %dma_start3A_2036 = arith.constant 0 : i32
        %dma_start3A_2037 = arith.constant 0 : i32
        %dma_start3A_2038 = tpu.memref_slice %arg14[%dma_start3A_2034, %dma_start3A_2035, %dma_start3A_2036, %dma_start3A_2037] : memref<2x2x104x32xf32, #tpu.memory_space<vmem>> -> memref<1x1x96x32xf32, #tpu.memory_space<vmem>>
        %dma_start3A_2039 = tpu.memref_squeeze %dma_start3A_2038 : memref<1x1x96x32xf32, #tpu.memory_space<vmem>> -> memref<96x32xf32, #tpu.memory_space<vmem>>
        %dma_start3A_2040 = arith.constant 104 : i32
        %dma_start3A_2041 = tpu.memref_slice %arg11[%dma_start3A_2032, %dma_start3A_2033, %dma_start3A_2040] : memref<2x1x200xi32, #tpu.memory_space<vmem>> -> memref<1x1x96xi32, #tpu.memory_space<vmem>>
        %dma_start3A_2042 = tpu.memref_squeeze %dma_start3A_2041 : memref<1x1x96xi32, #tpu.memory_space<vmem>> -> memref<96xi32, #tpu.memory_space<vmem>>
        %dma_start3A_2043 = arith.constant 0 : i32
        %dma_start3A_2044 = arith.constant 0 : i32
        %dma_start3A_2045 = tpu.memref_slice %arg7[%dma_start3A_2043, %dma_start3A_2044] : memref<1000001x32xf32, #tpu.memory_space<hbm>> -> memref<1000001x32xf32, #tpu.memory_space<hbm>>
        tpu.enqueue_indirect_dma source(%dma_start3A_2045 : memref<1000001x32xf32, #tpu.memory_space<hbm>>) target(%dma_start3A_2039 : memref<96x32xf32, #tpu.memory_space<vmem>>) offsets(%dma_start3A_2042 : memref<96xi32, #tpu.memory_space<vmem>>) semaphore(%arg28 : memref<!tpu.dma_semaphore, #tpu.memory_space<semaphore_mem>>)
        %dma_start3A_2046 = arith.constant 1 : i32
        %dma_start3A_2047 = arith.constant 0 : i32
        %dma_start3A_2048 = arith.constant 1 : i32
        %dma_start3A_2049 = arith.constant 0 : i32
        %dma_start3A_2050 = arith.constant 0 : i32
        %dma_start3A_2051 = arith.constant 0 : i32
        %dma_start3A_2052 = tpu.memref_slice %arg15[%dma_start3A_2048, %dma_start3A_2049, %dma_start3A_2050, %dma_start3A_2051] : memref<2x4x104x32xf32, #tpu.memory_space<vmem>> -> memref<1x1x104x32xf32, #tpu.memory_space<vmem>>
        %dma_start3A_2053 = tpu.memref_squeeze %dma_start3A_2052 : memref<1x1x104x32xf32, #tpu.memory_space<vmem>> -> memref<104x32xf32, #tpu.memory_space<vmem>>
        %dma_start3A_2054 = arith.constant 0 : i32
        %dma_start3A_2055 = tpu.memref_slice %arg12[%dma_start3A_2046, %dma_start3A_2047, %dma_start3A_2054] : memref<2x1x400xi32, #tpu.memory_space<vmem>> -> memref<1x1x104xi32, #tpu.memory_space<vmem>>
        %dma_start3A_2056 = tpu.memref_squeeze %dma_start3A_2055 : memref<1x1x104xi32, #tpu.memory_space<vmem>> -> memref<104xi32, #tpu.memory_space<vmem>>
        %dma_start3A_2057 = arith.constant 0 : i32
        %dma_start3A_2058 = arith.constant 0 : i32
        %dma_start3A_2059 = tpu.memref_slice %arg8[%dma_start3A_2057, %dma_start3A_2058] : memref<100001x32xf32, #tpu.memory_space<hbm>> -> memref<100001x32xf32, #tpu.memory_space<hbm>>
        tpu.enqueue_indirect_dma source(%dma_start3A_2059 : memref<100001x32xf32, #tpu.memory_space<hbm>>) target(%dma_start3A_2053 : memref<104x32xf32, #tpu.memory_space<vmem>>) offsets(%dma_start3A_2056 : memref<104xi32, #tpu.memory_space<vmem>>) semaphore(%arg28 : memref<!tpu.dma_semaphore, #tpu.memory_space<semaphore_mem>>)
        %dma_start3A_2060 = arith.constant 1 : i32
        %dma_start3A_2061 = arith.constant 0 : i32
        %dma_start3A_2062 = arith.constant 1 : i32
        %dma_start3A_2063 = arith.constant 1 : i32
        %dma_start3A_2064 = arith.constant 0 : i32
        %dma_start3A_2065 = arith.constant 0 : i32
        %dma_start3A_2066 = tpu.memref_slice %arg15[%dma_start3A_2062, %dma_start3A_2063, %dma_start3A_2064, %dma_start3A_2065] : memref<2x4x104x32xf32, #tpu.memory_space<vmem>> -> memref<1x1x104x32xf32, #tpu.memory_space<vmem>>
        %dma_start3A_2067 = tpu.memref_squeeze %dma_start3A_2066 : memref<1x1x104x32xf32, #tpu.memory_space<vmem>> -> memref<104x32xf32, #tpu.memory_space<vmem>>
        %dma_start3A_2068 = arith.constant 104 : i32
        %dma_start3A_2069 = tpu.memref_slice %arg12[%dma_start3A_2060, %dma_start3A_2061, %dma_start3A_2068] : memref<2x1x400xi32, #tpu.memory_space<vmem>> -> memref<1x1x104xi32, #tpu.memory_space<vmem>>
        %dma_start3A_2070 = tpu.memref_squeeze %dma_start3A_2069 : memref<1x1x104xi32, #tpu.memory_space<vmem>> -> memref<104xi32, #tpu.memory_space<vmem>>
        %dma_start3A_2071 = arith.constant 0 : i32
        %dma_start3A_2072 = arith.constant 0 : i32
        %dma_start3A_2073 = tpu.memref_slice %arg8[%dma_start3A_2071, %dma_start3A_2072] : memref<100001x32xf32, #tpu.memory_space<hbm>> -> memref<100001x32xf32, #tpu.memory_space<hbm>>
        tpu.enqueue_indirect_dma source(%dma_start3A_2073 : memref<100001x32xf32, #tpu.memory_space<hbm>>) target(%dma_start3A_2067 : memref<104x32xf32, #tpu.memory_space<vmem>>) offsets(%dma_start3A_2070 : memref<104xi32, #tpu.memory_space<vmem>>) semaphore(%arg28 : memref<!tpu.dma_semaphore, #tpu.memory_space<semaphore_mem>>)
        %dma_start3A_2074 = arith.constant 1 : i32
        %dma_start3A_2075 = arith.constant 0 : i32
        %dma_start3A_2076 = arith.constant 1 : i32
        %dma_start3A_2077 = arith.constant 2 : i32
        %dma_start3A_2078 = arith.constant 0 : i32
        %dma_start3A_2079 = arith.constant 0 : i32
        %dma_start3A_2080 = tpu.memref_slice %arg15[%dma_start3A_2076, %dma_start3A_2077, %dma_start3A_2078, %dma_start3A_2079] : memref<2x4x104x32xf32, #tpu.memory_space<vmem>> -> memref<1x1x104x32xf32, #tpu.memory_space<vmem>>
        %dma_start3A_2081 = tpu.memref_squeeze %dma_start3A_2080 : memref<1x1x104x32xf32, #tpu.memory_space<vmem>> -> memref<104x32xf32, #tpu.memory_space<vmem>>
        %dma_start3A_2082 = arith.constant 208 : i32
        %dma_start3A_2083 = tpu.memref_slice %arg12[%dma_start3A_2074, %dma_start3A_2075, %dma_start3A_2082] : memref<2x1x400xi32, #tpu.memory_space<vmem>> -> memref<1x1x104xi32, #tpu.memory_space<vmem>>
        %dma_start3A_2084 = tpu.memref_squeeze %dma_start3A_2083 : memref<1x1x104xi32, #tpu.memory_space<vmem>> -> memref<104xi32, #tpu.memory_space<vmem>>
        %dma_start3A_2085 = arith.constant 0 : i32
        %dma_start3A_2086 = arith.constant 0 : i32
        %dma_start3A_2087 = tpu.memref_slice %arg8[%dma_start3A_2085, %dma_start3A_2086] : memref<100001x32xf32, #tpu.memory_space<hbm>> -> memref<100001x32xf32, #tpu.memory_space<hbm>>
        tpu.enqueue_indirect_dma source(%dma_start3A_2087 : memref<100001x32xf32, #tpu.memory_space<hbm>>) target(%dma_start3A_2081 : memref<104x32xf32, #tpu.memory_space<vmem>>) offsets(%dma_start3A_2084 : memref<104xi32, #tpu.memory_space<vmem>>) semaphore(%arg28 : memref<!tpu.dma_semaphore, #tpu.memory_space<semaphore_mem>>)
        %dma_start3A_2088 = arith.constant 1 : i32
        %dma_start3A_2089 = arith.constant 0 : i32
        %dma_start3A_2090 = arith.constant 1 : i32
        %dma_start3A_2091 = arith.constant 3 : i32
        %dma_start3A_2092 = arith.constant 0 : i32
        %dma_start3A_2093 = arith.constant 0 : i32
        %dma_start3A_2094 = tpu.memref_slice %arg15[%dma_start3A_2090, %dma_start3A_2091, %dma_start3A_2092, %dma_start3A_2093] : memref<2x4x104x32xf32, #tpu.memory_space<vmem>> -> memref<1x1x88x32xf32, #tpu.memory_space<vmem>>
        %dma_start3A_2095 = tpu.memref_squeeze %dma_start3A_2094 : memref<1x1x88x32xf32, #tpu.memory_space<vmem>> -> memref<88x32xf32, #tpu.memory_space<vmem>>
        %dma_start3A_2096 = arith.constant 312 : i32
        %dma_start3A_2097 = tpu.memref_slice %arg12[%dma_start3A_2088, %dma_start3A_2089, %dma_start3A_2096] : memref<2x1x400xi32, #tpu.memory_space<vmem>> -> memref<1x1x88xi32, #tpu.memory_space<vmem>>
        %dma_start3A_2098 = tpu.memref_squeeze %dma_start3A_2097 : memref<1x1x88xi32, #tpu.memory_space<vmem>> -> memref<88xi32, #tpu.memory_space<vmem>>
        %dma_start3A_2099 = arith.constant 0 : i32
        %dma_start3A_2100 = arith.constant 0 : i32
        %dma_start3A_2101 = tpu.memref_slice %arg8[%dma_start3A_2099, %dma_start3A_2100] : memref<100001x32xf32, #tpu.memory_space<hbm>> -> memref<100001x32xf32, #tpu.memory_space<hbm>>
        tpu.enqueue_indirect_dma source(%dma_start3A_2101 : memref<100001x32xf32, #tpu.memory_space<hbm>>) target(%dma_start3A_2095 : memref<88x32xf32, #tpu.memory_space<vmem>>) offsets(%dma_start3A_2098 : memref<88xi32, #tpu.memory_space<vmem>>) semaphore(%arg28 : memref<!tpu.dma_semaphore, #tpu.memory_space<semaphore_mem>>)
      } else {
      }
      %scan3A_1972 = arith.constant 0 : i32
      scf.yield %scan3A_1972 : i32
    }
    %scan3A_475 = arith.constant 64 : i32
    "tpu.region"() ({
      %run_scoped3A = tpu.sem_alloc : memref<!tpu.dma_semaphore, #tpu.memory_space<semaphore_mem>>
      %dma_start3A_476 = arith.constant 0 : i32
      %dma_start3A_477 = arith.constant 0 : i32
      %dma_start3A_478 = tpu.memref_slice %arg10[%mul3A_2, %dma_start3A_476, %dma_start3A_477] : memref<4096x7x32xf32, #tpu.memory_space<hbm>> -> memref<128x7x32xf32, #tpu.memory_space<hbm>>
      %dma_start3A_479 = arith.constant 0 : i32
      %dma_start3A_480 = arith.constant 0 : i32
      %dma_start3A_481 = tpu.memref_slice %arg10[%mul3A_2, %dma_start3A_479, %dma_start3A_480] : memref<4096x7x32xf32, #tpu.memory_space<hbm>> -> memref<128x7x32xf32, #tpu.memory_space<hbm>>
      tpu.enqueue_dma source(%arg21 : memref<128x7x32xf32, #tpu.memory_space<vmem>>) target(%dma_start3A_481 : memref<128x7x32xf32, #tpu.memory_space<hbm>>) target_semaphore(%run_scoped3A : memref<!tpu.dma_semaphore, #tpu.memory_space<semaphore_mem>>)
      %dma_wait3A_482 = arith.constant 0 : i32
      %dma_wait3A_483 = arith.constant 0 : i32
      %dma_wait3A_484 = tpu.memref_slice %arg10[%mul3A_2, %dma_wait3A_482, %dma_wait3A_483] : memref<4096x7x32xf32, #tpu.memory_space<hbm>> -> memref<128x7x32xf32, #tpu.memory_space<hbm>>
      %dma_wait3A_485 = arith.constant 0 : i32
      %dma_wait3A_486 = arith.constant 0 : i32
      %dma_wait3A_487 = tpu.memref_slice %arg10[%mul3A_2, %dma_wait3A_485, %dma_wait3A_486] : memref<4096x7x32xf32, #tpu.memory_space<hbm>> -> memref<128x7x32xf32, #tpu.memory_space<hbm>>
      tpu.wait_dma2 semaphore(%run_scoped3A : memref<!tpu.dma_semaphore, #tpu.memory_space<semaphore_mem>>) src(%arg21 : memref<128x7x32xf32, #tpu.memory_space<vmem>>) dst(%dma_wait3A_487 : memref<128x7x32xf32, #tpu.memory_space<hbm>>)
      tpu.yield
    }) : () -> ()
    return
  }
}

</mosaic_0001>

<sc_bundles>
// kernel: kernel.3.cloned.1.call-start
scs
__scs_entry_jumppad:
0x0: {  	(pc) =	sbr.rel $0x88, $3  }
0x1: {  	(tag) =	ssettag $0x0;
	lr =	simm.s32 $0x1  }
0x2: {  	[smem:$0x3F99] =	sst lr;
	_ =	strace $0xD0000000  }
0x3: {  	_ = 	snop  }
0x4: {  	_ = 	snop  }
0x5: {  	_ = 	snop  }
0x6: {  	_ = 	snop  }
0x7: {  	_ = 	snop  }
__scs_overlays_trampoline_lowered:
0x8: {  	[smem:$0x3FA8] =	sst s0  }
0x9: {  	[smem:$0x3FA9] =	sst s1  }
0xa: {  	[smem:$0x3FAA] =	sst s2  }
0xb: {  	[smem:$0x3FAB] =	sst s3  }
0xc: {  	[smem:$0x3FAC] =	sst s4  }
0xd: {  	[smem:$0x3FAD] =	sst s5  }
0xe: {  	[smem:$0x3FAE] =	sst s6  }
0xf: {  	[smem:$0x3FAF] =	sst s7  }
0x10: {  	[smem:$0x3FB0] =	sst s8  }
0x11: {  	[smem:$0x3FB1] =	sst s9;
	s0 =	simm.s32 @!p0 $0x0  }
0x12: {  	s1 =	sld [smem:$0x3F97];
	s0 =	simm.s32 @p0 $0x1  }
0x13: {  	[smem:$0x3FB2] =	sst s0;
	s0 =	simm.s32 @!p1 $0x0  }
0x14: {  	s2 =	sld [smem:$0x3F96];
	s0 =	simm.s32 @p1 $0x1  }
0x15: {  	[smem:$0x3FB3] =	sst s0;
	s0 =	simm.s32 @!p2 $0x0  }
0x16: {  	s3 =	sld [smem:$0x3FDB];
	s0 =	simm.s32 @p2 $0x1  }
0x17: {  	s4 =	simm.s32 $0x1BF5;
	[smem:$0x3FB5] =	sst s0  }
0x18: {  	s0 =	sld [smem:$0x3F98];
	_ =	swait.ge [sflag:s4], $0x0  }
0x19: {  	s7 =	sld [smem:$0x3F99]  }
0x1a: {  	s8 =	sadd.s32 $0xFFFFE003, lr  }
0x1b: {  	s9 =	sadd.s32 $0xFFFFFEF7, lr;
	s5 =	simm.s32 $0xFFFFFFFF;
	p2 =	slt.u32 s8, $0xFFFFF086  }
0x1c: {  	p1 =	slt.u32 s9, $0xF7A;
	s5 =	simm.s32 @!p2 $0x0  }
0x1d: {  	s5 =	simm.s32 @p1 $0x1;
	p0 =	seq.s32 s7, s2  }
0x1e: {  	s7 =	smul.u32 @!p0 $0xF7A, s2;
	p2 =	seq.s32 @!p0 s5, $0x0  }
0x1f: {  	s9 =	smul.u32 $0xF7A, s1;
	s8 =	simm.s32 @!p0 $0x1BF5;
	p2 =	por !p2, p0  }
0x20: {  	[sflag:s8] =	ssyncset.s32 @!p0 $0xFFFFF086;
	s6 =	sadd.s32 @!p0 s3, s7;
	s7 =	simm.s32 @!p0 $0x108  }
0x21: {  	s3 =	sadd.s32 s3, s9;
	s6 =	sadd.s32 @!p0 $0x88, s6;
	s7 =	simm.s32 @p2 $0x1082  }
0x22: {  	[simem:s7], [sflag:s8] =	dma.local @!p0 [hbm:s6], $0xF7A  }
0x23: {  	s9 =	sor.u32 $0xD0000000, s2;
	s6 =	simm.s32 $0x108;
	_ =	swait.ge @!p0 [sflag:s8], $0x0  }
0x24: {  	s3 =	sadd.s32 $0x88, s3;
	s6 =	simm.s32 @!p1 $0x1082;
	[sflag:s4] =	ssyncset.s32 $0xFFFFF086  }
0x25: {  	[simem:s6], [sflag:s4] =	dma.local [hbm:s3], $0xF7A  }
0x26: {  	[smem:$0x3F99] =	sst s1;
	(tag) =	ssettag s2;
	_ =	strace s9  }
0x27: {  	s1 =	sld [smem:$0x3FA9]  }
0x28: {  	s2 =	sld [smem:$0x3FAA]  }
0x29: {  	s4 =	sld [smem:$0x3FAC]  }
0x2a: {  	p0 =	seq.s32 s5, $0x0;
	s5 =	sld [smem:$0x3FAD]  }
0x2b: {  	s6 =	sld [smem:$0x3FAE]  }
0x2c: {  	s7 =	sld [smem:$0x3FAF]  }
0x2d: {  	s3 =	simm.s32 $0x108;
	s8 =	sld [smem:$0x3FB0]  }
0x2e: {  	s3 =	simm.s32 @!p0 $0x1082;
	s9 =	sld [smem:$0x3FB1]  }
0x2f: {  	lr =	sadd.s32 s0, s3;
	s0 =	sld [smem:$0x3FA8]  }
0x30: {  	s3 =	sld [smem:$0x3FAB]  }
0x31: {  	[smem:$0x3FB4] =	sst s10  }
0x32: {  	s10 =	sld [smem:$0x3FB2];
	_ =	sdelay $0x3  }
0x33: {  	p0 =	seq.s32 s10, $0x1;
	s10 =	sld [smem:$0x3FB4];
	_ =	sdelay $0x3  }
0x34: {  	[smem:$0x3FB4] =	sst s10  }
0x35: {  	s10 =	sld [smem:$0x3FB3];
	_ =	sdelay $0x3  }
0x36: {  	p1 =	seq.s32 s10, $0x1;
	s10 =	sld [smem:$0x3FB4];
	_ =	sdelay $0x3  }
0x37: {  	[smem:$0x3FB4] =	sst s10  }
0x38: {  	s10 =	sld [smem:$0x3FB5]  }
0x39: {  	_ = 	snop;
	(pc) =	sbr.ind lr, $3  }
0x3a: {  	_ = 	snop  }
0x3b: {  	_ = 	snop  }
0x3c: {  	p2 =	seq.s32 s10, $0x1;
	s10 =	sld [smem:$0x3FB4]  }
0x3d: {  	_ =	shalt  }
0x3e: {  	_ =	shalt  }
0x3f: {  	_ =	shalt  }
0x40: {  	_ =	shalt  }
0x41: {  	_ =	shalt  }
0x42: {  	_ =	shalt  }
0x43: {  	_ =	shalt  }
0x44: {  	_ =	shalt  }
0x45: {  	_ =	shalt  }
0x46: {  	_ =	shalt  }
0x47: {  	_ =	shalt  }
0x48: {  	_ =	shalt  }
0x49: {  	_ =	shalt  }
0x4a: {  	_ =	shalt  }
0x4b: {  	_ =	shalt  }
0x4c: {  	_ =	shalt  }
0x4d: {  	_ =	shalt  }
0x4e: {  	_ =	shalt  }
0x4f: {  	_ =	shalt  }
0x50: {  	_ =	shalt  }
0x51: {  	_ =	shalt  }
0x52: {  	_ =	shalt  }
0x53: {  	_ =	shalt  }
0x54: {  	_ =	shalt  }
0x55: {  	_ =	shalt  }
0x56: {  	_ =	shalt  }
0x57: {  	_ =	shalt  }
0x58: {  	_ =	shalt  }
0x59: {  	_ =	shalt  }
0x5a: {  	_ =	shalt  }
0x5b: {  	_ =	shalt  }
0x5c: {  	_ =	shalt  }
0x5d: {  	_ =	shalt  }
0x5e: {  	_ =	shalt  }
0x5f: {  	_ =	shalt  }
0x60: {  	_ =	shalt  }
0x61: {  	_ =	shalt  }
0x62: {  	_ =	shalt  }
0x63: {  	_ =	shalt  }
0x64: {  	_ =	shalt  }
0x65: {  	_ =	shalt  }
0x66: {  	_ =	shalt  }
0x67: {  	_ =	shalt  }
0x68: {  	_ =	shalt  }
0x69: {  	_ =	shalt  }
0x6a: {  	_ =	shalt  }
0x6b: {  	_ =	shalt  }
0x6c: {  	_ =	shalt  }
0x6d: {  	_ =	shalt  }
0x6e: {  	_ =	shalt  }
0x6f: {  	_ =	shalt  }
0x70: {  	_ =	shalt  }
0x71: {  	_ =	shalt  }
0x72: {  	_ =	shalt  }
0x73: {  	_ =	shalt  }
0x74: {  	_ =	shalt  }
0x75: {  	_ =	shalt  }
0x76: {  	_ =	shalt  }
0x77: {  	_ =	shalt  }
0x78: {  	_ =	shalt  }
0x79: {  	_ =	shalt  }
0x7a: {  	_ =	shalt  }
0x7b: {  	_ =	shalt  }
0x7c: {  	_ =	shalt  }
0x7d: {  	_ =	shalt  }
0x7e: {  	_ =	shalt  }
0x7f: {  	_ =	shalt  }
0x80: {  	_ =	shalt  }
0x81: {  	_ =	shalt  }
0x82: {  	_ =	shalt  }
0x83: {  	_ =	shalt  }
0x84: {  	_ =	shalt  }
0x85: {  	_ =	shalt  }
0x86: {  	_ =	shalt  }
0x87: {  	_ =	shalt  }
.Lfunc_end0:
.L_simem_size_0:
called_computation_lowered:
.L_overlay_start_0:
0x88: {  	s2 =	sld [smem:$0x3FD9]  }
0x89: {  	s3 =	sld [smem:$0x3FFE];
	_ =	sdelay $0x1  }
0x8a: {  	s1 =	srdreg.scid  }
0x8b: {  	s0 =	sand.u32 $0x1, s1  }
0x8c: {  	s17 =	sshll.u32 s0, $0xA;
	s2 =	sadd.s32 s3, s2  }
0x8d: {  	s2 =	sadd.s32 s2, s17  }
0x8e: {  	[smem:$0x3FC0] =	sst s2  }
0x8f: {  	_ = 	snop  }
0x90: {  	s2 =	sld [smem:$0x3FC6]  }
0x91: {  	s18 =	sld [smem:$0x3FD0];
	(tm) =	ssettm $0x1  }
0x92: {  	s4 =	sld [smem:$0x3FFB];
	_ =	sdelay $0x3  }
0x93: {  	_ =	strace s4  }
0x94: {  	s4 =	sld [smem:$0x3FFC];
	_ =	sdelay $0x3  }
0x95: {  	_ =	strace s4  }
0x96: {  	s4 =	sld [smem:$0x3FFD];
	_ =	sdelay $0x3  }
0x97: {  	_ =	strace s4  }
0x98: {  	_ =	strace $0x8FFFFFFF  }
0x99: {  	s19 =	sld [smem:$0x3FDB];
	_ =	sdelay $0x1  }
0x9a: {  	s5 =	simm.s32 $_scs_section_size  }
0x9b: {  	s6 =	simm.s32 $_size__tile_overlayer_lowered;
	s7 =	simm.s32 $_tile_overlayer_lowered  }
0x9c: {  	s22 =	simm.s32 $0x1BFF;
	s21 =	sshll.u32 s7, $0x1;
	s4 =	sadd.s32 s5, s19  }
0x9d: {  	s8 =	simm.s32 $0x0;
	s20 =	sshll.u32 s6, $0x1;
	s6 =	sadd.s32 s21, s4  }
0x9e: {  	[timem:s8], [sflag:s22] =	dma.local [hbm:s6], s20  }
0x9f: {  	_ =	swait.ge [sflag:s22], s20  }
0xa0: {  	s5 =	ssub.s32 $0x0, s20;
	[sflag:s22] =	ssyncset.done $0x0  }
0xa1: {  	[sflag:s22] =	ssyncadd.s32 s5;
	_ =	sdelay $0x1  }
0xa2: {  	s23 =	simm.s32 $0x1B8B  }
0xa3: {  	_ =	swait.ge [sflag:s23], $0x1  }
0xa4: {  	[sflag:s23] =	ssyncset.done $0x0  }
0xa5: {  	s25 =	simm.s32 $0x1B8E;
	s24 =	sld [smem:$0x3FFE];
	[sflag:s23] =	ssyncadd.s32 $0xFFFFFFFF  }
0xa6: {  	s26 =	simm.s32 $execute0_lowered;
	[smem:$0x3FD2] =	sst s25  }
0xa7: {  	s6 =	sshll.u32 s26, $0x1;
	_ =	strace $0x80000046;
	[dreg:$0x1] =	wrdreg $0xFFFFFFFF  }
0xa8: {  	s28 =	simm.s32 $_size_execute0_lowered;
	s4 =	sadd.s32 s4, s6;
	[dreg:$0x0] =	wrdreg $0x0  }
0xa9: {  	s6 =	sshll.u32 s28, $0x1;
	[dreg:$0x2] =	wrdreg s4  }
0xaa: {  	[dreg:$0x3] =	wrdreg s6  }
0xab: {  	[dreg:$0x4] =	wrdreg $0xC0  }
0xac: {  	_ =	task [dreg:s8], $0x5FFFF  }
0xad: {  	[dreg:$0x1] =	wrdreg $0xFFFFFFFF  }
0xae: {  	[dreg:$0x0] =	wrdreg $0x60  }
0xaf: {  	[dreg:$0x2] =	wrdreg s24  }
0xb0: {  	[dreg:$0x3] =	wrdreg s2  }
0xb1: {  	[dreg:$0x4] =	wrdreg s18  }
0xb2: {  	[dreg:$0x5] =	wrdreg $0x9  }
0xb3: {  	_ =	task.clear_ibuf [dreg:s8], $0x6FFFF;
	_ =	strace $0x90000046  }
0xb4: {  	s29 =	simm.s32 $0x9;
	_ =	strace $0x80000048  }
0xb5: {  	_ =	swait.ge [sflag:s29], $0x1  }
0xb6: {  	[sflag:s29] =	ssyncadd.s32 $0xFFFFFFFF  }
0xb7: {  	_ =	strace $0x90000048  }
0xb8: {  	_ =	sfence  }
0xb9: {  	s30 =	sld [smem:$0x0];
	_ =	sdelay $0x2  }
0xba: {  	s31 =	sshll.u32 s1, $0xD;
	s1 =	sshrl.u32 s1, $0x2  }
0xbb: {  	s3 =	sand.u32 $0x4000, s31;
	s1 =	sadd.s32 s1, s30  }
0xbc: {  	s0 =	sor.u32 s3, s0;
	s1 =	sshll.u32 s1, $0x11  }
0xbd: {  	s0 =	sor.u32 s1, s0  }
0xbe: {  	s0 =	sadd.s32 $0x8F2B, s0  }
0xbf: {  	[sflag:s0] =	ssyncadd.remote.s32 $0x1  }
0xc0: {  	_ =	sfence.sel $0xFFFF  }
0xc1: {  	[dreg:$0x0] =	wrdreg $0xFFFFFFFF;
	(pc) =	sbr.abs _section_cstart, $3  }
0xc2: {  	[dreg:$0x1] =	wrdreg $0xFFFFFFFF  }
0xc3: {  	_ =	task.clear_ibuf [dreg:s8], $0x2FFFF;
	_ =	strace $0x9FFFFFFF  }
0xc4: {  	(tm) =	ssettm $0x7FFFFFFF  }
0xc5: {  	_ =	shalt  }
tec
execute0_lowered:
.L_overlay_start_1:
0x0: {  	(tag) =	ssettag $0x1  }
0x1: {  	s0 =	rddreg [dreg:$0x0]  }
0x2: {  	s1 =	rddreg [dreg:$0x1]  }
0x3: {  	s9 =	rddreg [dreg:$0x2]  }
0x4: {  	s3 =	srdreg.scid;
	s4 =	stileid.u32;
	s2 =	simm.s32 $0x0  }
0x5: {  	s20 =	simm.s32 $0x3;
	s18 =	simm.s32 $0x4;
	s19 =	simm.s32 $0x7  }
0x6: {  	s30 =	simm.s32 $0x5;
	s8 =	sand.u32 $0x1, s3;
	s21 =	sshll.u32 s4, $0x1  }
0x7: {  	[smem:$0x7FF] =	sst s2;
	s3 =	sadd.s32 $0x4BE00, s0;
	s4 =	sadd.s32 $0xE00, s0  }
0x8: {  	s5 =	sadd.s32 $0x32E00, s0;
	s10 =	sor.u32 s8, s21;
	_ =	strace $0x80000047  }
0x9: {  	s13 =	ssub.s32 $0x2, s8;
	s8 =	sadd.s32 $0x187A00, s0;
	s21 =	simm.s32 $0xC8  }
0xa: {  	s6 =	sshll.u32 s10, $0x5;
	s7 =	sshll.u32 s10, $0x7;
	s12 =	smul.u32 $0xC80, s10  }
0xb: {  	s14 =	smul.u32 $0x1900, s10;
	s16 =	sshrl.u32 s13, $0x1;
	s26 =	sshll.u32 s10, $0x4  }
0xc: {  	s10 =	smul.u32 $0xE00, s10;
	s11 =	sadd.s32 s6, s0;
	s6 =	sadd.s32 $0xF43400, s0  }
0xd: {  	s15 =	sor.u32 $0x1, s7;
	s0 =	sadd.s32 $0x65200, s0;
	s22 =	ssub.s32 s13, s16  }
0xe: {  	v0 =	vimm.s32 $0xFEDCBA98;
	s1 =	sadd.s32 s1, s26;
	s26 =	simm.s32 $0x8;
	s17 =	smul.u32 $0x19, s15  }
0xf: {  	v1 =	vimm.s32 $0x76543210;
	v2 =	vimm.s32 $0x3210FEDC;
	s16 =	simm.s32 $0x9550;
	[dreg:$0x4] =	wrdreg s0;
	s23 =	smul.u32 $0x32, s15  }
0x10: {  	v3 =	vimm.s32 $0xBA987654;
	v4 =	vimm.s32 $0x10FEDCBA;
	v5 =	vimm.s32 $0x98765432;
	s24 =	sadd.s32 s3, s12;
	s14 =	sadd.s32 s4, s14;
	[dreg:$0xb] =	wrdreg s1  }
0x11: {  	v6 =	vimm.s32 $0xFEDCBA9;
	v7 =	vimm.s32 $0x87654321;
	s12 =	sadd.s32 s5, s12;
	s29 =	sadd.s32 $0x64E00, s11;
	[dreg:$0x5] =	wrdreg s24  }
0x12: {  	v0 =	vunpack.c.l.s4.s8 v0;
	v1 =	vunpack.c.l.s4.s8 v1;
	v2 =	vunpack.c.l.s4.s8 v2;
	s31 =	sadd.s32 s9, s10;
	s0 =	smax.u32 s22, $0x1;
	[dreg:$0x6] =	wrdreg s14  }
0x13: {  	v3 =	vunpack.c.l.s4.s8 v3;
	v4 =	vunpack.c.l.s4.s8 v4;
	v5 =	vunpack.c.l.s4.s8 v5;
	s22 =	simm.s32 $0x320;
	s1 =	simm.s32 $0x58;
	[dreg:$0x9] =	wrdreg s12  }
0x14: {  	v6 =	vunpack.c.l.s4.s8 v6;
	v7 =	vunpack.c.l.s4.s8 v7;
	v0 =	vunpack.c.0.s8.s32 v0;
	s9 =	simm.s32 $0x2D50;
	s10 =	simm.s32 $0x6E50;
	[dreg:$0xc] =	wrdreg s29  }
0x15: {  	v2 =	vunpack.c.0.s8.s32 v2;
	v3 =	vunpack.c.0.s8.s32 v3;
	v4 =	vunpack.c.0.s8.s32 v4;
	s11 =	simm.s32 $0x388;
	s15 =	simm.s32 $0x458;
	[dreg:$0xd] =	wrdreg s31  }
.Ltmp0:
0x16: {  	v5 =	vunpack.c.0.s8.s32 v5;
	v6 =	vunpack.c.0.s8.s32 v6;
	v7 =	vunpack.c.0.s8.s32 v7;
	[dreg:$0xe] =	wrdreg s0;
	s0 =	simm.s32 $0x68;
	(pc) =	sbr.rel .LBB2_1-.Ltmp0, $4  }
0x17: {  	v3 =	vcombine.low v3, v2;
	v2 =	vunpack.c.0.s8.s32 v1;
	s12 =	simm.s32 $0x7B50;
	s14 =	simm.s32 $0x8850;
	s25 =	sadd.s32 s3, s17  }
0x18: {  	v8 =	vand.u32 $0xF, v0;
	v4 =	vcombine.low v5, v4;
	v5 =	vcombine.low v7, v6;
	s13 =	sadd.s32 s4, s23;
	s28 =	sadd.s32 s5, s17;
	[dreg:$0x7] =	wrdreg s25  }
0x19: {  	v0 =	vimm.s32 $0x5;
	v1 =	vimm.f32 $0.0e+00;
	s23 =	simm.s32 $0x60;
	v2 =	vcombine.low v8, v2;
	s17 =	simm.s32 $0x6;
	[dreg:$0x8] =	wrdreg s13  }
0x1a: {  	v3 =	vand.u32 $0xF, v3;
	v4 =	vand.u32 $0xF, v4;
	v5 =	vand.u32 $0xF, v5;
	[dreg:$0xa] =	wrdreg s28;
	s13 =	simm.s32 $0x3F0;
	s25 =	simm.s32 $0x0  }
.LBB2_34:
0x1b: {  	s24 =	rddreg [dreg:$0xd];
	s25 =	simm.s32 $0xD490;
	s26 =	simm.s32 $0x8  }
0x1c: {  	[hbm4b:s24+s2] =	stream.linear.scatter [tilespmem:s25], [sflag:$0x8], $0x7000, $0x38;
	[tilespmem:$0x14490] =	vst v63  }
0x1d: {  	_ =	swait.ge [sflag:s26], $0x7000  }
0x1e: {  	s29 =	rddreg [dreg:$0xf]  }
0x1f: {  	s31 =	rddreg [dreg:$0xe];
	s25 =	sadd.s32 $0x1, s29  }
0x20: {  	p0 =	sne.s32 s25, s31  }
.Ltmp1:
0x21: {  	_ = 	snop;
	(pc) =	sbr.rel @!p0 .LBB2_35-.Ltmp1, $3  }
0x22: {  	_ =	sdelay $0x1  }
0x23: {  	[sflag:s26] =	ssyncset.done $0x0  }
0x24: {  	[sflag:s26] =	ssyncadd.s32 $0xFFFF9000  }
.LBB2_1:
0x25: {  	[dreg:$0xf] =	wrdreg s25  }
0x26: {  	s24 =	rddreg [dreg:$0x5]  }
0x27: {  	[tilespmem:s2], [sflag:$0x2] =	stream.linear.gather [hbm4b:s24+s2], $0xC8, $0x38;
	[tilespmem:$0x14490] =	vst v63  }
0x28: {  	s25 =	rddreg [dreg:$0x6];
	s28 =	simm.s32 $0x190  }
0x29: {  	[tilespmem:s28], [sflag:$0x2] =	stream.linear.gather [hbm4b:s25+s2], $0x190, $0x38;
	[tilespmem:$0x14490] =	vst v63  }
0x2a: {  	s29 =	rddreg [dreg:$0x7]  }
0x2b: {  	[tilespmem:s21], [sflag:$0x3] =	stream.linear.gather [hbm4b:s29+s2], $0xC8, $0x38;
	[tilespmem:$0x14490] =	vst v63  }
0x2c: {  	s31 =	rddreg [dreg:$0x8]  }
0x2d: {  	[tilespmem:s22], [sflag:$0x3] =	stream.linear.gather [hbm4b:s31+s2], $0x190, $0x38;
	[tilespmem:$0x14490] =	vst v63  }
0x2e: {  	s25 =	rddreg [dreg:$0x9];
	s28 =	simm.s32 $0x4B0  }
0x2f: {  	[tilespmem:s28], [sflag:$0x4] =	stream.linear.gather [hbm4b:s25+s2], $0xC8, $0x38;
	[tilespmem:$0x14490] =	vst v63  }
0x30: {  	s29 =	rddreg [dreg:$0xa];
	s31 =	simm.s32 $0x580  }
0x31: {  	[tilespmem:s31], [sflag:$0x5] =	stream.linear.gather [hbm4b:s29+s2], $0xC8, $0x38;
	[tilespmem:$0x14490] =	vst v63  }
0x32: {  	[tilespmem:$0x570] =	vst v0  }
0x33: {  	s25 =	rddreg [dreg:$0x4];
	s28 =	simm.s32 $0xA250;
	[tilespmem:$0x640] =	vst v0  }
0x34: {  	[tilespmem:s28], [sflag:$0x8] =	stream.linear.gather [hbm4b:s25+s2], $0xC0, $0x38;
	[tilespmem:$0x14490] =	vst v63  }
0x35: {  	_ =	swait.ge [sflag:s26], $0xC0  }
0x36: {  	[sflag:s26] =	ssyncset.done $0x0  }
0x37: {  	[sflag:s26] =	ssyncadd.s32 $0xFFFFFF40  }
0x38: {  	v6 =	vld [tilespmem:$0xA250]  }
0x39: {  	v7 =	vld [tilespmem:$0xA260]  }
0x3a: {  	v8 =	vld [tilespmem:$0xA270]  }
0x3b: {  	v9 =	vld [tilespmem:$0xA280]  }
0x3c: {  	v10 =	vld [tilespmem:$0xA290]  }
0x3d: {  	v11 =	vld [tilespmem:$0xA2A0]  }
0x3e: {  	v12 =	vld [tilespmem:$0xA2B0]  }
0x3f: {  	v13 =	vld [tilespmem:$0xA2C0]  }
0x40: {  	s25 =	simm.s32 $0xA310;
	s29 =	rddreg [dreg:$0xb];
	v14 =	vld [tilespmem:$0xA2D0]  }
0x41: {  	v15 =	vld [tilespmem:$0xA2E0];
	[tilespmem:s25], [sflag:$0x8] =	stream.linear.gather [hbm4b:s29+s2], $0x80, $0x38  }
0x42: {  	_ =	swait.ge [sflag:s26], $0x80  }
0x43: {  	[sflag:s26] =	ssyncset.done $0x0  }
0x44: {  	s28 =	simm.s32 $0xA390;
	s31 =	rddreg [dreg:$0xc];
	[sflag:s26] =	ssyncadd.s32 $0xFFFFFF80  }
0x45: {  	[tilespmem:s28], [sflag:$0x8] =	stream.linear.gather [hbm4b:s31+s2], $0x100, $0x38;
	[tilespmem:$0x14490] =	vst v63  }
0x46: {  	_ =	swait.ge [sflag:s26], $0x100  }
0x47: {  	[sflag:s26] =	ssyncset.done $0x0  }
0x48: {  	s24 =	simm.s32 $0x80;
	s29 =	simm.s32 $0xA490;
	[sflag:s26] =	ssyncadd.s32 $0xFFFFFF00  }
0x49: {  	[tilespmem:s29], [sflag:$0x1] =	stream.indirect.gather [hbm4b:s6+s24], $0x20, s25, s24, $0xb8;
	[tilespmem:$0x14490] =	vst v63  }
0x4a: {  	s31 =	simm.s32 $0xB490  }
0x4b: {  	[tilespmem:s31], [sflag:$0x1] =	stream.indirect.gather [hbm4b:s8+s24], $0x20, s28, s24, $0xb8;
	[tilespmem:$0x14490] =	vst v63  }
0x4c: {  	s26 =	simm.s32 $0xA410;
	s29 =	simm.s32 $0x1;
	s28 =	simm.s32 $0xC490  }
0x4d: {  	[tilespmem:s28], [sflag:$0x1] =	stream.indirect.gather [hbm4b:s8+s24], $0x20, s26, s24, $0xb8;
	[tilespmem:$0x14490] =	vst v63  }
0x4e: {  	_ =	swait.ge [sflag:s29], $0x1000  }
0x4f: {  	[sflag:s29] =	ssyncset.done $0x0  }
0x50: {  	[sflag:s29] =	ssyncadd.s32 $0xFFFFF000  }
0x51: {  	_ =	swait.ge [sflag:s29], $0x1000  }
0x52: {  	[sflag:s29] =	ssyncset.done $0x0  }
0x53: {  	[sflag:s29] =	ssyncadd.s32 $0xFFFFF000  }
0x54: {  	_ =	swait.ge [sflag:s29], $0x1000  }
0x55: {  	[sflag:s29] =	ssyncset.done $0x0  }
0x56: {  	s31 =	simm.s32 $0x0;
	[sflag:s29] =	ssyncadd.s32 $0xFFFFF000  }
0x57: {  	v16 =	vld [tilespmem:s31+$0xA490];
	_ =	sdelay $0x3  }
0x58: {  	s24 =	simm.s32 $0xD4A0  }
0x59: {  	[tilespmem:s24+$0xFFFFFFF0] =	vst v16  }
0x5a: {  	v16 =	vld [tilespmem:s31+$0xA4A0];
	_ =	sdelay $0x4  }
0x5b: {  	s25 =	simm.s32 $0x100;
	s26 =	simm.s32 $0x20;
	[tilespmem:s24+$0x0] =	vst v16  }
.LBB2_2:
0x5c: {  	p0 =	sne.s32 s25, $0x3F80;
	v16 =	vld [tilespmem:s26+$0xA490];
	_ =	sdelay $0x3  }
0x5d: {  	s24 =	sadd.s32 $0xE0, s24  }
0x5e: {  	[tilespmem:s24+$0xFFFFFFF0] =	vst v16  }
0x5f: {  	v16 =	vld [tilespmem:s26+$0xA4A0]  }
.Ltmp2:
0x60: {  	(pc) =	sbr.rel @p0 .LBB2_2-.Ltmp2, $2  }
0x61: {  	_ =	sdelay $0x2  }
0x62: {  	s26 =	sshra.s32 s25, $0x2;
	s25 =	sadd.s32 $0x80, s25;
	[tilespmem:s24+$0x0] =	vst v16  }
0x63: {  	v16 =	vld [tilespmem:s26+$0xA490];
	_ =	sdelay $0x3  }
0x64: {  	s24 =	sadd.s32 $0xE0, s24  }
0x65: {  	[tilespmem:s24+$0xFFFFFFF0] =	vst v16  }
0x66: {  	v16 =	vld [tilespmem:s26+$0xA4A0];
	_ =	sdelay $0x4  }
0x67: {  	[tilespmem:s24+$0x0] =	vst v16;
	s24 =	simm.s32 $0x0  }
0x68: {  	v16 =	vld [tilespmem:s24+$0xB490];
	_ =	sdelay $0x3  }
0x69: {  	s25 =	simm.s32 $0xD4C0  }
0x6a: {  	[tilespmem:s25+$0xFFFFFFF0] =	vst v16  }
0x6b: {  	v16 =	vld [tilespmem:s24+$0xB4A0];
	_ =	sdelay $0x4  }
0x6c: {  	[tilespmem:s25+$0x0] =	vst v16  }
0x6d: {  	v16 =	vld [tilespmem:s24+$0xB4B0];
	_ =	sdelay $0x4  }
0x6e: {  	[tilespmem:s25+$0x10] =	vst v16  }
0x6f: {  	v16 =	vld [tilespmem:s24+$0xB4C0];
	_ =	sdelay $0x4  }
0x70: {  	s28 =	simm.s32 $0x200;
	s26 =	simm.s32 $0x40;
	[tilespmem:s25+$0x20] =	vst v16  }
.LBB2_4:
0x71: {  	p0 =	sne.s32 s28, $0x3F00;
	v16 =	vld [tilespmem:s26+$0xB490];
	_ =	sdelay $0x3  }
0x72: {  	s25 =	sadd.s32 $0xE0, s25  }
0x73: {  	[tilespmem:s25+$0xFFFFFFF0] =	vst v16  }
0x74: {  	v16 =	vld [tilespmem:s26+$0xB4A0];
	_ =	sdelay $0x4  }
0x75: {  	[tilespmem:s25+$0x0] =	vst v16  }
0x76: {  	v16 =	vld [tilespmem:s26+$0xB4B0];
	_ =	sdelay $0x4  }
0x77: {  	[tilespmem:s25+$0x10] =	vst v16  }
0x78: {  	v16 =	vld [tilespmem:s26+$0xB4C0]  }
.Ltmp3:
0x79: {  	(pc) =	sbr.rel @p0 .LBB2_4-.Ltmp3, $2  }
0x7a: {  	_ =	sdelay $0x2  }
0x7b: {  	s26 =	sshra.s32 s28, $0x2;
	s28 =	sadd.s32 $0x100, s28;
	[tilespmem:s25+$0x20] =	vst v16  }
0x7c: {  	v16 =	vld [tilespmem:s26+$0xB490];
	_ =	sdelay $0x3  }
0x7d: {  	s25 =	sadd.s32 $0xE0, s25  }
0x7e: {  	[tilespmem:s25+$0xFFFFFFF0] =	vst v16  }
0x7f: {  	v16 =	vld [tilespmem:s26+$0xB4A0];
	_ =	sdelay $0x4  }
0x80: {  	[tilespmem:s25+$0x0] =	vst v16  }
0x81: {  	v16 =	vld [tilespmem:s26+$0xB4B0];
	_ =	sdelay $0x4  }
0x82: {  	[tilespmem:s25+$0x10] =	vst v16  }
0x83: {  	v16 =	vld [tilespmem:s26+$0xB4C0];
	_ =	sdelay $0x4  }
0x84: {  	[tilespmem:s25+$0x20] =	vst v16  }
0x85: {  	v16 =	vld [tilespmem:s24+$0xC490];
	_ =	sdelay $0x3  }
0x86: {  	s25 =	simm.s32 $0x10CE0  }
0x87: {  	[tilespmem:s25+$0xFFFFFFD0] =	vst v16  }
0x88: {  	v16 =	vld [tilespmem:s24+$0xC4A0];
	_ =	sdelay $0x4  }
0x89: {  	[tilespmem:s25+$0xFFFFFFE0] =	vst v16  }
0x8a: {  	v16 =	vld [tilespmem:s24+$0xC4B0];
	_ =	sdelay $0x4  }
0x8b: {  	[tilespmem:s25+$0xFFFFFFF0] =	vst v16  }
0x8c: {  	v16 =	vld [tilespmem:s24+$0xC4C0];
	_ =	sdelay $0x4  }
0x8d: {  	s26 =	simm.s32 $0x200;
	s24 =	simm.s32 $0x40;
	[tilespmem:s25+$0x0] =	vst v16  }
.LBB2_6:
0x8e: {  	p0 =	sne.s32 s26, $0x3F00;
	v16 =	vld [tilespmem:s24+$0xC490];
	_ =	sdelay $0x3  }
0x8f: {  	s25 =	sadd.s32 $0xE0, s25  }
0x90: {  	[tilespmem:s25+$0xFFFFFFD0] =	vst v16  }
0x91: {  	v16 =	vld [tilespmem:s24+$0xC4A0];
	_ =	sdelay $0x4  }
0x92: {  	[tilespmem:s25+$0xFFFFFFE0] =	vst v16  }
0x93: {  	v16 =	vld [tilespmem:s24+$0xC4B0];
	_ =	sdelay $0x4  }
0x94: {  	[tilespmem:s25+$0xFFFFFFF0] =	vst v16  }
0x95: {  	v16 =	vld [tilespmem:s24+$0xC4C0]  }
.Ltmp4:
0x96: {  	(pc) =	sbr.rel @p0 .LBB2_6-.Ltmp4, $2  }
0x97: {  	_ =	sdelay $0x2  }
0x98: {  	s24 =	sshra.s32 s26, $0x2;
	s26 =	sadd.s32 $0x100, s26;
	[tilespmem:s25+$0x0] =	vst v16  }
0x99: {  	v16 =	vld [tilespmem:s24+$0xC490];
	_ =	sdelay $0x3  }
0x9a: {  	s25 =	sadd.s32 $0xE0, s25  }
0x9b: {  	[tilespmem:s25+$0xFFFFFFD0] =	vst v16  }
0x9c: {  	v16 =	vld [tilespmem:s24+$0xC4A0];
	_ =	sdelay $0x4  }
0x9d: {  	[tilespmem:s25+$0xFFFFFFE0] =	vst v16  }
0x9e: {  	v16 =	vld [tilespmem:s24+$0xC4B0];
	_ =	sdelay $0x4  }
0x9f: {  	[tilespmem:s25+$0xFFFFFFF0] =	vst v16  }
0xa0: {  	v16 =	vld [tilespmem:s24+$0xC4C0];
	_ =	sdelay $0x4  }
0xa1: {  	s26 =	simm.s32 $0x2;
	[tilespmem:s25+$0x0] =	vst v16  }
0xa2: {  	_ =	swait.ge [sflag:s26], $0xC8  }
0xa3: {  	[sflag:s26] =	ssyncset.done $0x0  }
0xa4: {  	[sflag:s26] =	ssyncadd.s32 $0xFFFFFF38  }
0xa5: {  	_ =	swait.ge [sflag:s26], $0x190  }
0xa6: {  	[sflag:s26] =	ssyncset.done $0x0  }
0xa7: {  	s28 =	simm.s32 $0x650;
	s25 =	simm.s32 $0x0;
	[sflag:s26] =	ssyncadd.s32 $0xFFFFFE70  }
0xa8: {  	[tilespmem:s28], [sflag:$0x6] =	stream.indirect.gather [hbm4b:s6+s0], $0x20, s25, s0, $0xb8;
	[tilespmem:$0x14490] =	vst v63  }
0xa9: {  	s29 =	simm.s32 $0x1350  }
0xaa: {  	[tilespmem:s29], [sflag:$0x6] =	stream.indirect.gather [hbm4b:s6+s23], $0x20, s0, s23, $0xb8;
	[tilespmem:$0x14490] =	vst v63  }
0xab: {  	s31 =	simm.s32 $0x190;
	s26 =	simm.s32 $0x3A50  }
0xac: {  	[tilespmem:s26], [sflag:$0x6] =	stream.indirect.gather [hbm4b:s8+s0], $0x20, s31, s0, $0xb8;
	[tilespmem:$0x14490] =	vst v63  }
0xad: {  	s28 =	simm.s32 $0x4750;
	s26 =	simm.s32 $0x1F8  }
0xae: {  	[tilespmem:s28], [sflag:$0x6] =	stream.indirect.gather [hbm4b:s8+s0], $0x20, s26, s0, $0xb8;
	[tilespmem:$0x14490] =	vst v63  }
0xaf: {  	s29 =	simm.s32 $0x260;
	s31 =	simm.s32 $0x5450  }
0xb0: {  	[tilespmem:s31], [sflag:$0x6] =	stream.indirect.gather [hbm4b:s8+s0], $0x20, s29, s0, $0xb8;
	[tilespmem:$0x14490] =	vst v63  }
0xb1: {  	s26 =	simm.s32 $0x2C8;
	s28 =	simm.s32 $0x6150  }
0xb2: {  	[tilespmem:s28], [sflag:$0x6] =	stream.indirect.gather [hbm4b:s8+s1], $0x20, s26, s1, $0xb8;
	[tilespmem:$0x14490] =	vst v63  }
0xb3: {  	_ =	swait.ge [sflag:s20], $0xC8  }
0xb4: {  	[sflag:s20] =	ssyncset.done $0x0  }
0xb5: {  	[sflag:s20] =	ssyncadd.s32 $0xFFFFFF38  }
0xb6: {  	_ =	swait.ge [sflag:s20], $0x190  }
0xb7: {  	[sflag:s20] =	ssyncset.done $0x0  }
0xb8: {  	s29 =	simm.s32 $0x2050;
	[sflag:s20] =	ssyncadd.s32 $0xFFFFFE70  }
0xb9: {  	[tilespmem:s29], [sflag:$0x7] =	stream.indirect.gather [hbm4b:s6+s0], $0x20, s21, s0, $0xb8;
	[tilespmem:$0x14490] =	vst v63  }
0xba: {  	s31 =	simm.s32 $0x130  }
0xbb: {  	[tilespmem:s9], [sflag:$0x7] =	stream.indirect.gather [hbm4b:s6+s23], $0x20, s31, s23, $0xb8;
	[tilespmem:$0x14490] =	vst v63  }
0xbc: {  	_ = 	snop  }
0xbd: {  	[tilespmem:s10], [sflag:$0x7] =	stream.indirect.gather [hbm4b:s8+s0], $0x20, s22, s0, $0xb8;
	[tilespmem:$0x14490] =	vst v63  }
0xbe: {  	_ = 	snop  }
0xbf: {  	[tilespmem:s12], [sflag:$0x7] =	stream.indirect.gather [hbm4b:s8+s0], $0x20, s11, s0, $0xb8;
	[tilespmem:$0x14490] =	vst v63  }
0xc0: {  	_ = 	snop  }
0xc1: {  	[tilespmem:s14], [sflag:$0x7] =	stream.indirect.gather [hbm4b:s8+s0], $0x20, s13, s0, $0xb8;
	[tilespmem:$0x14490] =	vst v63  }
0xc2: {  	_ = 	snop  }
0xc3: {  	[tilespmem:s16], [sflag:$0x7] =	stream.indirect.gather [hbm4b:s8+s1], $0x20, s15, s1, $0xb8;
	[tilespmem:$0x14490] =	vst v63  }
.LBB2_8:
0xc4: {  	_ =	swait.ge [sflag:s17], $0xD00  }
0xc5: {  	[sflag:s17] =	ssyncset.done $0x0  }
0xc6: {  	[sflag:s17] =	ssyncadd.s32 $0xFFFFF300  }
0xc7: {  	_ =	swait.ge [sflag:s17], $0xC00  }
0xc8: {  	[sflag:s17] =	ssyncset.done $0x0  }
0xc9: {  	[sflag:s17] =	ssyncadd.s32 $0xFFFFF400  }
0xca: {  	_ =	swait.ge [sflag:s17], $0xD00  }
0xcb: {  	[sflag:s17] =	ssyncset.done $0x0  }
0xcc: {  	[sflag:s17] =	ssyncadd.s32 $0xFFFFF300  }
0xcd: {  	_ =	swait.ge [sflag:s17], $0xD00  }
0xce: {  	[sflag:s17] =	ssyncset.done $0x0  }
0xcf: {  	[sflag:s17] =	ssyncadd.s32 $0xFFFFF300  }
0xd0: {  	s26 =	sshll.u32 s25, $0x1;
	p0 =	seq.s32 s25, $0x3F;
	_ =	swait.ge [sflag:s17], $0xD00  }
0xd1: {  	s24 =	sor.u32 @!p0 s7, s26;
	[sflag:s17] =	ssyncset.done $0x0  }
0xd2: {  	s24 =	sadd.s32 @!p0 $0x2, s24;
	[sflag:s17] =	ssyncadd.s32 $0xFFFFF300  }
0xd3: {  	s28 =	smul.u32 @!p0 $0x19, s24;
	_ =	swait.ge [sflag:s17], $0xB00  }
0xd4: {  	s29 =	simm.s32 @!p0 $0x0;
	[sflag:s17] =	ssyncset.done $0x0  }
0xd5: {  	s24 =	smul.u32 @!p0 $0x32, s24;
	s28 =	sadd.s32 @!p0 s3, s28;
	[sflag:s17] =	ssyncadd.s32 $0xFFFFF500  }
0xd6: {  	[tilespmem:s29], [sflag:$0x2] =	stream.linear.gather @!p0 [hbm4b:s28+s29], $0xC8, $0x38;
	[tilespmem:$0x14490] =	vst v63  }
0xd7: {  	s24 =	sadd.s32 @!p0 s4, s24;
	s28 =	simm.s32 @!p0 $0x190  }
0xd8: {  	[tilespmem:s28], [sflag:$0x2] =	stream.linear.gather @!p0 [hbm4b:s24+s29], $0x190, $0x38;
	[tilespmem:$0x14490] =	vst v63  }
0xd9: {  	_ =	swait.ge [sflag:s18], $0xC8  }
0xda: {  	[sflag:s18] =	ssyncset.done $0x0  }
0xdb: {  	s28 =	simm.s32 $0x690;
	[sflag:s18] =	ssyncadd.s32 $0xFFFFFF38  }
0xdc: {  	v20 =	vld [tilespmem:s28+$0xFFFFFFC0]  }
0xdd: {  	v23 =	vld [tilespmem:s28+$0xFFFFFFD0]  }
0xde: {  	v18 =	vld [tilespmem:s28+$0xFFFFFFE0]  }
0xdf: {  	v21 =	vld [tilespmem:s28+$0xFFFFFFF0]  }
0xe0: {  	v16 =	vld [tilespmem:s28+$0x0]  }
0xe1: {  	v24 =	vimm.f32 $0.0e+00;
	v19 =	vld [tilespmem:s28+$0x10]  }
0xe2: {  	v17 =	vld [tilespmem:s28+$0x20];
	v22 =	vadd.f32 v20, v24;
	v23 =	vadd.f32 v23, v24  }
0xe3: {  	s24 =	simm.s32 $0x0;
	v20 =	vld [tilespmem:s28+$0x30];
	s28 =	simm.s32 $0x710  }
.LBB2_9:
0xe4: {  	v24 =	vld [tilespmem:s28+$0xFFFFFFC0];
	v22 =	vadd.f32 v18, v22;
	v21 =	vadd.f32 v21, v23  }
0xe5: {  	s24 =	sadd.s32 $0x4, s24;
	v23 =	vld [tilespmem:s28+$0xFFFFFFD0]  }
0xe6: {  	p1 =	slt.u32 s24, $0x64;
	v18 =	vld [tilespmem:s28+$0xFFFFFFE0];
	v22 =	vadd.f32 v16, v22;
	v19 =	vadd.f32 v19, v21  }
.Ltmp5:
0xe7: {  	v21 =	vld [tilespmem:s28+$0xFFFFFFF0];
	(pc) =	sbr.rel @p1 .LBB2_9-.Ltmp5, $4  }
0xe8: {  	s29 =	simm.s32 $0x13C0;
	v16 =	vld [tilespmem:s28+$0x0];
	v17 =	vadd.f32 v17, v22;
	v20 =	vadd.f32 v20, v19  }
0xe9: {  	v19 =	vld [tilespmem:s28+$0x10]  }
0xea: {  	v22 =	vadd.f32 v24, v17;
	v23 =	vadd.f32 v23, v20;
	v17 =	vld [tilespmem:s28+$0x20]  }
0xeb: {  	v20 =	vld [tilespmem:s28+$0x30];
	s28 =	sadd.s32 $0x80, s28  }
0xec: {  	v24 =	vld [tilespmem:s29+$0xFFFFFF90];
	v22 =	vadd.f32 v18, v22;
	v21 =	vadd.f32 v21, v23  }
0xed: {  	v23 =	vld [tilespmem:s29+$0xFFFFFFA0]  }
0xee: {  	v18 =	vld [tilespmem:s29+$0xFFFFFFB0];
	v22 =	vadd.f32 v16, v22;
	v21 =	vadd.f32 v19, v21  }
0xef: {  	v19 =	vld [tilespmem:s29+$0xFFFFFFC0]  }
0xf0: {  	v16 =	vld [tilespmem:s29+$0xFFFFFFD0];
	v22 =	vadd.f32 v17, v22;
	v21 =	vadd.f32 v20, v21  }
0xf1: {  	v20 =	vld [tilespmem:s29+$0xFFFFFFE0]  }
0xf2: {  	v17 =	vld [tilespmem:s29+$0xFFFFFFF0];
	v22 =	vadd.f32 v24, v22;
	v23 =	vadd.f32 v23, v21  }
0xf3: {  	s24 =	simm.s32 $0x0;
	s28 =	simm.s32 $0x1440;
	v21 =	vld [tilespmem:s29+$0x0]  }
.LBB2_11:
0xf4: {  	v24 =	vld [tilespmem:s28+$0xFFFFFF90];
	v22 =	vadd.f32 v18, v22;
	v19 =	vadd.f32 v19, v23  }
0xf5: {  	s24 =	sadd.s32 $0x4, s24;
	v23 =	vld [tilespmem:s28+$0xFFFFFFA0]  }
0xf6: {  	p1 =	slt.u32 s24, $0x5C;
	v18 =	vld [tilespmem:s28+$0xFFFFFFB0];
	v22 =	vadd.f32 v16, v22;
	v20 =	vadd.f32 v20, v19  }
.Ltmp6:
0xf7: {  	v19 =	vld [tilespmem:s28+$0xFFFFFFC0];
	(pc) =	sbr.rel @p1 .LBB2_11-.Ltmp6, $4  }
0xf8: {  	v16 =	vld [tilespmem:s28+$0xFFFFFFD0];
	v17 =	vadd.f32 v17, v22;
	v21 =	vadd.f32 v21, v20  }
0xf9: {  	v20 =	vld [tilespmem:s28+$0xFFFFFFE0]  }
0xfa: {  	v22 =	vadd.f32 v24, v17;
	v23 =	vadd.f32 v23, v21;
	v17 =	vld [tilespmem:s28+$0xFFFFFFF0]  }
0xfb: {  	v21 =	vld [tilespmem:s28+$0x0];
	s28 =	sadd.s32 $0x80, s28  }
0xfc: {  	v18 =	vadd.f32 v18, v22  }
0xfd: {  	v19 =	vadd.f32 v19, v23  }
0xfe: {  	v16 =	vadd.f32 v16, v18  }
0xff: {  	v18 =	vadd.f32 v20, v19  }
0x100: {  	v16 =	vadd.f32 v17, v16  }
0x101: {  	s24 =	smul.u32 $0x700, s25;
	v17 =	vadd.f32 v21, v18  }
0x102: {  	v16 =	vmul.f32 $4.999999890e-03, v16  }
0x103: {  	s31 =	sshra.s32 s24, $0x2;
	v17 =	vmul.f32 $4.999999890e-03, v17  }
0x104: {  	[tilespmem:s31+$0xD4F0] =	vst v16  }
0x105: {  	s24 =	simm.s32 $0x3AD0;
	[tilespmem:s31+$0xD500] =	vst v17  }
0x106: {  	v17 =	vld [tilespmem:s24+$0x40]  }
0x107: {  	v19 =	vld [tilespmem:s24+$0x50]  }
0x108: {  	v21 =	vld [tilespmem:s24+$0x0]  }
0x109: {  	v23 =	vld [tilespmem:s24+$0x10]  }
0x10a: {  	v16 =	vld [tilespmem:s24+$0xFFFFFFC0]  }
0x10b: {  	v18 =	vld [tilespmem:s24+$0xFFFFFFD0]  }
0x10c: {  	v20 =	vld [tilespmem:s24+$0xFFFFFF80]  }
0x10d: {  	v22 =	vld [tilespmem:s24+$0xFFFFFF90]  }
0x10e: {  	v25 =	vld [tilespmem:s24+$0xFFFFFFA0]  }
0x10f: {  	v28 =	vld [tilespmem:s24+$0xFFFFFFB0]  }
0x110: {  	v27 =	vld [tilespmem:s24+$0xFFFFFFE0]  }
0x111: {  	v29 =	vld [tilespmem:s24+$0xFFFFFFF0]  }
0x112: {  	v31 =	vimm.f32 $0.0e+00;
	v24 =	vld [tilespmem:s24+$0x20]  }
0x113: {  	v26 =	vld [tilespmem:s24+$0x30];
	v20 =	vadd.f32 v20, v31;
	v22 =	vadd.f32 v22, v31  }
0x114: {  	v30 =	vadd.f32 v25, v31;
	v31 =	vadd.f32 v28, v31;
	v25 =	vld [tilespmem:s24+$0x60]  }
0x115: {  	s28 =	simm.s32 $0x0;
	s29 =	simm.s32 $0x3BD0;
	v28 =	vld [tilespmem:s24+$0x70];
	v32 =	vadd.f32 v16, v20;
	v33 =	vadd.f32 v18, v22  }
.LBB2_13:
0x116: {  	v16 =	vld [tilespmem:s29+$0x40];
	v18 =	vadd.f32 v27, v30;
	v20 =	vadd.f32 v29, v31  }
0x117: {  	v22 =	vld [tilespmem:s29+$0x50];
	v27 =	vadd.f32 v21, v32;
	v29 =	vadd.f32 v23, v33  }
0x118: {  	v21 =	vld [tilespmem:s29+$0x0];
	v18 =	vadd.f32 v24, v18;
	v20 =	vadd.f32 v26, v20  }
0x119: {  	v23 =	vld [tilespmem:s29+$0x10];
	v26 =	vadd.f32 v17, v27;
	v30 =	vadd.f32 v19, v29  }
0x11a: {  	s24 =	simm.s32 $0x4840;
	v32 =	vld [tilespmem:s29+$0xFFFFFFC0];
	v18 =	vadd.f32 v25, v18;
	v20 =	vadd.f32 v28, v20  }
0x11b: {  	v28 =	vld [tilespmem:s29+$0xFFFFFFD0];
	v17 =	vmov v16  }
0x11c: {  	v16 =	vld [tilespmem:s29+$0xFFFFFF80];
	v19 =	vmov v22  }
0x11d: {  	v22 =	vld [tilespmem:s29+$0xFFFFFF90]  }
0x11e: {  	v25 =	vld [tilespmem:s29+$0xFFFFFFA0]  }
0x11f: {  	s28 =	sadd.s32 $0x4, s28;
	v31 =	vld [tilespmem:s29+$0xFFFFFFB0]  }
0x120: {  	p1 =	slt.u32 s28, $0x30;
	v27 =	vld [tilespmem:s29+$0xFFFFFFE0]  }
.Ltmp7:
0x121: {  	v29 =	vld [tilespmem:s29+$0xFFFFFFF0];
	(pc) =	sbr.rel @p1 .LBB2_13-.Ltmp7, $4  }
0x122: {  	v24 =	vld [tilespmem:s29+$0x20]  }
0x123: {  	v16 =	vadd.f32 v16, v26;
	v22 =	vadd.f32 v22, v30;
	v26 =	vld [tilespmem:s29+$0x30]  }
0x124: {  	v30 =	vadd.f32 v25, v18;
	v31 =	vadd.f32 v31, v20;
	v25 =	vld [tilespmem:s29+$0x60]  }
0x125: {  	v32 =	vadd.f32 v32, v16;
	v33 =	vadd.f32 v28, v22;
	v28 =	vld [tilespmem:s29+$0x70];
	s29 =	sadd.s32 $0x100, s29  }
0x126: {  	v16 =	vld [tilespmem:s24+$0xFFFFFFD0]  }
0x127: {  	v18 =	vld [tilespmem:s24+$0xFFFFFFE0]  }
0x128: {  	v20 =	vld [tilespmem:s24+$0xFFFFFF90]  }
0x129: {  	v22 =	vld [tilespmem:s24+$0xFFFFFFA0]  }
0x12a: {  	v34 =	vld [tilespmem:s24+$0xFFFFFF50]  }
0x12b: {  	v35 =	vld [tilespmem:s24+$0xFFFFFF60]  }
0x12c: {  	v36 =	vld [tilespmem:s24+$0xFFFFFF10]  }
0x12d: {  	v37 =	vld [tilespmem:s24+$0xFFFFFF20]  }
0x12e: {  	v27 =	vadd.f32 v27, v30;
	v29 =	vadd.f32 v29, v31;
	v30 =	vld [tilespmem:s24+$0xFFFFFF30]  }
0x12f: {  	v31 =	vld [tilespmem:s24+$0xFFFFFF40];
	v21 =	vadd.f32 v21, v32;
	v23 =	vadd.f32 v23, v33  }
0x130: {  	v24 =	vadd.f32 v24, v27;
	v27 =	vadd.f32 v26, v29;
	v26 =	vld [tilespmem:s24+$0xFFFFFF70]  }
0x131: {  	v29 =	vld [tilespmem:s24+$0xFFFFFF80];
	v17 =	vadd.f32 v17, v21;
	v19 =	vadd.f32 v19, v23  }
0x132: {  	v21 =	vadd.f32 v25, v24;
	v23 =	vadd.f32 v28, v27;
	v24 =	vld [tilespmem:s24+$0xFFFFFFB0]  }
0x133: {  	v27 =	vld [tilespmem:s24+$0xFFFFFFC0];
	v17 =	vadd.f32 v36, v17;
	v19 =	vadd.f32 v37, v19  }
0x134: {  	v25 =	vld [tilespmem:s24+$0xFFFFFFF0];
	v30 =	vadd.f32 v30, v21;
	v31 =	vadd.f32 v31, v23  }
0x135: {  	s28 =	simm.s32 $0x0;
	s29 =	simm.s32 $0x4940;
	v28 =	vld [tilespmem:s24+$0x0];
	v32 =	vadd.f32 v34, v17;
	v33 =	vadd.f32 v35, v19  }
.LBB2_15:
0x136: {  	v17 =	vld [tilespmem:s29+$0xFFFFFFD0];
	v19 =	vadd.f32 v26, v30;
	v21 =	vadd.f32 v29, v31  }
0x137: {  	v23 =	vld [tilespmem:s29+$0xFFFFFFE0];
	v26 =	vadd.f32 v20, v32;
	v29 =	vadd.f32 v22, v33  }
0x138: {  	v20 =	vld [tilespmem:s29+$0xFFFFFF90];
	v19 =	vadd.f32 v24, v19;
	v21 =	vadd.f32 v27, v21  }
0x139: {  	v22 =	vld [tilespmem:s29+$0xFFFFFFA0];
	v27 =	vadd.f32 v16, v26;
	v30 =	vadd.f32 v18, v29  }
0x13a: {  	s24 =	simm.s32 $0x5540;
	v32 =	vld [tilespmem:s29+$0xFFFFFF50];
	v19 =	vadd.f32 v25, v19;
	v21 =	vadd.f32 v28, v21  }
0x13b: {  	v28 =	vld [tilespmem:s29+$0xFFFFFF60];
	v16 =	vmov v17  }
0x13c: {  	v17 =	vld [tilespmem:s29+$0xFFFFFF10];
	v18 =	vmov v23  }
0x13d: {  	v23 =	vld [tilespmem:s29+$0xFFFFFF20]  }
0x13e: {  	v25 =	vld [tilespmem:s29+$0xFFFFFF30]  }
0x13f: {  	s28 =	sadd.s32 $0x4, s28;
	v31 =	vld [tilespmem:s29+$0xFFFFFF40]  }
0x140: {  	p1 =	slt.u32 s28, $0x30;
	v26 =	vld [tilespmem:s29+$0xFFFFFF70]  }
.Ltmp8:
0x141: {  	v29 =	vld [tilespmem:s29+$0xFFFFFF80];
	(pc) =	sbr.rel @p1 .LBB2_15-.Ltmp8, $4  }
0x142: {  	v24 =	vld [tilespmem:s29+$0xFFFFFFB0]  }
0x143: {  	v17 =	vadd.f32 v17, v27;
	v23 =	vadd.f32 v23, v30;
	v27 =	vld [tilespmem:s29+$0xFFFFFFC0]  }
0x144: {  	v30 =	vadd.f32 v25, v19;
	v31 =	vadd.f32 v31, v21;
	v25 =	vld [tilespmem:s29+$0xFFFFFFF0]  }
0x145: {  	v32 =	vadd.f32 v32, v17;
	v33 =	vadd.f32 v28, v23;
	v28 =	vld [tilespmem:s29+$0x0];
	s29 =	sadd.s32 $0x100, s29  }
0x146: {  	v17 =	vld [tilespmem:s24+$0xFFFFFFD0]  }
0x147: {  	v19 =	vld [tilespmem:s24+$0xFFFFFFE0]  }
0x148: {  	v21 =	vld [tilespmem:s24+$0xFFFFFF90]  }
0x149: {  	v23 =	vld [tilespmem:s24+$0xFFFFFFA0]  }
0x14a: {  	v34 =	vld [tilespmem:s24+$0xFFFFFF50]  }
0x14b: {  	v35 =	vld [tilespmem:s24+$0xFFFFFF60]  }
0x14c: {  	v36 =	vld [tilespmem:s24+$0xFFFFFF10]  }
0x14d: {  	v37 =	vld [tilespmem:s24+$0xFFFFFF20]  }
0x14e: {  	v26 =	vadd.f32 v26, v30;
	v29 =	vadd.f32 v29, v31;
	v30 =	vld [tilespmem:s24+$0xFFFFFF30]  }
0x14f: {  	v31 =	vld [tilespmem:s24+$0xFFFFFF40];
	v20 =	vadd.f32 v20, v32;
	v22 =	vadd.f32 v22, v33  }
0x150: {  	v24 =	vadd.f32 v24, v26;
	v27 =	vadd.f32 v27, v29;
	v26 =	vld [tilespmem:s24+$0xFFFFFF70]  }
0x151: {  	v29 =	vld [tilespmem:s24+$0xFFFFFF80];
	v16 =	vadd.f32 v16, v20;
	v18 =	vadd.f32 v18, v22  }
0x152: {  	v20 =	vadd.f32 v25, v24;
	v22 =	vadd.f32 v28, v27;
	v24 =	vld [tilespmem:s24+$0xFFFFFFB0]  }
0x153: {  	v27 =	vld [tilespmem:s24+$0xFFFFFFC0];
	v16 =	vadd.f32 v36, v16;
	v18 =	vadd.f32 v37, v18  }
0x154: {  	v25 =	vld [tilespmem:s24+$0xFFFFFFF0];
	v30 =	vadd.f32 v30, v20;
	v31 =	vadd.f32 v31, v22  }
0x155: {  	s28 =	simm.s32 $0x0;
	s29 =	simm.s32 $0x5640;
	v28 =	vld [tilespmem:s24+$0x0];
	v32 =	vadd.f32 v34, v16;
	v33 =	vadd.f32 v35, v18  }
.LBB2_17:
0x156: {  	v16 =	vld [tilespmem:s29+$0xFFFFFFD0];
	v18 =	vadd.f32 v26, v30;
	v20 =	vadd.f32 v29, v31  }
0x157: {  	v22 =	vld [tilespmem:s29+$0xFFFFFFE0];
	v26 =	vadd.f32 v21, v32;
	v29 =	vadd.f32 v23, v33  }
0x158: {  	v21 =	vld [tilespmem:s29+$0xFFFFFF90];
	v18 =	vadd.f32 v24, v18;
	v20 =	vadd.f32 v27, v20  }
0x159: {  	v23 =	vld [tilespmem:s29+$0xFFFFFFA0];
	v27 =	vadd.f32 v17, v26;
	v30 =	vadd.f32 v19, v29  }
0x15a: {  	s24 =	simm.s32 $0x6240;
	v32 =	vld [tilespmem:s29+$0xFFFFFF50];
	v18 =	vadd.f32 v25, v18;
	v20 =	vadd.f32 v28, v20  }
0x15b: {  	v28 =	vld [tilespmem:s29+$0xFFFFFF60];
	v17 =	vmov v16  }
0x15c: {  	v16 =	vld [tilespmem:s29+$0xFFFFFF10];
	v19 =	vmov v22  }
0x15d: {  	v22 =	vld [tilespmem:s29+$0xFFFFFF20]  }
0x15e: {  	v25 =	vld [tilespmem:s29+$0xFFFFFF30]  }
0x15f: {  	s28 =	sadd.s32 $0x4, s28;
	v31 =	vld [tilespmem:s29+$0xFFFFFF40]  }
0x160: {  	p1 =	slt.u32 s28, $0x30;
	v26 =	vld [tilespmem:s29+$0xFFFFFF70]  }
.Ltmp9:
0x161: {  	v29 =	vld [tilespmem:s29+$0xFFFFFF80];
	(pc) =	sbr.rel @p1 .LBB2_17-.Ltmp9, $4  }
0x162: {  	v24 =	vld [tilespmem:s29+$0xFFFFFFB0]  }
0x163: {  	v16 =	vadd.f32 v16, v27;
	v22 =	vadd.f32 v22, v30;
	v27 =	vld [tilespmem:s29+$0xFFFFFFC0]  }
0x164: {  	v30 =	vadd.f32 v25, v18;
	v31 =	vadd.f32 v31, v20;
	v25 =	vld [tilespmem:s29+$0xFFFFFFF0]  }
0x165: {  	v32 =	vadd.f32 v32, v16;
	v33 =	vadd.f32 v28, v22;
	v28 =	vld [tilespmem:s29+$0x0];
	s29 =	sadd.s32 $0x100, s29  }
0x166: {  	v16 =	vld [tilespmem:s24+$0xFFFFFFD0]  }
0x167: {  	v18 =	vld [tilespmem:s24+$0xFFFFFFE0]  }
0x168: {  	v20 =	vld [tilespmem:s24+$0xFFFFFF90]  }
0x169: {  	v22 =	vld [tilespmem:s24+$0xFFFFFFA0]  }
0x16a: {  	v34 =	vld [tilespmem:s24+$0xFFFFFF50]  }
0x16b: {  	v35 =	vld [tilespmem:s24+$0xFFFFFF60]  }
0x16c: {  	v36 =	vld [tilespmem:s24+$0xFFFFFF10]  }
0x16d: {  	v37 =	vld [tilespmem:s24+$0xFFFFFF20]  }
0x16e: {  	v26 =	vadd.f32 v26, v30;
	v29 =	vadd.f32 v29, v31;
	v30 =	vld [tilespmem:s24+$0xFFFFFF30]  }
0x16f: {  	v63 =	vld [tilespmem:s24+$0xFFFFFF40];
	v31 =	vadd.f32 v21, v32;
	v23 =	vadd.f32 v23, v33  }
0x170: {  	v21 =	vld [tilespmem:s24+$0xFFFFFF70];
	v24 =	vadd.f32 v24, v26;
	v26 =	vadd.f32 v27, v29  }
0x171: {  	v27 =	vadd.f32 v17, v31;
	v19 =	vadd.f32 v19, v23;
	v23 =	vld [tilespmem:s24+$0xFFFFFF80]  }
0x172: {  	v17 =	vld [tilespmem:s24+$0xFFFFFFB0];
	v25 =	vadd.f32 v25, v24;
	v26 =	vadd.f32 v28, v26  }
0x173: {  	v24 =	vld [tilespmem:s24+$0xFFFFFFC0];
	v28 =	vadd.f32 v36, v27;
	v31 =	vadd.f32 v37, v19  }
0x174: {  	v19 =	vld [tilespmem:s24+$0xFFFFFFF0];
	v27 =	vadd.f32 v30, v25;
	v26 =	vadd.f32 v63, v26  }
0x175: {  	s28 =	simm.s32 $0x0;
	v25 =	vld [tilespmem:s24+$0x0];
	s24 =	simm.s32 $0x6340;
	v29 =	vadd.f32 v34, v28;
	v28 =	vadd.f32 v35, v31  }
.LBB2_19:
0x176: {  	v30 =	vld [tilespmem:s24+$0xFFFFFFD0];
	v21 =	vadd.f32 v21, v27;
	v23 =	vadd.f32 v23, v26  }
0x177: {  	v26 =	vld [tilespmem:s24+$0xFFFFFFE0];
	v27 =	vadd.f32 v20, v29;
	v28 =	vadd.f32 v22, v28  }
0x178: {  	v20 =	vld [tilespmem:s24+$0xFFFFFF90];
	v17 =	vadd.f32 v17, v21;
	v21 =	vadd.f32 v24, v23  }
0x179: {  	v22 =	vld [tilespmem:s24+$0xFFFFFFA0];
	v24 =	vadd.f32 v16, v27;
	v27 =	vadd.f32 v18, v28  }
0x17a: {  	v28 =	vld [tilespmem:s24+$0xFFFFFF50];
	v19 =	vadd.f32 v19, v17;
	v25 =	vadd.f32 v25, v21  }
0x17b: {  	v31 =	vld [tilespmem:s24+$0xFFFFFF60];
	v16 =	vmov v30  }
0x17c: {  	v29 =	vld [tilespmem:s24+$0xFFFFFF10];
	v18 =	vmov v26  }
0x17d: {  	v26 =	vld [tilespmem:s24+$0xFFFFFF20]  }
0x17e: {  	v30 =	vld [tilespmem:s24+$0xFFFFFF30]  }
0x17f: {  	s28 =	sadd.s32 $0x4, s28;
	v32 =	vld [tilespmem:s24+$0xFFFFFF40]  }
0x180: {  	p1 =	slt.u32 s28, $0x28;
	v21 =	vld [tilespmem:s24+$0xFFFFFF70]  }
.Ltmp10:
0x181: {  	v23 =	vld [tilespmem:s24+$0xFFFFFF80];
	(pc) =	sbr.rel @p1 .LBB2_19-.Ltmp10, $4  }
0x182: {  	v17 =	vld [tilespmem:s24+$0xFFFFFFB0]  }
0x183: {  	v29 =	vadd.f32 v29, v24;
	v33 =	vadd.f32 v26, v27;
	v24 =	vld [tilespmem:s24+$0xFFFFFFC0]  }
0x184: {  	v27 =	vadd.f32 v30, v19;
	v26 =	vadd.f32 v32, v25;
	v19 =	vld [tilespmem:s24+$0xFFFFFFF0]  }
0x185: {  	v29 =	vadd.f32 v28, v29;
	v28 =	vadd.f32 v31, v33;
	v25 =	vld [tilespmem:s24+$0x0];
	s24 =	sadd.s32 $0x100, s24  }
0x186: {  	_ = 	snop  }
0x187: {  	v21 =	vadd.f32 v21, v27;
	v20 =	vadd.f32 v20, v29  }
0x188: {  	v23 =	vadd.f32 v23, v26;
	v22 =	vadd.f32 v22, v28  }
0x189: {  	v17 =	vadd.f32 v17, v21;
	v16 =	vadd.f32 v16, v20  }
0x18a: {  	v20 =	vadd.f32 v24, v23;
	v18 =	vadd.f32 v18, v22  }
0x18b: {  	v17 =	vadd.f32 v19, v17;
	v16 =	vmul.f32 $4.999999890e-03, v16  }
0x18c: {  	v19 =	vadd.f32 v25, v20;
	v18 =	vmul.f32 $4.999999890e-03, v18  }
0x18d: {  	[tilespmem:s31+$0xD510] =	vst v16;
	v16 =	vmul.f32 $4.999999890e-03, v17  }
0x18e: {  	[tilespmem:s31+$0xD520] =	vst v18;
	v17 =	vmul.f32 $4.999999890e-03, v19  }
0x18f: {  	[tilespmem:s31+$0xD530] =	vst v16  }
0x190: {  	[tilespmem:s31+$0xD540] =	vst v17  }
0x191: {  	v16 =	vld [tilespmem:$0x4B0];
	_ =	sdelay $0x1  }
0x192: {  	v17 =	vld [tilespmem:$0x4C0];
	_ =	sdelay $0x2  }
0x193: {  	vm0 =	veq.s32 v16, $0x0;
	vm1 =	veq.s32 v16, $0x1  }
0x194: {  	v46 =	vld [tilespmem:$0x4E0];
	vm13 =	veq.s32 v16, $0x2;
	vm14 =	veq.s32 v16, $0x3;
	vm15 =	veq.s32 v16, $0x4  }
0x195: {  	vm4 =	veq.s32 v17, $0x0;
	vm5 =	veq.s32 v17, $0x1;
	vm6 =	veq.s32 v17, $0x2  }
0x196: {  	vm7 =	veq.s32 v17, $0x3;
	vm8 =	veq.s32 v17, $0x4;
	v18 =	vsel vm0, $0x3F800000, v1  }
0x197: {  	v19 =	vsel vm1, $0x3F800000, v1;
	v20 =	vsel vm13, $0x3F800000, v1;
	v21 =	vsel vm14, $0x3F800000, v1  }
0x198: {  	v50 =	vld [tilespmem:$0x500];
	v22 =	vsel vm15, $0x3F800000, v1;
	v23 =	vsel vm4, $0x3F800000, v1;
	v44 =	vsel vm5, $0x3F800000, v1  }
0x199: {  	v56 =	vld [tilespmem:$0x530];
	v45 =	vsel vm6, $0x3F800000, v1;
	vm14 =	veq.s32 v46, $0x0;
	vm15 =	veq.s32 v46, $0x1  }
0x19a: {  	v16 =	vld [tilespmem:$0x4D0];
	vm4 =	veq.s32 v46, $0x2;
	vm5 =	veq.s32 v46, $0x3;
	vm6 =	veq.s32 v46, $0x4  }
0x19b: {  	v18 =	vadd.f32 v23, v18;
	v23 =	vsel vm7, $0x3F800000, v1;
	v17 =	vadd.f32 v44, v19  }
0x19c: {  	v19 =	vsel vm8, $0x3F800000, v1;
	v20 =	vadd.f32 v45, v20;
	v49 =	vsel vm15, $0x3F800000, v1  }
0x19d: {  	v24 =	vsel vm6, $0x3F800000, v1;
	vm15 =	veq.s32 v50, $0x3;
	v21 =	vadd.f32 v23, v21  }
0x19e: {  	v19 =	vadd.f32 v19, v22;
	v53 =	vsel vm15, $0x3F800000, v1;
	vm15 =	veq.s32 v56, $0x0  }
0x19f: {  	vm9 =	veq.s32 v16, $0x0;
	vm10 =	veq.s32 v16, $0x1;
	vm11 =	veq.s32 v16, $0x2  }
0x1a0: {  	v54 =	vld [tilespmem:$0x520];
	vm12 =	veq.s32 v16, $0x3;
	vm13 =	veq.s32 v16, $0x4;
	v47 =	vsel vm9, $0x3F800000, v1  }
0x1a1: {  	v23 =	vsel vm10, $0x3F800000, v1;
	v22 =	vsel vm11, $0x3F800000, v1;
	v48 =	vsel vm12, $0x3F800000, v1  }
0x1a2: {  	vm12 =	veq.s32 v50, $0x0;
	v18 =	vadd.f32 v47, v18;
	v16 =	vadd.f32 v23, v17  }
0x1a3: {  	v17 =	vsel vm13, $0x3F800000, v1;
	v23 =	vld [tilespmem:$0x4F0];
	v20 =	vadd.f32 v22, v20;
	v22 =	vsel vm14, $0x3F800000, v1  }
0x1a4: {  	v21 =	vadd.f32 v48, v21;
	v52 =	vsel vm12, $0x3F800000, v1;
	vm13 =	veq.s32 v50, $0x1  }
0x1a5: {  	vm14 =	veq.s32 v50, $0x2;
	vm12 =	veq.s32 v54, $0x2;
	v17 =	vadd.f32 v17, v19  }
0x1a6: {  	v19 =	vsel vm4, $0x3F800000, v1;
	vm4 =	veq.s32 v50, $0x4;
	v18 =	vadd.f32 v22, v18  }
0x1a7: {  	v22 =	vsel vm5, $0x3F800000, v1;
	v16 =	vadd.f32 v49, v16;
	v19 =	vadd.f32 v19, v20  }
0x1a8: {  	v21 =	vadd.f32 v22, v21;
	v17 =	vadd.f32 v24, v17;
	vm7 =	veq.s32 v23, $0x0  }
0x1a9: {  	vm8 =	veq.s32 v23, $0x1;
	vm9 =	veq.s32 v23, $0x2;
	vm10 =	veq.s32 v23, $0x3  }
0x1aa: {  	vm11 =	veq.s32 v23, $0x4;
	v20 =	vsel vm7, $0x3F800000, v1;
	v22 =	vsel vm8, $0x3F800000, v1  }
0x1ab: {  	v51 =	vsel vm9, $0x3F800000, v1;
	v18 =	vadd.f32 v20, v18;
	v20 =	vsel vm10, $0x3F800000, v1  }
0x1ac: {  	v23 =	vld [tilespmem:$0x510];
	v16 =	vadd.f32 v22, v16;
	v22 =	vsel vm11, $0x3F800000, v1;
	v19 =	vadd.f32 v51, v19  }
0x1ad: {  	vm10 =	veq.s32 v54, $0x0;
	vm11 =	veq.s32 v54, $0x1;
	v20 =	vadd.f32 v20, v21  }
0x1ae: {  	v21 =	vsel vm13, $0x3F800000, v1;
	v17 =	vadd.f32 v22, v17;
	v22 =	vsel vm14, $0x3F800000, v1  }
0x1af: {  	vm13 =	veq.s32 v54, $0x3;
	vm14 =	veq.s32 v54, $0x4;
	v18 =	vadd.f32 v52, v18  }
0x1b0: {  	v16 =	vadd.f32 v21, v16;
	v21 =	vsel vm4, $0x3F800000, v1;
	v19 =	vadd.f32 v22, v19  }
0x1b1: {  	v57 =	vld [tilespmem:$0x540];
	vm4 =	veq.s32 v56, $0x1;
	vm5 =	veq.s32 v23, $0x0;
	vm6 =	veq.s32 v23, $0x1  }
0x1b2: {  	v20 =	vadd.f32 v53, v20;
	vm7 =	veq.s32 v23, $0x2;
	v17 =	vadd.f32 v21, v17  }
0x1b3: {  	vm8 =	veq.s32 v23, $0x3;
	vm9 =	veq.s32 v23, $0x4;
	v22 =	vsel vm5, $0x3F800000, v1  }
0x1b4: {  	v55 =	vsel vm6, $0x3F800000, v1;
	v21 =	vsel vm7, $0x3F800000, v1;
	v23 =	vsel vm9, $0x3F800000, v1  }
0x1b5: {  	vm5 =	veq.s32 v56, $0x2;
	vm6 =	veq.s32 v56, $0x3;
	vm7 =	veq.s32 v56, $0x4  }
0x1b6: {  	vm9 =	veq.s32 v57, $0x1;
	v18 =	vadd.f32 v22, v18;
	v22 =	vsel vm8, $0x3F800000, v1  }
0x1b7: {  	v58 =	vld [tilespmem:$0x550];
	v16 =	vadd.f32 v55, v16;
	v19 =	vadd.f32 v21, v19;
	v21 =	vsel vm10, $0x3F800000, v1  }
0x1b8: {  	v17 =	vadd.f32 v23, v17;
	v23 =	vsel vm12, $0x3F800000, v1;
	vm8 =	veq.s32 v57, $0x0  }
0x1b9: {  	vm10 =	veq.s32 v57, $0x2;
	vm12 =	veq.s32 v57, $0x4;
	v20 =	vadd.f32 v22, v20  }
0x1ba: {  	v22 =	vsel vm11, $0x3F800000, v1;
	vm11 =	veq.s32 v57, $0x3;
	v18 =	vadd.f32 v21, v18  }
0x1bb: {  	v21 =	vsel vm13, $0x3F800000, v1;
	v16 =	vadd.f32 v22, v16;
	v22 =	vsel vm14, $0x3F800000, v1  }
0x1bc: {  	v59 =	vld [tilespmem:$0x560];
	v19 =	vadd.f32 v23, v19;
	v23 =	vsel vm15, $0x3F800000, v1;
	vm13 =	veq.s32 v58, $0x0  }
0x1bd: {  	vm14 =	veq.s32 v58, $0x1;
	vm15 =	veq.s32 v58, $0x2;
	v20 =	vadd.f32 v21, v20  }
0x1be: {  	v21 =	vsel vm4, $0x3F800000, v1;
	v17 =	vadd.f32 v22, v17;
	v22 =	vsel vm5, $0x3F800000, v1  }
0x1bf: {  	v60 =	vld [tilespmem:$0x570];
	vm4 =	veq.s32 v58, $0x3;
	vm5 =	veq.s32 v58, $0x4;
	v18 =	vadd.f32 v23, v18  }
0x1c0: {  	v23 =	vsel vm6, $0x3F800000, v1;
	v16 =	vadd.f32 v21, v16;
	v21 =	vsel vm7, $0x3F800000, v1  }
0x1c1: {  	v19 =	vadd.f32 v22, v19;
	v22 =	vsel vm8, $0x3F800000, v1;
	vm6 =	veq.s32 v59, $0x0  }
0x1c2: {  	vm7 =	veq.s32 v59, $0x1;
	vm8 =	veq.s32 v59, $0x2;
	v20 =	vadd.f32 v23, v20  }
0x1c3: {  	v23 =	vsel vm9, $0x3F800000, v1;
	v17 =	vadd.f32 v21, v17;
	v21 =	vsel vm10, $0x3F800000, v1  }
0x1c4: {  	vm9 =	veq.s32 v60, $0x0;
	vm10 =	veq.s32 v59, $0x3;
	v18 =	vadd.f32 v22, v18  }
0x1c5: {  	v22 =	vsel vm11, $0x3F800000, v1;
	v16 =	vadd.f32 v23, v16;
	v23 =	vsel vm12, $0x3F800000, v1  }
0x1c6: {  	v19 =	vadd.f32 v21, v19;
	v21 =	vsel vm13, $0x3F800000, v1;
	v61 =	vsel vm10, $0x3F800000, v1  }
0x1c7: {  	v20 =	vadd.f32 v22, v20;
	v22 =	vsel vm14, $0x3F800000, v1;
	v17 =	vadd.f32 v23, v17  }
0x1c8: {  	v23 =	vsel vm15, $0x3F800000, v1;
	v18 =	vadd.f32 v21, v18;
	v21 =	vsel vm4, $0x3F800000, v1  }
0x1c9: {  	v16 =	vadd.f32 v22, v16;
	v19 =	vadd.f32 v23, v19;
	v23 =	vsel vm6, $0x3F800000, v1  }
0x1ca: {  	v20 =	vadd.f32 v21, v20;
	v21 =	vsel vm7, $0x3F800000, v1;
	v18 =	vadd.f32 v23, v18  }
0x1cb: {  	vm11 =	veq.s32 v60, $0x1;
	v16 =	vadd.f32 v21, v16;
	v21 =	vsel vm9, $0x3F800000, v1  }
0x1cc: {  	vm12 =	veq.s32 v59, $0x4;
	v22 =	vsel vm5, $0x3F800000, v1;
	v18 =	vadd.f32 v21, v18  }
0x1cd: {  	vm13 =	veq.s32 v60, $0x2;
	v17 =	vadd.f32 v22, v17;
	v21 =	vsel vm11, $0x3F800000, v1  }
0x1ce: {  	v23 =	vsel vm8, $0x3F800000, v1;
	v16 =	vadd.f32 v21, v16;
	v21 =	vperm.xlane v18, v2  }
0x1cf: {  	v22 =	vsel vm12, $0x3F800000, v1;
	v19 =	vadd.f32 v23, v19;
	v20 =	vadd.f32 v61, v20  }
0x1d0: {  	v23 =	vsel vm13, $0x3F800000, v1;
	v18 =	vadd.f32 v18, v21;
	v21 =	vperm.xlane v16, v2  }
0x1d1: {  	vm14 =	veq.s32 v60, $0x3;
	v17 =	vadd.f32 v22, v17;
	v19 =	vadd.f32 v23, v19  }
0x1d2: {  	v22 =	vsel vm14, $0x3F800000, v1;
	v23 =	vperm.xlane v18, v3;
	v16 =	vadd.f32 v21, v16  }
0x1d3: {  	vm15 =	veq.s32 v60, $0x4;
	v20 =	vadd.f32 v22, v20;
	v21 =	vperm.xlane v19, v2  }
0x1d4: {  	v22 =	vsel vm15, $0x3F800000, v1;
	v18 =	vadd.f32 v18, v23;
	v23 =	vperm.xlane v16, v3  }
0x1d5: {  	v17 =	vadd.f32 v22, v17;
	v19 =	vadd.f32 v21, v19;
	v21 =	vperm.xlane v20, v2  }
0x1d6: {  	v22 =	vperm.xlane v18, v4;
	v16 =	vadd.f32 v23, v16  }
0x1d7: {  	v23 =	vperm.xlane v19, v3;
	v20 =	vadd.f32 v21, v20;
	v21 =	vperm.xlane v17, v2  }
0x1d8: {  	v18 =	vadd.f32 v18, v22;
	v22 =	vperm.xlane v16, v4  }
0x1d9: {  	v19 =	vadd.f32 v23, v19;
	v23 =	vperm.xlane v20, v3;
	v17 =	vadd.f32 v21, v17  }
0x1da: {  	v21 =	vperm.xlane v18, v5;
	v16 =	vadd.f32 v22, v16  }
0x1db: {  	v22 =	vperm.xlane v19, v4;
	v20 =	vadd.f32 v23, v20;
	v23 =	vperm.xlane v17, v3  }
0x1dc: {  	v18 =	vadd.f32 v18, v21;
	v21 =	vperm.xlane v16, v5  }
0x1dd: {  	v19 =	vadd.f32 v22, v19;
	v22 =	vperm.xlane v20, v4;
	v17 =	vadd.f32 v23, v17  }
0x1de: {  	v23 =	vmul.f32 v18, v6;
	v16 =	vadd.f32 v21, v16  }
0x1df: {  	v21 =	vperm.xlane v19, v5;
	v20 =	vadd.f32 v22, v20;
	v22 =	vperm.xlane v17, v4  }
0x1e0: {  	v18 =	vmul.f32 v18, v7;
	v23 =	vadd.f32 $0.0e+00, v23;
	v62 =	vmul.f32 v16, v8  }
0x1e1: {  	v19 =	vadd.f32 v21, v19;
	v21 =	vperm.xlane v20, v5;
	v17 =	vadd.f32 v22, v17  }
0x1e2: {  	v18 =	vadd.f32 $0.0e+00, v18;
	v16 =	vmul.f32 v16, v9;
	v22 =	vadd.f32 v62, v23  }
0x1e3: {  	v23 =	vmul.f32 v19, v10;
	v20 =	vadd.f32 v21, v20;
	v21 =	vperm.xlane v17, v5  }
0x1e4: {  	v16 =	vadd.f32 v16, v18;
	v18 =	vmul.f32 v19, v11  }
0x1e5: {  	v19 =	vadd.f32 v23, v22;
	v22 =	vmul.f32 v20, v12;
	v17 =	vadd.f32 v21, v17  }
0x1e6: {  	v16 =	vadd.f32 v18, v16;
	v18 =	vmul.f32 v20, v13  }
0x1e7: {  	v19 =	vadd.f32 v22, v19;
	v20 =	vmul.f32 v17, v14  }
0x1e8: {  	v16 =	vadd.f32 v18, v16;
	v17 =	vmul.f32 v17, v15  }
0x1e9: {  	s24 =	sadd.s32 @!p0 s7, s26;
	v18 =	vadd.f32 v20, v19  }
0x1ea: {  	s24 =	smul.u32 @!p0 $0xC8, s24;
	v16 =	vadd.f32 v17, v16  }
0x1eb: {  	v17 =	vmul.f32 $4.999999890e-03, v18  }
0x1ec: {  	s24 =	sshrl.u32 @!p0 s24, $0x3;
	v16 =	vmul.f32 $4.999999890e-03, v16  }
0x1ed: {  	s24 =	sadd.s32 @!p0 s5, s24;
	[tilespmem:s31+$0xD550] =	vst v17  }
0x1ee: {  	s28 =	simm.s32 @!p0 $0x0;
	s29 =	simm.s32 @!p0 $0x4B0;
	s24 =	sadd.s32 @!p0 $0x32, s24;
	[tilespmem:s31+$0xD560] =	vst v16  }
0x1ef: {  	[tilespmem:s29], [sflag:$0x4] =	stream.linear.gather @!p0 [hbm4b:s24+s28], $0xC8, $0x38;
	[tilespmem:$0x14490] =	vst v63  }
0x1f0: {  	s24 =	simm.s32 @!p0 $0x2  }
0x1f1: {  	_ =	swait.ge @!p0 [sflag:s24], $0xC8  }
0x1f2: {  	[sflag:s24] =	ssyncset.done @!p0 $0x0  }
0x1f3: {  	[sflag:s24] =	ssyncadd.s32 @!p0 $0xFFFFFF38  }
0x1f4: {  	_ =	swait.ge @!p0 [sflag:s24], $0x190  }
0x1f5: {  	[sflag:s24] =	ssyncset.done @!p0 $0x0  }
0x1f6: {  	s29 =	simm.s32 @!p0 $0x650;
	[sflag:s24] =	ssyncadd.s32 @!p0 $0xFFFFFE70;
	s24 =	simm.s32 @!p0 $0x68  }
0x1f7: {  	[tilespmem:s29], [sflag:$0x6] =	stream.indirect.gather @!p0 [hbm4b:s6+s24], $0x20, s28, s24, $0xb8;
	[tilespmem:$0x14490] =	vst v63  }
0x1f8: {  	s31 =	simm.s32 @!p0 $0x1350;
	s29 =	simm.s32 @!p0 $0x60  }
0x1f9: {  	[tilespmem:s31], [sflag:$0x6] =	stream.indirect.gather @!p0 [hbm4b:s6+s29], $0x20, s24, s29, $0xb8;
	[tilespmem:$0x14490] =	vst v63  }
0x1fa: {  	s29 =	simm.s32 @!p0 $0x190;
	s31 =	simm.s32 @!p0 $0x3A50  }
0x1fb: {  	[tilespmem:s31], [sflag:$0x6] =	stream.indirect.gather @!p0 [hbm4b:s8+s24], $0x20, s29, s24, $0xb8;
	[tilespmem:$0x14490] =	vst v63  }
0x1fc: {  	s29 =	simm.s32 @!p0 $0x1F8;
	s31 =	simm.s32 @!p0 $0x4750  }
0x1fd: {  	[tilespmem:s31], [sflag:$0x6] =	stream.indirect.gather @!p0 [hbm4b:s8+s24], $0x20, s29, s24, $0xb8;
	[tilespmem:$0x14490] =	vst v63  }
0x1fe: {  	s29 =	simm.s32 @!p0 $0x260;
	s31 =	simm.s32 @!p0 $0x5450  }
0x1ff: {  	[tilespmem:s31], [sflag:$0x6] =	stream.indirect.gather @!p0 [hbm4b:s8+s24], $0x20, s29, s24, $0xb8;
	[tilespmem:$0x14490] =	vst v63  }
0x200: {  	s24 =	simm.s32 @!p0 $0x58;
	s29 =	simm.s32 @!p0 $0x2C8;
	s31 =	simm.s32 @!p0 $0x6150  }
0x201: {  	[tilespmem:s31], [sflag:$0x6] =	stream.indirect.gather @!p0 [hbm4b:s8+s24], $0x20, s29, s24, $0xb8;
	[tilespmem:$0x14490] =	vst v63  }
0x202: {  	_ =	swait.ge [sflag:s19], $0xD00  }
0x203: {  	[sflag:s19] =	ssyncset.done $0x0  }
0x204: {  	[sflag:s19] =	ssyncadd.s32 $0xFFFFF300  }
0x205: {  	_ =	swait.ge [sflag:s19], $0xC00  }
0x206: {  	[sflag:s19] =	ssyncset.done $0x0  }
0x207: {  	[sflag:s19] =	ssyncadd.s32 $0xFFFFF400  }
0x208: {  	_ =	swait.ge [sflag:s19], $0xD00  }
0x209: {  	[sflag:s19] =	ssyncset.done $0x0  }
0x20a: {  	[sflag:s19] =	ssyncadd.s32 $0xFFFFF300  }
0x20b: {  	_ =	swait.ge [sflag:s19], $0xD00  }
0x20c: {  	[sflag:s19] =	ssyncset.done $0x0  }
0x20d: {  	[sflag:s19] =	ssyncadd.s32 $0xFFFFF300  }
0x20e: {  	s26 =	sor.u32 $0x1, s26;
	_ =	swait.ge [sflag:s19], $0xD00  }
0x20f: {  	s24 =	sor.u32 @!p0 s7, s26;
	[sflag:s19] =	ssyncset.done $0x0  }
0x210: {  	s24 =	sadd.s32 @!p0 $0x2, s24;
	[sflag:s19] =	ssyncadd.s32 $0xFFFFF300  }
0x211: {  	s29 =	smul.u32 @!p0 $0x19, s24;
	_ =	swait.ge [sflag:s19], $0xB00  }
0x212: {  	s31 =	simm.s32 @!p0 $0xC8;
	[sflag:s19] =	ssyncset.done $0x0  }
0x213: {  	s24 =	smul.u32 @!p0 $0x32, s24;
	s29 =	sadd.s32 @!p0 s3, s29;
	[sflag:s19] =	ssyncadd.s32 $0xFFFFF500  }
0x214: {  	[tilespmem:s31], [sflag:$0x3] =	stream.linear.gather @!p0 [hbm4b:s29+s28], $0xC8, $0x38;
	[tilespmem:$0x14490] =	vst v63  }
0x215: {  	s24 =	sadd.s32 @!p0 s4, s24;
	s29 =	simm.s32 @!p0 $0x320  }
0x216: {  	[tilespmem:s29], [sflag:$0x3] =	stream.linear.gather @!p0 [hbm4b:s24+s28], $0x190, $0x38;
	[tilespmem:$0x14490] =	vst v63  }
0x217: {  	_ =	swait.ge [sflag:s30], $0xC8  }
0x218: {  	[sflag:s30] =	ssyncset.done $0x0  }
0x219: {  	s28 =	simm.s32 $0x20C0;
	[sflag:s30] =	ssyncadd.s32 $0xFFFFFF38  }
0x21a: {  	v20 =	vld [tilespmem:s28+$0xFFFFFF90]  }
0x21b: {  	v23 =	vld [tilespmem:s28+$0xFFFFFFA0]  }
0x21c: {  	v18 =	vld [tilespmem:s28+$0xFFFFFFB0]  }
0x21d: {  	v21 =	vld [tilespmem:s28+$0xFFFFFFC0]  }
0x21e: {  	v16 =	vld [tilespmem:s28+$0xFFFFFFD0]  }
0x21f: {  	v63 =	vimm.f32 $0.0e+00;
	v19 =	vld [tilespmem:s28+$0xFFFFFFE0]  }
0x220: {  	v17 =	vld [tilespmem:s28+$0xFFFFFFF0];
	v22 =	vadd.f32 v20, v63;
	v23 =	vadd.f32 v23, v63  }
0x221: {  	s24 =	simm.s32 $0x0;
	v20 =	vld [tilespmem:s28+$0x0];
	s28 =	simm.s32 $0x2140  }
.LBB2_21:
0x222: {  	v24 =	vld [tilespmem:s28+$0xFFFFFF90];
	v22 =	vadd.f32 v18, v22;
	v21 =	vadd.f32 v21, v23  }
0x223: {  	s24 =	sadd.s32 $0x4, s24;
	v23 =	vld [tilespmem:s28+$0xFFFFFFA0]  }
0x224: {  	p1 =	slt.u32 s24, $0x64;
	v18 =	vld [tilespmem:s28+$0xFFFFFFB0];
	v22 =	vadd.f32 v16, v22;
	v19 =	vadd.f32 v19, v21  }
.Ltmp11:
0x225: {  	v21 =	vld [tilespmem:s28+$0xFFFFFFC0];
	(pc) =	sbr.rel @p1 .LBB2_21-.Ltmp11, $4  }
0x226: {  	s29 =	simm.s32 $0x2DC0;
	v16 =	vld [tilespmem:s28+$0xFFFFFFD0];
	v17 =	vadd.f32 v17, v22;
	v20 =	vadd.f32 v20, v19  }
0x227: {  	v19 =	vld [tilespmem:s28+$0xFFFFFFE0]  }
0x228: {  	v22 =	vadd.f32 v24, v17;
	v23 =	vadd.f32 v23, v20;
	v17 =	vld [tilespmem:s28+$0xFFFFFFF0]  }
0x229: {  	v20 =	vld [tilespmem:s28+$0x0];
	s28 =	sadd.s32 $0x80, s28  }
0x22a: {  	v24 =	vld [tilespmem:s29+$0xFFFFFF90];
	v22 =	vadd.f32 v18, v22;
	v21 =	vadd.f32 v21, v23  }
0x22b: {  	v23 =	vld [tilespmem:s29+$0xFFFFFFA0]  }
0x22c: {  	v18 =	vld [tilespmem:s29+$0xFFFFFFB0];
	v22 =	vadd.f32 v16, v22;
	v21 =	vadd.f32 v19, v21  }
0x22d: {  	v19 =	vld [tilespmem:s29+$0xFFFFFFC0]  }
0x22e: {  	v16 =	vld [tilespmem:s29+$0xFFFFFFD0];
	v22 =	vadd.f32 v17, v22;
	v21 =	vadd.f32 v20, v21  }
0x22f: {  	v20 =	vld [tilespmem:s29+$0xFFFFFFE0]  }
0x230: {  	v17 =	vld [tilespmem:s29+$0xFFFFFFF0];
	v22 =	vadd.f32 v24, v22;
	v23 =	vadd.f32 v23, v21  }
0x231: {  	s24 =	simm.s32 $0x0;
	s28 =	simm.s32 $0x2E40;
	v21 =	vld [tilespmem:s29+$0x0]  }
.LBB2_23:
0x232: {  	v24 =	vld [tilespmem:s28+$0xFFFFFF90];
	v22 =	vadd.f32 v18, v22;
	v19 =	vadd.f32 v19, v23  }
0x233: {  	s24 =	sadd.s32 $0x4, s24;
	v23 =	vld [tilespmem:s28+$0xFFFFFFA0]  }
0x234: {  	p1 =	slt.u32 s24, $0x5C;
	v18 =	vld [tilespmem:s28+$0xFFFFFFB0];
	v22 =	vadd.f32 v16, v22;
	v20 =	vadd.f32 v20, v19  }
.Ltmp12:
0x235: {  	v19 =	vld [tilespmem:s28+$0xFFFFFFC0];
	(pc) =	sbr.rel @p1 .LBB2_23-.Ltmp12, $4  }
0x236: {  	v16 =	vld [tilespmem:s28+$0xFFFFFFD0];
	v17 =	vadd.f32 v17, v22;
	v21 =	vadd.f32 v21, v20  }
0x237: {  	v20 =	vld [tilespmem:s28+$0xFFFFFFE0]  }
0x238: {  	v22 =	vadd.f32 v24, v17;
	v23 =	vadd.f32 v23, v21;
	v17 =	vld [tilespmem:s28+$0xFFFFFFF0]  }
0x239: {  	v21 =	vld [tilespmem:s28+$0x0];
	s28 =	sadd.s32 $0x80, s28  }
0x23a: {  	v18 =	vadd.f32 v18, v22  }
0x23b: {  	v19 =	vadd.f32 v19, v23  }
0x23c: {  	v16 =	vadd.f32 v16, v18  }
0x23d: {  	v18 =	vadd.f32 v20, v19  }
0x23e: {  	v16 =	vadd.f32 v17, v16  }
0x23f: {  	s24 =	smul.u32 $0x380, s26;
	v17 =	vadd.f32 v21, v18  }
0x240: {  	v16 =	vmul.f32 $4.999999890e-03, v16  }
0x241: {  	s31 =	sshra.s32 s24, $0x2;
	v17 =	vmul.f32 $4.999999890e-03, v17  }
0x242: {  	[tilespmem:s31+$0xD4F0] =	vst v16  }
0x243: {  	s28 =	simm.s32 $0x6F40;
	[tilespmem:s31+$0xD500] =	vst v17  }
0x244: {  	v17 =	vld [tilespmem:s28+$0xFFFFFFD0]  }
0x245: {  	v19 =	vld [tilespmem:s28+$0xFFFFFFE0]  }
0x246: {  	v21 =	vld [tilespmem:s28+$0xFFFFFF90]  }
0x247: {  	v23 =	vld [tilespmem:s28+$0xFFFFFFA0]  }
0x248: {  	v16 =	vld [tilespmem:s28+$0xFFFFFF50]  }
0x249: {  	v18 =	vld [tilespmem:s28+$0xFFFFFF60]  }
0x24a: {  	v20 =	vld [tilespmem:s28+$0xFFFFFF10]  }
0x24b: {  	v22 =	vld [tilespmem:s28+$0xFFFFFF20]  }
0x24c: {  	v25 =	vld [tilespmem:s28+$0xFFFFFF30]  }
0x24d: {  	v28 =	vld [tilespmem:s28+$0xFFFFFF40]  }
0x24e: {  	v27 =	vld [tilespmem:s28+$0xFFFFFF70]  }
0x24f: {  	v29 =	vld [tilespmem:s28+$0xFFFFFF80]  }
0x250: {  	v31 =	vimm.f32 $0.0e+00;
	v24 =	vld [tilespmem:s28+$0xFFFFFFB0]  }
0x251: {  	v26 =	vld [tilespmem:s28+$0xFFFFFFC0];
	v20 =	vadd.f32 v20, v31;
	v22 =	vadd.f32 v22, v31  }
0x252: {  	v30 =	vadd.f32 v25, v31;
	v31 =	vadd.f32 v28, v31;
	v25 =	vld [tilespmem:s28+$0xFFFFFFF0]  }
0x253: {  	s24 =	simm.s32 $0x0;
	v28 =	vld [tilespmem:s28+$0x0];
	s28 =	simm.s32 $0x7040;
	v32 =	vadd.f32 v16, v20;
	v33 =	vadd.f32 v18, v22  }
.LBB2_25:
0x254: {  	v16 =	vld [tilespmem:s28+$0xFFFFFFD0];
	v18 =	vadd.f32 v27, v30;
	v20 =	vadd.f32 v29, v31  }
0x255: {  	v22 =	vld [tilespmem:s28+$0xFFFFFFE0];
	v27 =	vadd.f32 v21, v32;
	v29 =	vadd.f32 v23, v33  }
0x256: {  	v21 =	vld [tilespmem:s28+$0xFFFFFF90];
	v18 =	vadd.f32 v24, v18;
	v20 =	vadd.f32 v26, v20  }
0x257: {  	v23 =	vld [tilespmem:s28+$0xFFFFFFA0];
	v26 =	vadd.f32 v17, v27;
	v30 =	vadd.f32 v19, v29  }
0x258: {  	v32 =	vld [tilespmem:s28+$0xFFFFFF50];
	v18 =	vadd.f32 v25, v18;
	v20 =	vadd.f32 v28, v20  }
0x259: {  	v28 =	vld [tilespmem:s28+$0xFFFFFF60];
	v17 =	vmov v16  }
0x25a: {  	v16 =	vld [tilespmem:s28+$0xFFFFFF10];
	v19 =	vmov v22  }
0x25b: {  	v22 =	vld [tilespmem:s28+$0xFFFFFF20]  }
0x25c: {  	v25 =	vld [tilespmem:s28+$0xFFFFFF30]  }
0x25d: {  	s24 =	sadd.s32 $0x4, s24;
	v31 =	vld [tilespmem:s28+$0xFFFFFF40]  }
0x25e: {  	p1 =	slt.u32 s24, $0x30;
	v27 =	vld [tilespmem:s28+$0xFFFFFF70]  }
.Ltmp13:
0x25f: {  	v29 =	vld [tilespmem:s28+$0xFFFFFF80];
	(pc) =	sbr.rel @p1 .LBB2_25-.Ltmp13, $4  }
0x260: {  	v24 =	vld [tilespmem:s28+$0xFFFFFFB0]  }
0x261: {  	v16 =	vadd.f32 v16, v26;
	v22 =	vadd.f32 v22, v30;
	v26 =	vld [tilespmem:s28+$0xFFFFFFC0]  }
0x262: {  	v30 =	vadd.f32 v25, v18;
	v31 =	vadd.f32 v31, v20;
	v25 =	vld [tilespmem:s28+$0xFFFFFFF0]  }
0x263: {  	v32 =	vadd.f32 v32, v16;
	v33 =	vadd.f32 v28, v22;
	v28 =	vld [tilespmem:s28+$0x0];
	s28 =	sadd.s32 $0x100, s28  }
0x264: {  	s28 =	simm.s32 $0x7B50  }
0x265: {  	v16 =	vld [tilespmem:s28+$0xC0]  }
0x266: {  	v18 =	vld [tilespmem:s28+$0xD0]  }
0x267: {  	v20 =	vld [tilespmem:s28+$0x80]  }
0x268: {  	v22 =	vld [tilespmem:s28+$0x90]  }
0x269: {  	v34 =	vld [tilespmem:s28+$0x40]  }
0x26a: {  	v35 =	vld [tilespmem:s28+$0x50]  }
0x26b: {  	v36 =	vld [tilespmem:s28+$0x0]  }
0x26c: {  	v37 =	vld [tilespmem:s28+$0x10]  }
0x26d: {  	v27 =	vadd.f32 v27, v30;
	v29 =	vadd.f32 v29, v31;
	v30 =	vld [tilespmem:s28+$0x20]  }
0x26e: {  	v21 =	vadd.f32 v21, v32;
	v23 =	vadd.f32 v23, v33;
	v31 =	vld [tilespmem:s28+$0x30]  }
0x26f: {  	v24 =	vadd.f32 v24, v27;
	v27 =	vadd.f32 v26, v29;
	v26 =	vld [tilespmem:s28+$0x60]  }
0x270: {  	v29 =	vld [tilespmem:s28+$0x70];
	v17 =	vadd.f32 v17, v21;
	v19 =	vadd.f32 v19, v23  }
0x271: {  	v21 =	vadd.f32 v25, v24;
	v23 =	vadd.f32 v28, v27;
	v24 =	vld [tilespmem:s28+$0xA0]  }
0x272: {  	v27 =	vld [tilespmem:s28+$0xB0];
	v17 =	vadd.f32 v36, v17;
	v19 =	vadd.f32 v37, v19  }
0x273: {  	v25 =	vld [tilespmem:s28+$0xE0];
	v30 =	vadd.f32 v30, v21;
	v31 =	vadd.f32 v31, v23  }
0x274: {  	s24 =	simm.s32 $0x0;
	v28 =	vld [tilespmem:s28+$0xF0];
	s28 =	simm.s32 $0x7C50;
	v32 =	vadd.f32 v34, v17;
	v33 =	vadd.f32 v35, v19  }
.LBB2_27:
0x275: {  	v17 =	vld [tilespmem:s28+$0xC0];
	v19 =	vadd.f32 v26, v30;
	v21 =	vadd.f32 v29, v31  }
0x276: {  	v23 =	vld [tilespmem:s28+$0xD0];
	v26 =	vadd.f32 v20, v32;
	v29 =	vadd.f32 v22, v33  }
0x277: {  	v20 =	vld [tilespmem:s28+$0x80];
	v19 =	vadd.f32 v24, v19;
	v21 =	vadd.f32 v27, v21  }
0x278: {  	v22 =	vld [tilespmem:s28+$0x90];
	v27 =	vadd.f32 v16, v26;
	v30 =	vadd.f32 v18, v29  }
0x279: {  	v32 =	vld [tilespmem:s28+$0x40];
	v19 =	vadd.f32 v25, v19;
	v21 =	vadd.f32 v28, v21  }
0x27a: {  	v28 =	vld [tilespmem:s28+$0x50];
	v16 =	vmov v17  }
0x27b: {  	v17 =	vld [tilespmem:s28+$0x0];
	v18 =	vmov v23  }
0x27c: {  	v23 =	vld [tilespmem:s28+$0x10]  }
0x27d: {  	v25 =	vld [tilespmem:s28+$0x20]  }
0x27e: {  	s24 =	sadd.s32 $0x4, s24;
	v31 =	vld [tilespmem:s28+$0x30]  }
0x27f: {  	p1 =	slt.u32 s24, $0x30;
	v26 =	vld [tilespmem:s28+$0x60]  }
.Ltmp14:
0x280: {  	v29 =	vld [tilespmem:s28+$0x70];
	(pc) =	sbr.rel @p1 .LBB2_27-.Ltmp14, $4  }
0x281: {  	v24 =	vld [tilespmem:s28+$0xA0]  }
0x282: {  	v17 =	vadd.f32 v17, v27;
	v23 =	vadd.f32 v23, v30;
	v27 =	vld [tilespmem:s28+$0xB0]  }
0x283: {  	v30 =	vadd.f32 v25, v19;
	v31 =	vadd.f32 v31, v21;
	v25 =	vld [tilespmem:s28+$0xE0]  }
0x284: {  	v32 =	vadd.f32 v32, v17;
	v33 =	vadd.f32 v28, v23;
	v28 =	vld [tilespmem:s28+$0xF0];
	s28 =	sadd.s32 $0x100, s28  }
0x285: {  	s28 =	simm.s32 $0x8850  }
0x286: {  	v17 =	vld [tilespmem:s28+$0xC0]  }
0x287: {  	v19 =	vld [tilespmem:s28+$0xD0]  }
0x288: {  	v21 =	vld [tilespmem:s28+$0x80]  }
0x289: {  	v23 =	vld [tilespmem:s28+$0x90]  }
0x28a: {  	v34 =	vld [tilespmem:s28+$0x40]  }
0x28b: {  	v35 =	vld [tilespmem:s28+$0x50]  }
0x28c: {  	v36 =	vld [tilespmem:s28+$0x0]  }
0x28d: {  	v37 =	vld [tilespmem:s28+$0x10]  }
0x28e: {  	v26 =	vadd.f32 v26, v30;
	v29 =	vadd.f32 v29, v31;
	v30 =	vld [tilespmem:s28+$0x20]  }
0x28f: {  	v20 =	vadd.f32 v20, v32;
	v22 =	vadd.f32 v22, v33;
	v31 =	vld [tilespmem:s28+$0x30]  }
0x290: {  	v24 =	vadd.f32 v24, v26;
	v27 =	vadd.f32 v27, v29;
	v26 =	vld [tilespmem:s28+$0x60]  }
0x291: {  	v29 =	vld [tilespmem:s28+$0x70];
	v16 =	vadd.f32 v16, v20;
	v18 =	vadd.f32 v18, v22  }
0x292: {  	v20 =	vadd.f32 v25, v24;
	v22 =	vadd.f32 v28, v27;
	v24 =	vld [tilespmem:s28+$0xA0]  }
0x293: {  	v27 =	vld [tilespmem:s28+$0xB0];
	v16 =	vadd.f32 v36, v16;
	v18 =	vadd.f32 v37, v18  }
0x294: {  	v25 =	vld [tilespmem:s28+$0xE0];
	v30 =	vadd.f32 v30, v20;
	v31 =	vadd.f32 v31, v22  }
0x295: {  	s24 =	simm.s32 $0x0;
	v28 =	vld [tilespmem:s28+$0xF0];
	s28 =	simm.s32 $0x8950;
	v32 =	vadd.f32 v34, v16;
	v33 =	vadd.f32 v35, v18  }
.LBB2_29:
0x296: {  	v16 =	vld [tilespmem:s28+$0xC0];
	v18 =	vadd.f32 v26, v30;
	v20 =	vadd.f32 v29, v31  }
0x297: {  	v22 =	vld [tilespmem:s28+$0xD0];
	v26 =	vadd.f32 v21, v32;
	v29 =	vadd.f32 v23, v33  }
0x298: {  	v21 =	vld [tilespmem:s28+$0x80];
	v18 =	vadd.f32 v24, v18;
	v20 =	vadd.f32 v27, v20  }
0x299: {  	v23 =	vld [tilespmem:s28+$0x90];
	v27 =	vadd.f32 v17, v26;
	v30 =	vadd.f32 v19, v29  }
0x29a: {  	v32 =	vld [tilespmem:s28+$0x40];
	v18 =	vadd.f32 v25, v18;
	v20 =	vadd.f32 v28, v20  }
0x29b: {  	v28 =	vld [tilespmem:s28+$0x50];
	v17 =	vmov v16  }
0x29c: {  	v16 =	vld [tilespmem:s28+$0x0];
	v19 =	vmov v22  }
0x29d: {  	v22 =	vld [tilespmem:s28+$0x10]  }
0x29e: {  	v25 =	vld [tilespmem:s28+$0x20]  }
0x29f: {  	s24 =	sadd.s32 $0x4, s24;
	v31 =	vld [tilespmem:s28+$0x30]  }
0x2a0: {  	p1 =	slt.u32 s24, $0x30;
	v26 =	vld [tilespmem:s28+$0x60]  }
.Ltmp15:
0x2a1: {  	v29 =	vld [tilespmem:s28+$0x70];
	(pc) =	sbr.rel @p1 .LBB2_29-.Ltmp15, $4  }
0x2a2: {  	v24 =	vld [tilespmem:s28+$0xA0]  }
0x2a3: {  	v16 =	vadd.f32 v16, v27;
	v22 =	vadd.f32 v22, v30;
	v27 =	vld [tilespmem:s28+$0xB0]  }
0x2a4: {  	v30 =	vadd.f32 v25, v18;
	v31 =	vadd.f32 v31, v20;
	v25 =	vld [tilespmem:s28+$0xE0]  }
0x2a5: {  	v32 =	vadd.f32 v32, v16;
	v33 =	vadd.f32 v28, v22;
	v28 =	vld [tilespmem:s28+$0xF0];
	s28 =	sadd.s32 $0x100, s28  }
0x2a6: {  	s28 =	simm.s32 $0x9550  }
0x2a7: {  	v16 =	vld [tilespmem:s28+$0xC0]  }
0x2a8: {  	v18 =	vld [tilespmem:s28+$0xD0]  }
0x2a9: {  	v20 =	vld [tilespmem:s28+$0x80]  }
0x2aa: {  	v22 =	vld [tilespmem:s28+$0x90]  }
0x2ab: {  	v34 =	vld [tilespmem:s28+$0x40]  }
0x2ac: {  	v35 =	vld [tilespmem:s28+$0x50]  }
0x2ad: {  	v36 =	vld [tilespmem:s28+$0x0]  }
0x2ae: {  	v37 =	vld [tilespmem:s28+$0x10]  }
0x2af: {  	v26 =	vadd.f32 v26, v30;
	v29 =	vadd.f32 v29, v31;
	v30 =	vld [tilespmem:s28+$0x20]  }
0x2b0: {  	v31 =	vadd.f32 v21, v32;
	v23 =	vadd.f32 v23, v33;
	v63 =	vld [tilespmem:s28+$0x30]  }
0x2b1: {  	v21 =	vld [tilespmem:s28+$0x60];
	v24 =	vadd.f32 v24, v26;
	v26 =	vadd.f32 v27, v29  }
0x2b2: {  	v27 =	vadd.f32 v17, v31;
	v19 =	vadd.f32 v19, v23;
	v23 =	vld [tilespmem:s28+$0x70]  }
0x2b3: {  	v17 =	vld [tilespmem:s28+$0xA0];
	v25 =	vadd.f32 v25, v24;
	v26 =	vadd.f32 v28, v26  }
0x2b4: {  	v24 =	vld [tilespmem:s28+$0xB0];
	v28 =	vadd.f32 v36, v27;
	v31 =	vadd.f32 v37, v19  }
0x2b5: {  	v27 =	vadd.f32 v30, v25;
	v26 =	vadd.f32 v63, v26;
	v19 =	vld [tilespmem:s28+$0xE0]  }
0x2b6: {  	s24 =	simm.s32 $0x0;
	v25 =	vld [tilespmem:s28+$0xF0];
	s28 =	simm.s32 $0x9650;
	v29 =	vadd.f32 v34, v28;
	v28 =	vadd.f32 v35, v31  }
.LBB2_31:
0x2b7: {  	v30 =	vld [tilespmem:s28+$0xC0];
	v21 =	vadd.f32 v21, v27;
	v23 =	vadd.f32 v23, v26  }
0x2b8: {  	v26 =	vld [tilespmem:s28+$0xD0];
	v27 =	vadd.f32 v20, v29;
	v28 =	vadd.f32 v22, v28  }
0x2b9: {  	v20 =	vld [tilespmem:s28+$0x80];
	v17 =	vadd.f32 v17, v21;
	v21 =	vadd.f32 v24, v23  }
0x2ba: {  	v22 =	vld [tilespmem:s28+$0x90];
	v24 =	vadd.f32 v16, v27;
	v27 =	vadd.f32 v18, v28  }
0x2bb: {  	v28 =	vld [tilespmem:s28+$0x40];
	v19 =	vadd.f32 v19, v17;
	v25 =	vadd.f32 v25, v21  }
0x2bc: {  	v31 =	vld [tilespmem:s28+$0x50];
	v16 =	vmov v30  }
0x2bd: {  	v29 =	vld [tilespmem:s28+$0x0];
	v18 =	vmov v26  }
0x2be: {  	v26 =	vld [tilespmem:s28+$0x10]  }
0x2bf: {  	v30 =	vld [tilespmem:s28+$0x20]  }
0x2c0: {  	s24 =	sadd.s32 $0x4, s24;
	v32 =	vld [tilespmem:s28+$0x30]  }
0x2c1: {  	p1 =	slt.u32 s24, $0x28;
	v21 =	vld [tilespmem:s28+$0x60]  }
.Ltmp16:
0x2c2: {  	v23 =	vld [tilespmem:s28+$0x70];
	(pc) =	sbr.rel @p1 .LBB2_31-.Ltmp16, $4  }
0x2c3: {  	v17 =	vld [tilespmem:s28+$0xA0]  }
0x2c4: {  	v29 =	vadd.f32 v29, v24;
	v33 =	vadd.f32 v26, v27;
	v24 =	vld [tilespmem:s28+$0xB0]  }
0x2c5: {  	v27 =	vadd.f32 v30, v19;
	v26 =	vadd.f32 v32, v25;
	v19 =	vld [tilespmem:s28+$0xE0]  }
0x2c6: {  	v29 =	vadd.f32 v28, v29;
	v28 =	vadd.f32 v31, v33;
	v25 =	vld [tilespmem:s28+$0xF0];
	s28 =	sadd.s32 $0x100, s28  }
0x2c7: {  	_ = 	snop  }
0x2c8: {  	v21 =	vadd.f32 v21, v27;
	v20 =	vadd.f32 v20, v29  }
0x2c9: {  	v23 =	vadd.f32 v23, v26;
	v22 =	vadd.f32 v22, v28  }
0x2ca: {  	v17 =	vadd.f32 v17, v21;
	v16 =	vadd.f32 v16, v20  }
0x2cb: {  	v32 =	vadd.f32 v24, v23;
	v18 =	vadd.f32 v18, v22  }
0x2cc: {  	v17 =	vadd.f32 v19, v17;
	v16 =	vmul.f32 $4.999999890e-03, v16  }
0x2cd: {  	v33 =	vadd.f32 v25, v32;
	v18 =	vmul.f32 $4.999999890e-03, v18  }
0x2ce: {  	[tilespmem:s31+$0xD510] =	vst v16;
	v16 =	vmul.f32 $4.999999890e-03, v17  }
0x2cf: {  	[tilespmem:s31+$0xD520] =	vst v18;
	v17 =	vmul.f32 $4.999999890e-03, v33  }
0x2d0: {  	[tilespmem:s31+$0xD530] =	vst v16  }
0x2d1: {  	[tilespmem:s31+$0xD540] =	vst v17  }
0x2d2: {  	v16 =	vld [tilespmem:$0x580]  }
0x2d3: {  	v17 =	vld [tilespmem:$0x590];
	_ =	sdelay $0x3  }
0x2d4: {  	vm0 =	veq.s32 v16, $0x0;
	vm1 =	veq.s32 v16, $0x1;
	vm13 =	veq.s32 v16, $0x2  }
0x2d5: {  	v44 =	vld [tilespmem:$0x5B0];
	vm14 =	veq.s32 v16, $0x3;
	vm15 =	veq.s32 v16, $0x4;
	vm4 =	veq.s32 v17, $0x0  }
0x2d6: {  	vm5 =	veq.s32 v17, $0x1;
	vm6 =	veq.s32 v17, $0x2;
	vm7 =	veq.s32 v17, $0x3  }
0x2d7: {  	v49 =	vld [tilespmem:$0x5C0];
	vm8 =	veq.s32 v17, $0x4;
	v34 =	vsel vm0, $0x3F800000, v1;
	v35 =	vsel vm1, $0x3F800000, v1  }
0x2d8: {  	v36 =	vsel vm13, $0x3F800000, v1;
	v37 =	vsel vm14, $0x3F800000, v1;
	v38 =	vsel vm15, $0x3F800000, v1  }
0x2d9: {  	v39 =	vsel vm4, $0x3F800000, v1;
	v40 =	vsel vm5, $0x3F800000, v1;
	v41 =	vsel vm6, $0x3F800000, v1  }
0x2da: {  	v42 =	vsel vm7, $0x3F800000, v1;
	v43 =	vsel vm8, $0x3F800000, v1;
	vm14 =	veq.s32 v44, $0x0  }
0x2db: {  	vm15 =	veq.s32 v44, $0x1;
	vm4 =	veq.s32 v44, $0x2;
	vm5 =	veq.s32 v44, $0x3  }
0x2dc: {  	v54 =	vld [tilespmem:$0x5D0];
	vm6 =	veq.s32 v44, $0x4;
	vm7 =	veq.s32 v49, $0x0;
	v18 =	vadd.f32 v39, v34  }
0x2dd: {  	v60 =	vld [tilespmem:$0x5E0];
	vm8 =	veq.s32 v49, $0x1;
	v17 =	vadd.f32 v40, v35;
	v20 =	vadd.f32 v41, v36  }
0x2de: {  	v21 =	vadd.f32 v42, v37;
	v19 =	vadd.f32 v43, v38;
	v50 =	vsel vm14, $0x3F800000, v1  }
0x2df: {  	v51 =	vsel vm15, $0x3F800000, v1;
	v52 =	vsel vm4, $0x3F800000, v1;
	v53 =	vsel vm5, $0x3F800000, v1  }
0x2e0: {  	v30 =	vld [tilespmem:$0x5F0];
	v24 =	vsel vm6, $0x3F800000, v1;
	v55 =	vsel vm7, $0x3F800000, v1;
	v56 =	vsel vm8, $0x3F800000, v1  }
0x2e1: {  	v16 =	vld [tilespmem:$0x5A0];
	vm14 =	veq.s32 v54, $0x2;
	vm15 =	veq.s32 v54, $0x3;
	vm4 =	veq.s32 v54, $0x4  }
0x2e2: {  	vm5 =	veq.s32 v60, $0x0;
	vm6 =	veq.s32 v60, $0x1;
	vm7 =	veq.s32 v60, $0x2  }
0x2e3: {  	vm8 =	veq.s32 v60, $0x3;
	v63 =	vsel vm14, $0x3F800000, v1;
	v28 =	vsel vm15, $0x3F800000, v1  }
0x2e4: {  	v29 =	vsel vm4, $0x3F800000, v1;
	v31 =	vsel vm5, $0x3F800000, v1;
	v32 =	vsel vm6, $0x3F800000, v1  }
0x2e5: {  	v33 =	vsel vm7, $0x3F800000, v1;
	v34 =	vsel vm8, $0x3F800000, v1;
	vm14 =	veq.s32 v30, $0x4  }
0x2e6: {  	v40 =	vsel vm14, $0x3F800000, v1;
	vm9 =	veq.s32 v16, $0x0;
	vm10 =	veq.s32 v16, $0x1  }
0x2e7: {  	vm11 =	veq.s32 v16, $0x2;
	vm12 =	veq.s32 v16, $0x3;
	vm13 =	veq.s32 v16, $0x4  }
0x2e8: {  	v45 =	vsel vm9, $0x3F800000, v1;
	v46 =	vsel vm10, $0x3F800000, v1;
	v47 =	vsel vm11, $0x3F800000, v1  }
0x2e9: {  	v48 =	vsel vm12, $0x3F800000, v1;
	vm9 =	veq.s32 v49, $0x2;
	vm10 =	veq.s32 v49, $0x3  }
0x2ea: {  	v35 =	vld [tilespmem:$0x600];
	vm11 =	veq.s32 v49, $0x4;
	vm12 =	veq.s32 v54, $0x0;
	v18 =	vadd.f32 v45, v18  }
0x2eb: {  	v16 =	vadd.f32 v46, v17;
	v17 =	vsel vm13, $0x3F800000, v1;
	v20 =	vadd.f32 v47, v20  }
0x2ec: {  	v41 =	vld [tilespmem:$0x610];
	v21 =	vadd.f32 v48, v21;
	v57 =	vsel vm9, $0x3F800000, v1;
	v58 =	vsel vm10, $0x3F800000, v1  }
0x2ed: {  	v59 =	vsel vm11, $0x3F800000, v1;
	v61 =	vsel vm12, $0x3F800000, v1;
	vm13 =	veq.s32 v54, $0x1  }
0x2ee: {  	vm9 =	veq.s32 v60, $0x4;
	vm10 =	veq.s32 v30, $0x0;
	vm11 =	veq.s32 v30, $0x1  }
0x2ef: {  	vm12 =	veq.s32 v30, $0x2;
	vm15 =	veq.s32 v35, $0x0;
	vm4 =	veq.s32 v35, $0x1  }
0x2f0: {  	vm5 =	veq.s32 v35, $0x2;
	vm6 =	veq.s32 v35, $0x3;
	vm7 =	veq.s32 v35, $0x4  }
0x2f1: {  	vm8 =	veq.s32 v41, $0x0;
	v17 =	vadd.f32 v17, v19;
	v62 =	vsel vm13, $0x3F800000, v1  }
0x2f2: {  	v23 =	vsel vm9, $0x3F800000, v1;
	v36 =	vsel vm10, $0x3F800000, v1;
	v37 =	vsel vm11, $0x3F800000, v1  }
0x2f3: {  	v38 =	vsel vm12, $0x3F800000, v1;
	vm13 =	veq.s32 v30, $0x3;
	v42 =	vsel vm15, $0x3F800000, v1  }
0x2f4: {  	v43 =	vsel vm4, $0x3F800000, v1;
	v44 =	vsel vm5, $0x3F800000, v1;
	v45 =	vsel vm6, $0x3F800000, v1  }
0x2f5: {  	v46 =	vsel vm7, $0x3F800000, v1;
	v48 =	vsel vm8, $0x3F800000, v1;
	vm9 =	veq.s32 v41, $0x1  }
0x2f6: {  	vm10 =	veq.s32 v41, $0x2;
	vm11 =	veq.s32 v41, $0x3;
	v18 =	vadd.f32 v50, v18  }
0x2f7: {  	v47 =	vld [tilespmem:$0x620];
	vm12 =	veq.s32 v41, $0x4;
	v16 =	vadd.f32 v51, v16;
	v19 =	vadd.f32 v52, v20  }
0x2f8: {  	v21 =	vadd.f32 v53, v21;
	v39 =	vsel vm13, $0x3F800000, v1;
	v49 =	vsel vm9, $0x3F800000, v1  }
0x2f9: {  	v50 =	vsel vm10, $0x3F800000, v1;
	v17 =	vadd.f32 v24, v17;
	v18 =	vadd.f32 v55, v18  }
0x2fa: {  	v51 =	vsel vm11, $0x3F800000, v1;
	v16 =	vadd.f32 v56, v16;
	v19 =	vadd.f32 v57, v19  }
0x2fb: {  	v52 =	vsel vm12, $0x3F800000, v1;
	v20 =	vadd.f32 v58, v21;
	v17 =	vadd.f32 v59, v17  }
0x2fc: {  	v53 =	vld [tilespmem:$0x630];
	vm13 =	veq.s32 v47, $0x0;
	vm14 =	veq.s32 v47, $0x1;
	vm15 =	veq.s32 v47, $0x2  }
0x2fd: {  	vm4 =	veq.s32 v47, $0x3;
	v18 =	vadd.f32 v61, v18;
	v16 =	vadd.f32 v62, v16  }
0x2fe: {  	vm5 =	veq.s32 v47, $0x4;
	v19 =	vadd.f32 v63, v19;
	v20 =	vadd.f32 v28, v20  }
0x2ff: {  	v54 =	vsel vm13, $0x3F800000, v1;
	v55 =	vsel vm14, $0x3F800000, v1;
	v56 =	vsel vm15, $0x3F800000, v1  }
0x300: {  	v58 =	vsel vm4, $0x3F800000, v1;
	v59 =	vsel vm5, $0x3F800000, v1;
	v17 =	vadd.f32 v29, v17  }
0x301: {  	vm6 =	veq.s32 v53, $0x0;
	vm7 =	veq.s32 v53, $0x1;
	vm8 =	veq.s32 v53, $0x2  }
0x302: {  	vm10 =	veq.s32 v53, $0x3;
	v18 =	vadd.f32 v31, v18;
	v16 =	vadd.f32 v32, v16  }
0x303: {  	v57 =	vld [tilespmem:$0x640];
	vm12 =	veq.s32 v53, $0x4;
	v19 =	vadd.f32 v33, v19;
	v20 =	vadd.f32 v34, v20  }
0x304: {  	v60 =	vsel vm6, $0x3F800000, v1;
	v61 =	vsel vm7, $0x3F800000, v1;
	v18 =	vadd.f32 v36, v18  }
0x305: {  	v62 =	vsel vm8, $0x3F800000, v1;
	v17 =	vadd.f32 v23, v17;
	v16 =	vadd.f32 v37, v16  }
0x306: {  	v28 =	vsel vm10, $0x3F800000, v1;
	v19 =	vadd.f32 v38, v19;
	v18 =	vadd.f32 v42, v18  }
0x307: {  	v31 =	vsel vm12, $0x3F800000, v1;
	v20 =	vadd.f32 v39, v20;
	v17 =	vadd.f32 v40, v17  }
0x308: {  	vm9 =	veq.s32 v57, $0x0;
	v16 =	vadd.f32 v43, v16;
	v18 =	vadd.f32 v48, v18  }
0x309: {  	vm11 =	veq.s32 v57, $0x1;
	v19 =	vadd.f32 v44, v19;
	v20 =	vadd.f32 v45, v20  }
0x30a: {  	vm13 =	veq.s32 v57, $0x2;
	v16 =	vadd.f32 v49, v16;
	v18 =	vadd.f32 v54, v18  }
0x30b: {  	vm14 =	veq.s32 v57, $0x3;
	v17 =	vadd.f32 v46, v17;
	v19 =	vadd.f32 v50, v19  }
0x30c: {  	vm15 =	veq.s32 v57, $0x4;
	v16 =	vadd.f32 v55, v16;
	v18 =	vadd.f32 v60, v18  }
0x30d: {  	v63 =	vsel vm9, $0x3F800000, v1;
	v20 =	vadd.f32 v51, v20;
	v19 =	vadd.f32 v56, v19  }
0x30e: {  	v29 =	vsel vm11, $0x3F800000, v1;
	v16 =	vadd.f32 v61, v16;
	v18 =	vadd.f32 v63, v18  }
0x30f: {  	v32 =	vsel vm13, $0x3F800000, v1;
	v17 =	vadd.f32 v52, v17;
	v20 =	vadd.f32 v58, v20  }
0x310: {  	v19 =	vadd.f32 v62, v19;
	v16 =	vadd.f32 v29, v16;
	v30 =	vperm.xlane v18, v2  }
0x311: {  	v34 =	vsel vm14, $0x3F800000, v1;
	v17 =	vadd.f32 v59, v17;
	v20 =	vadd.f32 v28, v20  }
0x312: {  	v19 =	vadd.f32 v32, v19;
	v33 =	vperm.xlane v16, v2;
	v18 =	vadd.f32 v18, v30  }
0x313: {  	v37 =	vsel vm15, $0x3F800000, v1;
	v17 =	vadd.f32 v31, v17;
	v20 =	vadd.f32 v34, v20  }
0x314: {  	v36 =	vperm.xlane v19, v2;
	v16 =	vadd.f32 v33, v16;
	v35 =	vperm.xlane v18, v3  }
0x315: {  	v17 =	vadd.f32 v37, v17;
	v39 =	vperm.xlane v20, v2  }
0x316: {  	v19 =	vadd.f32 v36, v19;
	v38 =	vperm.xlane v16, v3;
	v18 =	vadd.f32 v18, v35  }
0x317: {  	v42 =	vperm.xlane v17, v2;
	v20 =	vadd.f32 v39, v20  }
0x318: {  	v41 =	vperm.xlane v19, v3;
	v16 =	vadd.f32 v38, v16;
	v40 =	vperm.xlane v18, v4  }
0x319: {  	v17 =	vadd.f32 v42, v17;
	v44 =	vperm.xlane v20, v3  }
0x31a: {  	v19 =	vadd.f32 v41, v19;
	v43 =	vperm.xlane v16, v4;
	v18 =	vadd.f32 v18, v40  }
0x31b: {  	v47 =	vperm.xlane v17, v3;
	v20 =	vadd.f32 v44, v20  }
0x31c: {  	v46 =	vperm.xlane v19, v4;
	v16 =	vadd.f32 v43, v16;
	v45 =	vperm.xlane v18, v5  }
0x31d: {  	v17 =	vadd.f32 v47, v17;
	v49 =	vperm.xlane v20, v4  }
0x31e: {  	v19 =	vadd.f32 v46, v19;
	v48 =	vperm.xlane v16, v5;
	v18 =	vadd.f32 v18, v45  }
0x31f: {  	v52 =	vperm.xlane v17, v4;
	v20 =	vadd.f32 v49, v20  }
0x320: {  	v51 =	vperm.xlane v19, v5;
	v16 =	vadd.f32 v48, v16;
	v50 =	vmul.f32 v18, v6  }
0x321: {  	v17 =	vadd.f32 v52, v17;
	v54 =	vperm.xlane v20, v5;
	v18 =	vmul.f32 v18, v7  }
0x322: {  	v19 =	vadd.f32 v51, v19;
	v53 =	vmul.f32 v16, v8;
	v23 =	vadd.f32 $0.0e+00, v50  }
0x323: {  	v57 =	vperm.xlane v17, v5;
	v16 =	vmul.f32 v16, v9;
	v18 =	vadd.f32 $0.0e+00, v18  }
0x324: {  	v20 =	vadd.f32 v54, v20;
	v56 =	vmul.f32 v19, v10;
	v55 =	vadd.f32 v53, v23  }
0x325: {  	v58 =	vmul.f32 v19, v11;
	v16 =	vadd.f32 v16, v18  }
0x326: {  	v17 =	vadd.f32 v57, v17;
	v60 =	vmul.f32 v20, v12;
	v59 =	vadd.f32 v56, v55  }
0x327: {  	v61 =	vmul.f32 v20, v13;
	v16 =	vadd.f32 v58, v16  }
0x328: {  	v62 =	vmul.f32 v17, v14;
	v19 =	vadd.f32 v60, v59  }
0x329: {  	v17 =	vmul.f32 v17, v15;
	v16 =	vadd.f32 v61, v16  }
0x32a: {  	v63 =	vadd.f32 v62, v19  }
.Ltmp17:
0x32b: {  	v16 =	vadd.f32 v17, v16;
	(pc) =	sbr.rel @p0 .LBB2_34-.Ltmp17, $4  }
0x32c: {  	v17 =	vmul.f32 $4.999999890e-03, v63  }
0x32d: {  	v16 =	vmul.f32 $4.999999890e-03, v16  }
0x32e: {  	[tilespmem:s31+$0xD550] =	vst v17  }
0x32f: {  	[tilespmem:s31+$0xD560] =	vst v16  }
0x330: {  	s24 =	sadd.s32 s7, s26  }
0x331: {  	s24 =	smul.u32 $0xC8, s24;
	_ =	sdelay $0x1  }
0x332: {  	s24 =	sshrl.u32 s24, $0x3  }
0x333: {  	s24 =	sadd.s32 s5, s24  }
0x334: {  	s28 =	simm.s32 $0x580;
	s24 =	sadd.s32 $0x32, s24  }
0x335: {  	[tilespmem:s28], [sflag:$0x5] =	stream.linear.gather [hbm4b:s24+s2], $0xC8, $0x38;
	[tilespmem:$0x14490] =	vst v63  }
0x336: {  	_ =	swait.ge [sflag:s20], $0xC8  }
0x337: {  	[sflag:s20] =	ssyncset.done $0x0  }
0x338: {  	[sflag:s20] =	ssyncadd.s32 $0xFFFFFF38  }
0x339: {  	_ =	swait.ge [sflag:s20], $0x190  }
0x33a: {  	[sflag:s20] =	ssyncset.done $0x0  }
0x33b: {  	s29 =	simm.s32 $0x2050;
	[sflag:s20] =	ssyncadd.s32 $0xFFFFFE70  }
0x33c: {  	[tilespmem:s29], [sflag:$0x7] =	stream.indirect.gather [hbm4b:s6+s0], $0x20, s21, s0, $0xb8;
	[tilespmem:$0x14490] =	vst v63  }
0x33d: {  	s31 =	simm.s32 $0x130  }
0x33e: {  	[tilespmem:s9], [sflag:$0x7] =	stream.indirect.gather [hbm4b:s6+s23], $0x20, s31, s23, $0xb8;
	[tilespmem:$0x14490] =	vst v63  }
0x33f: {  	_ = 	snop  }
0x340: {  	[tilespmem:s10], [sflag:$0x7] =	stream.indirect.gather [hbm4b:s8+s0], $0x20, s22, s0, $0xb8;
	[tilespmem:$0x14490] =	vst v63  }
0x341: {  	_ = 	snop  }
0x342: {  	[tilespmem:s12], [sflag:$0x7] =	stream.indirect.gather [hbm4b:s8+s0], $0x20, s11, s0, $0xb8;
	[tilespmem:$0x14490] =	vst v63  }
.Ltmp18:
0x343: {  	_ = 	snop;
	(pc) =	sbr.rel .LBB2_8-.Ltmp18, $4  }
0x344: {  	_ = 	snop  }
0x345: {  	[tilespmem:s14], [sflag:$0x7] =	stream.indirect.gather [hbm4b:s8+s0], $0x20, s13, s0, $0xb8;
	[tilespmem:$0x14490] =	vst v63  }
0x346: {  	s25 =	sadd.s32 $0x1, s25  }
0x347: {  	[tilespmem:s16], [sflag:$0x7] =	stream.indirect.gather [hbm4b:s8+s1], $0x20, s15, s1, $0xb8;
	[tilespmem:$0x14490] =	vst v63  }
.LBB2_35:
0x348: {  	_ =	sfence.sel $0x180000  }
0x349: {  	[bflag:$0x0] =	sbarrier.arrive $0xFFFF  }
0x34a: {  	_ =	strace $0x90000047  }
0x34b: {  	s0 =	stileid.u32;
	[bflag:$0x2] =	sbarrier.arrive $0xFFFF  }
0x34c: {  	p0 =	sne.s32 s0, $0x0;
	s0 =	rddreg [dreg:$0x3]  }
0x34d: {  	s0 =	sadd.s32 @!p0 $0x100000, s0  }
0x34e: {  	[sflag:s0] =	ssyncadd.tile.s32 @!p0 $0x1;
	_ =	shalt  }
.Lfunc_end2:
_tile_overlayer_lowered:
.L_overlay_start_2:
0x34f: {  	(tag) =	ssettag $0x2  }
0x350: {  	s0 =	rddreg [dreg:$0x0];
	s2 =	stileid.u32  }
0x351: {  	s1 =	rddreg [dreg:$0x1];
	p0 =	sne.s32 s2, $0x0  }
0x352: {  	s3 =	rddreg [dreg:$0x2];
	[bflag:$0x3] =	sbarrier.arrive $0xFFFF;
	s2 =	simm.s32 @!p0 $0x1C08  }
0x353: {  	[timem:s3], [sflag:s2] =	dma.local @!p0 [hbm:s0], s1  }
0x354: {  	s0 =	simm.s32 @!p0 $0x8  }
0x355: {  	_ =	swait.ge @!p0 [sflag:s0], s1  }
0x356: {  	s1 =	ssub.s32 @!p0 $0x0, s1;
	[sflag:s0] =	ssyncset.done @!p0 $0x0  }
0x357: {  	[sflag:s0] =	ssyncadd.s32 @!p0 s1  }
0x358: {  	[bflag:$0x3] =	sbarrier.arrive $0xFFFF  }
0x359: {  	_ =	shalt  }

</sc_bundles>
